<compile_context>
chip_gen: v7x
topology: tpu7x:2x2x1
jax: 0.10.2.dev20260603
libtpu: 0.0.44.dev20260713+nightly
codegen_flags: <defaults>
</compile_context>

<pallas_src>
import jax
import jax.numpy as jnp
from jax import lax
from jax.experimental import pallas as pl
from jax.experimental.pallas import tpu as pltpu
from jax.experimental.pallas import tpu_sc as plsc

_R = 3
_BW = 0.1
_C, _H, _W = 96, 224, 224
_HW = _H * _W
_PAD = 16
_LANES = 16
_NWORK = 32
_NSC = 32
_CPW = _NSC // _NWORK
_NVEC = _W // _LANES


def _body(x_hbm, out_hbm, xbuf, obuf, sem):
    del sem
    wid = lax.axis_index("s") * 2 + lax.axis_index("c")
    zero16 = jnp.zeros((_LANES,), jnp.float32)
    lane = lax.iota(jnp.int32, _LANES)

    for k in range(_CPW):
        ch = wid * _CPW + k
        pltpu.sync_copy(x_hbm.at[ch], xbuf.at[pl.ds(_PAD, _HW)])

        for jv in range(_NVEC):
            obuf[pl.ds(jv * _LANES, _LANES)] = zero16
            obuf[pl.ds((_H - 1) * _W + jv * _LANES, _LANES)] = zero16

        for jv in range(_NVEC):
            col0 = jv * _LANES

            @plsc.parallel_loop(1, _H - 1, step=1, unroll=3)
            def row_body(i, col0=col0, jv=jv):
                base = i * _W + col0 + _PAD
                c = xbuf[pl.ds(base, _LANES)]
                acc = jnp.zeros((_LANES,), jnp.float32)
                for di in (-1, 0, 1):
                    for dj in (-1, 0, 1):
                        if di == 0 and dj == 0:
                            continue
                        v = xbuf[pl.ds(base + di * _W + dj, _LANES)]
                        d = (c - v) if (di, dj) < (0, 0) else (v - c)
                        acc = acc + jnp.maximum(0.0, _BW - jnp.abs(d))
                acc = acc * jnp.float32(1.0 / (_BW * _R * _R)) + jnp.float32(
                    1.0 / (_R * _R))
                if jv == 0:
                    acc = jnp.where(lane >= 1, acc, 0.0)
                if jv == _NVEC - 1:
                    acc = jnp.where(lane <= _LANES - 2, acc, 0.0)
                obuf[pl.ds(i * _W + col0, _LANES)] = acc

        pltpu.sync_copy(obuf, out_hbm.at[ch])


def _hist_sc(x2d):
    mesh = plsc.VectorSubcoreMesh(core_axis_name="c", subcore_axis_name="s")
    f = pl.kernel(
        _body,
        out_type=jax.ShapeDtypeStruct((_NSC, _HW), jnp.float32),
        mesh=mesh,
        scratch_types=[
            pltpu.VMEM((_PAD + _HW + _PAD,), jnp.float32),
            pltpu.VMEM((_HW,), jnp.float32),
            pltpu.SemaphoreType.DMA,
        ],
        compiler_params=pltpu.CompilerParams(use_tc_tiling_on_sc=False),
    )
    return f(x2d)



_BC = 8


def _tc_body(x_ref, o_ref):
    x = x_ref[...]
    xl = jnp.roll(x, 1, axis=2)
    xr = jnp.roll(x, -1, axis=2)

    def kval(v):
        return jnp.maximum(0.0, _BW - jnp.abs(v - x))

    acc = kval(xl) + kval(xr)
    for base in (x, xl, xr):
        acc = acc + kval(jnp.roll(base, 1, axis=1))
        acc = acc + kval(jnp.roll(base, -1, axis=1))
    acc = acc * jnp.float32(1.0 / (_BW * _R * _R)) + jnp.float32(1.0 / (_R * _R))
    row = lax.broadcasted_iota(jnp.int32, x.shape, 1)
    col = lax.broadcasted_iota(jnp.int32, x.shape, 2)
    interior = ((row >= 1) & (row <= _H - 2)) & ((col >= 1) & (col <= _W - 2))
    o_ref[...] = jnp.where(interior, acc, 0.0)


def _hist_tc(x):
    ct = x.shape[0]
    return pl.pallas_call(
        _tc_body,
        out_shape=jax.ShapeDtypeStruct((ct, _H, _W), jnp.float32),
        grid=(ct // _BC,),
        in_specs=[pl.BlockSpec((_BC, _H, _W), lambda i: (i, 0, 0))],
        out_specs=pl.BlockSpec((_BC, _H, _W), lambda i: (i, 0, 0)),
    )(x)




@jax.jit
def _hist(x3):
    sc_out = _hist_sc(x3[:_NSC].reshape(_NSC, _HW)).reshape(_NSC, _H, _W)
    tc_out = _hist_tc(x3[_NSC:])
    return jnp.concatenate([sc_out, tc_out], axis=0)


def kernel(input):
    n, sf, c, h, w = input.shape
    out = _hist(input.reshape(c, h, w))
    return out.reshape(n, sf, c, h, w)

# --- scband reference (transcript-rebuilt; emitter-appended) ---
"""Pipeline reference for scband-histogram-28905129902695 (READ-ONLY COPY).

The authoritative reference and input builder live on the scoring server;
editing this copy changes nothing except your own understanding.
"""

import jax, jax.numpy as jnp
import numpy as np

REGION_SIZE = 3
BANDWIDTH = 0.1


def setup_inputs(seed: int = 0) -> dict:
    key = jax.random.key(seed)
    x = jax.random.normal(key, (1, 1, 96, 224, 224), dtype=jnp.float32)
    return {"input": x}


def _histogram_forward(x, R, bw):
    # x: [N, SF, C, H, W]
    N, SF, C, H, W = x.shape
    Ho, Wo = H - R + 1, W - R + 1
    # equivalent of as_strided patch extraction -> [N, SF, C, Ho, Wo, R*R]
    patches = jnp.stack(
        [x[:, :, :, i:i + Ho, j:j + Wo] for i in range(R) for j in range(R)],
        axis=-1,
    )
    patches = patches.reshape(N * SF, C, Ho, Wo, R * R)
    # histogram_layer.forward: soft (triangular-kernel) histogram count of how
    # many patch elements fall within `bandwidth` of the patch center value,
    # averaged over the patch -> scalar per spatial location.
    center = patches[..., (R * R) // 2]
    diff = jnp.abs(patches - center[..., None])
    k = jnp.maximum(0.0, 1.0 - diff / bw)
    out = jnp.mean(k, axis=-1)  # [N*SF, C, Ho, Wo]
    p = R // 2
    row_pad = jnp.zeros((N * SF, C, Ho, p), dtype=out.dtype)
    out = jnp.concatenate([row_pad, out, row_pad], axis=3)
    col_pad = jnp.zeros((N * SF, C, p, W), dtype=out.dtype)
    out = jnp.concatenate([col_pad, out, col_pad], axis=2)
    return out.reshape(N, SF, C, H, W)


def reference(input):
    return _histogram_forward(input, REGION_SIZE, BANDWIDTH)

if __name__ == "__main__":
    import jax
    _d = setup_inputs()
    print(jax.jit(kernel)(*tuple(_d.values())))

</pallas_src>

<mosaic_0001>
#map = affine_map<(d0, d1) -> (0, 0)>
module attributes {stable_mosaic.version = 14 : i64} {
  func.func @_body(%arg0: i32, %arg1: i32, %arg2: memref<32x50176xf32, #tpu.memory_space<hbm>>, %arg3: memref<32x50176xf32, #tpu.memory_space<hbm>>, %arg4: memref<50208xf32, #tpu.memory_space<vmem>>, %arg5: memref<50176xf32, #tpu.memory_space<vmem>>, %arg6: memref<!tpu.dma_semaphore, #tpu.memory_space<semaphore_mem>>) attributes {dimension_semantics = [#tpu.dimension_semantics<core_parallel>, #tpu.dimension_semantics<subcore_parallel>], iteration_bounds = array<i64: 2, 16>, scalar_prefetch = 0 : i64, scratch_operands = 3 : i64, tpu.core_type = #tpu.core_type<sc_vector_subcore>, window_params = [{transform_indices = #map}, {transform_indices = #map}]} {
    %mul3A = arith.constant 2 : i32
    %mul3A_0 = arith.muli %arg1, %mul3A : i32
    %add3A = arith.addi %mul3A_0, %arg0 : i32
    %broadcast_in_dim3A = arith.constant 0.000000e+00 : f32
    %broadcast_in_dim3A_1 = vector.broadcast %broadcast_in_dim3A : f32 to vector<16xf32>
    %iota3A = tpu.iota {dimensions = array<i32: 0>} : vector<16xi32>
    %mul3A_2 = arith.constant 1 : i32
    %mul3A_3 = arith.muli %add3A, %mul3A_2 : i32
    %add3A_4 = arith.constant 0 : i32
    %add3A_5 = arith.addi %mul3A_3, %add3A_4 : i32
    "tpu.region"() ({
      %run_scoped3A = tpu.sem_alloc : memref<!tpu.dma_semaphore, #tpu.memory_space<semaphore_mem>>
      %dma_start3A = arith.constant 16 : i32
      %dma_start3A_158 = tpu.memref_slice %arg4[%dma_start3A] : memref<50208xf32, #tpu.memory_space<vmem>> -> memref<50176xf32, #tpu.memory_space<vmem>>
      %dma_start3A_159 = arith.constant 0 : i32
      %dma_start3A_160 = tpu.memref_slice %arg2[%add3A_5, %dma_start3A_159] : memref<32x50176xf32, #tpu.memory_space<hbm>> -> memref<1x50176xf32, #tpu.memory_space<hbm>>
      %dma_start3A_161 = tpu.memref_squeeze %dma_start3A_160 : memref<1x50176xf32, #tpu.memory_space<hbm>> -> memref<50176xf32, #tpu.memory_space<hbm>>
      %dma_start3A_162 = arith.constant 16 : i32
      %dma_start3A_163 = tpu.memref_slice %arg4[%dma_start3A_162] : memref<50208xf32, #tpu.memory_space<vmem>> -> memref<50176xf32, #tpu.memory_space<vmem>>
      %dma_start3A_164 = arith.constant 0 : i32
      %dma_start3A_165 = tpu.memref_slice %arg2[%add3A_5, %dma_start3A_164] : memref<32x50176xf32, #tpu.memory_space<hbm>> -> memref<1x50176xf32, #tpu.memory_space<hbm>>
      %dma_start3A_166 = tpu.memref_squeeze %dma_start3A_165 : memref<1x50176xf32, #tpu.memory_space<hbm>> -> memref<50176xf32, #tpu.memory_space<hbm>>
      tpu.enqueue_dma source(%dma_start3A_166 : memref<50176xf32, #tpu.memory_space<hbm>>) target(%dma_start3A_163 : memref<50176xf32, #tpu.memory_space<vmem>>) target_semaphore(%run_scoped3A : memref<!tpu.dma_semaphore, #tpu.memory_space<semaphore_mem>>)
      %dma_wait3A = arith.constant 16 : i32
      %dma_wait3A_167 = tpu.memref_slice %arg4[%dma_wait3A] : memref<50208xf32, #tpu.memory_space<vmem>> -> memref<50176xf32, #tpu.memory_space<vmem>>
      %dma_wait3A_168 = arith.constant 0 : i32
      %dma_wait3A_169 = tpu.memref_slice %arg2[%add3A_5, %dma_wait3A_168] : memref<32x50176xf32, #tpu.memory_space<hbm>> -> memref<1x50176xf32, #tpu.memory_space<hbm>>
      %dma_wait3A_170 = tpu.memref_squeeze %dma_wait3A_169 : memref<1x50176xf32, #tpu.memory_space<hbm>> -> memref<50176xf32, #tpu.memory_space<hbm>>
      %dma_wait3A_171 = arith.constant 16 : i32
      %dma_wait3A_172 = tpu.memref_slice %arg4[%dma_wait3A_171] : memref<50208xf32, #tpu.memory_space<vmem>> -> memref<50176xf32, #tpu.memory_space<vmem>>
      %dma_wait3A_173 = arith.constant 0 : i32
      %dma_wait3A_174 = tpu.memref_slice %arg2[%add3A_5, %dma_wait3A_173] : memref<32x50176xf32, #tpu.memory_space<hbm>> -> memref<1x50176xf32, #tpu.memory_space<hbm>>
      %dma_wait3A_175 = tpu.memref_squeeze %dma_wait3A_174 : memref<1x50176xf32, #tpu.memory_space<hbm>> -> memref<50176xf32, #tpu.memory_space<hbm>>
      tpu.wait_dma2 semaphore(%run_scoped3A : memref<!tpu.dma_semaphore, #tpu.memory_space<semaphore_mem>>) src(%dma_wait3A_175 : memref<50176xf32, #tpu.memory_space<hbm>>) dst(%dma_wait3A_172 : memref<50176xf32, #tpu.memory_space<vmem>>)
      tpu.yield
    }) : () -> ()
    %swap3A = arith.constant 0 : index
    %swap3A_6 = tpu.vector_load %arg5[%swap3A] {strides = array<i32>} : memref<50176xf32, #tpu.memory_space<vmem>>, vector<16xf32>,
    %swap3A_7 = vector.shape_cast %swap3A_6 : vector<16xf32> to vector<16xf32>
    %swap3A_8 = vector.shape_cast %broadcast_in_dim3A_1 : vector<16xf32> to vector<16xf32>
    tpu.vector_store %arg5[%swap3A], %swap3A_8 {strides = array<i32>} : memref<50176xf32, #tpu.memory_space<vmem>>, vector<16xf32>,
    %swap3A_9 = arith.constant 49952 : index
    %swap3A_10 = tpu.vector_load %arg5[%swap3A_9] {strides = array<i32>} : memref<50176xf32, #tpu.memory_space<vmem>>, vector<16xf32>,
    %swap3A_11 = vector.shape_cast %swap3A_10 : vector<16xf32> to vector<16xf32>
    %swap3A_12 = vector.shape_cast %broadcast_in_dim3A_1 : vector<16xf32> to vector<16xf32>
    tpu.vector_store %arg5[%swap3A_9], %swap3A_12 {strides = array<i32>} : memref<50176xf32, #tpu.memory_space<vmem>>, vector<16xf32>,
    %swap3A_13 = arith.constant 16 : index
    %swap3A_14 = tpu.vector_load %arg5[%swap3A_13] {strides = array<i32>} : memref<50176xf32, #tpu.memory_space<vmem>>, vector<16xf32>,
    %swap3A_15 = vector.shape_cast %swap3A_14 : vector<16xf32> to vector<16xf32>
    %swap3A_16 = vector.shape_cast %broadcast_in_dim3A_1 : vector<16xf32> to vector<16xf32>
    tpu.vector_store %arg5[%swap3A_13], %swap3A_16 {strides = array<i32>} : memref<50176xf32, #tpu.memory_space<vmem>>, vector<16xf32>,
    %swap3A_17 = arith.constant 49968 : index
    %swap3A_18 = tpu.vector_load %arg5[%swap3A_17] {strides = array<i32>} : memref<50176xf32, #tpu.memory_space<vmem>>, vector<16xf32>,
    %swap3A_19 = vector.shape_cast %swap3A_18 : vector<16xf32> to vector<16xf32>
    %swap3A_20 = vector.shape_cast %broadcast_in_dim3A_1 : vector<16xf32> to vector<16xf32>
    tpu.vector_store %arg5[%swap3A_17], %swap3A_20 {strides = array<i32>} : memref<50176xf32, #tpu.memory_space<vmem>>, vector<16xf32>,
    %swap3A_21 = arith.constant 32 : index
    %swap3A_22 = tpu.vector_load %arg5[%swap3A_21] {strides = array<i32>} : memref<50176xf32, #tpu.memory_space<vmem>>, vector<16xf32>,
    %swap3A_23 = vector.shape_cast %swap3A_22 : vector<16xf32> to vector<16xf32>
    %swap3A_24 = vector.shape_cast %broadcast_in_dim3A_1 : vector<16xf32> to vector<16xf32>
    tpu.vector_store %arg5[%swap3A_21], %swap3A_24 {strides = array<i32>} : memref<50176xf32, #tpu.memory_space<vmem>>, vector<16xf32>,
    %swap3A_25 = arith.constant 49984 : index
    %swap3A_26 = tpu.vector_load %arg5[%swap3A_25] {strides = array<i32>} : memref<50176xf32, #tpu.memory_space<vmem>>, vector<16xf32>,
    %swap3A_27 = vector.shape_cast %swap3A_26 : vector<16xf32> to vector<16xf32>
    %swap3A_28 = vector.shape_cast %broadcast_in_dim3A_1 : vector<16xf32> to vector<16xf32>
    tpu.vector_store %arg5[%swap3A_25], %swap3A_28 {strides = array<i32>} : memref<50176xf32, #tpu.memory_space<vmem>>, vector<16xf32>,
    %swap3A_29 = arith.constant 48 : index
    %swap3A_30 = tpu.vector_load %arg5[%swap3A_29] {strides = array<i32>} : memref<50176xf32, #tpu.memory_space<vmem>>, vector<16xf32>,
    %swap3A_31 = vector.shape_cast %swap3A_30 : vector<16xf32> to vector<16xf32>
    %swap3A_32 = vector.shape_cast %broadcast_in_dim3A_1 : vector<16xf32> to vector<16xf32>
    tpu.vector_store %arg5[%swap3A_29], %swap3A_32 {strides = array<i32>} : memref<50176xf32, #tpu.memory_space<vmem>>, vector<16xf32>,
    %swap3A_33 = arith.constant 50000 : index
    %swap3A_34 = tpu.vector_load %arg5[%swap3A_33] {strides = array<i32>} : memref<50176xf32, #tpu.memory_space<vmem>>, vector<16xf32>,
    %swap3A_35 = vector.shape_cast %swap3A_34 : vector<16xf32> to vector<16xf32>
    %swap3A_36 = vector.shape_cast %broadcast_in_dim3A_1 : vector<16xf32> to vector<16xf32>
    tpu.vector_store %arg5[%swap3A_33], %swap3A_36 {strides = array<i32>} : memref<50176xf32, #tpu.memory_space<vmem>>, vector<16xf32>,
    %swap3A_37 = arith.constant 64 : index
    %swap3A_38 = tpu.vector_load %arg5[%swap3A_37] {strides = array<i32>} : memref<50176xf32, #tpu.memory_space<vmem>>, vector<16xf32>,
    %swap3A_39 = vector.shape_cast %swap3A_38 : vector<16xf32> to vector<16xf32>
    %swap3A_40 = vector.shape_cast %broadcast_in_dim3A_1 : vector<16xf32> to vector<16xf32>
    tpu.vector_store %arg5[%swap3A_37], %swap3A_40 {strides = array<i32>} : memref<50176xf32, #tpu.memory_space<vmem>>, vector<16xf32>,
    %swap3A_41 = arith.constant 50016 : index
    %swap3A_42 = tpu.vector_load %arg5[%swap3A_41] {strides = array<i32>} : memref<50176xf32, #tpu.memory_space<vmem>>, vector<16xf32>,
    %swap3A_43 = vector.shape_cast %swap3A_42 : vector<16xf32> to vector<16xf32>
    %swap3A_44 = vector.shape_cast %broadcast_in_dim3A_1 : vector<16xf32> to vector<16xf32>
    tpu.vector_store %arg5[%swap3A_41], %swap3A_44 {strides = array<i32>} : memref<50176xf32, #tpu.memory_space<vmem>>, vector<16xf32>,
    %swap3A_45 = arith.constant 80 : index
    %swap3A_46 = tpu.vector_load %arg5[%swap3A_45] {strides = array<i32>} : memref<50176xf32, #tpu.memory_space<vmem>>, vector<16xf32>,
    %swap3A_47 = vector.shape_cast %swap3A_46 : vector<16xf32> to vector<16xf32>
    %swap3A_48 = vector.shape_cast %broadcast_in_dim3A_1 : vector<16xf32> to vector<16xf32>
    tpu.vector_store %arg5[%swap3A_45], %swap3A_48 {strides = array<i32>} : memref<50176xf32, #tpu.memory_space<vmem>>, vector<16xf32>,
    %swap3A_49 = arith.constant 50032 : index
    %swap3A_50 = tpu.vector_load %arg5[%swap3A_49] {strides = array<i32>} : memref<50176xf32, #tpu.memory_space<vmem>>, vector<16xf32>,
    %swap3A_51 = vector.shape_cast %swap3A_50 : vector<16xf32> to vector<16xf32>
    %swap3A_52 = vector.shape_cast %broadcast_in_dim3A_1 : vector<16xf32> to vector<16xf32>
    tpu.vector_store %arg5[%swap3A_49], %swap3A_52 {strides = array<i32>} : memref<50176xf32, #tpu.memory_space<vmem>>, vector<16xf32>,
    %swap3A_53 = arith.constant 96 : index
    %swap3A_54 = tpu.vector_load %arg5[%swap3A_53] {strides = array<i32>} : memref<50176xf32, #tpu.memory_space<vmem>>, vector<16xf32>,
    %swap3A_55 = vector.shape_cast %swap3A_54 : vector<16xf32> to vector<16xf32>
    %swap3A_56 = vector.shape_cast %broadcast_in_dim3A_1 : vector<16xf32> to vector<16xf32>
    tpu.vector_store %arg5[%swap3A_53], %swap3A_56 {strides = array<i32>} : memref<50176xf32, #tpu.memory_space<vmem>>, vector<16xf32>,
    %swap3A_57 = arith.constant 50048 : index
    %swap3A_58 = tpu.vector_load %arg5[%swap3A_57] {strides = array<i32>} : memref<50176xf32, #tpu.memory_space<vmem>>, vector<16xf32>,
    %swap3A_59 = vector.shape_cast %swap3A_58 : vector<16xf32> to vector<16xf32>
    %swap3A_60 = vector.shape_cast %broadcast_in_dim3A_1 : vector<16xf32> to vector<16xf32>
    tpu.vector_store %arg5[%swap3A_57], %swap3A_60 {strides = array<i32>} : memref<50176xf32, #tpu.memory_space<vmem>>, vector<16xf32>,
    %swap3A_61 = arith.constant 112 : index
    %swap3A_62 = tpu.vector_load %arg5[%swap3A_61] {strides = array<i32>} : memref<50176xf32, #tpu.memory_space<vmem>>, vector<16xf32>,
    %swap3A_63 = vector.shape_cast %swap3A_62 : vector<16xf32> to vector<16xf32>
    %swap3A_64 = vector.shape_cast %broadcast_in_dim3A_1 : vector<16xf32> to vector<16xf32>
    tpu.vector_store %arg5[%swap3A_61], %swap3A_64 {strides = array<i32>} : memref<50176xf32, #tpu.memory_space<vmem>>, vector<16xf32>,
    %swap3A_65 = arith.constant 50064 : index
    %swap3A_66 = tpu.vector_load %arg5[%swap3A_65] {strides = array<i32>} : memref<50176xf32, #tpu.memory_space<vmem>>, vector<16xf32>,
    %swap3A_67 = vector.shape_cast %swap3A_66 : vector<16xf32> to vector<16xf32>
    %swap3A_68 = vector.shape_cast %broadcast_in_dim3A_1 : vector<16xf32> to vector<16xf32>
    tpu.vector_store %arg5[%swap3A_65], %swap3A_68 {strides = array<i32>} : memref<50176xf32, #tpu.memory_space<vmem>>, vector<16xf32>,
    %swap3A_69 = arith.constant 128 : index
    %swap3A_70 = tpu.vector_load %arg5[%swap3A_69] {strides = array<i32>} : memref<50176xf32, #tpu.memory_space<vmem>>, vector<16xf32>,
    %swap3A_71 = vector.shape_cast %swap3A_70 : vector<16xf32> to vector<16xf32>
    %swap3A_72 = vector.shape_cast %broadcast_in_dim3A_1 : vector<16xf32> to vector<16xf32>
    tpu.vector_store %arg5[%swap3A_69], %swap3A_72 {strides = array<i32>} : memref<50176xf32, #tpu.memory_space<vmem>>, vector<16xf32>,
    %swap3A_73 = arith.constant 50080 : index
    %swap3A_74 = tpu.vector_load %arg5[%swap3A_73] {strides = array<i32>} : memref<50176xf32, #tpu.memory_space<vmem>>, vector<16xf32>,
    %swap3A_75 = vector.shape_cast %swap3A_74 : vector<16xf32> to vector<16xf32>
    %swap3A_76 = vector.shape_cast %broadcast_in_dim3A_1 : vector<16xf32> to vector<16xf32>
    tpu.vector_store %arg5[%swap3A_73], %swap3A_76 {strides = array<i32>} : memref<50176xf32, #tpu.memory_space<vmem>>, vector<16xf32>,
    %swap3A_77 = arith.constant 144 : index
    %swap3A_78 = tpu.vector_load %arg5[%swap3A_77] {strides = array<i32>} : memref<50176xf32, #tpu.memory_space<vmem>>, vector<16xf32>,
    %swap3A_79 = vector.shape_cast %swap3A_78 : vector<16xf32> to vector<16xf32>
    %swap3A_80 = vector.shape_cast %broadcast_in_dim3A_1 : vector<16xf32> to vector<16xf32>
    tpu.vector_store %arg5[%swap3A_77], %swap3A_80 {strides = array<i32>} : memref<50176xf32, #tpu.memory_space<vmem>>, vector<16xf32>,
    %swap3A_81 = arith.constant 50096 : index
    %swap3A_82 = tpu.vector_load %arg5[%swap3A_81] {strides = array<i32>} : memref<50176xf32, #tpu.memory_space<vmem>>, vector<16xf32>,
    %swap3A_83 = vector.shape_cast %swap3A_82 : vector<16xf32> to vector<16xf32>
    %swap3A_84 = vector.shape_cast %broadcast_in_dim3A_1 : vector<16xf32> to vector<16xf32>
    tpu.vector_store %arg5[%swap3A_81], %swap3A_84 {strides = array<i32>} : memref<50176xf32, #tpu.memory_space<vmem>>, vector<16xf32>,
    %swap3A_85 = arith.constant 160 : index
    %swap3A_86 = tpu.vector_load %arg5[%swap3A_85] {strides = array<i32>} : memref<50176xf32, #tpu.memory_space<vmem>>, vector<16xf32>,
    %swap3A_87 = vector.shape_cast %swap3A_86 : vector<16xf32> to vector<16xf32>
    %swap3A_88 = vector.shape_cast %broadcast_in_dim3A_1 : vector<16xf32> to vector<16xf32>
    tpu.vector_store %arg5[%swap3A_85], %swap3A_88 {strides = array<i32>} : memref<50176xf32, #tpu.memory_space<vmem>>, vector<16xf32>,
    %swap3A_89 = arith.constant 50112 : index
    %swap3A_90 = tpu.vector_load %arg5[%swap3A_89] {strides = array<i32>} : memref<50176xf32, #tpu.memory_space<vmem>>, vector<16xf32>,
    %swap3A_91 = vector.shape_cast %swap3A_90 : vector<16xf32> to vector<16xf32>
    %swap3A_92 = vector.shape_cast %broadcast_in_dim3A_1 : vector<16xf32> to vector<16xf32>
    tpu.vector_store %arg5[%swap3A_89], %swap3A_92 {strides = array<i32>} : memref<50176xf32, #tpu.memory_space<vmem>>, vector<16xf32>,
    %swap3A_93 = arith.constant 176 : index
    %swap3A_94 = tpu.vector_load %arg5[%swap3A_93] {strides = array<i32>} : memref<50176xf32, #tpu.memory_space<vmem>>, vector<16xf32>,
    %swap3A_95 = vector.shape_cast %swap3A_94 : vector<16xf32> to vector<16xf32>
    %swap3A_96 = vector.shape_cast %broadcast_in_dim3A_1 : vector<16xf32> to vector<16xf32>
    tpu.vector_store %arg5[%swap3A_93], %swap3A_96 {strides = array<i32>} : memref<50176xf32, #tpu.memory_space<vmem>>, vector<16xf32>,
    %swap3A_97 = arith.constant 50128 : index
    %swap3A_98 = tpu.vector_load %arg5[%swap3A_97] {strides = array<i32>} : memref<50176xf32, #tpu.memory_space<vmem>>, vector<16xf32>,
    %swap3A_99 = vector.shape_cast %swap3A_98 : vector<16xf32> to vector<16xf32>
    %swap3A_100 = vector.shape_cast %broadcast_in_dim3A_1 : vector<16xf32> to vector<16xf32>
    tpu.vector_store %arg5[%swap3A_97], %swap3A_100 {strides = array<i32>} : memref<50176xf32, #tpu.memory_space<vmem>>, vector<16xf32>,
    %swap3A_101 = arith.constant 192 : index
    %swap3A_102 = tpu.vector_load %arg5[%swap3A_101] {strides = array<i32>} : memref<50176xf32, #tpu.memory_space<vmem>>, vector<16xf32>,
    %swap3A_103 = vector.shape_cast %swap3A_102 : vector<16xf32> to vector<16xf32>
    %swap3A_104 = vector.shape_cast %broadcast_in_dim3A_1 : vector<16xf32> to vector<16xf32>
    tpu.vector_store %arg5[%swap3A_101], %swap3A_104 {strides = array<i32>} : memref<50176xf32, #tpu.memory_space<vmem>>, vector<16xf32>,
    %swap3A_105 = arith.constant 50144 : index
    %swap3A_106 = tpu.vector_load %arg5[%swap3A_105] {strides = array<i32>} : memref<50176xf32, #tpu.memory_space<vmem>>, vector<16xf32>,
    %swap3A_107 = vector.shape_cast %swap3A_106 : vector<16xf32> to vector<16xf32>
    %swap3A_108 = vector.shape_cast %broadcast_in_dim3A_1 : vector<16xf32> to vector<16xf32>
    tpu.vector_store %arg5[%swap3A_105], %swap3A_108 {strides = array<i32>} : memref<50176xf32, #tpu.memory_space<vmem>>, vector<16xf32>,
    %swap3A_109 = arith.constant 208 : index
    %swap3A_110 = tpu.vector_load %arg5[%swap3A_109] {strides = array<i32>} : memref<50176xf32, #tpu.memory_space<vmem>>, vector<16xf32>,
    %swap3A_111 = vector.shape_cast %swap3A_110 : vector<16xf32> to vector<16xf32>
    %swap3A_112 = vector.shape_cast %broadcast_in_dim3A_1 : vector<16xf32> to vector<16xf32>
    tpu.vector_store %arg5[%swap3A_109], %swap3A_112 {strides = array<i32>} : memref<50176xf32, #tpu.memory_space<vmem>>, vector<16xf32>,
    %swap3A_113 = arith.constant 50160 : index
    %swap3A_114 = tpu.vector_load %arg5[%swap3A_113] {strides = array<i32>} : memref<50176xf32, #tpu.memory_space<vmem>>, vector<16xf32>,
    %swap3A_115 = vector.shape_cast %swap3A_114 : vector<16xf32> to vector<16xf32>
    %swap3A_116 = vector.shape_cast %broadcast_in_dim3A_1 : vector<16xf32> to vector<16xf32>
    tpu.vector_store %arg5[%swap3A_113], %swap3A_116 {strides = array<i32>} : memref<50176xf32, #tpu.memory_space<vmem>>, vector<16xf32>,
    %parallel_loop3A = arith.constant 1 : i32
    %parallel_loop3A_117 = arith.constant 223 : i32
    %parallel_loop3A_118 = arith.constant 1 : i32
    scf.for %parallel_loop3A_158 = %parallel_loop3A to %parallel_loop3A_117 step %parallel_loop3A_118  : i32 {
      %parallel_loop3A_159 = arith.constant 224 : i32
      %parallel_loop3A_160 = arith.muli %parallel_loop3A_158, %parallel_loop3A_159 : i32
      %parallel_loop3A_161 = arith.constant 0 : i32
      %parallel_loop3A_162 = arith.addi %parallel_loop3A_160, %parallel_loop3A_161 : i32
      %parallel_loop3A_163 = arith.constant 16 : i32
      %parallel_loop3A_164 = arith.addi %parallel_loop3A_162, %parallel_loop3A_163 : i32
      %parallel_loop3A_165 = arith.index_cast %parallel_loop3A_164 : i32 to index
      %parallel_loop3A_166 = tpu.vector_load %arg4[%parallel_loop3A_165] {strides = array<i32>} : memref<50208xf32, #tpu.memory_space<vmem>>, vector<16xf32>,
      %parallel_loop3A_167 = vector.shape_cast %parallel_loop3A_166 : vector<16xf32> to vector<16xf32>
      %parallel_loop3A_168 = arith.constant 0.000000e+00 : f32
      %parallel_loop3A_169 = vector.broadcast %parallel_loop3A_168 : f32 to vector<16xf32>
      %parallel_loop3A_170 = arith.constant -224 : i32
      %parallel_loop3A_171 = arith.addi %parallel_loop3A_164, %parallel_loop3A_170 : i32
      %parallel_loop3A_172 = arith.constant -1 : i32
      %parallel_loop3A_173 = arith.addi %parallel_loop3A_171, %parallel_loop3A_172 : i32
      %parallel_loop3A_174 = arith.index_cast %parallel_loop3A_173 : i32 to index
      %parallel_loop3A_175 = tpu.vector_load %arg4[%parallel_loop3A_174] {strides = array<i32>} : memref<50208xf32, #tpu.memory_space<vmem>>, vector<16xf32>,
      %parallel_loop3A_176 = vector.shape_cast %parallel_loop3A_175 : vector<16xf32> to vector<16xf32>
      %parallel_loop3A_177 = arith.subf %parallel_loop3A_167, %parallel_loop3A_176 : vector<16xf32>
      %parallel_loop3A_178 = math.absf %parallel_loop3A_177 : vector<16xf32>
      %parallel_loop3A_179 = arith.constant 1.000000e-01 : f32
      %parallel_loop3A_180 = vector.broadcast %parallel_loop3A_179 : f32 to vector<16xf32>
      %parallel_loop3A_181 = arith.subf %parallel_loop3A_180, %parallel_loop3A_178 : vector<16xf32>
      %parallel_loop3A_182 = arith.constant 0.000000e+00 : f32
      %parallel_loop3A_183 = vector.broadcast %parallel_loop3A_182 : f32 to vector<16xf32>
      %parallel_loop3A_184 = arith.maximumf %parallel_loop3A_183, %parallel_loop3A_181 : vector<16xf32>
      %parallel_loop3A_185 = arith.addf %parallel_loop3A_169, %parallel_loop3A_184 : vector<16xf32>
      %parallel_loop3A_186 = arith.constant -224 : i32
      %parallel_loop3A_187 = arith.addi %parallel_loop3A_164, %parallel_loop3A_186 : i32
      %parallel_loop3A_188 = arith.constant 0 : i32
      %parallel_loop3A_189 = arith.addi %parallel_loop3A_187, %parallel_loop3A_188 : i32
      %parallel_loop3A_190 = arith.index_cast %parallel_loop3A_189 : i32 to index
      %parallel_loop3A_191 = tpu.vector_load %arg4[%parallel_loop3A_190] {strides = array<i32>} : memref<50208xf32, #tpu.memory_space<vmem>>, vector<16xf32>,
      %parallel_loop3A_192 = vector.shape_cast %parallel_loop3A_191 : vector<16xf32> to vector<16xf32>
      %parallel_loop3A_193 = arith.subf %parallel_loop3A_167, %parallel_loop3A_192 : vector<16xf32>
      %parallel_loop3A_194 = math.absf %parallel_loop3A_193 : vector<16xf32>
      %parallel_loop3A_195 = arith.constant 1.000000e-01 : f32
      %parallel_loop3A_196 = vector.broadcast %parallel_loop3A_195 : f32 to vector<16xf32>
      %parallel_loop3A_197 = arith.subf %parallel_loop3A_196, %parallel_loop3A_194 : vector<16xf32>
      %parallel_loop3A_198 = arith.constant 0.000000e+00 : f32
      %parallel_loop3A_199 = vector.broadcast %parallel_loop3A_198 : f32 to vector<16xf32>
      %parallel_loop3A_200 = arith.maximumf %parallel_loop3A_199, %parallel_loop3A_197 : vector<16xf32>
      %parallel_loop3A_201 = arith.addf %parallel_loop3A_185, %parallel_loop3A_200 : vector<16xf32>
      %parallel_loop3A_202 = arith.constant -224 : i32
      %parallel_loop3A_203 = arith.addi %parallel_loop3A_164, %parallel_loop3A_202 : i32
      %parallel_loop3A_204 = arith.constant 1 : i32
      %parallel_loop3A_205 = arith.addi %parallel_loop3A_203, %parallel_loop3A_204 : i32
      %parallel_loop3A_206 = arith.index_cast %parallel_loop3A_205 : i32 to index
      %parallel_loop3A_207 = tpu.vector_load %arg4[%parallel_loop3A_206] {strides = array<i32>} : memref<50208xf32, #tpu.memory_space<vmem>>, vector<16xf32>,
      %parallel_loop3A_208 = vector.shape_cast %parallel_loop3A_207 : vector<16xf32> to vector<16xf32>
      %parallel_loop3A_209 = arith.subf %parallel_loop3A_167, %parallel_loop3A_208 : vector<16xf32>
      %parallel_loop3A_210 = math.absf %parallel_loop3A_209 : vector<16xf32>
      %parallel_loop3A_211 = arith.constant 1.000000e-01 : f32
      %parallel_loop3A_212 = vector.broadcast %parallel_loop3A_211 : f32 to vector<16xf32>
      %parallel_loop3A_213 = arith.subf %parallel_loop3A_212, %parallel_loop3A_210 : vector<16xf32>
      %parallel_loop3A_214 = arith.constant 0.000000e+00 : f32
      %parallel_loop3A_215 = vector.broadcast %parallel_loop3A_214 : f32 to vector<16xf32>
      %parallel_loop3A_216 = arith.maximumf %parallel_loop3A_215, %parallel_loop3A_213 : vector<16xf32>
      %parallel_loop3A_217 = arith.addf %parallel_loop3A_201, %parallel_loop3A_216 : vector<16xf32>
      %parallel_loop3A_218 = arith.constant 0 : i32
      %parallel_loop3A_219 = arith.addi %parallel_loop3A_164, %parallel_loop3A_218 : i32
      %parallel_loop3A_220 = arith.constant -1 : i32
      %parallel_loop3A_221 = arith.addi %parallel_loop3A_219, %parallel_loop3A_220 : i32
      %parallel_loop3A_222 = arith.index_cast %parallel_loop3A_221 : i32 to index
      %parallel_loop3A_223 = tpu.vector_load %arg4[%parallel_loop3A_222] {strides = array<i32>} : memref<50208xf32, #tpu.memory_space<vmem>>, vector<16xf32>,
      %parallel_loop3A_224 = vector.shape_cast %parallel_loop3A_223 : vector<16xf32> to vector<16xf32>
      %parallel_loop3A_225 = arith.subf %parallel_loop3A_167, %parallel_loop3A_224 : vector<16xf32>
      %parallel_loop3A_226 = math.absf %parallel_loop3A_225 : vector<16xf32>
      %parallel_loop3A_227 = arith.constant 1.000000e-01 : f32
      %parallel_loop3A_228 = vector.broadcast %parallel_loop3A_227 : f32 to vector<16xf32>
      %parallel_loop3A_229 = arith.subf %parallel_loop3A_228, %parallel_loop3A_226 : vector<16xf32>
      %parallel_loop3A_230 = arith.constant 0.000000e+00 : f32
      %parallel_loop3A_231 = vector.broadcast %parallel_loop3A_230 : f32 to vector<16xf32>
      %parallel_loop3A_232 = arith.maximumf %parallel_loop3A_231, %parallel_loop3A_229 : vector<16xf32>
      %parallel_loop3A_233 = arith.addf %parallel_loop3A_217, %parallel_loop3A_232 : vector<16xf32>
      %parallel_loop3A_234 = arith.constant 0 : i32
      %parallel_loop3A_235 = arith.addi %parallel_loop3A_164, %parallel_loop3A_234 : i32
      %parallel_loop3A_236 = arith.constant 1 : i32
      %parallel_loop3A_237 = arith.addi %parallel_loop3A_235, %parallel_loop3A_236 : i32
      %parallel_loop3A_238 = arith.index_cast %parallel_loop3A_237 : i32 to index
      %parallel_loop3A_239 = tpu.vector_load %arg4[%parallel_loop3A_238] {strides = array<i32>} : memref<50208xf32, #tpu.memory_space<vmem>>, vector<16xf32>,
      %parallel_loop3A_240 = vector.shape_cast %parallel_loop3A_239 : vector<16xf32> to vector<16xf32>
      %parallel_loop3A_241 = arith.subf %parallel_loop3A_240, %parallel_loop3A_167 : vector<16xf32>
      %parallel_loop3A_242 = math.absf %parallel_loop3A_241 : vector<16xf32>
      %parallel_loop3A_243 = arith.constant 1.000000e-01 : f32
      %parallel_loop3A_244 = vector.broadcast %parallel_loop3A_243 : f32 to vector<16xf32>
      %parallel_loop3A_245 = arith.subf %parallel_loop3A_244, %parallel_loop3A_242 : vector<16xf32>
      %parallel_loop3A_246 = arith.constant 0.000000e+00 : f32
      %parallel_loop3A_247 = vector.broadcast %parallel_loop3A_246 : f32 to vector<16xf32>
      %parallel_loop3A_248 = arith.maximumf %parallel_loop3A_247, %parallel_loop3A_245 : vector<16xf32>
      %parallel_loop3A_249 = arith.addf %parallel_loop3A_233, %parallel_loop3A_248 : vector<16xf32>
      %parallel_loop3A_250 = arith.constant 224 : i32
      %parallel_loop3A_251 = arith.addi %parallel_loop3A_164, %parallel_loop3A_250 : i32
      %parallel_loop3A_252 = arith.constant -1 : i32
      %parallel_loop3A_253 = arith.addi %parallel_loop3A_251, %parallel_loop3A_252 : i32
      %parallel_loop3A_254 = arith.index_cast %parallel_loop3A_253 : i32 to index
      %parallel_loop3A_255 = tpu.vector_load %arg4[%parallel_loop3A_254] {strides = array<i32>} : memref<50208xf32, #tpu.memory_space<vmem>>, vector<16xf32>,
      %parallel_loop3A_256 = vector.shape_cast %parallel_loop3A_255 : vector<16xf32> to vector<16xf32>
      %parallel_loop3A_257 = arith.subf %parallel_loop3A_256, %parallel_loop3A_167 : vector<16xf32>
      %parallel_loop3A_258 = math.absf %parallel_loop3A_257 : vector<16xf32>
      %parallel_loop3A_259 = arith.constant 1.000000e-01 : f32
      %parallel_loop3A_260 = vector.broadcast %parallel_loop3A_259 : f32 to vector<16xf32>
      %parallel_loop3A_261 = arith.subf %parallel_loop3A_260, %parallel_loop3A_258 : vector<16xf32>
      %parallel_loop3A_262 = arith.constant 0.000000e+00 : f32
      %parallel_loop3A_263 = vector.broadcast %parallel_loop3A_262 : f32 to vector<16xf32>
      %parallel_loop3A_264 = arith.maximumf %parallel_loop3A_263, %parallel_loop3A_261 : vector<16xf32>
      %parallel_loop3A_265 = arith.addf %parallel_loop3A_249, %parallel_loop3A_264 : vector<16xf32>
      %parallel_loop3A_266 = arith.constant 224 : i32
      %parallel_loop3A_267 = arith.addi %parallel_loop3A_164, %parallel_loop3A_266 : i32
      %parallel_loop3A_268 = arith.constant 0 : i32
      %parallel_loop3A_269 = arith.addi %parallel_loop3A_267, %parallel_loop3A_268 : i32
      %parallel_loop3A_270 = arith.index_cast %parallel_loop3A_269 : i32 to index
      %parallel_loop3A_271 = tpu.vector_load %arg4[%parallel_loop3A_270] {strides = array<i32>} : memref<50208xf32, #tpu.memory_space<vmem>>, vector<16xf32>,
      %parallel_loop3A_272 = vector.shape_cast %parallel_loop3A_271 : vector<16xf32> to vector<16xf32>
      %parallel_loop3A_273 = arith.subf %parallel_loop3A_272, %parallel_loop3A_167 : vector<16xf32>
      %parallel_loop3A_274 = math.absf %parallel_loop3A_273 : vector<16xf32>
      %parallel_loop3A_275 = arith.constant 1.000000e-01 : f32
      %parallel_loop3A_276 = vector.broadcast %parallel_loop3A_275 : f32 to vector<16xf32>
      %parallel_loop3A_277 = arith.subf %parallel_loop3A_276, %parallel_loop3A_274 : vector<16xf32>
      %parallel_loop3A_278 = arith.constant 0.000000e+00 : f32
      %parallel_loop3A_279 = vector.broadcast %parallel_loop3A_278 : f32 to vector<16xf32>
      %parallel_loop3A_280 = arith.maximumf %parallel_loop3A_279, %parallel_loop3A_277 : vector<16xf32>
      %parallel_loop3A_281 = arith.addf %parallel_loop3A_265, %parallel_loop3A_280 : vector<16xf32>
      %parallel_loop3A_282 = arith.constant 224 : i32
      %parallel_loop3A_283 = arith.addi %parallel_loop3A_164, %parallel_loop3A_282 : i32
      %parallel_loop3A_284 = arith.constant 1 : i32
      %parallel_loop3A_285 = arith.addi %parallel_loop3A_283, %parallel_loop3A_284 : i32
      %parallel_loop3A_286 = arith.index_cast %parallel_loop3A_285 : i32 to index
      %parallel_loop3A_287 = tpu.vector_load %arg4[%parallel_loop3A_286] {strides = array<i32>} : memref<50208xf32, #tpu.memory_space<vmem>>, vector<16xf32>,
      %parallel_loop3A_288 = vector.shape_cast %parallel_loop3A_287 : vector<16xf32> to vector<16xf32>
      %parallel_loop3A_289 = arith.subf %parallel_loop3A_288, %parallel_loop3A_167 : vector<16xf32>
      %parallel_loop3A_290 = math.absf %parallel_loop3A_289 : vector<16xf32>
      %parallel_loop3A_291 = arith.constant 1.000000e-01 : f32
      %parallel_loop3A_292 = vector.broadcast %parallel_loop3A_291 : f32 to vector<16xf32>
      %parallel_loop3A_293 = arith.subf %parallel_loop3A_292, %parallel_loop3A_290 : vector<16xf32>
      %parallel_loop3A_294 = arith.constant 0.000000e+00 : f32
      %parallel_loop3A_295 = vector.broadcast %parallel_loop3A_294 : f32 to vector<16xf32>
      %parallel_loop3A_296 = arith.maximumf %parallel_loop3A_295, %parallel_loop3A_293 : vector<16xf32>
      %parallel_loop3A_297 = arith.addf %parallel_loop3A_281, %parallel_loop3A_296 : vector<16xf32>
      %parallel_loop3A_298 = arith.constant 1.11111116 : f32
      %parallel_loop3A_299 = vector.broadcast %parallel_loop3A_298 : f32 to vector<16xf32>
      %parallel_loop3A_300 = arith.mulf %parallel_loop3A_297, %parallel_loop3A_299 : vector<16xf32>
      %parallel_loop3A_301 = arith.constant 0.111111112 : f32
      %parallel_loop3A_302 = vector.broadcast %parallel_loop3A_301 : f32 to vector<16xf32>
      %parallel_loop3A_303 = arith.addf %parallel_loop3A_300, %parallel_loop3A_302 : vector<16xf32>
      %parallel_loop3A_304 = arith.constant 1 : i32
      %parallel_loop3A_305 = vector.broadcast %parallel_loop3A_304 : i32 to vector<16xi32>
      %parallel_loop3A_306 = arith.cmpi sge, %iota3A, %parallel_loop3A_305 : vector<16xi32>
      %parallel_loop3A_307 = arith.constant 0.000000e+00 : f32
      %parallel_loop3A_308 = vector.broadcast %parallel_loop3A_307 : f32 to vector<16xf32>
      %parallel_loop3A_309 = arith.select %parallel_loop3A_306, %parallel_loop3A_303, %parallel_loop3A_308 : vector<16xi1>, vector<16xf32>
      %parallel_loop3A_310 = arith.constant 224 : i32
      %parallel_loop3A_311 = arith.muli %parallel_loop3A_158, %parallel_loop3A_310 : i32
      %parallel_loop3A_312 = arith.constant 0 : i32
      %parallel_loop3A_313 = arith.addi %parallel_loop3A_311, %parallel_loop3A_312 : i32
      %parallel_loop3A_314 = arith.index_cast %parallel_loop3A_313 : i32 to index
      %parallel_loop3A_315 = tpu.vector_load %arg5[%parallel_loop3A_314] {strides = array<i32>} : memref<50176xf32, #tpu.memory_space<vmem>>, vector<16xf32>,
      %parallel_loop3A_316 = vector.shape_cast %parallel_loop3A_315 : vector<16xf32> to vector<16xf32>
      %parallel_loop3A_317 = vector.shape_cast %parallel_loop3A_309 : vector<16xf32> to vector<16xf32>
      tpu.vector_store %arg5[%parallel_loop3A_314], %parallel_loop3A_317 {strides = array<i32>} : memref<50176xf32, #tpu.memory_space<vmem>>, vector<16xf32>,
    } {sc.loop_unroll_factor = 3 : i64, sc.parallel_access}
    %parallel_loop3A_119 = arith.constant 1 : i32
    %parallel_loop3A_120 = arith.constant 223 : i32
    %parallel_loop3A_121 = arith.constant 1 : i32
    scf.for %parallel_loop3A_158 = %parallel_loop3A_119 to %parallel_loop3A_120 step %parallel_loop3A_121  : i32 {
      %parallel_loop3A_159 = arith.constant 224 : i32
      %parallel_loop3A_160 = arith.muli %parallel_loop3A_158, %parallel_loop3A_159 : i32
      %parallel_loop3A_161 = arith.constant 16 : i32
      %parallel_loop3A_162 = arith.addi %parallel_loop3A_160, %parallel_loop3A_161 : i32
      %parallel_loop3A_163 = arith.constant 16 : i32
      %parallel_loop3A_164 = arith.addi %parallel_loop3A_162, %parallel_loop3A_163 : i32
      %parallel_loop3A_165 = arith.index_cast %parallel_loop3A_164 : i32 to index
      %parallel_loop3A_166 = tpu.vector_load %arg4[%parallel_loop3A_165] {strides = array<i32>} : memref<50208xf32, #tpu.memory_space<vmem>>, vector<16xf32>,
      %parallel_loop3A_167 = vector.shape_cast %parallel_loop3A_166 : vector<16xf32> to vector<16xf32>
      %parallel_loop3A_168 = arith.constant 0.000000e+00 : f32
      %parallel_loop3A_169 = vector.broadcast %parallel_loop3A_168 : f32 to vector<16xf32>
      %parallel_loop3A_170 = arith.constant -224 : i32
      %parallel_loop3A_171 = arith.addi %parallel_loop3A_164, %parallel_loop3A_170 : i32
      %parallel_loop3A_172 = arith.constant -1 : i32
      %parallel_loop3A_173 = arith.addi %parallel_loop3A_171, %parallel_loop3A_172 : i32
      %parallel_loop3A_174 = arith.index_cast %parallel_loop3A_173 : i32 to index
      %parallel_loop3A_175 = tpu.vector_load %arg4[%parallel_loop3A_174] {strides = array<i32>} : memref<50208xf32, #tpu.memory_space<vmem>>, vector<16xf32>,
      %parallel_loop3A_176 = vector.shape_cast %parallel_loop3A_175 : vector<16xf32> to vector<16xf32>
      %parallel_loop3A_177 = arith.subf %parallel_loop3A_167, %parallel_loop3A_176 : vector<16xf32>
      %parallel_loop3A_178 = math.absf %parallel_loop3A_177 : vector<16xf32>
      %parallel_loop3A_179 = arith.constant 1.000000e-01 : f32
      %parallel_loop3A_180 = vector.broadcast %parallel_loop3A_179 : f32 to vector<16xf32>
      %parallel_loop3A_181 = arith.subf %parallel_loop3A_180, %parallel_loop3A_178 : vector<16xf32>
      %parallel_loop3A_182 = arith.constant 0.000000e+00 : f32
      %parallel_loop3A_183 = vector.broadcast %parallel_loop3A_182 : f32 to vector<16xf32>
      %parallel_loop3A_184 = arith.maximumf %parallel_loop3A_183, %parallel_loop3A_181 : vector<16xf32>
      %parallel_loop3A_185 = arith.addf %parallel_loop3A_169, %parallel_loop3A_184 : vector<16xf32>
      %parallel_loop3A_186 = arith.constant -224 : i32
      %parallel_loop3A_187 = arith.addi %parallel_loop3A_164, %parallel_loop3A_186 : i32
      %parallel_loop3A_188 = arith.constant 0 : i32
      %parallel_loop3A_189 = arith.addi %parallel_loop3A_187, %parallel_loop3A_188 : i32
      %parallel_loop3A_190 = arith.index_cast %parallel_loop3A_189 : i32 to index
      %parallel_loop3A_191 = tpu.vector_load %arg4[%parallel_loop3A_190] {strides = array<i32>} : memref<50208xf32, #tpu.memory_space<vmem>>, vector<16xf32>,
      %parallel_loop3A_192 = vector.shape_cast %parallel_loop3A_191 : vector<16xf32> to vector<16xf32>
      %parallel_loop3A_193 = arith.subf %parallel_loop3A_167, %parallel_loop3A_192 : vector<16xf32>
      %parallel_loop3A_194 = math.absf %parallel_loop3A_193 : vector<16xf32>
      %parallel_loop3A_195 = arith.constant 1.000000e-01 : f32
      %parallel_loop3A_196 = vector.broadcast %parallel_loop3A_195 : f32 to vector<16xf32>
      %parallel_loop3A_197 = arith.subf %parallel_loop3A_196, %parallel_loop3A_194 : vector<16xf32>
      %parallel_loop3A_198 = arith.constant 0.000000e+00 : f32
      %parallel_loop3A_199 = vector.broadcast %parallel_loop3A_198 : f32 to vector<16xf32>
      %parallel_loop3A_200 = arith.maximumf %parallel_loop3A_199, %parallel_loop3A_197 : vector<16xf32>
      %parallel_loop3A_201 = arith.addf %parallel_loop3A_185, %parallel_loop3A_200 : vector<16xf32>
      %parallel_loop3A_202 = arith.constant -224 : i32
      %parallel_loop3A_203 = arith.addi %parallel_loop3A_164, %parallel_loop3A_202 : i32
      %parallel_loop3A_204 = arith.constant 1 : i32
      %parallel_loop3A_205 = arith.addi %parallel_loop3A_203, %parallel_loop3A_204 : i32
      %parallel_loop3A_206 = arith.index_cast %parallel_loop3A_205 : i32 to index
      %parallel_loop3A_207 = tpu.vector_load %arg4[%parallel_loop3A_206] {strides = array<i32>} : memref<50208xf32, #tpu.memory_space<vmem>>, vector<16xf32>,
      %parallel_loop3A_208 = vector.shape_cast %parallel_loop3A_207 : vector<16xf32> to vector<16xf32>
      %parallel_loop3A_209 = arith.subf %parallel_loop3A_167, %parallel_loop3A_208 : vector<16xf32>
      %parallel_loop3A_210 = math.absf %parallel_loop3A_209 : vector<16xf32>
      %parallel_loop3A_211 = arith.constant 1.000000e-01 : f32
      %parallel_loop3A_212 = vector.broadcast %parallel_loop3A_211 : f32 to vector<16xf32>
      %parallel_loop3A_213 = arith.subf %parallel_loop3A_212, %parallel_loop3A_210 : vector<16xf32>
      %parallel_loop3A_214 = arith.constant 0.000000e+00 : f32
      %parallel_loop3A_215 = vector.broadcast %parallel_loop3A_214 : f32 to vector<16xf32>
      %parallel_loop3A_216 = arith.maximumf %parallel_loop3A_215, %parallel_loop3A_213 : vector<16xf32>
      %parallel_loop3A_217 = arith.addf %parallel_loop3A_201, %parallel_loop3A_216 : vector<16xf32>
      %parallel_loop3A_218 = arith.constant 0 : i32
      %parallel_loop3A_219 = arith.addi %parallel_loop3A_164, %parallel_loop3A_218 : i32
      %parallel_loop3A_220 = arith.constant -1 : i32
      %parallel_loop3A_221 = arith.addi %parallel_loop3A_219, %parallel_loop3A_220 : i32
      %parallel_loop3A_222 = arith.index_cast %parallel_loop3A_221 : i32 to index
      %parallel_loop3A_223 = tpu.vector_load %arg4[%parallel_loop3A_222] {strides = array<i32>} : memref<50208xf32, #tpu.memory_space<vmem>>, vector<16xf32>,
      %parallel_loop3A_224 = vector.shape_cast %parallel_loop3A_223 : vector<16xf32> to vector<16xf32>
      %parallel_loop3A_225 = arith.subf %parallel_loop3A_167, %parallel_loop3A_224 : vector<16xf32>
      %parallel_loop3A_226 = math.absf %parallel_loop3A_225 : vector<16xf32>
      %parallel_loop3A_227 = arith.constant 1.000000e-01 : f32
      %parallel_loop3A_228 = vector.broadcast %parallel_loop3A_227 : f32 to vector<16xf32>
      %parallel_loop3A_229 = arith.subf %parallel_loop3A_228, %parallel_loop3A_226 : vector<16xf32>
      %parallel_loop3A_230 = arith.constant 0.000000e+00 : f32
      %parallel_loop3A_231 = vector.broadcast %parallel_loop3A_230 : f32 to vector<16xf32>
      %parallel_loop3A_232 = arith.maximumf %parallel_loop3A_231, %parallel_loop3A_229 : vector<16xf32>
      %parallel_loop3A_233 = arith.addf %parallel_loop3A_217, %parallel_loop3A_232 : vector<16xf32>
      %parallel_loop3A_234 = arith.constant 0 : i32
      %parallel_loop3A_235 = arith.addi %parallel_loop3A_164, %parallel_loop3A_234 : i32
      %parallel_loop3A_236 = arith.constant 1 : i32
      %parallel_loop3A_237 = arith.addi %parallel_loop3A_235, %parallel_loop3A_236 : i32
      %parallel_loop3A_238 = arith.index_cast %parallel_loop3A_237 : i32 to index
      %parallel_loop3A_239 = tpu.vector_load %arg4[%parallel_loop3A_238] {strides = array<i32>} : memref<50208xf32, #tpu.memory_space<vmem>>, vector<16xf32>,
      %parallel_loop3A_240 = vector.shape_cast %parallel_loop3A_239 : vector<16xf32> to vector<16xf32>
      %parallel_loop3A_241 = arith.subf %parallel_loop3A_240, %parallel_loop3A_167 : vector<16xf32>
      %parallel_loop3A_242 = math.absf %parallel_loop3A_241 : vector<16xf32>
      %parallel_loop3A_243 = arith.constant 1.000000e-01 : f32
      %parallel_loop3A_244 = vector.broadcast %parallel_loop3A_243 : f32 to vector<16xf32>
      %parallel_loop3A_245 = arith.subf %parallel_loop3A_244, %parallel_loop3A_242 : vector<16xf32>
      %parallel_loop3A_246 = arith.constant 0.000000e+00 : f32
      %parallel_loop3A_247 = vector.broadcast %parallel_loop3A_246 : f32 to vector<16xf32>
      %parallel_loop3A_248 = arith.maximumf %parallel_loop3A_247, %parallel_loop3A_245 : vector<16xf32>
      %parallel_loop3A_249 = arith.addf %parallel_loop3A_233, %parallel_loop3A_248 : vector<16xf32>
      %parallel_loop3A_250 = arith.constant 224 : i32
      %parallel_loop3A_251 = arith.addi %parallel_loop3A_164, %parallel_loop3A_250 : i32
      %parallel_loop3A_252 = arith.constant -1 : i32
      %parallel_loop3A_253 = arith.addi %parallel_loop3A_251, %parallel_loop3A_252 : i32
      %parallel_loop3A_254 = arith.index_cast %parallel_loop3A_253 : i32 to index
      %parallel_loop3A_255 = tpu.vector_load %arg4[%parallel_loop3A_254] {strides = array<i32>} : memref<50208xf32, #tpu.memory_space<vmem>>, vector<16xf32>,
      %parallel_loop3A_256 = vector.shape_cast %parallel_loop3A_255 : vector<16xf32> to vector<16xf32>
      %parallel_loop3A_257 = arith.subf %parallel_loop3A_256, %parallel_loop3A_167 : vector<16xf32>
      %parallel_loop3A_258 = math.absf %parallel_loop3A_257 : vector<16xf32>
      %parallel_loop3A_259 = arith.constant 1.000000e-01 : f32
      %parallel_loop3A_260 = vector.broadcast %parallel_loop3A_259 : f32 to vector<16xf32>
      %parallel_loop3A_261 = arith.subf %parallel_loop3A_260, %parallel_loop3A_258 : vector<16xf32>
      %parallel_loop3A_262 = arith.constant 0.000000e+00 : f32
      %parallel_loop3A_263 = vector.broadcast %parallel_loop3A_262 : f32 to vector<16xf32>
      %parallel_loop3A_264 = arith.maximumf %parallel_loop3A_263, %parallel_loop3A_261 : vector<16xf32>
      %parallel_loop3A_265 = arith.addf %parallel_loop3A_249, %parallel_loop3A_264 : vector<16xf32>
      %parallel_loop3A_266 = arith.constant 224 : i32
      %parallel_loop3A_267 = arith.addi %parallel_loop3A_164, %parallel_loop3A_266 : i32
      %parallel_loop3A_268 = arith.constant 0 : i32
      %parallel_loop3A_269 = arith.addi %parallel_loop3A_267, %parallel_loop3A_268 : i32
      %parallel_loop3A_270 = arith.index_cast %parallel_loop3A_269 : i32 to index
      %parallel_loop3A_271 = tpu.vector_load %arg4[%parallel_loop3A_270] {strides = array<i32>} : memref<50208xf32, #tpu.memory_space<vmem>>, vector<16xf32>,
      %parallel_loop3A_272 = vector.shape_cast %parallel_loop3A_271 : vector<16xf32> to vector<16xf32>
      %parallel_loop3A_273 = arith.subf %parallel_loop3A_272, %parallel_loop3A_167 : vector<16xf32>
      %parallel_loop3A_274 = math.absf %parallel_loop3A_273 : vector<16xf32>
      %parallel_loop3A_275 = arith.constant 1.000000e-01 : f32
      %parallel_loop3A_276 = vector.broadcast %parallel_loop3A_275 : f32 to vector<16xf32>
      %parallel_loop3A_277 = arith.subf %parallel_loop3A_276, %parallel_loop3A_274 : vector<16xf32>
      %parallel_loop3A_278 = arith.constant 0.000000e+00 : f32
      %parallel_loop3A_279 = vector.broadcast %parallel_loop3A_278 : f32 to vector<16xf32>
      %parallel_loop3A_280 = arith.maximumf %parallel_loop3A_279, %parallel_loop3A_277 : vector<16xf32>
      %parallel_loop3A_281 = arith.addf %parallel_loop3A_265, %parallel_loop3A_280 : vector<16xf32>
      %parallel_loop3A_282 = arith.constant 224 : i32
      %parallel_loop3A_283 = arith.addi %parallel_loop3A_164, %parallel_loop3A_282 : i32
      %parallel_loop3A_284 = arith.constant 1 : i32
      %parallel_loop3A_285 = arith.addi %parallel_loop3A_283, %parallel_loop3A_284 : i32
      %parallel_loop3A_286 = arith.index_cast %parallel_loop3A_285 : i32 to index
      %parallel_loop3A_287 = tpu.vector_load %arg4[%parallel_loop3A_286] {strides = array<i32>} : memref<50208xf32, #tpu.memory_space<vmem>>, vector<16xf32>,
      %parallel_loop3A_288 = vector.shape_cast %parallel_loop3A_287 : vector<16xf32> to vector<16xf32>
      %parallel_loop3A_289 = arith.subf %parallel_loop3A_288, %parallel_loop3A_167 : vector<16xf32>
      %parallel_loop3A_290 = math.absf %parallel_loop3A_289 : vector<16xf32>
      %parallel_loop3A_291 = arith.constant 1.000000e-01 : f32
      %parallel_loop3A_292 = vector.broadcast %parallel_loop3A_291 : f32 to vector<16xf32>
      %parallel_loop3A_293 = arith.subf %parallel_loop3A_292, %parallel_loop3A_290 : vector<16xf32>
      %parallel_loop3A_294 = arith.constant 0.000000e+00 : f32
      %parallel_loop3A_295 = vector.broadcast %parallel_loop3A_294 : f32 to vector<16xf32>
      %parallel_loop3A_296 = arith.maximumf %parallel_loop3A_295, %parallel_loop3A_293 : vector<16xf32>
      %parallel_loop3A_297 = arith.addf %parallel_loop3A_281, %parallel_loop3A_296 : vector<16xf32>
      %parallel_loop3A_298 = arith.constant 1.11111116 : f32
      %parallel_loop3A_299 = vector.broadcast %parallel_loop3A_298 : f32 to vector<16xf32>
      %parallel_loop3A_300 = arith.mulf %parallel_loop3A_297, %parallel_loop3A_299 : vector<16xf32>
      %parallel_loop3A_301 = arith.constant 0.111111112 : f32
      %parallel_loop3A_302 = vector.broadcast %parallel_loop3A_301 : f32 to vector<16xf32>
      %parallel_loop3A_303 = arith.addf %parallel_loop3A_300, %parallel_loop3A_302 : vector<16xf32>
      %parallel_loop3A_304 = arith.constant 224 : i32
      %parallel_loop3A_305 = arith.muli %parallel_loop3A_158, %parallel_loop3A_304 : i32
      %parallel_loop3A_306 = arith.constant 16 : i32
      %parallel_loop3A_307 = arith.addi %parallel_loop3A_305, %parallel_loop3A_306 : i32
      %parallel_loop3A_308 = arith.index_cast %parallel_loop3A_307 : i32 to index
      %parallel_loop3A_309 = tpu.vector_load %arg5[%parallel_loop3A_308] {strides = array<i32>} : memref<50176xf32, #tpu.memory_space<vmem>>, vector<16xf32>,
      %parallel_loop3A_310 = vector.shape_cast %parallel_loop3A_309 : vector<16xf32> to vector<16xf32>
      %parallel_loop3A_311 = vector.shape_cast %parallel_loop3A_303 : vector<16xf32> to vector<16xf32>
      tpu.vector_store %arg5[%parallel_loop3A_308], %parallel_loop3A_311 {strides = array<i32>} : memref<50176xf32, #tpu.memory_space<vmem>>, vector<16xf32>,
    } {sc.loop_unroll_factor = 3 : i64, sc.parallel_access}
    %parallel_loop3A_122 = arith.constant 1 : i32
    %parallel_loop3A_123 = arith.constant 223 : i32
    %parallel_loop3A_124 = arith.constant 1 : i32
    scf.for %parallel_loop3A_158 = %parallel_loop3A_122 to %parallel_loop3A_123 step %parallel_loop3A_124  : i32 {
      %parallel_loop3A_159 = arith.constant 224 : i32
      %parallel_loop3A_160 = arith.muli %parallel_loop3A_158, %parallel_loop3A_159 : i32
      %parallel_loop3A_161 = arith.constant 32 : i32
      %parallel_loop3A_162 = arith.addi %parallel_loop3A_160, %parallel_loop3A_161 : i32
      %parallel_loop3A_163 = arith.constant 16 : i32
      %parallel_loop3A_164 = arith.addi %parallel_loop3A_162, %parallel_loop3A_163 : i32
      %parallel_loop3A_165 = arith.index_cast %parallel_loop3A_164 : i32 to index
      %parallel_loop3A_166 = tpu.vector_load %arg4[%parallel_loop3A_165] {strides = array<i32>} : memref<50208xf32, #tpu.memory_space<vmem>>, vector<16xf32>,
      %parallel_loop3A_167 = vector.shape_cast %parallel_loop3A_166 : vector<16xf32> to vector<16xf32>
      %parallel_loop3A_168 = arith.constant 0.000000e+00 : f32
      %parallel_loop3A_169 = vector.broadcast %parallel_loop3A_168 : f32 to vector<16xf32>
      %parallel_loop3A_170 = arith.constant -224 : i32
      %parallel_loop3A_171 = arith.addi %parallel_loop3A_164, %parallel_loop3A_170 : i32
      %parallel_loop3A_172 = arith.constant -1 : i32
      %parallel_loop3A_173 = arith.addi %parallel_loop3A_171, %parallel_loop3A_172 : i32
      %parallel_loop3A_174 = arith.index_cast %parallel_loop3A_173 : i32 to index
      %parallel_loop3A_175 = tpu.vector_load %arg4[%parallel_loop3A_174] {strides = array<i32>} : memref<50208xf32, #tpu.memory_space<vmem>>, vector<16xf32>,
      %parallel_loop3A_176 = vector.shape_cast %parallel_loop3A_175 : vector<16xf32> to vector<16xf32>
      %parallel_loop3A_177 = arith.subf %parallel_loop3A_167, %parallel_loop3A_176 : vector<16xf32>
      %parallel_loop3A_178 = math.absf %parallel_loop3A_177 : vector<16xf32>
      %parallel_loop3A_179 = arith.constant 1.000000e-01 : f32
      %parallel_loop3A_180 = vector.broadcast %parallel_loop3A_179 : f32 to vector<16xf32>
      %parallel_loop3A_181 = arith.subf %parallel_loop3A_180, %parallel_loop3A_178 : vector<16xf32>
      %parallel_loop3A_182 = arith.constant 0.000000e+00 : f32
      %parallel_loop3A_183 = vector.broadcast %parallel_loop3A_182 : f32 to vector<16xf32>
      %parallel_loop3A_184 = arith.maximumf %parallel_loop3A_183, %parallel_loop3A_181 : vector<16xf32>
      %parallel_loop3A_185 = arith.addf %parallel_loop3A_169, %parallel_loop3A_184 : vector<16xf32>
      %parallel_loop3A_186 = arith.constant -224 : i32
      %parallel_loop3A_187 = arith.addi %parallel_loop3A_164, %parallel_loop3A_186 : i32
      %parallel_loop3A_188 = arith.constant 0 : i32
      %parallel_loop3A_189 = arith.addi %parallel_loop3A_187, %parallel_loop3A_188 : i32
      %parallel_loop3A_190 = arith.index_cast %parallel_loop3A_189 : i32 to index
      %parallel_loop3A_191 = tpu.vector_load %arg4[%parallel_loop3A_190] {strides = array<i32>} : memref<50208xf32, #tpu.memory_space<vmem>>, vector<16xf32>,
      %parallel_loop3A_192 = vector.shape_cast %parallel_loop3A_191 : vector<16xf32> to vector<16xf32>
      %parallel_loop3A_193 = arith.subf %parallel_loop3A_167, %parallel_loop3A_192 : vector<16xf32>
      %parallel_loop3A_194 = math.absf %parallel_loop3A_193 : vector<16xf32>
      %parallel_loop3A_195 = arith.constant 1.000000e-01 : f32
      %parallel_loop3A_196 = vector.broadcast %parallel_loop3A_195 : f32 to vector<16xf32>
      %parallel_loop3A_197 = arith.subf %parallel_loop3A_196, %parallel_loop3A_194 : vector<16xf32>
      %parallel_loop3A_198 = arith.constant 0.000000e+00 : f32
      %parallel_loop3A_199 = vector.broadcast %parallel_loop3A_198 : f32 to vector<16xf32>
      %parallel_loop3A_200 = arith.maximumf %parallel_loop3A_199, %parallel_loop3A_197 : vector<16xf32>
      %parallel_loop3A_201 = arith.addf %parallel_loop3A_185, %parallel_loop3A_200 : vector<16xf32>
      %parallel_loop3A_202 = arith.constant -224 : i32
      %parallel_loop3A_203 = arith.addi %parallel_loop3A_164, %parallel_loop3A_202 : i32
      %parallel_loop3A_204 = arith.constant 1 : i32
      %parallel_loop3A_205 = arith.addi %parallel_loop3A_203, %parallel_loop3A_204 : i32
      %parallel_loop3A_206 = arith.index_cast %parallel_loop3A_205 : i32 to index
      %parallel_loop3A_207 = tpu.vector_load %arg4[%parallel_loop3A_206] {strides = array<i32>} : memref<50208xf32, #tpu.memory_space<vmem>>, vector<16xf32>,
      %parallel_loop3A_208 = vector.shape_cast %parallel_loop3A_207 : vector<16xf32> to vector<16xf32>
      %parallel_loop3A_209 = arith.subf %parallel_loop3A_167, %parallel_loop3A_208 : vector<16xf32>
      %parallel_loop3A_210 = math.absf %parallel_loop3A_209 : vector<16xf32>
      %parallel_loop3A_211 = arith.constant 1.000000e-01 : f32
      %parallel_loop3A_212 = vector.broadcast %parallel_loop3A_211 : f32 to vector<16xf32>
      %parallel_loop3A_213 = arith.subf %parallel_loop3A_212, %parallel_loop3A_210 : vector<16xf32>
      %parallel_loop3A_214 = arith.constant 0.000000e+00 : f32
      %parallel_loop3A_215 = vector.broadcast %parallel_loop3A_214 : f32 to vector<16xf32>
      %parallel_loop3A_216 = arith.maximumf %parallel_loop3A_215, %parallel_loop3A_213 : vector<16xf32>
      %parallel_loop3A_217 = arith.addf %parallel_loop3A_201, %parallel_loop3A_216 : vector<16xf32>
      %parallel_loop3A_218 = arith.constant 0 : i32
      %parallel_loop3A_219 = arith.addi %parallel_loop3A_164, %parallel_loop3A_218 : i32
      %parallel_loop3A_220 = arith.constant -1 : i32
      %parallel_loop3A_221 = arith.addi %parallel_loop3A_219, %parallel_loop3A_220 : i32
      %parallel_loop3A_222 = arith.index_cast %parallel_loop3A_221 : i32 to index
      %parallel_loop3A_223 = tpu.vector_load %arg4[%parallel_loop3A_222] {strides = array<i32>} : memref<50208xf32, #tpu.memory_space<vmem>>, vector<16xf32>,
      %parallel_loop3A_224 = vector.shape_cast %parallel_loop3A_223 : vector<16xf32> to vector<16xf32>
      %parallel_loop3A_225 = arith.subf %parallel_loop3A_167, %parallel_loop3A_224 : vector<16xf32>
      %parallel_loop3A_226 = math.absf %parallel_loop3A_225 : vector<16xf32>
      %parallel_loop3A_227 = arith.constant 1.000000e-01 : f32
      %parallel_loop3A_228 = vector.broadcast %parallel_loop3A_227 : f32 to vector<16xf32>
      %parallel_loop3A_229 = arith.subf %parallel_loop3A_228, %parallel_loop3A_226 : vector<16xf32>
      %parallel_loop3A_230 = arith.constant 0.000000e+00 : f32
      %parallel_loop3A_231 = vector.broadcast %parallel_loop3A_230 : f32 to vector<16xf32>
      %parallel_loop3A_232 = arith.maximumf %parallel_loop3A_231, %parallel_loop3A_229 : vector<16xf32>
      %parallel_loop3A_233 = arith.addf %parallel_loop3A_217, %parallel_loop3A_232 : vector<16xf32>
      %parallel_loop3A_234 = arith.constant 0 : i32
      %parallel_loop3A_235 = arith.addi %parallel_loop3A_164, %parallel_loop3A_234 : i32
      %parallel_loop3A_236 = arith.constant 1 : i32
      %parallel_loop3A_237 = arith.addi %parallel_loop3A_235, %parallel_loop3A_236 : i32
      %parallel_loop3A_238 = arith.index_cast %parallel_loop3A_237 : i32 to index
      %parallel_loop3A_239 = tpu.vector_load %arg4[%parallel_loop3A_238] {strides = array<i32>} : memref<50208xf32, #tpu.memory_space<vmem>>, vector<16xf32>,
      %parallel_loop3A_240 = vector.shape_cast %parallel_loop3A_239 : vector<16xf32> to vector<16xf32>
      %parallel_loop3A_241 = arith.subf %parallel_loop3A_240, %parallel_loop3A_167 : vector<16xf32>
      %parallel_loop3A_242 = math.absf %parallel_loop3A_241 : vector<16xf32>
      %parallel_loop3A_243 = arith.constant 1.000000e-01 : f32
      %parallel_loop3A_244 = vector.broadcast %parallel_loop3A_243 : f32 to vector<16xf32>
      %parallel_loop3A_245 = arith.subf %parallel_loop3A_244, %parallel_loop3A_242 : vector<16xf32>
      %parallel_loop3A_246 = arith.constant 0.000000e+00 : f32
      %parallel_loop3A_247 = vector.broadcast %parallel_loop3A_246 : f32 to vector<16xf32>
      %parallel_loop3A_248 = arith.maximumf %parallel_loop3A_247, %parallel_loop3A_245 : vector<16xf32>
      %parallel_loop3A_249 = arith.addf %parallel_loop3A_233, %parallel_loop3A_248 : vector<16xf32>
      %parallel_loop3A_250 = arith.constant 224 : i32
      %parallel_loop3A_251 = arith.addi %parallel_loop3A_164, %parallel_loop3A_250 : i32
      %parallel_loop3A_252 = arith.constant -1 : i32
      %parallel_loop3A_253 = arith.addi %parallel_loop3A_251, %parallel_loop3A_252 : i32
      %parallel_loop3A_254 = arith.index_cast %parallel_loop3A_253 : i32 to index
      %parallel_loop3A_255 = tpu.vector_load %arg4[%parallel_loop3A_254] {strides = array<i32>} : memref<50208xf32, #tpu.memory_space<vmem>>, vector<16xf32>,
      %parallel_loop3A_256 = vector.shape_cast %parallel_loop3A_255 : vector<16xf32> to vector<16xf32>
      %parallel_loop3A_257 = arith.subf %parallel_loop3A_256, %parallel_loop3A_167 : vector<16xf32>
      %parallel_loop3A_258 = math.absf %parallel_loop3A_257 : vector<16xf32>
      %parallel_loop3A_259 = arith.constant 1.000000e-01 : f32
      %parallel_loop3A_260 = vector.broadcast %parallel_loop3A_259 : f32 to vector<16xf32>
      %parallel_loop3A_261 = arith.subf %parallel_loop3A_260, %parallel_loop3A_258 : vector<16xf32>
      %parallel_loop3A_262 = arith.constant 0.000000e+00 : f32
      %parallel_loop3A_263 = vector.broadcast %parallel_loop3A_262 : f32 to vector<16xf32>
      %parallel_loop3A_264 = arith.maximumf %parallel_loop3A_263, %parallel_loop3A_261 : vector<16xf32>
      %parallel_loop3A_265 = arith.addf %parallel_loop3A_249, %parallel_loop3A_264 : vector<16xf32>
      %parallel_loop3A_266 = arith.constant 224 : i32
      %parallel_loop3A_267 = arith.addi %parallel_loop3A_164, %parallel_loop3A_266 : i32
      %parallel_loop3A_268 = arith.constant 0 : i32
      %parallel_loop3A_269 = arith.addi %parallel_loop3A_267, %parallel_loop3A_268 : i32
      %parallel_loop3A_270 = arith.index_cast %parallel_loop3A_269 : i32 to index
      %parallel_loop3A_271 = tpu.vector_load %arg4[%parallel_loop3A_270] {strides = array<i32>} : memref<50208xf32, #tpu.memory_space<vmem>>, vector<16xf32>,
      %parallel_loop3A_272 = vector.shape_cast %parallel_loop3A_271 : vector<16xf32> to vector<16xf32>
      %parallel_loop3A_273 = arith.subf %parallel_loop3A_272, %parallel_loop3A_167 : vector<16xf32>
      %parallel_loop3A_274 = math.absf %parallel_loop3A_273 : vector<16xf32>
      %parallel_loop3A_275 = arith.constant 1.000000e-01 : f32
      %parallel_loop3A_276 = vector.broadcast %parallel_loop3A_275 : f32 to vector<16xf32>
      %parallel_loop3A_277 = arith.subf %parallel_loop3A_276, %parallel_loop3A_274 : vector<16xf32>
      %parallel_loop3A_278 = arith.constant 0.000000e+00 : f32
      %parallel_loop3A_279 = vector.broadcast %parallel_loop3A_278 : f32 to vector<16xf32>
      %parallel_loop3A_280 = arith.maximumf %parallel_loop3A_279, %parallel_loop3A_277 : vector<16xf32>
      %parallel_loop3A_281 = arith.addf %parallel_loop3A_265, %parallel_loop3A_280 : vector<16xf32>
      %parallel_loop3A_282 = arith.constant 224 : i32
      %parallel_loop3A_283 = arith.addi %parallel_loop3A_164, %parallel_loop3A_282 : i32
      %parallel_loop3A_284 = arith.constant 1 : i32
      %parallel_loop3A_285 = arith.addi %parallel_loop3A_283, %parallel_loop3A_284 : i32
      %parallel_loop3A_286 = arith.index_cast %parallel_loop3A_285 : i32 to index
      %parallel_loop3A_287 = tpu.vector_load %arg4[%parallel_loop3A_286] {strides = array<i32>} : memref<50208xf32, #tpu.memory_space<vmem>>, vector<16xf32>,
      %parallel_loop3A_288 = vector.shape_cast %parallel_loop3A_287 : vector<16xf32> to vector<16xf32>
      %parallel_loop3A_289 = arith.subf %parallel_loop3A_288, %parallel_loop3A_167 : vector<16xf32>
      %parallel_loop3A_290 = math.absf %parallel_loop3A_289 : vector<16xf32>
      %parallel_loop3A_291 = arith.constant 1.000000e-01 : f32
      %parallel_loop3A_292 = vector.broadcast %parallel_loop3A_291 : f32 to vector<16xf32>
      %parallel_loop3A_293 = arith.subf %parallel_loop3A_292, %parallel_loop3A_290 : vector<16xf32>
      %parallel_loop3A_294 = arith.constant 0.000000e+00 : f32
      %parallel_loop3A_295 = vector.broadcast %parallel_loop3A_294 : f32 to vector<16xf32>
      %parallel_loop3A_296 = arith.maximumf %parallel_loop3A_295, %parallel_loop3A_293 : vector<16xf32>
      %parallel_loop3A_297 = arith.addf %parallel_loop3A_281, %parallel_loop3A_296 : vector<16xf32>
      %parallel_loop3A_298 = arith.constant 1.11111116 : f32
      %parallel_loop3A_299 = vector.broadcast %parallel_loop3A_298 : f32 to vector<16xf32>
      %parallel_loop3A_300 = arith.mulf %parallel_loop3A_297, %parallel_loop3A_299 : vector<16xf32>
      %parallel_loop3A_301 = arith.constant 0.111111112 : f32
      %parallel_loop3A_302 = vector.broadcast %parallel_loop3A_301 : f32 to vector<16xf32>
      %parallel_loop3A_303 = arith.addf %parallel_loop3A_300, %parallel_loop3A_302 : vector<16xf32>
      %parallel_loop3A_304 = arith.constant 224 : i32
      %parallel_loop3A_305 = arith.muli %parallel_loop3A_158, %parallel_loop3A_304 : i32
      %parallel_loop3A_306 = arith.constant 32 : i32
      %parallel_loop3A_307 = arith.addi %parallel_loop3A_305, %parallel_loop3A_306 : i32
      %parallel_loop3A_308 = arith.index_cast %parallel_loop3A_307 : i32 to index
      %parallel_loop3A_309 = tpu.vector_load %arg5[%parallel_loop3A_308] {strides = array<i32>} : memref<50176xf32, #tpu.memory_space<vmem>>, vector<16xf32>,
      %parallel_loop3A_310 = vector.shape_cast %parallel_loop3A_309 : vector<16xf32> to vector<16xf32>
      %parallel_loop3A_311 = vector.shape_cast %parallel_loop3A_303 : vector<16xf32> to vector<16xf32>
      tpu.vector_store %arg5[%parallel_loop3A_308], %parallel_loop3A_311 {strides = array<i32>} : memref<50176xf32, #tpu.memory_space<vmem>>, vector<16xf32>,
    } {sc.loop_unroll_factor = 3 : i64, sc.parallel_access}
    %parallel_loop3A_125 = arith.constant 1 : i32
    %parallel_loop3A_126 = arith.constant 223 : i32
    %parallel_loop3A_127 = arith.constant 1 : i32
    scf.for %parallel_loop3A_158 = %parallel_loop3A_125 to %parallel_loop3A_126 step %parallel_loop3A_127  : i32 {
      %parallel_loop3A_159 = arith.constant 224 : i32
      %parallel_loop3A_160 = arith.muli %parallel_loop3A_158, %parallel_loop3A_159 : i32
      %parallel_loop3A_161 = arith.constant 48 : i32
      %parallel_loop3A_162 = arith.addi %parallel_loop3A_160, %parallel_loop3A_161 : i32
      %parallel_loop3A_163 = arith.constant 16 : i32
      %parallel_loop3A_164 = arith.addi %parallel_loop3A_162, %parallel_loop3A_163 : i32
      %parallel_loop3A_165 = arith.index_cast %parallel_loop3A_164 : i32 to index
      %parallel_loop3A_166 = tpu.vector_load %arg4[%parallel_loop3A_165] {strides = array<i32>} : memref<50208xf32, #tpu.memory_space<vmem>>, vector<16xf32>,
      %parallel_loop3A_167 = vector.shape_cast %parallel_loop3A_166 : vector<16xf32> to vector<16xf32>
      %parallel_loop3A_168 = arith.constant 0.000000e+00 : f32
      %parallel_loop3A_169 = vector.broadcast %parallel_loop3A_168 : f32 to vector<16xf32>
      %parallel_loop3A_170 = arith.constant -224 : i32
      %parallel_loop3A_171 = arith.addi %parallel_loop3A_164, %parallel_loop3A_170 : i32
      %parallel_loop3A_172 = arith.constant -1 : i32
      %parallel_loop3A_173 = arith.addi %parallel_loop3A_171, %parallel_loop3A_172 : i32
      %parallel_loop3A_174 = arith.index_cast %parallel_loop3A_173 : i32 to index
      %parallel_loop3A_175 = tpu.vector_load %arg4[%parallel_loop3A_174] {strides = array<i32>} : memref<50208xf32, #tpu.memory_space<vmem>>, vector<16xf32>,
      %parallel_loop3A_176 = vector.shape_cast %parallel_loop3A_175 : vector<16xf32> to vector<16xf32>
      %parallel_loop3A_177 = arith.subf %parallel_loop3A_167, %parallel_loop3A_176 : vector<16xf32>
      %parallel_loop3A_178 = math.absf %parallel_loop3A_177 : vector<16xf32>
      %parallel_loop3A_179 = arith.constant 1.000000e-01 : f32
      %parallel_loop3A_180 = vector.broadcast %parallel_loop3A_179 : f32 to vector<16xf32>
      %parallel_loop3A_181 = arith.subf %parallel_loop3A_180, %parallel_loop3A_178 : vector<16xf32>
      %parallel_loop3A_182 = arith.constant 0.000000e+00 : f32
      %parallel_loop3A_183 = vector.broadcast %parallel_loop3A_182 : f32 to vector<16xf32>
      %parallel_loop3A_184 = arith.maximumf %parallel_loop3A_183, %parallel_loop3A_181 : vector<16xf32>
      %parallel_loop3A_185 = arith.addf %parallel_loop3A_169, %parallel_loop3A_184 : vector<16xf32>
      %parallel_loop3A_186 = arith.constant -224 : i32
      %parallel_loop3A_187 = arith.addi %parallel_loop3A_164, %parallel_loop3A_186 : i32
      %parallel_loop3A_188 = arith.constant 0 : i32
      %parallel_loop3A_189 = arith.addi %parallel_loop3A_187, %parallel_loop3A_188 : i32
      %parallel_loop3A_190 = arith.index_cast %parallel_loop3A_189 : i32 to index
      %parallel_loop3A_191 = tpu.vector_load %arg4[%parallel_loop3A_190] {strides = array<i32>} : memref<50208xf32, #tpu.memory_space<vmem>>, vector<16xf32>,
      %parallel_loop3A_192 = vector.shape_cast %parallel_loop3A_191 : vector<16xf32> to vector<16xf32>
      %parallel_loop3A_193 = arith.subf %parallel_loop3A_167, %parallel_loop3A_192 : vector<16xf32>
      %parallel_loop3A_194 = math.absf %parallel_loop3A_193 : vector<16xf32>
      %parallel_loop3A_195 = arith.constant 1.000000e-01 : f32
      %parallel_loop3A_196 = vector.broadcast %parallel_loop3A_195 : f32 to vector<16xf32>
      %parallel_loop3A_197 = arith.subf %parallel_loop3A_196, %parallel_loop3A_194 : vector<16xf32>
      %parallel_loop3A_198 = arith.constant 0.000000e+00 : f32
      %parallel_loop3A_199 = vector.broadcast %parallel_loop3A_198 : f32 to vector<16xf32>
      %parallel_loop3A_200 = arith.maximumf %parallel_loop3A_199, %parallel_loop3A_197 : vector<16xf32>
      %parallel_loop3A_201 = arith.addf %parallel_loop3A_185, %parallel_loop3A_200 : vector<16xf32>
      %parallel_loop3A_202 = arith.constant -224 : i32
      %parallel_loop3A_203 = arith.addi %parallel_loop3A_164, %parallel_loop3A_202 : i32
      %parallel_loop3A_204 = arith.constant 1 : i32
      %parallel_loop3A_205 = arith.addi %parallel_loop3A_203, %parallel_loop3A_204 : i32
      %parallel_loop3A_206 = arith.index_cast %parallel_loop3A_205 : i32 to index
      %parallel_loop3A_207 = tpu.vector_load %arg4[%parallel_loop3A_206] {strides = array<i32>} : memref<50208xf32, #tpu.memory_space<vmem>>, vector<16xf32>,
      %parallel_loop3A_208 = vector.shape_cast %parallel_loop3A_207 : vector<16xf32> to vector<16xf32>
      %parallel_loop3A_209 = arith.subf %parallel_loop3A_167, %parallel_loop3A_208 : vector<16xf32>
      %parallel_loop3A_210 = math.absf %parallel_loop3A_209 : vector<16xf32>
      %parallel_loop3A_211 = arith.constant 1.000000e-01 : f32
      %parallel_loop3A_212 = vector.broadcast %parallel_loop3A_211 : f32 to vector<16xf32>
      %parallel_loop3A_213 = arith.subf %parallel_loop3A_212, %parallel_loop3A_210 : vector<16xf32>
      %parallel_loop3A_214 = arith.constant 0.000000e+00 : f32
      %parallel_loop3A_215 = vector.broadcast %parallel_loop3A_214 : f32 to vector<16xf32>
      %parallel_loop3A_216 = arith.maximumf %parallel_loop3A_215, %parallel_loop3A_213 : vector<16xf32>
      %parallel_loop3A_217 = arith.addf %parallel_loop3A_201, %parallel_loop3A_216 : vector<16xf32>
      %parallel_loop3A_218 = arith.constant 0 : i32
      %parallel_loop3A_219 = arith.addi %parallel_loop3A_164, %parallel_loop3A_218 : i32
      %parallel_loop3A_220 = arith.constant -1 : i32
      %parallel_loop3A_221 = arith.addi %parallel_loop3A_219, %parallel_loop3A_220 : i32
      %parallel_loop3A_222 = arith.index_cast %parallel_loop3A_221 : i32 to index
      %parallel_loop3A_223 = tpu.vector_load %arg4[%parallel_loop3A_222] {strides = array<i32>} : memref<50208xf32, #tpu.memory_space<vmem>>, vector<16xf32>,
      %parallel_loop3A_224 = vector.shape_cast %parallel_loop3A_223 : vector<16xf32> to vector<16xf32>
      %parallel_loop3A_225 = arith.subf %parallel_loop3A_167, %parallel_loop3A_224 : vector<16xf32>
      %parallel_loop3A_226 = math.absf %parallel_loop3A_225 : vector<16xf32>
      %parallel_loop3A_227 = arith.constant 1.000000e-01 : f32
      %parallel_loop3A_228 = vector.broadcast %parallel_loop3A_227 : f32 to vector<16xf32>
      %parallel_loop3A_229 = arith.subf %parallel_loop3A_228, %parallel_loop3A_226 : vector<16xf32>
      %parallel_loop3A_230 = arith.constant 0.000000e+00 : f32
      %parallel_loop3A_231 = vector.broadcast %parallel_loop3A_230 : f32 to vector<16xf32>
      %parallel_loop3A_232 = arith.maximumf %parallel_loop3A_231, %parallel_loop3A_229 : vector<16xf32>
      %parallel_loop3A_233 = arith.addf %parallel_loop3A_217, %parallel_loop3A_232 : vector<16xf32>
      %parallel_loop3A_234 = arith.constant 0 : i32
      %parallel_loop3A_235 = arith.addi %parallel_loop3A_164, %parallel_loop3A_234 : i32
      %parallel_loop3A_236 = arith.constant 1 : i32
      %parallel_loop3A_237 = arith.addi %parallel_loop3A_235, %parallel_loop3A_236 : i32
      %parallel_loop3A_238 = arith.index_cast %parallel_loop3A_237 : i32 to index
      %parallel_loop3A_239 = tpu.vector_load %arg4[%parallel_loop3A_238] {strides = array<i32>} : memref<50208xf32, #tpu.memory_space<vmem>>, vector<16xf32>,
      %parallel_loop3A_240 = vector.shape_cast %parallel_loop3A_239 : vector<16xf32> to vector<16xf32>
      %parallel_loop3A_241 = arith.subf %parallel_loop3A_240, %parallel_loop3A_167 : vector<16xf32>
      %parallel_loop3A_242 = math.absf %parallel_loop3A_241 : vector<16xf32>
      %parallel_loop3A_243 = arith.constant 1.000000e-01 : f32
      %parallel_loop3A_244 = vector.broadcast %parallel_loop3A_243 : f32 to vector<16xf32>
      %parallel_loop3A_245 = arith.subf %parallel_loop3A_244, %parallel_loop3A_242 : vector<16xf32>
      %parallel_loop3A_246 = arith.constant 0.000000e+00 : f32
      %parallel_loop3A_247 = vector.broadcast %parallel_loop3A_246 : f32 to vector<16xf32>
      %parallel_loop3A_248 = arith.maximumf %parallel_loop3A_247, %parallel_loop3A_245 : vector<16xf32>
      %parallel_loop3A_249 = arith.addf %parallel_loop3A_233, %parallel_loop3A_248 : vector<16xf32>
      %parallel_loop3A_250 = arith.constant 224 : i32
      %parallel_loop3A_251 = arith.addi %parallel_loop3A_164, %parallel_loop3A_250 : i32
      %parallel_loop3A_252 = arith.constant -1 : i32
      %parallel_loop3A_253 = arith.addi %parallel_loop3A_251, %parallel_loop3A_252 : i32
      %parallel_loop3A_254 = arith.index_cast %parallel_loop3A_253 : i32 to index
      %parallel_loop3A_255 = tpu.vector_load %arg4[%parallel_loop3A_254] {strides = array<i32>} : memref<50208xf32, #tpu.memory_space<vmem>>, vector<16xf32>,
      %parallel_loop3A_256 = vector.shape_cast %parallel_loop3A_255 : vector<16xf32> to vector<16xf32>
      %parallel_loop3A_257 = arith.subf %parallel_loop3A_256, %parallel_loop3A_167 : vector<16xf32>
      %parallel_loop3A_258 = math.absf %parallel_loop3A_257 : vector<16xf32>
      %parallel_loop3A_259 = arith.constant 1.000000e-01 : f32
      %parallel_loop3A_260 = vector.broadcast %parallel_loop3A_259 : f32 to vector<16xf32>
      %parallel_loop3A_261 = arith.subf %parallel_loop3A_260, %parallel_loop3A_258 : vector<16xf32>
      %parallel_loop3A_262 = arith.constant 0.000000e+00 : f32
      %parallel_loop3A_263 = vector.broadcast %parallel_loop3A_262 : f32 to vector<16xf32>
      %parallel_loop3A_264 = arith.maximumf %parallel_loop3A_263, %parallel_loop3A_261 : vector<16xf32>
      %parallel_loop3A_265 = arith.addf %parallel_loop3A_249, %parallel_loop3A_264 : vector<16xf32>
      %parallel_loop3A_266 = arith.constant 224 : i32
      %parallel_loop3A_267 = arith.addi %parallel_loop3A_164, %parallel_loop3A_266 : i32
      %parallel_loop3A_268 = arith.constant 0 : i32
      %parallel_loop3A_269 = arith.addi %parallel_loop3A_267, %parallel_loop3A_268 : i32
      %parallel_loop3A_270 = arith.index_cast %parallel_loop3A_269 : i32 to index
      %parallel_loop3A_271 = tpu.vector_load %arg4[%parallel_loop3A_270] {strides = array<i32>} : memref<50208xf32, #tpu.memory_space<vmem>>, vector<16xf32>,
      %parallel_loop3A_272 = vector.shape_cast %parallel_loop3A_271 : vector<16xf32> to vector<16xf32>
      %parallel_loop3A_273 = arith.subf %parallel_loop3A_272, %parallel_loop3A_167 : vector<16xf32>
      %parallel_loop3A_274 = math.absf %parallel_loop3A_273 : vector<16xf32>
      %parallel_loop3A_275 = arith.constant 1.000000e-01 : f32
      %parallel_loop3A_276 = vector.broadcast %parallel_loop3A_275 : f32 to vector<16xf32>
      %parallel_loop3A_277 = arith.subf %parallel_loop3A_276, %parallel_loop3A_274 : vector<16xf32>
      %parallel_loop3A_278 = arith.constant 0.000000e+00 : f32
      %parallel_loop3A_279 = vector.broadcast %parallel_loop3A_278 : f32 to vector<16xf32>
      %parallel_loop3A_280 = arith.maximumf %parallel_loop3A_279, %parallel_loop3A_277 : vector<16xf32>
      %parallel_loop3A_281 = arith.addf %parallel_loop3A_265, %parallel_loop3A_280 : vector<16xf32>
      %parallel_loop3A_282 = arith.constant 224 : i32
      %parallel_loop3A_283 = arith.addi %parallel_loop3A_164, %parallel_loop3A_282 : i32
      %parallel_loop3A_284 = arith.constant 1 : i32
      %parallel_loop3A_285 = arith.addi %parallel_loop3A_283, %parallel_loop3A_284 : i32
      %parallel_loop3A_286 = arith.index_cast %parallel_loop3A_285 : i32 to index
      %parallel_loop3A_287 = tpu.vector_load %arg4[%parallel_loop3A_286] {strides = array<i32>} : memref<50208xf32, #tpu.memory_space<vmem>>, vector<16xf32>,
      %parallel_loop3A_288 = vector.shape_cast %parallel_loop3A_287 : vector<16xf32> to vector<16xf32>
      %parallel_loop3A_289 = arith.subf %parallel_loop3A_288, %parallel_loop3A_167 : vector<16xf32>
      %parallel_loop3A_290 = math.absf %parallel_loop3A_289 : vector<16xf32>
      %parallel_loop3A_291 = arith.constant 1.000000e-01 : f32
      %parallel_loop3A_292 = vector.broadcast %parallel_loop3A_291 : f32 to vector<16xf32>
      %parallel_loop3A_293 = arith.subf %parallel_loop3A_292, %parallel_loop3A_290 : vector<16xf32>
      %parallel_loop3A_294 = arith.constant 0.000000e+00 : f32
      %parallel_loop3A_295 = vector.broadcast %parallel_loop3A_294 : f32 to vector<16xf32>
      %parallel_loop3A_296 = arith.maximumf %parallel_loop3A_295, %parallel_loop3A_293 : vector<16xf32>
      %parallel_loop3A_297 = arith.addf %parallel_loop3A_281, %parallel_loop3A_296 : vector<16xf32>
      %parallel_loop3A_298 = arith.constant 1.11111116 : f32
      %parallel_loop3A_299 = vector.broadcast %parallel_loop3A_298 : f32 to vector<16xf32>
      %parallel_loop3A_300 = arith.mulf %parallel_loop3A_297, %parallel_loop3A_299 : vector<16xf32>
      %parallel_loop3A_301 = arith.constant 0.111111112 : f32
      %parallel_loop3A_302 = vector.broadcast %parallel_loop3A_301 : f32 to vector<16xf32>
      %parallel_loop3A_303 = arith.addf %parallel_loop3A_300, %parallel_loop3A_302 : vector<16xf32>
      %parallel_loop3A_304 = arith.constant 224 : i32
      %parallel_loop3A_305 = arith.muli %parallel_loop3A_158, %parallel_loop3A_304 : i32
      %parallel_loop3A_306 = arith.constant 48 : i32
      %parallel_loop3A_307 = arith.addi %parallel_loop3A_305, %parallel_loop3A_306 : i32
      %parallel_loop3A_308 = arith.index_cast %parallel_loop3A_307 : i32 to index
      %parallel_loop3A_309 = tpu.vector_load %arg5[%parallel_loop3A_308] {strides = array<i32>} : memref<50176xf32, #tpu.memory_space<vmem>>, vector<16xf32>,
      %parallel_loop3A_310 = vector.shape_cast %parallel_loop3A_309 : vector<16xf32> to vector<16xf32>
      %parallel_loop3A_311 = vector.shape_cast %parallel_loop3A_303 : vector<16xf32> to vector<16xf32>
      tpu.vector_store %arg5[%parallel_loop3A_308], %parallel_loop3A_311 {strides = array<i32>} : memref<50176xf32, #tpu.memory_space<vmem>>, vector<16xf32>,
    } {sc.loop_unroll_factor = 3 : i64, sc.parallel_access}
    %parallel_loop3A_128 = arith.constant 1 : i32
    %parallel_loop3A_129 = arith.constant 223 : i32
    %parallel_loop3A_130 = arith.constant 1 : i32
    scf.for %parallel_loop3A_158 = %parallel_loop3A_128 to %parallel_loop3A_129 step %parallel_loop3A_130  : i32 {
      %parallel_loop3A_159 = arith.constant 224 : i32
      %parallel_loop3A_160 = arith.muli %parallel_loop3A_158, %parallel_loop3A_159 : i32
      %parallel_loop3A_161 = arith.constant 64 : i32
      %parallel_loop3A_162 = arith.addi %parallel_loop3A_160, %parallel_loop3A_161 : i32
      %parallel_loop3A_163 = arith.constant 16 : i32
      %parallel_loop3A_164 = arith.addi %parallel_loop3A_162, %parallel_loop3A_163 : i32
      %parallel_loop3A_165 = arith.index_cast %parallel_loop3A_164 : i32 to index
      %parallel_loop3A_166 = tpu.vector_load %arg4[%parallel_loop3A_165] {strides = array<i32>} : memref<50208xf32, #tpu.memory_space<vmem>>, vector<16xf32>,
      %parallel_loop3A_167 = vector.shape_cast %parallel_loop3A_166 : vector<16xf32> to vector<16xf32>
      %parallel_loop3A_168 = arith.constant 0.000000e+00 : f32
      %parallel_loop3A_169 = vector.broadcast %parallel_loop3A_168 : f32 to vector<16xf32>
      %parallel_loop3A_170 = arith.constant -224 : i32
      %parallel_loop3A_171 = arith.addi %parallel_loop3A_164, %parallel_loop3A_170 : i32
      %parallel_loop3A_172 = arith.constant -1 : i32
      %parallel_loop3A_173 = arith.addi %parallel_loop3A_171, %parallel_loop3A_172 : i32
      %parallel_loop3A_174 = arith.index_cast %parallel_loop3A_173 : i32 to index
      %parallel_loop3A_175 = tpu.vector_load %arg4[%parallel_loop3A_174] {strides = array<i32>} : memref<50208xf32, #tpu.memory_space<vmem>>, vector<16xf32>,
      %parallel_loop3A_176 = vector.shape_cast %parallel_loop3A_175 : vector<16xf32> to vector<16xf32>
      %parallel_loop3A_177 = arith.subf %parallel_loop3A_167, %parallel_loop3A_176 : vector<16xf32>
      %parallel_loop3A_178 = math.absf %parallel_loop3A_177 : vector<16xf32>
      %parallel_loop3A_179 = arith.constant 1.000000e-01 : f32
      %parallel_loop3A_180 = vector.broadcast %parallel_loop3A_179 : f32 to vector<16xf32>
      %parallel_loop3A_181 = arith.subf %parallel_loop3A_180, %parallel_loop3A_178 : vector<16xf32>
      %parallel_loop3A_182 = arith.constant 0.000000e+00 : f32
      %parallel_loop3A_183 = vector.broadcast %parallel_loop3A_182 : f32 to vector<16xf32>
      %parallel_loop3A_184 = arith.maximumf %parallel_loop3A_183, %parallel_loop3A_181 : vector<16xf32>
      %parallel_loop3A_185 = arith.addf %parallel_loop3A_169, %parallel_loop3A_184 : vector<16xf32>
      %parallel_loop3A_186 = arith.constant -224 : i32
      %parallel_loop3A_187 = arith.addi %parallel_loop3A_164, %parallel_loop3A_186 : i32
      %parallel_loop3A_188 = arith.constant 0 : i32
      %parallel_loop3A_189 = arith.addi %parallel_loop3A_187, %parallel_loop3A_188 : i32
      %parallel_loop3A_190 = arith.index_cast %parallel_loop3A_189 : i32 to index
      %parallel_loop3A_191 = tpu.vector_load %arg4[%parallel_loop3A_190] {strides = array<i32>} : memref<50208xf32, #tpu.memory_space<vmem>>, vector<16xf32>,
      %parallel_loop3A_192 = vector.shape_cast %parallel_loop3A_191 : vector<16xf32> to vector<16xf32>
      %parallel_loop3A_193 = arith.subf %parallel_loop3A_167, %parallel_loop3A_192 : vector<16xf32>
      %parallel_loop3A_194 = math.absf %parallel_loop3A_193 : vector<16xf32>
      %parallel_loop3A_195 = arith.constant 1.000000e-01 : f32
      %parallel_loop3A_196 = vector.broadcast %parallel_loop3A_195 : f32 to vector<16xf32>
      %parallel_loop3A_197 = arith.subf %parallel_loop3A_196, %parallel_loop3A_194 : vector<16xf32>
      %parallel_loop3A_198 = arith.constant 0.000000e+00 : f32
      %parallel_loop3A_199 = vector.broadcast %parallel_loop3A_198 : f32 to vector<16xf32>
      %parallel_loop3A_200 = arith.maximumf %parallel_loop3A_199, %parallel_loop3A_197 : vector<16xf32>
      %parallel_loop3A_201 = arith.addf %parallel_loop3A_185, %parallel_loop3A_200 : vector<16xf32>
      %parallel_loop3A_202 = arith.constant -224 : i32
      %parallel_loop3A_203 = arith.addi %parallel_loop3A_164, %parallel_loop3A_202 : i32
      %parallel_loop3A_204 = arith.constant 1 : i32
      %parallel_loop3A_205 = arith.addi %parallel_loop3A_203, %parallel_loop3A_204 : i32
      %parallel_loop3A_206 = arith.index_cast %parallel_loop3A_205 : i32 to index
      %parallel_loop3A_207 = tpu.vector_load %arg4[%parallel_loop3A_206] {strides = array<i32>} : memref<50208xf32, #tpu.memory_space<vmem>>, vector<16xf32>,
      %parallel_loop3A_208 = vector.shape_cast %parallel_loop3A_207 : vector<16xf32> to vector<16xf32>
      %parallel_loop3A_209 = arith.subf %parallel_loop3A_167, %parallel_loop3A_208 : vector<16xf32>
      %parallel_loop3A_210 = math.absf %parallel_loop3A_209 : vector<16xf32>
      %parallel_loop3A_211 = arith.constant 1.000000e-01 : f32
      %parallel_loop3A_212 = vector.broadcast %parallel_loop3A_211 : f32 to vector<16xf32>
      %parallel_loop3A_213 = arith.subf %parallel_loop3A_212, %parallel_loop3A_210 : vector<16xf32>
      %parallel_loop3A_214 = arith.constant 0.000000e+00 : f32
      %parallel_loop3A_215 = vector.broadcast %parallel_loop3A_214 : f32 to vector<16xf32>
      %parallel_loop3A_216 = arith.maximumf %parallel_loop3A_215, %parallel_loop3A_213 : vector<16xf32>
      %parallel_loop3A_217 = arith.addf %parallel_loop3A_201, %parallel_loop3A_216 : vector<16xf32>
      %parallel_loop3A_218 = arith.constant 0 : i32
      %parallel_loop3A_219 = arith.addi %parallel_loop3A_164, %parallel_loop3A_218 : i32
      %parallel_loop3A_220 = arith.constant -1 : i32
      %parallel_loop3A_221 = arith.addi %parallel_loop3A_219, %parallel_loop3A_220 : i32
      %parallel_loop3A_222 = arith.index_cast %parallel_loop3A_221 : i32 to index
      %parallel_loop3A_223 = tpu.vector_load %arg4[%parallel_loop3A_222] {strides = array<i32>} : memref<50208xf32, #tpu.memory_space<vmem>>, vector<16xf32>,
      %parallel_loop3A_224 = vector.shape_cast %parallel_loop3A_223 : vector<16xf32> to vector<16xf32>
      %parallel_loop3A_225 = arith.subf %parallel_loop3A_167, %parallel_loop3A_224 : vector<16xf32>
      %parallel_loop3A_226 = math.absf %parallel_loop3A_225 : vector<16xf32>
      %parallel_loop3A_227 = arith.constant 1.000000e-01 : f32
      %parallel_loop3A_228 = vector.broadcast %parallel_loop3A_227 : f32 to vector<16xf32>
      %parallel_loop3A_229 = arith.subf %parallel_loop3A_228, %parallel_loop3A_226 : vector<16xf32>
      %parallel_loop3A_230 = arith.constant 0.000000e+00 : f32
      %parallel_loop3A_231 = vector.broadcast %parallel_loop3A_230 : f32 to vector<16xf32>
      %parallel_loop3A_232 = arith.maximumf %parallel_loop3A_231, %parallel_loop3A_229 : vector<16xf32>
      %parallel_loop3A_233 = arith.addf %parallel_loop3A_217, %parallel_loop3A_232 : vector<16xf32>
      %parallel_loop3A_234 = arith.constant 0 : i32
      %parallel_loop3A_235 = arith.addi %parallel_loop3A_164, %parallel_loop3A_234 : i32
      %parallel_loop3A_236 = arith.constant 1 : i32
      %parallel_loop3A_237 = arith.addi %parallel_loop3A_235, %parallel_loop3A_236 : i32
      %parallel_loop3A_238 = arith.index_cast %parallel_loop3A_237 : i32 to index
      %parallel_loop3A_239 = tpu.vector_load %arg4[%parallel_loop3A_238] {strides = array<i32>} : memref<50208xf32, #tpu.memory_space<vmem>>, vector<16xf32>,
      %parallel_loop3A_240 = vector.shape_cast %parallel_loop3A_239 : vector<16xf32> to vector<16xf32>
      %parallel_loop3A_241 = arith.subf %parallel_loop3A_240, %parallel_loop3A_167 : vector<16xf32>
      %parallel_loop3A_242 = math.absf %parallel_loop3A_241 : vector<16xf32>
      %parallel_loop3A_243 = arith.constant 1.000000e-01 : f32
      %parallel_loop3A_244 = vector.broadcast %parallel_loop3A_243 : f32 to vector<16xf32>
      %parallel_loop3A_245 = arith.subf %parallel_loop3A_244, %parallel_loop3A_242 : vector<16xf32>
      %parallel_loop3A_246 = arith.constant 0.000000e+00 : f32
      %parallel_loop3A_247 = vector.broadcast %parallel_loop3A_246 : f32 to vector<16xf32>
      %parallel_loop3A_248 = arith.maximumf %parallel_loop3A_247, %parallel_loop3A_245 : vector<16xf32>
      %parallel_loop3A_249 = arith.addf %parallel_loop3A_233, %parallel_loop3A_248 : vector<16xf32>
      %parallel_loop3A_250 = arith.constant 224 : i32
      %parallel_loop3A_251 = arith.addi %parallel_loop3A_164, %parallel_loop3A_250 : i32
      %parallel_loop3A_252 = arith.constant -1 : i32
      %parallel_loop3A_253 = arith.addi %parallel_loop3A_251, %parallel_loop3A_252 : i32
      %parallel_loop3A_254 = arith.index_cast %parallel_loop3A_253 : i32 to index
      %parallel_loop3A_255 = tpu.vector_load %arg4[%parallel_loop3A_254] {strides = array<i32>} : memref<50208xf32, #tpu.memory_space<vmem>>, vector<16xf32>,
      %parallel_loop3A_256 = vector.shape_cast %parallel_loop3A_255 : vector<16xf32> to vector<16xf32>
      %parallel_loop3A_257 = arith.subf %parallel_loop3A_256, %parallel_loop3A_167 : vector<16xf32>
      %parallel_loop3A_258 = math.absf %parallel_loop3A_257 : vector<16xf32>
      %parallel_loop3A_259 = arith.constant 1.000000e-01 : f32
      %parallel_loop3A_260 = vector.broadcast %parallel_loop3A_259 : f32 to vector<16xf32>
      %parallel_loop3A_261 = arith.subf %parallel_loop3A_260, %parallel_loop3A_258 : vector<16xf32>
      %parallel_loop3A_262 = arith.constant 0.000000e+00 : f32
      %parallel_loop3A_263 = vector.broadcast %parallel_loop3A_262 : f32 to vector<16xf32>
      %parallel_loop3A_264 = arith.maximumf %parallel_loop3A_263, %parallel_loop3A_261 : vector<16xf32>
      %parallel_loop3A_265 = arith.addf %parallel_loop3A_249, %parallel_loop3A_264 : vector<16xf32>
      %parallel_loop3A_266 = arith.constant 224 : i32
      %parallel_loop3A_267 = arith.addi %parallel_loop3A_164, %parallel_loop3A_266 : i32
      %parallel_loop3A_268 = arith.constant 0 : i32
      %parallel_loop3A_269 = arith.addi %parallel_loop3A_267, %parallel_loop3A_268 : i32
      %parallel_loop3A_270 = arith.index_cast %parallel_loop3A_269 : i32 to index
      %parallel_loop3A_271 = tpu.vector_load %arg4[%parallel_loop3A_270] {strides = array<i32>} : memref<50208xf32, #tpu.memory_space<vmem>>, vector<16xf32>,
      %parallel_loop3A_272 = vector.shape_cast %parallel_loop3A_271 : vector<16xf32> to vector<16xf32>
      %parallel_loop3A_273 = arith.subf %parallel_loop3A_272, %parallel_loop3A_167 : vector<16xf32>
      %parallel_loop3A_274 = math.absf %parallel_loop3A_273 : vector<16xf32>
      %parallel_loop3A_275 = arith.constant 1.000000e-01 : f32
      %parallel_loop3A_276 = vector.broadcast %parallel_loop3A_275 : f32 to vector<16xf32>
      %parallel_loop3A_277 = arith.subf %parallel_loop3A_276, %parallel_loop3A_274 : vector<16xf32>
      %parallel_loop3A_278 = arith.constant 0.000000e+00 : f32
      %parallel_loop3A_279 = vector.broadcast %parallel_loop3A_278 : f32 to vector<16xf32>
      %parallel_loop3A_280 = arith.maximumf %parallel_loop3A_279, %parallel_loop3A_277 : vector<16xf32>
      %parallel_loop3A_281 = arith.addf %parallel_loop3A_265, %parallel_loop3A_280 : vector<16xf32>
      %parallel_loop3A_282 = arith.constant 224 : i32
      %parallel_loop3A_283 = arith.addi %parallel_loop3A_164, %parallel_loop3A_282 : i32
      %parallel_loop3A_284 = arith.constant 1 : i32
      %parallel_loop3A_285 = arith.addi %parallel_loop3A_283, %parallel_loop3A_284 : i32
      %parallel_loop3A_286 = arith.index_cast %parallel_loop3A_285 : i32 to index
      %parallel_loop3A_287 = tpu.vector_load %arg4[%parallel_loop3A_286] {strides = array<i32>} : memref<50208xf32, #tpu.memory_space<vmem>>, vector<16xf32>,
      %parallel_loop3A_288 = vector.shape_cast %parallel_loop3A_287 : vector<16xf32> to vector<16xf32>
      %parallel_loop3A_289 = arith.subf %parallel_loop3A_288, %parallel_loop3A_167 : vector<16xf32>
      %parallel_loop3A_290 = math.absf %parallel_loop3A_289 : vector<16xf32>
      %parallel_loop3A_291 = arith.constant 1.000000e-01 : f32
      %parallel_loop3A_292 = vector.broadcast %parallel_loop3A_291 : f32 to vector<16xf32>
      %parallel_loop3A_293 = arith.subf %parallel_loop3A_292, %parallel_loop3A_290 : vector<16xf32>
      %parallel_loop3A_294 = arith.constant 0.000000e+00 : f32
      %parallel_loop3A_295 = vector.broadcast %parallel_loop3A_294 : f32 to vector<16xf32>
      %parallel_loop3A_296 = arith.maximumf %parallel_loop3A_295, %parallel_loop3A_293 : vector<16xf32>
      %parallel_loop3A_297 = arith.addf %parallel_loop3A_281, %parallel_loop3A_296 : vector<16xf32>
      %parallel_loop3A_298 = arith.constant 1.11111116 : f32
      %parallel_loop3A_299 = vector.broadcast %parallel_loop3A_298 : f32 to vector<16xf32>
      %parallel_loop3A_300 = arith.mulf %parallel_loop3A_297, %parallel_loop3A_299 : vector<16xf32>
      %parallel_loop3A_301 = arith.constant 0.111111112 : f32
      %parallel_loop3A_302 = vector.broadcast %parallel_loop3A_301 : f32 to vector<16xf32>
      %parallel_loop3A_303 = arith.addf %parallel_loop3A_300, %parallel_loop3A_302 : vector<16xf32>
      %parallel_loop3A_304 = arith.constant 224 : i32
      %parallel_loop3A_305 = arith.muli %parallel_loop3A_158, %parallel_loop3A_304 : i32
      %parallel_loop3A_306 = arith.constant 64 : i32
      %parallel_loop3A_307 = arith.addi %parallel_loop3A_305, %parallel_loop3A_306 : i32
      %parallel_loop3A_308 = arith.index_cast %parallel_loop3A_307 : i32 to index
      %parallel_loop3A_309 = tpu.vector_load %arg5[%parallel_loop3A_308] {strides = array<i32>} : memref<50176xf32, #tpu.memory_space<vmem>>, vector<16xf32>,
      %parallel_loop3A_310 = vector.shape_cast %parallel_loop3A_309 : vector<16xf32> to vector<16xf32>
      %parallel_loop3A_311 = vector.shape_cast %parallel_loop3A_303 : vector<16xf32> to vector<16xf32>
      tpu.vector_store %arg5[%parallel_loop3A_308], %parallel_loop3A_311 {strides = array<i32>} : memref<50176xf32, #tpu.memory_space<vmem>>, vector<16xf32>,
    } {sc.loop_unroll_factor = 3 : i64, sc.parallel_access}
    %parallel_loop3A_131 = arith.constant 1 : i32
    %parallel_loop3A_132 = arith.constant 223 : i32
    %parallel_loop3A_133 = arith.constant 1 : i32
    scf.for %parallel_loop3A_158 = %parallel_loop3A_131 to %parallel_loop3A_132 step %parallel_loop3A_133  : i32 {
      %parallel_loop3A_159 = arith.constant 224 : i32
      %parallel_loop3A_160 = arith.muli %parallel_loop3A_158, %parallel_loop3A_159 : i32
      %parallel_loop3A_161 = arith.constant 80 : i32
      %parallel_loop3A_162 = arith.addi %parallel_loop3A_160, %parallel_loop3A_161 : i32
      %parallel_loop3A_163 = arith.constant 16 : i32
      %parallel_loop3A_164 = arith.addi %parallel_loop3A_162, %parallel_loop3A_163 : i32
      %parallel_loop3A_165 = arith.index_cast %parallel_loop3A_164 : i32 to index
      %parallel_loop3A_166 = tpu.vector_load %arg4[%parallel_loop3A_165] {strides = array<i32>} : memref<50208xf32, #tpu.memory_space<vmem>>, vector<16xf32>,
      %parallel_loop3A_167 = vector.shape_cast %parallel_loop3A_166 : vector<16xf32> to vector<16xf32>
      %parallel_loop3A_168 = arith.constant 0.000000e+00 : f32
      %parallel_loop3A_169 = vector.broadcast %parallel_loop3A_168 : f32 to vector<16xf32>
      %parallel_loop3A_170 = arith.constant -224 : i32
      %parallel_loop3A_171 = arith.addi %parallel_loop3A_164, %parallel_loop3A_170 : i32
      %parallel_loop3A_172 = arith.constant -1 : i32
      %parallel_loop3A_173 = arith.addi %parallel_loop3A_171, %parallel_loop3A_172 : i32
      %parallel_loop3A_174 = arith.index_cast %parallel_loop3A_173 : i32 to index
      %parallel_loop3A_175 = tpu.vector_load %arg4[%parallel_loop3A_174] {strides = array<i32>} : memref<50208xf32, #tpu.memory_space<vmem>>, vector<16xf32>,
      %parallel_loop3A_176 = vector.shape_cast %parallel_loop3A_175 : vector<16xf32> to vector<16xf32>
      %parallel_loop3A_177 = arith.subf %parallel_loop3A_167, %parallel_loop3A_176 : vector<16xf32>
      %parallel_loop3A_178 = math.absf %parallel_loop3A_177 : vector<16xf32>
      %parallel_loop3A_179 = arith.constant 1.000000e-01 : f32
      %parallel_loop3A_180 = vector.broadcast %parallel_loop3A_179 : f32 to vector<16xf32>
      %parallel_loop3A_181 = arith.subf %parallel_loop3A_180, %parallel_loop3A_178 : vector<16xf32>
      %parallel_loop3A_182 = arith.constant 0.000000e+00 : f32
      %parallel_loop3A_183 = vector.broadcast %parallel_loop3A_182 : f32 to vector<16xf32>
      %parallel_loop3A_184 = arith.maximumf %parallel_loop3A_183, %parallel_loop3A_181 : vector<16xf32>
      %parallel_loop3A_185 = arith.addf %parallel_loop3A_169, %parallel_loop3A_184 : vector<16xf32>
      %parallel_loop3A_186 = arith.constant -224 : i32
      %parallel_loop3A_187 = arith.addi %parallel_loop3A_164, %parallel_loop3A_186 : i32
      %parallel_loop3A_188 = arith.constant 0 : i32
      %parallel_loop3A_189 = arith.addi %parallel_loop3A_187, %parallel_loop3A_188 : i32
      %parallel_loop3A_190 = arith.index_cast %parallel_loop3A_189 : i32 to index
      %parallel_loop3A_191 = tpu.vector_load %arg4[%parallel_loop3A_190] {strides = array<i32>} : memref<50208xf32, #tpu.memory_space<vmem>>, vector<16xf32>,
      %parallel_loop3A_192 = vector.shape_cast %parallel_loop3A_191 : vector<16xf32> to vector<16xf32>
      %parallel_loop3A_193 = arith.subf %parallel_loop3A_167, %parallel_loop3A_192 : vector<16xf32>
      %parallel_loop3A_194 = math.absf %parallel_loop3A_193 : vector<16xf32>
      %parallel_loop3A_195 = arith.constant 1.000000e-01 : f32
      %parallel_loop3A_196 = vector.broadcast %parallel_loop3A_195 : f32 to vector<16xf32>
      %parallel_loop3A_197 = arith.subf %parallel_loop3A_196, %parallel_loop3A_194 : vector<16xf32>
      %parallel_loop3A_198 = arith.constant 0.000000e+00 : f32
      %parallel_loop3A_199 = vector.broadcast %parallel_loop3A_198 : f32 to vector<16xf32>
      %parallel_loop3A_200 = arith.maximumf %parallel_loop3A_199, %parallel_loop3A_197 : vector<16xf32>
      %parallel_loop3A_201 = arith.addf %parallel_loop3A_185, %parallel_loop3A_200 : vector<16xf32>
      %parallel_loop3A_202 = arith.constant -224 : i32
      %parallel_loop3A_203 = arith.addi %parallel_loop3A_164, %parallel_loop3A_202 : i32
      %parallel_loop3A_204 = arith.constant 1 : i32
      %parallel_loop3A_205 = arith.addi %parallel_loop3A_203, %parallel_loop3A_204 : i32
      %parallel_loop3A_206 = arith.index_cast %parallel_loop3A_205 : i32 to index
      %parallel_loop3A_207 = tpu.vector_load %arg4[%parallel_loop3A_206] {strides = array<i32>} : memref<50208xf32, #tpu.memory_space<vmem>>, vector<16xf32>,
      %parallel_loop3A_208 = vector.shape_cast %parallel_loop3A_207 : vector<16xf32> to vector<16xf32>
      %parallel_loop3A_209 = arith.subf %parallel_loop3A_167, %parallel_loop3A_208 : vector<16xf32>
      %parallel_loop3A_210 = math.absf %parallel_loop3A_209 : vector<16xf32>
      %parallel_loop3A_211 = arith.constant 1.000000e-01 : f32
      %parallel_loop3A_212 = vector.broadcast %parallel_loop3A_211 : f32 to vector<16xf32>
      %parallel_loop3A_213 = arith.subf %parallel_loop3A_212, %parallel_loop3A_210 : vector<16xf32>
      %parallel_loop3A_214 = arith.constant 0.000000e+00 : f32
      %parallel_loop3A_215 = vector.broadcast %parallel_loop3A_214 : f32 to vector<16xf32>
      %parallel_loop3A_216 = arith.maximumf %parallel_loop3A_215, %parallel_loop3A_213 : vector<16xf32>
      %parallel_loop3A_217 = arith.addf %parallel_loop3A_201, %parallel_loop3A_216 : vector<16xf32>
      %parallel_loop3A_218 = arith.constant 0 : i32
      %parallel_loop3A_219 = arith.addi %parallel_loop3A_164, %parallel_loop3A_218 : i32
      %parallel_loop3A_220 = arith.constant -1 : i32
      %parallel_loop3A_221 = arith.addi %parallel_loop3A_219, %parallel_loop3A_220 : i32
      %parallel_loop3A_222 = arith.index_cast %parallel_loop3A_221 : i32 to index
      %parallel_loop3A_223 = tpu.vector_load %arg4[%parallel_loop3A_222] {strides = array<i32>} : memref<50208xf32, #tpu.memory_space<vmem>>, vector<16xf32>,
      %parallel_loop3A_224 = vector.shape_cast %parallel_loop3A_223 : vector<16xf32> to vector<16xf32>
      %parallel_loop3A_225 = arith.subf %parallel_loop3A_167, %parallel_loop3A_224 : vector<16xf32>
      %parallel_loop3A_226 = math.absf %parallel_loop3A_225 : vector<16xf32>
      %parallel_loop3A_227 = arith.constant 1.000000e-01 : f32
      %parallel_loop3A_228 = vector.broadcast %parallel_loop3A_227 : f32 to vector<16xf32>
      %parallel_loop3A_229 = arith.subf %parallel_loop3A_228, %parallel_loop3A_226 : vector<16xf32>
      %parallel_loop3A_230 = arith.constant 0.000000e+00 : f32
      %parallel_loop3A_231 = vector.broadcast %parallel_loop3A_230 : f32 to vector<16xf32>
      %parallel_loop3A_232 = arith.maximumf %parallel_loop3A_231, %parallel_loop3A_229 : vector<16xf32>
      %parallel_loop3A_233 = arith.addf %parallel_loop3A_217, %parallel_loop3A_232 : vector<16xf32>
      %parallel_loop3A_234 = arith.constant 0 : i32
      %parallel_loop3A_235 = arith.addi %parallel_loop3A_164, %parallel_loop3A_234 : i32
      %parallel_loop3A_236 = arith.constant 1 : i32
      %parallel_loop3A_237 = arith.addi %parallel_loop3A_235, %parallel_loop3A_236 : i32
      %parallel_loop3A_238 = arith.index_cast %parallel_loop3A_237 : i32 to index
      %parallel_loop3A_239 = tpu.vector_load %arg4[%parallel_loop3A_238] {strides = array<i32>} : memref<50208xf32, #tpu.memory_space<vmem>>, vector<16xf32>,
      %parallel_loop3A_240 = vector.shape_cast %parallel_loop3A_239 : vector<16xf32> to vector<16xf32>
      %parallel_loop3A_241 = arith.subf %parallel_loop3A_240, %parallel_loop3A_167 : vector<16xf32>
      %parallel_loop3A_242 = math.absf %parallel_loop3A_241 : vector<16xf32>
      %parallel_loop3A_243 = arith.constant 1.000000e-01 : f32
      %parallel_loop3A_244 = vector.broadcast %parallel_loop3A_243 : f32 to vector<16xf32>
      %parallel_loop3A_245 = arith.subf %parallel_loop3A_244, %parallel_loop3A_242 : vector<16xf32>
      %parallel_loop3A_246 = arith.constant 0.000000e+00 : f32
      %parallel_loop3A_247 = vector.broadcast %parallel_loop3A_246 : f32 to vector<16xf32>
      %parallel_loop3A_248 = arith.maximumf %parallel_loop3A_247, %parallel_loop3A_245 : vector<16xf32>
      %parallel_loop3A_249 = arith.addf %parallel_loop3A_233, %parallel_loop3A_248 : vector<16xf32>
      %parallel_loop3A_250 = arith.constant 224 : i32
      %parallel_loop3A_251 = arith.addi %parallel_loop3A_164, %parallel_loop3A_250 : i32
      %parallel_loop3A_252 = arith.constant -1 : i32
      %parallel_loop3A_253 = arith.addi %parallel_loop3A_251, %parallel_loop3A_252 : i32
      %parallel_loop3A_254 = arith.index_cast %parallel_loop3A_253 : i32 to index
      %parallel_loop3A_255 = tpu.vector_load %arg4[%parallel_loop3A_254] {strides = array<i32>} : memref<50208xf32, #tpu.memory_space<vmem>>, vector<16xf32>,
      %parallel_loop3A_256 = vector.shape_cast %parallel_loop3A_255 : vector<16xf32> to vector<16xf32>
      %parallel_loop3A_257 = arith.subf %parallel_loop3A_256, %parallel_loop3A_167 : vector<16xf32>
      %parallel_loop3A_258 = math.absf %parallel_loop3A_257 : vector<16xf32>
      %parallel_loop3A_259 = arith.constant 1.000000e-01 : f32
      %parallel_loop3A_260 = vector.broadcast %parallel_loop3A_259 : f32 to vector<16xf32>
      %parallel_loop3A_261 = arith.subf %parallel_loop3A_260, %parallel_loop3A_258 : vector<16xf32>
      %parallel_loop3A_262 = arith.constant 0.000000e+00 : f32
      %parallel_loop3A_263 = vector.broadcast %parallel_loop3A_262 : f32 to vector<16xf32>
      %parallel_loop3A_264 = arith.maximumf %parallel_loop3A_263, %parallel_loop3A_261 : vector<16xf32>
      %parallel_loop3A_265 = arith.addf %parallel_loop3A_249, %parallel_loop3A_264 : vector<16xf32>
      %parallel_loop3A_266 = arith.constant 224 : i32
      %parallel_loop3A_267 = arith.addi %parallel_loop3A_164, %parallel_loop3A_266 : i32
      %parallel_loop3A_268 = arith.constant 0 : i32
      %parallel_loop3A_269 = arith.addi %parallel_loop3A_267, %parallel_loop3A_268 : i32
      %parallel_loop3A_270 = arith.index_cast %parallel_loop3A_269 : i32 to index
      %parallel_loop3A_271 = tpu.vector_load %arg4[%parallel_loop3A_270] {strides = array<i32>} : memref<50208xf32, #tpu.memory_space<vmem>>, vector<16xf32>,
      %parallel_loop3A_272 = vector.shape_cast %parallel_loop3A_271 : vector<16xf32> to vector<16xf32>
      %parallel_loop3A_273 = arith.subf %parallel_loop3A_272, %parallel_loop3A_167 : vector<16xf32>
      %parallel_loop3A_274 = math.absf %parallel_loop3A_273 : vector<16xf32>
      %parallel_loop3A_275 = arith.constant 1.000000e-01 : f32
      %parallel_loop3A_276 = vector.broadcast %parallel_loop3A_275 : f32 to vector<16xf32>
      %parallel_loop3A_277 = arith.subf %parallel_loop3A_276, %parallel_loop3A_274 : vector<16xf32>
      %parallel_loop3A_278 = arith.constant 0.000000e+00 : f32
      %parallel_loop3A_279 = vector.broadcast %parallel_loop3A_278 : f32 to vector<16xf32>
      %parallel_loop3A_280 = arith.maximumf %parallel_loop3A_279, %parallel_loop3A_277 : vector<16xf32>
      %parallel_loop3A_281 = arith.addf %parallel_loop3A_265, %parallel_loop3A_280 : vector<16xf32>
      %parallel_loop3A_282 = arith.constant 224 : i32
      %parallel_loop3A_283 = arith.addi %parallel_loop3A_164, %parallel_loop3A_282 : i32
      %parallel_loop3A_284 = arith.constant 1 : i32
      %parallel_loop3A_285 = arith.addi %parallel_loop3A_283, %parallel_loop3A_284 : i32
      %parallel_loop3A_286 = arith.index_cast %parallel_loop3A_285 : i32 to index
      %parallel_loop3A_287 = tpu.vector_load %arg4[%parallel_loop3A_286] {strides = array<i32>} : memref<50208xf32, #tpu.memory_space<vmem>>, vector<16xf32>,
      %parallel_loop3A_288 = vector.shape_cast %parallel_loop3A_287 : vector<16xf32> to vector<16xf32>
      %parallel_loop3A_289 = arith.subf %parallel_loop3A_288, %parallel_loop3A_167 : vector<16xf32>
      %parallel_loop3A_290 = math.absf %parallel_loop3A_289 : vector<16xf32>
      %parallel_loop3A_291 = arith.constant 1.000000e-01 : f32
      %parallel_loop3A_292 = vector.broadcast %parallel_loop3A_291 : f32 to vector<16xf32>
      %parallel_loop3A_293 = arith.subf %parallel_loop3A_292, %parallel_loop3A_290 : vector<16xf32>
      %parallel_loop3A_294 = arith.constant 0.000000e+00 : f32
      %parallel_loop3A_295 = vector.broadcast %parallel_loop3A_294 : f32 to vector<16xf32>
      %parallel_loop3A_296 = arith.maximumf %parallel_loop3A_295, %parallel_loop3A_293 : vector<16xf32>
      %parallel_loop3A_297 = arith.addf %parallel_loop3A_281, %parallel_loop3A_296 : vector<16xf32>
      %parallel_loop3A_298 = arith.constant 1.11111116 : f32
      %parallel_loop3A_299 = vector.broadcast %parallel_loop3A_298 : f32 to vector<16xf32>
      %parallel_loop3A_300 = arith.mulf %parallel_loop3A_297, %parallel_loop3A_299 : vector<16xf32>
      %parallel_loop3A_301 = arith.constant 0.111111112 : f32
      %parallel_loop3A_302 = vector.broadcast %parallel_loop3A_301 : f32 to vector<16xf32>
      %parallel_loop3A_303 = arith.addf %parallel_loop3A_300, %parallel_loop3A_302 : vector<16xf32>
      %parallel_loop3A_304 = arith.constant 224 : i32
      %parallel_loop3A_305 = arith.muli %parallel_loop3A_158, %parallel_loop3A_304 : i32
      %parallel_loop3A_306 = arith.constant 80 : i32
      %parallel_loop3A_307 = arith.addi %parallel_loop3A_305, %parallel_loop3A_306 : i32
      %parallel_loop3A_308 = arith.index_cast %parallel_loop3A_307 : i32 to index
      %parallel_loop3A_309 = tpu.vector_load %arg5[%parallel_loop3A_308] {strides = array<i32>} : memref<50176xf32, #tpu.memory_space<vmem>>, vector<16xf32>,
      %parallel_loop3A_310 = vector.shape_cast %parallel_loop3A_309 : vector<16xf32> to vector<16xf32>
      %parallel_loop3A_311 = vector.shape_cast %parallel_loop3A_303 : vector<16xf32> to vector<16xf32>
      tpu.vector_store %arg5[%parallel_loop3A_308], %parallel_loop3A_311 {strides = array<i32>} : memref<50176xf32, #tpu.memory_space<vmem>>, vector<16xf32>,
    } {sc.loop_unroll_factor = 3 : i64, sc.parallel_access}
    %parallel_loop3A_134 = arith.constant 1 : i32
    %parallel_loop3A_135 = arith.constant 223 : i32
    %parallel_loop3A_136 = arith.constant 1 : i32
    scf.for %parallel_loop3A_158 = %parallel_loop3A_134 to %parallel_loop3A_135 step %parallel_loop3A_136  : i32 {
      %parallel_loop3A_159 = arith.constant 224 : i32
      %parallel_loop3A_160 = arith.muli %parallel_loop3A_158, %parallel_loop3A_159 : i32
      %parallel_loop3A_161 = arith.constant 96 : i32
      %parallel_loop3A_162 = arith.addi %parallel_loop3A_160, %parallel_loop3A_161 : i32
      %parallel_loop3A_163 = arith.constant 16 : i32
      %parallel_loop3A_164 = arith.addi %parallel_loop3A_162, %parallel_loop3A_163 : i32
      %parallel_loop3A_165 = arith.index_cast %parallel_loop3A_164 : i32 to index
      %parallel_loop3A_166 = tpu.vector_load %arg4[%parallel_loop3A_165] {strides = array<i32>} : memref<50208xf32, #tpu.memory_space<vmem>>, vector<16xf32>,
      %parallel_loop3A_167 = vector.shape_cast %parallel_loop3A_166 : vector<16xf32> to vector<16xf32>
      %parallel_loop3A_168 = arith.constant 0.000000e+00 : f32
      %parallel_loop3A_169 = vector.broadcast %parallel_loop3A_168 : f32 to vector<16xf32>
      %parallel_loop3A_170 = arith.constant -224 : i32
      %parallel_loop3A_171 = arith.addi %parallel_loop3A_164, %parallel_loop3A_170 : i32
      %parallel_loop3A_172 = arith.constant -1 : i32
      %parallel_loop3A_173 = arith.addi %parallel_loop3A_171, %parallel_loop3A_172 : i32
      %parallel_loop3A_174 = arith.index_cast %parallel_loop3A_173 : i32 to index
      %parallel_loop3A_175 = tpu.vector_load %arg4[%parallel_loop3A_174] {strides = array<i32>} : memref<50208xf32, #tpu.memory_space<vmem>>, vector<16xf32>,
      %parallel_loop3A_176 = vector.shape_cast %parallel_loop3A_175 : vector<16xf32> to vector<16xf32>
      %parallel_loop3A_177 = arith.subf %parallel_loop3A_167, %parallel_loop3A_176 : vector<16xf32>
      %parallel_loop3A_178 = math.absf %parallel_loop3A_177 : vector<16xf32>
      %parallel_loop3A_179 = arith.constant 1.000000e-01 : f32
      %parallel_loop3A_180 = vector.broadcast %parallel_loop3A_179 : f32 to vector<16xf32>
      %parallel_loop3A_181 = arith.subf %parallel_loop3A_180, %parallel_loop3A_178 : vector<16xf32>
      %parallel_loop3A_182 = arith.constant 0.000000e+00 : f32
      %parallel_loop3A_183 = vector.broadcast %parallel_loop3A_182 : f32 to vector<16xf32>
      %parallel_loop3A_184 = arith.maximumf %parallel_loop3A_183, %parallel_loop3A_181 : vector<16xf32>
      %parallel_loop3A_185 = arith.addf %parallel_loop3A_169, %parallel_loop3A_184 : vector<16xf32>
      %parallel_loop3A_186 = arith.constant -224 : i32
      %parallel_loop3A_187 = arith.addi %parallel_loop3A_164, %parallel_loop3A_186 : i32
      %parallel_loop3A_188 = arith.constant 0 : i32
      %parallel_loop3A_189 = arith.addi %parallel_loop3A_187, %parallel_loop3A_188 : i32
      %parallel_loop3A_190 = arith.index_cast %parallel_loop3A_189 : i32 to index
      %parallel_loop3A_191 = tpu.vector_load %arg4[%parallel_loop3A_190] {strides = array<i32>} : memref<50208xf32, #tpu.memory_space<vmem>>, vector<16xf32>,
      %parallel_loop3A_192 = vector.shape_cast %parallel_loop3A_191 : vector<16xf32> to vector<16xf32>
      %parallel_loop3A_193 = arith.subf %parallel_loop3A_167, %parallel_loop3A_192 : vector<16xf32>
      %parallel_loop3A_194 = math.absf %parallel_loop3A_193 : vector<16xf32>
      %parallel_loop3A_195 = arith.constant 1.000000e-01 : f32
      %parallel_loop3A_196 = vector.broadcast %parallel_loop3A_195 : f32 to vector<16xf32>
      %parallel_loop3A_197 = arith.subf %parallel_loop3A_196, %parallel_loop3A_194 : vector<16xf32>
      %parallel_loop3A_198 = arith.constant 0.000000e+00 : f32
      %parallel_loop3A_199 = vector.broadcast %parallel_loop3A_198 : f32 to vector<16xf32>
      %parallel_loop3A_200 = arith.maximumf %parallel_loop3A_199, %parallel_loop3A_197 : vector<16xf32>
      %parallel_loop3A_201 = arith.addf %parallel_loop3A_185, %parallel_loop3A_200 : vector<16xf32>
      %parallel_loop3A_202 = arith.constant -224 : i32
      %parallel_loop3A_203 = arith.addi %parallel_loop3A_164, %parallel_loop3A_202 : i32
      %parallel_loop3A_204 = arith.constant 1 : i32
      %parallel_loop3A_205 = arith.addi %parallel_loop3A_203, %parallel_loop3A_204 : i32
      %parallel_loop3A_206 = arith.index_cast %parallel_loop3A_205 : i32 to index
      %parallel_loop3A_207 = tpu.vector_load %arg4[%parallel_loop3A_206] {strides = array<i32>} : memref<50208xf32, #tpu.memory_space<vmem>>, vector<16xf32>,
      %parallel_loop3A_208 = vector.shape_cast %parallel_loop3A_207 : vector<16xf32> to vector<16xf32>
      %parallel_loop3A_209 = arith.subf %parallel_loop3A_167, %parallel_loop3A_208 : vector<16xf32>
      %parallel_loop3A_210 = math.absf %parallel_loop3A_209 : vector<16xf32>
      %parallel_loop3A_211 = arith.constant 1.000000e-01 : f32
      %parallel_loop3A_212 = vector.broadcast %parallel_loop3A_211 : f32 to vector<16xf32>
      %parallel_loop3A_213 = arith.subf %parallel_loop3A_212, %parallel_loop3A_210 : vector<16xf32>
      %parallel_loop3A_214 = arith.constant 0.000000e+00 : f32
      %parallel_loop3A_215 = vector.broadcast %parallel_loop3A_214 : f32 to vector<16xf32>
      %parallel_loop3A_216 = arith.maximumf %parallel_loop3A_215, %parallel_loop3A_213 : vector<16xf32>
      %parallel_loop3A_217 = arith.addf %parallel_loop3A_201, %parallel_loop3A_216 : vector<16xf32>
      %parallel_loop3A_218 = arith.constant 0 : i32
      %parallel_loop3A_219 = arith.addi %parallel_loop3A_164, %parallel_loop3A_218 : i32
      %parallel_loop3A_220 = arith.constant -1 : i32
      %parallel_loop3A_221 = arith.addi %parallel_loop3A_219, %parallel_loop3A_220 : i32
      %parallel_loop3A_222 = arith.index_cast %parallel_loop3A_221 : i32 to index
      %parallel_loop3A_223 = tpu.vector_load %arg4[%parallel_loop3A_222] {strides = array<i32>} : memref<50208xf32, #tpu.memory_space<vmem>>, vector<16xf32>,
      %parallel_loop3A_224 = vector.shape_cast %parallel_loop3A_223 : vector<16xf32> to vector<16xf32>
      %parallel_loop3A_225 = arith.subf %parallel_loop3A_167, %parallel_loop3A_224 : vector<16xf32>
      %parallel_loop3A_226 = math.absf %parallel_loop3A_225 : vector<16xf32>
      %parallel_loop3A_227 = arith.constant 1.000000e-01 : f32
      %parallel_loop3A_228 = vector.broadcast %parallel_loop3A_227 : f32 to vector<16xf32>
      %parallel_loop3A_229 = arith.subf %parallel_loop3A_228, %parallel_loop3A_226 : vector<16xf32>
      %parallel_loop3A_230 = arith.constant 0.000000e+00 : f32
      %parallel_loop3A_231 = vector.broadcast %parallel_loop3A_230 : f32 to vector<16xf32>
      %parallel_loop3A_232 = arith.maximumf %parallel_loop3A_231, %parallel_loop3A_229 : vector<16xf32>
      %parallel_loop3A_233 = arith.addf %parallel_loop3A_217, %parallel_loop3A_232 : vector<16xf32>
      %parallel_loop3A_234 = arith.constant 0 : i32
      %parallel_loop3A_235 = arith.addi %parallel_loop3A_164, %parallel_loop3A_234 : i32
      %parallel_loop3A_236 = arith.constant 1 : i32
      %parallel_loop3A_237 = arith.addi %parallel_loop3A_235, %parallel_loop3A_236 : i32
      %parallel_loop3A_238 = arith.index_cast %parallel_loop3A_237 : i32 to index
      %parallel_loop3A_239 = tpu.vector_load %arg4[%parallel_loop3A_238] {strides = array<i32>} : memref<50208xf32, #tpu.memory_space<vmem>>, vector<16xf32>,
      %parallel_loop3A_240 = vector.shape_cast %parallel_loop3A_239 : vector<16xf32> to vector<16xf32>
      %parallel_loop3A_241 = arith.subf %parallel_loop3A_240, %parallel_loop3A_167 : vector<16xf32>
      %parallel_loop3A_242 = math.absf %parallel_loop3A_241 : vector<16xf32>
      %parallel_loop3A_243 = arith.constant 1.000000e-01 : f32
      %parallel_loop3A_244 = vector.broadcast %parallel_loop3A_243 : f32 to vector<16xf32>
      %parallel_loop3A_245 = arith.subf %parallel_loop3A_244, %parallel_loop3A_242 : vector<16xf32>
      %parallel_loop3A_246 = arith.constant 0.000000e+00 : f32
      %parallel_loop3A_247 = vector.broadcast %parallel_loop3A_246 : f32 to vector<16xf32>
      %parallel_loop3A_248 = arith.maximumf %parallel_loop3A_247, %parallel_loop3A_245 : vector<16xf32>
      %parallel_loop3A_249 = arith.addf %parallel_loop3A_233, %parallel_loop3A_248 : vector<16xf32>
      %parallel_loop3A_250 = arith.constant 224 : i32
      %parallel_loop3A_251 = arith.addi %parallel_loop3A_164, %parallel_loop3A_250 : i32
      %parallel_loop3A_252 = arith.constant -1 : i32
      %parallel_loop3A_253 = arith.addi %parallel_loop3A_251, %parallel_loop3A_252 : i32
      %parallel_loop3A_254 = arith.index_cast %parallel_loop3A_253 : i32 to index
      %parallel_loop3A_255 = tpu.vector_load %arg4[%parallel_loop3A_254] {strides = array<i32>} : memref<50208xf32, #tpu.memory_space<vmem>>, vector<16xf32>,
      %parallel_loop3A_256 = vector.shape_cast %parallel_loop3A_255 : vector<16xf32> to vector<16xf32>
      %parallel_loop3A_257 = arith.subf %parallel_loop3A_256, %parallel_loop3A_167 : vector<16xf32>
      %parallel_loop3A_258 = math.absf %parallel_loop3A_257 : vector<16xf32>
      %parallel_loop3A_259 = arith.constant 1.000000e-01 : f32
      %parallel_loop3A_260 = vector.broadcast %parallel_loop3A_259 : f32 to vector<16xf32>
      %parallel_loop3A_261 = arith.subf %parallel_loop3A_260, %parallel_loop3A_258 : vector<16xf32>
      %parallel_loop3A_262 = arith.constant 0.000000e+00 : f32
      %parallel_loop3A_263 = vector.broadcast %parallel_loop3A_262 : f32 to vector<16xf32>
      %parallel_loop3A_264 = arith.maximumf %parallel_loop3A_263, %parallel_loop3A_261 : vector<16xf32>
      %parallel_loop3A_265 = arith.addf %parallel_loop3A_249, %parallel_loop3A_264 : vector<16xf32>
      %parallel_loop3A_266 = arith.constant 224 : i32
      %parallel_loop3A_267 = arith.addi %parallel_loop3A_164, %parallel_loop3A_266 : i32
      %parallel_loop3A_268 = arith.constant 0 : i32
      %parallel_loop3A_269 = arith.addi %parallel_loop3A_267, %parallel_loop3A_268 : i32
      %parallel_loop3A_270 = arith.index_cast %parallel_loop3A_269 : i32 to index
      %parallel_loop3A_271 = tpu.vector_load %arg4[%parallel_loop3A_270] {strides = array<i32>} : memref<50208xf32, #tpu.memory_space<vmem>>, vector<16xf32>,
      %parallel_loop3A_272 = vector.shape_cast %parallel_loop3A_271 : vector<16xf32> to vector<16xf32>
      %parallel_loop3A_273 = arith.subf %parallel_loop3A_272, %parallel_loop3A_167 : vector<16xf32>
      %parallel_loop3A_274 = math.absf %parallel_loop3A_273 : vector<16xf32>
      %parallel_loop3A_275 = arith.constant 1.000000e-01 : f32
      %parallel_loop3A_276 = vector.broadcast %parallel_loop3A_275 : f32 to vector<16xf32>
      %parallel_loop3A_277 = arith.subf %parallel_loop3A_276, %parallel_loop3A_274 : vector<16xf32>
      %parallel_loop3A_278 = arith.constant 0.000000e+00 : f32
      %parallel_loop3A_279 = vector.broadcast %parallel_loop3A_278 : f32 to vector<16xf32>
      %parallel_loop3A_280 = arith.maximumf %parallel_loop3A_279, %parallel_loop3A_277 : vector<16xf32>
      %parallel_loop3A_281 = arith.addf %parallel_loop3A_265, %parallel_loop3A_280 : vector<16xf32>
      %parallel_loop3A_282 = arith.constant 224 : i32
      %parallel_loop3A_283 = arith.addi %parallel_loop3A_164, %parallel_loop3A_282 : i32
      %parallel_loop3A_284 = arith.constant 1 : i32
      %parallel_loop3A_285 = arith.addi %parallel_loop3A_283, %parallel_loop3A_284 : i32
      %parallel_loop3A_286 = arith.index_cast %parallel_loop3A_285 : i32 to index
      %parallel_loop3A_287 = tpu.vector_load %arg4[%parallel_loop3A_286] {strides = array<i32>} : memref<50208xf32, #tpu.memory_space<vmem>>, vector<16xf32>,
      %parallel_loop3A_288 = vector.shape_cast %parallel_loop3A_287 : vector<16xf32> to vector<16xf32>
      %parallel_loop3A_289 = arith.subf %parallel_loop3A_288, %parallel_loop3A_167 : vector<16xf32>
      %parallel_loop3A_290 = math.absf %parallel_loop3A_289 : vector<16xf32>
      %parallel_loop3A_291 = arith.constant 1.000000e-01 : f32
      %parallel_loop3A_292 = vector.broadcast %parallel_loop3A_291 : f32 to vector<16xf32>
      %parallel_loop3A_293 = arith.subf %parallel_loop3A_292, %parallel_loop3A_290 : vector<16xf32>
      %parallel_loop3A_294 = arith.constant 0.000000e+00 : f32
      %parallel_loop3A_295 = vector.broadcast %parallel_loop3A_294 : f32 to vector<16xf32>
      %parallel_loop3A_296 = arith.maximumf %parallel_loop3A_295, %parallel_loop3A_293 : vector<16xf32>
      %parallel_loop3A_297 = arith.addf %parallel_loop3A_281, %parallel_loop3A_296 : vector<16xf32>
      %parallel_loop3A_298 = arith.constant 1.11111116 : f32
      %parallel_loop3A_299 = vector.broadcast %parallel_loop3A_298 : f32 to vector<16xf32>
      %parallel_loop3A_300 = arith.mulf %parallel_loop3A_297, %parallel_loop3A_299 : vector<16xf32>
      %parallel_loop3A_301 = arith.constant 0.111111112 : f32
      %parallel_loop3A_302 = vector.broadcast %parallel_loop3A_301 : f32 to vector<16xf32>
      %parallel_loop3A_303 = arith.addf %parallel_loop3A_300, %parallel_loop3A_302 : vector<16xf32>
      %parallel_loop3A_304 = arith.constant 224 : i32
      %parallel_loop3A_305 = arith.muli %parallel_loop3A_158, %parallel_loop3A_304 : i32
      %parallel_loop3A_306 = arith.constant 96 : i32
      %parallel_loop3A_307 = arith.addi %parallel_loop3A_305, %parallel_loop3A_306 : i32
      %parallel_loop3A_308 = arith.index_cast %parallel_loop3A_307 : i32 to index
      %parallel_loop3A_309 = tpu.vector_load %arg5[%parallel_loop3A_308] {strides = array<i32>} : memref<50176xf32, #tpu.memory_space<vmem>>, vector<16xf32>,
      %parallel_loop3A_310 = vector.shape_cast %parallel_loop3A_309 : vector<16xf32> to vector<16xf32>
      %parallel_loop3A_311 = vector.shape_cast %parallel_loop3A_303 : vector<16xf32> to vector<16xf32>
      tpu.vector_store %arg5[%parallel_loop3A_308], %parallel_loop3A_311 {strides = array<i32>} : memref<50176xf32, #tpu.memory_space<vmem>>, vector<16xf32>,
    } {sc.loop_unroll_factor = 3 : i64, sc.parallel_access}
    %parallel_loop3A_137 = arith.constant 1 : i32
    %parallel_loop3A_138 = arith.constant 223 : i32
    %parallel_loop3A_139 = arith.constant 1 : i32
    scf.for %parallel_loop3A_158 = %parallel_loop3A_137 to %parallel_loop3A_138 step %parallel_loop3A_139  : i32 {
      %parallel_loop3A_159 = arith.constant 224 : i32
      %parallel_loop3A_160 = arith.muli %parallel_loop3A_158, %parallel_loop3A_159 : i32
      %parallel_loop3A_161 = arith.constant 112 : i32
      %parallel_loop3A_162 = arith.addi %parallel_loop3A_160, %parallel_loop3A_161 : i32
      %parallel_loop3A_163 = arith.constant 16 : i32
      %parallel_loop3A_164 = arith.addi %parallel_loop3A_162, %parallel_loop3A_163 : i32
      %parallel_loop3A_165 = arith.index_cast %parallel_loop3A_164 : i32 to index
      %parallel_loop3A_166 = tpu.vector_load %arg4[%parallel_loop3A_165] {strides = array<i32>} : memref<50208xf32, #tpu.memory_space<vmem>>, vector<16xf32>,
      %parallel_loop3A_167 = vector.shape_cast %parallel_loop3A_166 : vector<16xf32> to vector<16xf32>
      %parallel_loop3A_168 = arith.constant 0.000000e+00 : f32
      %parallel_loop3A_169 = vector.broadcast %parallel_loop3A_168 : f32 to vector<16xf32>
      %parallel_loop3A_170 = arith.constant -224 : i32
      %parallel_loop3A_171 = arith.addi %parallel_loop3A_164, %parallel_loop3A_170 : i32
      %parallel_loop3A_172 = arith.constant -1 : i32
      %parallel_loop3A_173 = arith.addi %parallel_loop3A_171, %parallel_loop3A_172 : i32
      %parallel_loop3A_174 = arith.index_cast %parallel_loop3A_173 : i32 to index
      %parallel_loop3A_175 = tpu.vector_load %arg4[%parallel_loop3A_174] {strides = array<i32>} : memref<50208xf32, #tpu.memory_space<vmem>>, vector<16xf32>,
      %parallel_loop3A_176 = vector.shape_cast %parallel_loop3A_175 : vector<16xf32> to vector<16xf32>
      %parallel_loop3A_177 = arith.subf %parallel_loop3A_167, %parallel_loop3A_176 : vector<16xf32>
      %parallel_loop3A_178 = math.absf %parallel_loop3A_177 : vector<16xf32>
      %parallel_loop3A_179 = arith.constant 1.000000e-01 : f32
      %parallel_loop3A_180 = vector.broadcast %parallel_loop3A_179 : f32 to vector<16xf32>
      %parallel_loop3A_181 = arith.subf %parallel_loop3A_180, %parallel_loop3A_178 : vector<16xf32>
      %parallel_loop3A_182 = arith.constant 0.000000e+00 : f32
      %parallel_loop3A_183 = vector.broadcast %parallel_loop3A_182 : f32 to vector<16xf32>
      %parallel_loop3A_184 = arith.maximumf %parallel_loop3A_183, %parallel_loop3A_181 : vector<16xf32>
      %parallel_loop3A_185 = arith.addf %parallel_loop3A_169, %parallel_loop3A_184 : vector<16xf32>
      %parallel_loop3A_186 = arith.constant -224 : i32
      %parallel_loop3A_187 = arith.addi %parallel_loop3A_164, %parallel_loop3A_186 : i32
      %parallel_loop3A_188 = arith.constant 0 : i32
      %parallel_loop3A_189 = arith.addi %parallel_loop3A_187, %parallel_loop3A_188 : i32
      %parallel_loop3A_190 = arith.index_cast %parallel_loop3A_189 : i32 to index
      %parallel_loop3A_191 = tpu.vector_load %arg4[%parallel_loop3A_190] {strides = array<i32>} : memref<50208xf32, #tpu.memory_space<vmem>>, vector<16xf32>,
      %parallel_loop3A_192 = vector.shape_cast %parallel_loop3A_191 : vector<16xf32> to vector<16xf32>
      %parallel_loop3A_193 = arith.subf %parallel_loop3A_167, %parallel_loop3A_192 : vector<16xf32>
      %parallel_loop3A_194 = math.absf %parallel_loop3A_193 : vector<16xf32>
      %parallel_loop3A_195 = arith.constant 1.000000e-01 : f32
      %parallel_loop3A_196 = vector.broadcast %parallel_loop3A_195 : f32 to vector<16xf32>
      %parallel_loop3A_197 = arith.subf %parallel_loop3A_196, %parallel_loop3A_194 : vector<16xf32>
      %parallel_loop3A_198 = arith.constant 0.000000e+00 : f32
      %parallel_loop3A_199 = vector.broadcast %parallel_loop3A_198 : f32 to vector<16xf32>
      %parallel_loop3A_200 = arith.maximumf %parallel_loop3A_199, %parallel_loop3A_197 : vector<16xf32>
      %parallel_loop3A_201 = arith.addf %parallel_loop3A_185, %parallel_loop3A_200 : vector<16xf32>
      %parallel_loop3A_202 = arith.constant -224 : i32
      %parallel_loop3A_203 = arith.addi %parallel_loop3A_164, %parallel_loop3A_202 : i32
      %parallel_loop3A_204 = arith.constant 1 : i32
      %parallel_loop3A_205 = arith.addi %parallel_loop3A_203, %parallel_loop3A_204 : i32
      %parallel_loop3A_206 = arith.index_cast %parallel_loop3A_205 : i32 to index
      %parallel_loop3A_207 = tpu.vector_load %arg4[%parallel_loop3A_206] {strides = array<i32>} : memref<50208xf32, #tpu.memory_space<vmem>>, vector<16xf32>,
      %parallel_loop3A_208 = vector.shape_cast %parallel_loop3A_207 : vector<16xf32> to vector<16xf32>
      %parallel_loop3A_209 = arith.subf %parallel_loop3A_167, %parallel_loop3A_208 : vector<16xf32>
      %parallel_loop3A_210 = math.absf %parallel_loop3A_209 : vector<16xf32>
      %parallel_loop3A_211 = arith.constant 1.000000e-01 : f32
      %parallel_loop3A_212 = vector.broadcast %parallel_loop3A_211 : f32 to vector<16xf32>
      %parallel_loop3A_213 = arith.subf %parallel_loop3A_212, %parallel_loop3A_210 : vector<16xf32>
      %parallel_loop3A_214 = arith.constant 0.000000e+00 : f32
      %parallel_loop3A_215 = vector.broadcast %parallel_loop3A_214 : f32 to vector<16xf32>
      %parallel_loop3A_216 = arith.maximumf %parallel_loop3A_215, %parallel_loop3A_213 : vector<16xf32>
      %parallel_loop3A_217 = arith.addf %parallel_loop3A_201, %parallel_loop3A_216 : vector<16xf32>
      %parallel_loop3A_218 = arith.constant 0 : i32
      %parallel_loop3A_219 = arith.addi %parallel_loop3A_164, %parallel_loop3A_218 : i32
      %parallel_loop3A_220 = arith.constant -1 : i32
      %parallel_loop3A_221 = arith.addi %parallel_loop3A_219, %parallel_loop3A_220 : i32
      %parallel_loop3A_222 = arith.index_cast %parallel_loop3A_221 : i32 to index
      %parallel_loop3A_223 = tpu.vector_load %arg4[%parallel_loop3A_222] {strides = array<i32>} : memref<50208xf32, #tpu.memory_space<vmem>>, vector<16xf32>,
      %parallel_loop3A_224 = vector.shape_cast %parallel_loop3A_223 : vector<16xf32> to vector<16xf32>
      %parallel_loop3A_225 = arith.subf %parallel_loop3A_167, %parallel_loop3A_224 : vector<16xf32>
      %parallel_loop3A_226 = math.absf %parallel_loop3A_225 : vector<16xf32>
      %parallel_loop3A_227 = arith.constant 1.000000e-01 : f32
      %parallel_loop3A_228 = vector.broadcast %parallel_loop3A_227 : f32 to vector<16xf32>
      %parallel_loop3A_229 = arith.subf %parallel_loop3A_228, %parallel_loop3A_226 : vector<16xf32>
      %parallel_loop3A_230 = arith.constant 0.000000e+00 : f32
      %parallel_loop3A_231 = vector.broadcast %parallel_loop3A_230 : f32 to vector<16xf32>
      %parallel_loop3A_232 = arith.maximumf %parallel_loop3A_231, %parallel_loop3A_229 : vector<16xf32>
      %parallel_loop3A_233 = arith.addf %parallel_loop3A_217, %parallel_loop3A_232 : vector<16xf32>
      %parallel_loop3A_234 = arith.constant 0 : i32
      %parallel_loop3A_235 = arith.addi %parallel_loop3A_164, %parallel_loop3A_234 : i32
      %parallel_loop3A_236 = arith.constant 1 : i32
      %parallel_loop3A_237 = arith.addi %parallel_loop3A_235, %parallel_loop3A_236 : i32
      %parallel_loop3A_238 = arith.index_cast %parallel_loop3A_237 : i32 to index
      %parallel_loop3A_239 = tpu.vector_load %arg4[%parallel_loop3A_238] {strides = array<i32>} : memref<50208xf32, #tpu.memory_space<vmem>>, vector<16xf32>,
      %parallel_loop3A_240 = vector.shape_cast %parallel_loop3A_239 : vector<16xf32> to vector<16xf32>
      %parallel_loop3A_241 = arith.subf %parallel_loop3A_240, %parallel_loop3A_167 : vector<16xf32>
      %parallel_loop3A_242 = math.absf %parallel_loop3A_241 : vector<16xf32>
      %parallel_loop3A_243 = arith.constant 1.000000e-01 : f32
      %parallel_loop3A_244 = vector.broadcast %parallel_loop3A_243 : f32 to vector<16xf32>
      %parallel_loop3A_245 = arith.subf %parallel_loop3A_244, %parallel_loop3A_242 : vector<16xf32>
      %parallel_loop3A_246 = arith.constant 0.000000e+00 : f32
      %parallel_loop3A_247 = vector.broadcast %parallel_loop3A_246 : f32 to vector<16xf32>
      %parallel_loop3A_248 = arith.maximumf %parallel_loop3A_247, %parallel_loop3A_245 : vector<16xf32>
      %parallel_loop3A_249 = arith.addf %parallel_loop3A_233, %parallel_loop3A_248 : vector<16xf32>
      %parallel_loop3A_250 = arith.constant 224 : i32
      %parallel_loop3A_251 = arith.addi %parallel_loop3A_164, %parallel_loop3A_250 : i32
      %parallel_loop3A_252 = arith.constant -1 : i32
      %parallel_loop3A_253 = arith.addi %parallel_loop3A_251, %parallel_loop3A_252 : i32
      %parallel_loop3A_254 = arith.index_cast %parallel_loop3A_253 : i32 to index
      %parallel_loop3A_255 = tpu.vector_load %arg4[%parallel_loop3A_254] {strides = array<i32>} : memref<50208xf32, #tpu.memory_space<vmem>>, vector<16xf32>,
      %parallel_loop3A_256 = vector.shape_cast %parallel_loop3A_255 : vector<16xf32> to vector<16xf32>
      %parallel_loop3A_257 = arith.subf %parallel_loop3A_256, %parallel_loop3A_167 : vector<16xf32>
      %parallel_loop3A_258 = math.absf %parallel_loop3A_257 : vector<16xf32>
      %parallel_loop3A_259 = arith.constant 1.000000e-01 : f32
      %parallel_loop3A_260 = vector.broadcast %parallel_loop3A_259 : f32 to vector<16xf32>
      %parallel_loop3A_261 = arith.subf %parallel_loop3A_260, %parallel_loop3A_258 : vector<16xf32>
      %parallel_loop3A_262 = arith.constant 0.000000e+00 : f32
      %parallel_loop3A_263 = vector.broadcast %parallel_loop3A_262 : f32 to vector<16xf32>
      %parallel_loop3A_264 = arith.maximumf %parallel_loop3A_263, %parallel_loop3A_261 : vector<16xf32>
      %parallel_loop3A_265 = arith.addf %parallel_loop3A_249, %parallel_loop3A_264 : vector<16xf32>
      %parallel_loop3A_266 = arith.constant 224 : i32
      %parallel_loop3A_267 = arith.addi %parallel_loop3A_164, %parallel_loop3A_266 : i32
      %parallel_loop3A_268 = arith.constant 0 : i32
      %parallel_loop3A_269 = arith.addi %parallel_loop3A_267, %parallel_loop3A_268 : i32
      %parallel_loop3A_270 = arith.index_cast %parallel_loop3A_269 : i32 to index
      %parallel_loop3A_271 = tpu.vector_load %arg4[%parallel_loop3A_270] {strides = array<i32>} : memref<50208xf32, #tpu.memory_space<vmem>>, vector<16xf32>,
      %parallel_loop3A_272 = vector.shape_cast %parallel_loop3A_271 : vector<16xf32> to vector<16xf32>
      %parallel_loop3A_273 = arith.subf %parallel_loop3A_272, %parallel_loop3A_167 : vector<16xf32>
      %parallel_loop3A_274 = math.absf %parallel_loop3A_273 : vector<16xf32>
      %parallel_loop3A_275 = arith.constant 1.000000e-01 : f32
      %parallel_loop3A_276 = vector.broadcast %parallel_loop3A_275 : f32 to vector<16xf32>
      %parallel_loop3A_277 = arith.subf %parallel_loop3A_276, %parallel_loop3A_274 : vector<16xf32>
      %parallel_loop3A_278 = arith.constant 0.000000e+00 : f32
      %parallel_loop3A_279 = vector.broadcast %parallel_loop3A_278 : f32 to vector<16xf32>
      %parallel_loop3A_280 = arith.maximumf %parallel_loop3A_279, %parallel_loop3A_277 : vector<16xf32>
      %parallel_loop3A_281 = arith.addf %parallel_loop3A_265, %parallel_loop3A_280 : vector<16xf32>
      %parallel_loop3A_282 = arith.constant 224 : i32
      %parallel_loop3A_283 = arith.addi %parallel_loop3A_164, %parallel_loop3A_282 : i32
      %parallel_loop3A_284 = arith.constant 1 : i32
      %parallel_loop3A_285 = arith.addi %parallel_loop3A_283, %parallel_loop3A_284 : i32
      %parallel_loop3A_286 = arith.index_cast %parallel_loop3A_285 : i32 to index
      %parallel_loop3A_287 = tpu.vector_load %arg4[%parallel_loop3A_286] {strides = array<i32>} : memref<50208xf32, #tpu.memory_space<vmem>>, vector<16xf32>,
      %parallel_loop3A_288 = vector.shape_cast %parallel_loop3A_287 : vector<16xf32> to vector<16xf32>
      %parallel_loop3A_289 = arith.subf %parallel_loop3A_288, %parallel_loop3A_167 : vector<16xf32>
      %parallel_loop3A_290 = math.absf %parallel_loop3A_289 : vector<16xf32>
      %parallel_loop3A_291 = arith.constant 1.000000e-01 : f32
      %parallel_loop3A_292 = vector.broadcast %parallel_loop3A_291 : f32 to vector<16xf32>
      %parallel_loop3A_293 = arith.subf %parallel_loop3A_292, %parallel_loop3A_290 : vector<16xf32>
      %parallel_loop3A_294 = arith.constant 0.000000e+00 : f32
      %parallel_loop3A_295 = vector.broadcast %parallel_loop3A_294 : f32 to vector<16xf32>
      %parallel_loop3A_296 = arith.maximumf %parallel_loop3A_295, %parallel_loop3A_293 : vector<16xf32>
      %parallel_loop3A_297 = arith.addf %parallel_loop3A_281, %parallel_loop3A_296 : vector<16xf32>
      %parallel_loop3A_298 = arith.constant 1.11111116 : f32
      %parallel_loop3A_299 = vector.broadcast %parallel_loop3A_298 : f32 to vector<16xf32>
      %parallel_loop3A_300 = arith.mulf %parallel_loop3A_297, %parallel_loop3A_299 : vector<16xf32>
      %parallel_loop3A_301 = arith.constant 0.111111112 : f32
      %parallel_loop3A_302 = vector.broadcast %parallel_loop3A_301 : f32 to vector<16xf32>
      %parallel_loop3A_303 = arith.addf %parallel_loop3A_300, %parallel_loop3A_302 : vector<16xf32>
      %parallel_loop3A_304 = arith.constant 224 : i32
      %parallel_loop3A_305 = arith.muli %parallel_loop3A_158, %parallel_loop3A_304 : i32
      %parallel_loop3A_306 = arith.constant 112 : i32
      %parallel_loop3A_307 = arith.addi %parallel_loop3A_305, %parallel_loop3A_306 : i32
      %parallel_loop3A_308 = arith.index_cast %parallel_loop3A_307 : i32 to index
      %parallel_loop3A_309 = tpu.vector_load %arg5[%parallel_loop3A_308] {strides = array<i32>} : memref<50176xf32, #tpu.memory_space<vmem>>, vector<16xf32>,
      %parallel_loop3A_310 = vector.shape_cast %parallel_loop3A_309 : vector<16xf32> to vector<16xf32>
      %parallel_loop3A_311 = vector.shape_cast %parallel_loop3A_303 : vector<16xf32> to vector<16xf32>
      tpu.vector_store %arg5[%parallel_loop3A_308], %parallel_loop3A_311 {strides = array<i32>} : memref<50176xf32, #tpu.memory_space<vmem>>, vector<16xf32>,
    } {sc.loop_unroll_factor = 3 : i64, sc.parallel_access}
    %parallel_loop3A_140 = arith.constant 1 : i32
    %parallel_loop3A_141 = arith.constant 223 : i32
    %parallel_loop3A_142 = arith.constant 1 : i32
    scf.for %parallel_loop3A_158 = %parallel_loop3A_140 to %parallel_loop3A_141 step %parallel_loop3A_142  : i32 {
      %parallel_loop3A_159 = arith.constant 224 : i32
      %parallel_loop3A_160 = arith.muli %parallel_loop3A_158, %parallel_loop3A_159 : i32
      %parallel_loop3A_161 = arith.constant 128 : i32
      %parallel_loop3A_162 = arith.addi %parallel_loop3A_160, %parallel_loop3A_161 : i32
      %parallel_loop3A_163 = arith.constant 16 : i32
      %parallel_loop3A_164 = arith.addi %parallel_loop3A_162, %parallel_loop3A_163 : i32
      %parallel_loop3A_165 = arith.index_cast %parallel_loop3A_164 : i32 to index
      %parallel_loop3A_166 = tpu.vector_load %arg4[%parallel_loop3A_165] {strides = array<i32>} : memref<50208xf32, #tpu.memory_space<vmem>>, vector<16xf32>,
      %parallel_loop3A_167 = vector.shape_cast %parallel_loop3A_166 : vector<16xf32> to vector<16xf32>
      %parallel_loop3A_168 = arith.constant 0.000000e+00 : f32
      %parallel_loop3A_169 = vector.broadcast %parallel_loop3A_168 : f32 to vector<16xf32>
      %parallel_loop3A_170 = arith.constant -224 : i32
      %parallel_loop3A_171 = arith.addi %parallel_loop3A_164, %parallel_loop3A_170 : i32
      %parallel_loop3A_172 = arith.constant -1 : i32
      %parallel_loop3A_173 = arith.addi %parallel_loop3A_171, %parallel_loop3A_172 : i32
      %parallel_loop3A_174 = arith.index_cast %parallel_loop3A_173 : i32 to index
      %parallel_loop3A_175 = tpu.vector_load %arg4[%parallel_loop3A_174] {strides = array<i32>} : memref<50208xf32, #tpu.memory_space<vmem>>, vector<16xf32>,
      %parallel_loop3A_176 = vector.shape_cast %parallel_loop3A_175 : vector<16xf32> to vector<16xf32>
      %parallel_loop3A_177 = arith.subf %parallel_loop3A_167, %parallel_loop3A_176 : vector<16xf32>
      %parallel_loop3A_178 = math.absf %parallel_loop3A_177 : vector<16xf32>
      %parallel_loop3A_179 = arith.constant 1.000000e-01 : f32
      %parallel_loop3A_180 = vector.broadcast %parallel_loop3A_179 : f32 to vector<16xf32>
      %parallel_loop3A_181 = arith.subf %parallel_loop3A_180, %parallel_loop3A_178 : vector<16xf32>
      %parallel_loop3A_182 = arith.constant 0.000000e+00 : f32
      %parallel_loop3A_183 = vector.broadcast %parallel_loop3A_182 : f32 to vector<16xf32>
      %parallel_loop3A_184 = arith.maximumf %parallel_loop3A_183, %parallel_loop3A_181 : vector<16xf32>
      %parallel_loop3A_185 = arith.addf %parallel_loop3A_169, %parallel_loop3A_184 : vector<16xf32>
      %parallel_loop3A_186 = arith.constant -224 : i32
      %parallel_loop3A_187 = arith.addi %parallel_loop3A_164, %parallel_loop3A_186 : i32
      %parallel_loop3A_188 = arith.constant 0 : i32
      %parallel_loop3A_189 = arith.addi %parallel_loop3A_187, %parallel_loop3A_188 : i32
      %parallel_loop3A_190 = arith.index_cast %parallel_loop3A_189 : i32 to index
      %parallel_loop3A_191 = tpu.vector_load %arg4[%parallel_loop3A_190] {strides = array<i32>} : memref<50208xf32, #tpu.memory_space<vmem>>, vector<16xf32>,
      %parallel_loop3A_192 = vector.shape_cast %parallel_loop3A_191 : vector<16xf32> to vector<16xf32>
      %parallel_loop3A_193 = arith.subf %parallel_loop3A_167, %parallel_loop3A_192 : vector<16xf32>
      %parallel_loop3A_194 = math.absf %parallel_loop3A_193 : vector<16xf32>
      %parallel_loop3A_195 = arith.constant 1.000000e-01 : f32
      %parallel_loop3A_196 = vector.broadcast %parallel_loop3A_195 : f32 to vector<16xf32>
      %parallel_loop3A_197 = arith.subf %parallel_loop3A_196, %parallel_loop3A_194 : vector<16xf32>
      %parallel_loop3A_198 = arith.constant 0.000000e+00 : f32
      %parallel_loop3A_199 = vector.broadcast %parallel_loop3A_198 : f32 to vector<16xf32>
      %parallel_loop3A_200 = arith.maximumf %parallel_loop3A_199, %parallel_loop3A_197 : vector<16xf32>
      %parallel_loop3A_201 = arith.addf %parallel_loop3A_185, %parallel_loop3A_200 : vector<16xf32>
      %parallel_loop3A_202 = arith.constant -224 : i32
      %parallel_loop3A_203 = arith.addi %parallel_loop3A_164, %parallel_loop3A_202 : i32
      %parallel_loop3A_204 = arith.constant 1 : i32
      %parallel_loop3A_205 = arith.addi %parallel_loop3A_203, %parallel_loop3A_204 : i32
      %parallel_loop3A_206 = arith.index_cast %parallel_loop3A_205 : i32 to index
      %parallel_loop3A_207 = tpu.vector_load %arg4[%parallel_loop3A_206] {strides = array<i32>} : memref<50208xf32, #tpu.memory_space<vmem>>, vector<16xf32>,
      %parallel_loop3A_208 = vector.shape_cast %parallel_loop3A_207 : vector<16xf32> to vector<16xf32>
      %parallel_loop3A_209 = arith.subf %parallel_loop3A_167, %parallel_loop3A_208 : vector<16xf32>
      %parallel_loop3A_210 = math.absf %parallel_loop3A_209 : vector<16xf32>
      %parallel_loop3A_211 = arith.constant 1.000000e-01 : f32
      %parallel_loop3A_212 = vector.broadcast %parallel_loop3A_211 : f32 to vector<16xf32>
      %parallel_loop3A_213 = arith.subf %parallel_loop3A_212, %parallel_loop3A_210 : vector<16xf32>
      %parallel_loop3A_214 = arith.constant 0.000000e+00 : f32
      %parallel_loop3A_215 = vector.broadcast %parallel_loop3A_214 : f32 to vector<16xf32>
      %parallel_loop3A_216 = arith.maximumf %parallel_loop3A_215, %parallel_loop3A_213 : vector<16xf32>
      %parallel_loop3A_217 = arith.addf %parallel_loop3A_201, %parallel_loop3A_216 : vector<16xf32>
      %parallel_loop3A_218 = arith.constant 0 : i32
      %parallel_loop3A_219 = arith.addi %parallel_loop3A_164, %parallel_loop3A_218 : i32
      %parallel_loop3A_220 = arith.constant -1 : i32
      %parallel_loop3A_221 = arith.addi %parallel_loop3A_219, %parallel_loop3A_220 : i32
      %parallel_loop3A_222 = arith.index_cast %parallel_loop3A_221 : i32 to index
      %parallel_loop3A_223 = tpu.vector_load %arg4[%parallel_loop3A_222] {strides = array<i32>} : memref<50208xf32, #tpu.memory_space<vmem>>, vector<16xf32>,
      %parallel_loop3A_224 = vector.shape_cast %parallel_loop3A_223 : vector<16xf32> to vector<16xf32>
      %parallel_loop3A_225 = arith.subf %parallel_loop3A_167, %parallel_loop3A_224 : vector<16xf32>
      %parallel_loop3A_226 = math.absf %parallel_loop3A_225 : vector<16xf32>
      %parallel_loop3A_227 = arith.constant 1.000000e-01 : f32
      %parallel_loop3A_228 = vector.broadcast %parallel_loop3A_227 : f32 to vector<16xf32>
      %parallel_loop3A_229 = arith.subf %parallel_loop3A_228, %parallel_loop3A_226 : vector<16xf32>
      %parallel_loop3A_230 = arith.constant 0.000000e+00 : f32
      %parallel_loop3A_231 = vector.broadcast %parallel_loop3A_230 : f32 to vector<16xf32>
      %parallel_loop3A_232 = arith.maximumf %parallel_loop3A_231, %parallel_loop3A_229 : vector<16xf32>
      %parallel_loop3A_233 = arith.addf %parallel_loop3A_217, %parallel_loop3A_232 : vector<16xf32>
      %parallel_loop3A_234 = arith.constant 0 : i32
      %parallel_loop3A_235 = arith.addi %parallel_loop3A_164, %parallel_loop3A_234 : i32
      %parallel_loop3A_236 = arith.constant 1 : i32
      %parallel_loop3A_237 = arith.addi %parallel_loop3A_235, %parallel_loop3A_236 : i32
      %parallel_loop3A_238 = arith.index_cast %parallel_loop3A_237 : i32 to index
      %parallel_loop3A_239 = tpu.vector_load %arg4[%parallel_loop3A_238] {strides = array<i32>} : memref<50208xf32, #tpu.memory_space<vmem>>, vector<16xf32>,
      %parallel_loop3A_240 = vector.shape_cast %parallel_loop3A_239 : vector<16xf32> to vector<16xf32>
      %parallel_loop3A_241 = arith.subf %parallel_loop3A_240, %parallel_loop3A_167 : vector<16xf32>
      %parallel_loop3A_242 = math.absf %parallel_loop3A_241 : vector<16xf32>
      %parallel_loop3A_243 = arith.constant 1.000000e-01 : f32
      %parallel_loop3A_244 = vector.broadcast %parallel_loop3A_243 : f32 to vector<16xf32>
      %parallel_loop3A_245 = arith.subf %parallel_loop3A_244, %parallel_loop3A_242 : vector<16xf32>
      %parallel_loop3A_246 = arith.constant 0.000000e+00 : f32
      %parallel_loop3A_247 = vector.broadcast %parallel_loop3A_246 : f32 to vector<16xf32>
      %parallel_loop3A_248 = arith.maximumf %parallel_loop3A_247, %parallel_loop3A_245 : vector<16xf32>
      %parallel_loop3A_249 = arith.addf %parallel_loop3A_233, %parallel_loop3A_248 : vector<16xf32>
      %parallel_loop3A_250 = arith.constant 224 : i32
      %parallel_loop3A_251 = arith.addi %parallel_loop3A_164, %parallel_loop3A_250 : i32
      %parallel_loop3A_252 = arith.constant -1 : i32
      %parallel_loop3A_253 = arith.addi %parallel_loop3A_251, %parallel_loop3A_252 : i32
      %parallel_loop3A_254 = arith.index_cast %parallel_loop3A_253 : i32 to index
      %parallel_loop3A_255 = tpu.vector_load %arg4[%parallel_loop3A_254] {strides = array<i32>} : memref<50208xf32, #tpu.memory_space<vmem>>, vector<16xf32>,
      %parallel_loop3A_256 = vector.shape_cast %parallel_loop3A_255 : vector<16xf32> to vector<16xf32>
      %parallel_loop3A_257 = arith.subf %parallel_loop3A_256, %parallel_loop3A_167 : vector<16xf32>
      %parallel_loop3A_258 = math.absf %parallel_loop3A_257 : vector<16xf32>
      %parallel_loop3A_259 = arith.constant 1.000000e-01 : f32
      %parallel_loop3A_260 = vector.broadcast %parallel_loop3A_259 : f32 to vector<16xf32>
      %parallel_loop3A_261 = arith.subf %parallel_loop3A_260, %parallel_loop3A_258 : vector<16xf32>
      %parallel_loop3A_262 = arith.constant 0.000000e+00 : f32
      %parallel_loop3A_263 = vector.broadcast %parallel_loop3A_262 : f32 to vector<16xf32>
      %parallel_loop3A_264 = arith.maximumf %parallel_loop3A_263, %parallel_loop3A_261 : vector<16xf32>
      %parallel_loop3A_265 = arith.addf %parallel_loop3A_249, %parallel_loop3A_264 : vector<16xf32>
      %parallel_loop3A_266 = arith.constant 224 : i32
      %parallel_loop3A_267 = arith.addi %parallel_loop3A_164, %parallel_loop3A_266 : i32
      %parallel_loop3A_268 = arith.constant 0 : i32
      %parallel_loop3A_269 = arith.addi %parallel_loop3A_267, %parallel_loop3A_268 : i32
      %parallel_loop3A_270 = arith.index_cast %parallel_loop3A_269 : i32 to index
      %parallel_loop3A_271 = tpu.vector_load %arg4[%parallel_loop3A_270] {strides = array<i32>} : memref<50208xf32, #tpu.memory_space<vmem>>, vector<16xf32>,
      %parallel_loop3A_272 = vector.shape_cast %parallel_loop3A_271 : vector<16xf32> to vector<16xf32>
      %parallel_loop3A_273 = arith.subf %parallel_loop3A_272, %parallel_loop3A_167 : vector<16xf32>
      %parallel_loop3A_274 = math.absf %parallel_loop3A_273 : vector<16xf32>
      %parallel_loop3A_275 = arith.constant 1.000000e-01 : f32
      %parallel_loop3A_276 = vector.broadcast %parallel_loop3A_275 : f32 to vector<16xf32>
      %parallel_loop3A_277 = arith.subf %parallel_loop3A_276, %parallel_loop3A_274 : vector<16xf32>
      %parallel_loop3A_278 = arith.constant 0.000000e+00 : f32
      %parallel_loop3A_279 = vector.broadcast %parallel_loop3A_278 : f32 to vector<16xf32>
      %parallel_loop3A_280 = arith.maximumf %parallel_loop3A_279, %parallel_loop3A_277 : vector<16xf32>
      %parallel_loop3A_281 = arith.addf %parallel_loop3A_265, %parallel_loop3A_280 : vector<16xf32>
      %parallel_loop3A_282 = arith.constant 224 : i32
      %parallel_loop3A_283 = arith.addi %parallel_loop3A_164, %parallel_loop3A_282 : i32
      %parallel_loop3A_284 = arith.constant 1 : i32
      %parallel_loop3A_285 = arith.addi %parallel_loop3A_283, %parallel_loop3A_284 : i32
      %parallel_loop3A_286 = arith.index_cast %parallel_loop3A_285 : i32 to index
      %parallel_loop3A_287 = tpu.vector_load %arg4[%parallel_loop3A_286] {strides = array<i32>} : memref<50208xf32, #tpu.memory_space<vmem>>, vector<16xf32>,
      %parallel_loop3A_288 = vector.shape_cast %parallel_loop3A_287 : vector<16xf32> to vector<16xf32>
      %parallel_loop3A_289 = arith.subf %parallel_loop3A_288, %parallel_loop3A_167 : vector<16xf32>
      %parallel_loop3A_290 = math.absf %parallel_loop3A_289 : vector<16xf32>
      %parallel_loop3A_291 = arith.constant 1.000000e-01 : f32
      %parallel_loop3A_292 = vector.broadcast %parallel_loop3A_291 : f32 to vector<16xf32>
      %parallel_loop3A_293 = arith.subf %parallel_loop3A_292, %parallel_loop3A_290 : vector<16xf32>
      %parallel_loop3A_294 = arith.constant 0.000000e+00 : f32
      %parallel_loop3A_295 = vector.broadcast %parallel_loop3A_294 : f32 to vector<16xf32>
      %parallel_loop3A_296 = arith.maximumf %parallel_loop3A_295, %parallel_loop3A_293 : vector<16xf32>
      %parallel_loop3A_297 = arith.addf %parallel_loop3A_281, %parallel_loop3A_296 : vector<16xf32>
      %parallel_loop3A_298 = arith.constant 1.11111116 : f32
      %parallel_loop3A_299 = vector.broadcast %parallel_loop3A_298 : f32 to vector<16xf32>
      %parallel_loop3A_300 = arith.mulf %parallel_loop3A_297, %parallel_loop3A_299 : vector<16xf32>
      %parallel_loop3A_301 = arith.constant 0.111111112 : f32
      %parallel_loop3A_302 = vector.broadcast %parallel_loop3A_301 : f32 to vector<16xf32>
      %parallel_loop3A_303 = arith.addf %parallel_loop3A_300, %parallel_loop3A_302 : vector<16xf32>
      %parallel_loop3A_304 = arith.constant 224 : i32
      %parallel_loop3A_305 = arith.muli %parallel_loop3A_158, %parallel_loop3A_304 : i32
      %parallel_loop3A_306 = arith.constant 128 : i32
      %parallel_loop3A_307 = arith.addi %parallel_loop3A_305, %parallel_loop3A_306 : i32
      %parallel_loop3A_308 = arith.index_cast %parallel_loop3A_307 : i32 to index
      %parallel_loop3A_309 = tpu.vector_load %arg5[%parallel_loop3A_308] {strides = array<i32>} : memref<50176xf32, #tpu.memory_space<vmem>>, vector<16xf32>,
      %parallel_loop3A_310 = vector.shape_cast %parallel_loop3A_309 : vector<16xf32> to vector<16xf32>
      %parallel_loop3A_311 = vector.shape_cast %parallel_loop3A_303 : vector<16xf32> to vector<16xf32>
      tpu.vector_store %arg5[%parallel_loop3A_308], %parallel_loop3A_311 {strides = array<i32>} : memref<50176xf32, #tpu.memory_space<vmem>>, vector<16xf32>,
    } {sc.loop_unroll_factor = 3 : i64, sc.parallel_access}
    %parallel_loop3A_143 = arith.constant 1 : i32
    %parallel_loop3A_144 = arith.constant 223 : i32
    %parallel_loop3A_145 = arith.constant 1 : i32
    scf.for %parallel_loop3A_158 = %parallel_loop3A_143 to %parallel_loop3A_144 step %parallel_loop3A_145  : i32 {
      %parallel_loop3A_159 = arith.constant 224 : i32
      %parallel_loop3A_160 = arith.muli %parallel_loop3A_158, %parallel_loop3A_159 : i32
      %parallel_loop3A_161 = arith.constant 144 : i32
      %parallel_loop3A_162 = arith.addi %parallel_loop3A_160, %parallel_loop3A_161 : i32
      %parallel_loop3A_163 = arith.constant 16 : i32
      %parallel_loop3A_164 = arith.addi %parallel_loop3A_162, %parallel_loop3A_163 : i32
      %parallel_loop3A_165 = arith.index_cast %parallel_loop3A_164 : i32 to index
      %parallel_loop3A_166 = tpu.vector_load %arg4[%parallel_loop3A_165] {strides = array<i32>} : memref<50208xf32, #tpu.memory_space<vmem>>, vector<16xf32>,
      %parallel_loop3A_167 = vector.shape_cast %parallel_loop3A_166 : vector<16xf32> to vector<16xf32>
      %parallel_loop3A_168 = arith.constant 0.000000e+00 : f32
      %parallel_loop3A_169 = vector.broadcast %parallel_loop3A_168 : f32 to vector<16xf32>
      %parallel_loop3A_170 = arith.constant -224 : i32
      %parallel_loop3A_171 = arith.addi %parallel_loop3A_164, %parallel_loop3A_170 : i32
      %parallel_loop3A_172 = arith.constant -1 : i32
      %parallel_loop3A_173 = arith.addi %parallel_loop3A_171, %parallel_loop3A_172 : i32
      %parallel_loop3A_174 = arith.index_cast %parallel_loop3A_173 : i32 to index
      %parallel_loop3A_175 = tpu.vector_load %arg4[%parallel_loop3A_174] {strides = array<i32>} : memref<50208xf32, #tpu.memory_space<vmem>>, vector<16xf32>,
      %parallel_loop3A_176 = vector.shape_cast %parallel_loop3A_175 : vector<16xf32> to vector<16xf32>
      %parallel_loop3A_177 = arith.subf %parallel_loop3A_167, %parallel_loop3A_176 : vector<16xf32>
      %parallel_loop3A_178 = math.absf %parallel_loop3A_177 : vector<16xf32>
      %parallel_loop3A_179 = arith.constant 1.000000e-01 : f32
      %parallel_loop3A_180 = vector.broadcast %parallel_loop3A_179 : f32 to vector<16xf32>
      %parallel_loop3A_181 = arith.subf %parallel_loop3A_180, %parallel_loop3A_178 : vector<16xf32>
      %parallel_loop3A_182 = arith.constant 0.000000e+00 : f32
      %parallel_loop3A_183 = vector.broadcast %parallel_loop3A_182 : f32 to vector<16xf32>
      %parallel_loop3A_184 = arith.maximumf %parallel_loop3A_183, %parallel_loop3A_181 : vector<16xf32>
      %parallel_loop3A_185 = arith.addf %parallel_loop3A_169, %parallel_loop3A_184 : vector<16xf32>
      %parallel_loop3A_186 = arith.constant -224 : i32
      %parallel_loop3A_187 = arith.addi %parallel_loop3A_164, %parallel_loop3A_186 : i32
      %parallel_loop3A_188 = arith.constant 0 : i32
      %parallel_loop3A_189 = arith.addi %parallel_loop3A_187, %parallel_loop3A_188 : i32
      %parallel_loop3A_190 = arith.index_cast %parallel_loop3A_189 : i32 to index
      %parallel_loop3A_191 = tpu.vector_load %arg4[%parallel_loop3A_190] {strides = array<i32>} : memref<50208xf32, #tpu.memory_space<vmem>>, vector<16xf32>,
      %parallel_loop3A_192 = vector.shape_cast %parallel_loop3A_191 : vector<16xf32> to vector<16xf32>
      %parallel_loop3A_193 = arith.subf %parallel_loop3A_167, %parallel_loop3A_192 : vector<16xf32>
      %parallel_loop3A_194 = math.absf %parallel_loop3A_193 : vector<16xf32>
      %parallel_loop3A_195 = arith.constant 1.000000e-01 : f32
      %parallel_loop3A_196 = vector.broadcast %parallel_loop3A_195 : f32 to vector<16xf32>
      %parallel_loop3A_197 = arith.subf %parallel_loop3A_196, %parallel_loop3A_194 : vector<16xf32>
      %parallel_loop3A_198 = arith.constant 0.000000e+00 : f32
      %parallel_loop3A_199 = vector.broadcast %parallel_loop3A_198 : f32 to vector<16xf32>
      %parallel_loop3A_200 = arith.maximumf %parallel_loop3A_199, %parallel_loop3A_197 : vector<16xf32>
      %parallel_loop3A_201 = arith.addf %parallel_loop3A_185, %parallel_loop3A_200 : vector<16xf32>
      %parallel_loop3A_202 = arith.constant -224 : i32
      %parallel_loop3A_203 = arith.addi %parallel_loop3A_164, %parallel_loop3A_202 : i32
      %parallel_loop3A_204 = arith.constant 1 : i32
      %parallel_loop3A_205 = arith.addi %parallel_loop3A_203, %parallel_loop3A_204 : i32
      %parallel_loop3A_206 = arith.index_cast %parallel_loop3A_205 : i32 to index
      %parallel_loop3A_207 = tpu.vector_load %arg4[%parallel_loop3A_206] {strides = array<i32>} : memref<50208xf32, #tpu.memory_space<vmem>>, vector<16xf32>,
      %parallel_loop3A_208 = vector.shape_cast %parallel_loop3A_207 : vector<16xf32> to vector<16xf32>
      %parallel_loop3A_209 = arith.subf %parallel_loop3A_167, %parallel_loop3A_208 : vector<16xf32>
      %parallel_loop3A_210 = math.absf %parallel_loop3A_209 : vector<16xf32>
      %parallel_loop3A_211 = arith.constant 1.000000e-01 : f32
      %parallel_loop3A_212 = vector.broadcast %parallel_loop3A_211 : f32 to vector<16xf32>
      %parallel_loop3A_213 = arith.subf %parallel_loop3A_212, %parallel_loop3A_210 : vector<16xf32>
      %parallel_loop3A_214 = arith.constant 0.000000e+00 : f32
      %parallel_loop3A_215 = vector.broadcast %parallel_loop3A_214 : f32 to vector<16xf32>
      %parallel_loop3A_216 = arith.maximumf %parallel_loop3A_215, %parallel_loop3A_213 : vector<16xf32>
      %parallel_loop3A_217 = arith.addf %parallel_loop3A_201, %parallel_loop3A_216 : vector<16xf32>
      %parallel_loop3A_218 = arith.constant 0 : i32
      %parallel_loop3A_219 = arith.addi %parallel_loop3A_164, %parallel_loop3A_218 : i32
      %parallel_loop3A_220 = arith.constant -1 : i32
      %parallel_loop3A_221 = arith.addi %parallel_loop3A_219, %parallel_loop3A_220 : i32
      %parallel_loop3A_222 = arith.index_cast %parallel_loop3A_221 : i32 to index
      %parallel_loop3A_223 = tpu.vector_load %arg4[%parallel_loop3A_222] {strides = array<i32>} : memref<50208xf32, #tpu.memory_space<vmem>>, vector<16xf32>,
      %parallel_loop3A_224 = vector.shape_cast %parallel_loop3A_223 : vector<16xf32> to vector<16xf32>
      %parallel_loop3A_225 = arith.subf %parallel_loop3A_167, %parallel_loop3A_224 : vector<16xf32>
      %parallel_loop3A_226 = math.absf %parallel_loop3A_225 : vector<16xf32>
      %parallel_loop3A_227 = arith.constant 1.000000e-01 : f32
      %parallel_loop3A_228 = vector.broadcast %parallel_loop3A_227 : f32 to vector<16xf32>
      %parallel_loop3A_229 = arith.subf %parallel_loop3A_228, %parallel_loop3A_226 : vector<16xf32>
      %parallel_loop3A_230 = arith.constant 0.000000e+00 : f32
      %parallel_loop3A_231 = vector.broadcast %parallel_loop3A_230 : f32 to vector<16xf32>
      %parallel_loop3A_232 = arith.maximumf %parallel_loop3A_231, %parallel_loop3A_229 : vector<16xf32>
      %parallel_loop3A_233 = arith.addf %parallel_loop3A_217, %parallel_loop3A_232 : vector<16xf32>
      %parallel_loop3A_234 = arith.constant 0 : i32
      %parallel_loop3A_235 = arith.addi %parallel_loop3A_164, %parallel_loop3A_234 : i32
      %parallel_loop3A_236 = arith.constant 1 : i32
      %parallel_loop3A_237 = arith.addi %parallel_loop3A_235, %parallel_loop3A_236 : i32
      %parallel_loop3A_238 = arith.index_cast %parallel_loop3A_237 : i32 to index
      %parallel_loop3A_239 = tpu.vector_load %arg4[%parallel_loop3A_238] {strides = array<i32>} : memref<50208xf32, #tpu.memory_space<vmem>>, vector<16xf32>,
      %parallel_loop3A_240 = vector.shape_cast %parallel_loop3A_239 : vector<16xf32> to vector<16xf32>
      %parallel_loop3A_241 = arith.subf %parallel_loop3A_240, %parallel_loop3A_167 : vector<16xf32>
      %parallel_loop3A_242 = math.absf %parallel_loop3A_241 : vector<16xf32>
      %parallel_loop3A_243 = arith.constant 1.000000e-01 : f32
      %parallel_loop3A_244 = vector.broadcast %parallel_loop3A_243 : f32 to vector<16xf32>
      %parallel_loop3A_245 = arith.subf %parallel_loop3A_244, %parallel_loop3A_242 : vector<16xf32>
      %parallel_loop3A_246 = arith.constant 0.000000e+00 : f32
      %parallel_loop3A_247 = vector.broadcast %parallel_loop3A_246 : f32 to vector<16xf32>
      %parallel_loop3A_248 = arith.maximumf %parallel_loop3A_247, %parallel_loop3A_245 : vector<16xf32>
      %parallel_loop3A_249 = arith.addf %parallel_loop3A_233, %parallel_loop3A_248 : vector<16xf32>
      %parallel_loop3A_250 = arith.constant 224 : i32
      %parallel_loop3A_251 = arith.addi %parallel_loop3A_164, %parallel_loop3A_250 : i32
      %parallel_loop3A_252 = arith.constant -1 : i32
      %parallel_loop3A_253 = arith.addi %parallel_loop3A_251, %parallel_loop3A_252 : i32
      %parallel_loop3A_254 = arith.index_cast %parallel_loop3A_253 : i32 to index
      %parallel_loop3A_255 = tpu.vector_load %arg4[%parallel_loop3A_254] {strides = array<i32>} : memref<50208xf32, #tpu.memory_space<vmem>>, vector<16xf32>,
      %parallel_loop3A_256 = vector.shape_cast %parallel_loop3A_255 : vector<16xf32> to vector<16xf32>
      %parallel_loop3A_257 = arith.subf %parallel_loop3A_256, %parallel_loop3A_167 : vector<16xf32>
      %parallel_loop3A_258 = math.absf %parallel_loop3A_257 : vector<16xf32>
      %parallel_loop3A_259 = arith.constant 1.000000e-01 : f32
      %parallel_loop3A_260 = vector.broadcast %parallel_loop3A_259 : f32 to vector<16xf32>
      %parallel_loop3A_261 = arith.subf %parallel_loop3A_260, %parallel_loop3A_258 : vector<16xf32>
      %parallel_loop3A_262 = arith.constant 0.000000e+00 : f32
      %parallel_loop3A_263 = vector.broadcast %parallel_loop3A_262 : f32 to vector<16xf32>
      %parallel_loop3A_264 = arith.maximumf %parallel_loop3A_263, %parallel_loop3A_261 : vector<16xf32>
      %parallel_loop3A_265 = arith.addf %parallel_loop3A_249, %parallel_loop3A_264 : vector<16xf32>
      %parallel_loop3A_266 = arith.constant 224 : i32
      %parallel_loop3A_267 = arith.addi %parallel_loop3A_164, %parallel_loop3A_266 : i32
      %parallel_loop3A_268 = arith.constant 0 : i32
      %parallel_loop3A_269 = arith.addi %parallel_loop3A_267, %parallel_loop3A_268 : i32
      %parallel_loop3A_270 = arith.index_cast %parallel_loop3A_269 : i32 to index
      %parallel_loop3A_271 = tpu.vector_load %arg4[%parallel_loop3A_270] {strides = array<i32>} : memref<50208xf32, #tpu.memory_space<vmem>>, vector<16xf32>,
      %parallel_loop3A_272 = vector.shape_cast %parallel_loop3A_271 : vector<16xf32> to vector<16xf32>
      %parallel_loop3A_273 = arith.subf %parallel_loop3A_272, %parallel_loop3A_167 : vector<16xf32>
      %parallel_loop3A_274 = math.absf %parallel_loop3A_273 : vector<16xf32>
      %parallel_loop3A_275 = arith.constant 1.000000e-01 : f32
      %parallel_loop3A_276 = vector.broadcast %parallel_loop3A_275 : f32 to vector<16xf32>
      %parallel_loop3A_277 = arith.subf %parallel_loop3A_276, %parallel_loop3A_274 : vector<16xf32>
      %parallel_loop3A_278 = arith.constant 0.000000e+00 : f32
      %parallel_loop3A_279 = vector.broadcast %parallel_loop3A_278 : f32 to vector<16xf32>
      %parallel_loop3A_280 = arith.maximumf %parallel_loop3A_279, %parallel_loop3A_277 : vector<16xf32>
      %parallel_loop3A_281 = arith.addf %parallel_loop3A_265, %parallel_loop3A_280 : vector<16xf32>
      %parallel_loop3A_282 = arith.constant 224 : i32
      %parallel_loop3A_283 = arith.addi %parallel_loop3A_164, %parallel_loop3A_282 : i32
      %parallel_loop3A_284 = arith.constant 1 : i32
      %parallel_loop3A_285 = arith.addi %parallel_loop3A_283, %parallel_loop3A_284 : i32
      %parallel_loop3A_286 = arith.index_cast %parallel_loop3A_285 : i32 to index
      %parallel_loop3A_287 = tpu.vector_load %arg4[%parallel_loop3A_286] {strides = array<i32>} : memref<50208xf32, #tpu.memory_space<vmem>>, vector<16xf32>,
      %parallel_loop3A_288 = vector.shape_cast %parallel_loop3A_287 : vector<16xf32> to vector<16xf32>
      %parallel_loop3A_289 = arith.subf %parallel_loop3A_288, %parallel_loop3A_167 : vector<16xf32>
      %parallel_loop3A_290 = math.absf %parallel_loop3A_289 : vector<16xf32>
      %parallel_loop3A_291 = arith.constant 1.000000e-01 : f32
      %parallel_loop3A_292 = vector.broadcast %parallel_loop3A_291 : f32 to vector<16xf32>
      %parallel_loop3A_293 = arith.subf %parallel_loop3A_292, %parallel_loop3A_290 : vector<16xf32>
      %parallel_loop3A_294 = arith.constant 0.000000e+00 : f32
      %parallel_loop3A_295 = vector.broadcast %parallel_loop3A_294 : f32 to vector<16xf32>
      %parallel_loop3A_296 = arith.maximumf %parallel_loop3A_295, %parallel_loop3A_293 : vector<16xf32>
      %parallel_loop3A_297 = arith.addf %parallel_loop3A_281, %parallel_loop3A_296 : vector<16xf32>
      %parallel_loop3A_298 = arith.constant 1.11111116 : f32
      %parallel_loop3A_299 = vector.broadcast %parallel_loop3A_298 : f32 to vector<16xf32>
      %parallel_loop3A_300 = arith.mulf %parallel_loop3A_297, %parallel_loop3A_299 : vector<16xf32>
      %parallel_loop3A_301 = arith.constant 0.111111112 : f32
      %parallel_loop3A_302 = vector.broadcast %parallel_loop3A_301 : f32 to vector<16xf32>
      %parallel_loop3A_303 = arith.addf %parallel_loop3A_300, %parallel_loop3A_302 : vector<16xf32>
      %parallel_loop3A_304 = arith.constant 224 : i32
      %parallel_loop3A_305 = arith.muli %parallel_loop3A_158, %parallel_loop3A_304 : i32
      %parallel_loop3A_306 = arith.constant 144 : i32
      %parallel_loop3A_307 = arith.addi %parallel_loop3A_305, %parallel_loop3A_306 : i32
      %parallel_loop3A_308 = arith.index_cast %parallel_loop3A_307 : i32 to index
      %parallel_loop3A_309 = tpu.vector_load %arg5[%parallel_loop3A_308] {strides = array<i32>} : memref<50176xf32, #tpu.memory_space<vmem>>, vector<16xf32>,
      %parallel_loop3A_310 = vector.shape_cast %parallel_loop3A_309 : vector<16xf32> to vector<16xf32>
      %parallel_loop3A_311 = vector.shape_cast %parallel_loop3A_303 : vector<16xf32> to vector<16xf32>
      tpu.vector_store %arg5[%parallel_loop3A_308], %parallel_loop3A_311 {strides = array<i32>} : memref<50176xf32, #tpu.memory_space<vmem>>, vector<16xf32>,
    } {sc.loop_unroll_factor = 3 : i64, sc.parallel_access}
    %parallel_loop3A_146 = arith.constant 1 : i32
    %parallel_loop3A_147 = arith.constant 223 : i32
    %parallel_loop3A_148 = arith.constant 1 : i32
    scf.for %parallel_loop3A_158 = %parallel_loop3A_146 to %parallel_loop3A_147 step %parallel_loop3A_148  : i32 {
      %parallel_loop3A_159 = arith.constant 224 : i32
      %parallel_loop3A_160 = arith.muli %parallel_loop3A_158, %parallel_loop3A_159 : i32
      %parallel_loop3A_161 = arith.constant 160 : i32
      %parallel_loop3A_162 = arith.addi %parallel_loop3A_160, %parallel_loop3A_161 : i32
      %parallel_loop3A_163 = arith.constant 16 : i32
      %parallel_loop3A_164 = arith.addi %parallel_loop3A_162, %parallel_loop3A_163 : i32
      %parallel_loop3A_165 = arith.index_cast %parallel_loop3A_164 : i32 to index
      %parallel_loop3A_166 = tpu.vector_load %arg4[%parallel_loop3A_165] {strides = array<i32>} : memref<50208xf32, #tpu.memory_space<vmem>>, vector<16xf32>,
      %parallel_loop3A_167 = vector.shape_cast %parallel_loop3A_166 : vector<16xf32> to vector<16xf32>
      %parallel_loop3A_168 = arith.constant 0.000000e+00 : f32
      %parallel_loop3A_169 = vector.broadcast %parallel_loop3A_168 : f32 to vector<16xf32>
      %parallel_loop3A_170 = arith.constant -224 : i32
      %parallel_loop3A_171 = arith.addi %parallel_loop3A_164, %parallel_loop3A_170 : i32
      %parallel_loop3A_172 = arith.constant -1 : i32
      %parallel_loop3A_173 = arith.addi %parallel_loop3A_171, %parallel_loop3A_172 : i32
      %parallel_loop3A_174 = arith.index_cast %parallel_loop3A_173 : i32 to index
      %parallel_loop3A_175 = tpu.vector_load %arg4[%parallel_loop3A_174] {strides = array<i32>} : memref<50208xf32, #tpu.memory_space<vmem>>, vector<16xf32>,
      %parallel_loop3A_176 = vector.shape_cast %parallel_loop3A_175 : vector<16xf32> to vector<16xf32>
      %parallel_loop3A_177 = arith.subf %parallel_loop3A_167, %parallel_loop3A_176 : vector<16xf32>
      %parallel_loop3A_178 = math.absf %parallel_loop3A_177 : vector<16xf32>
      %parallel_loop3A_179 = arith.constant 1.000000e-01 : f32
      %parallel_loop3A_180 = vector.broadcast %parallel_loop3A_179 : f32 to vector<16xf32>
      %parallel_loop3A_181 = arith.subf %parallel_loop3A_180, %parallel_loop3A_178 : vector<16xf32>
      %parallel_loop3A_182 = arith.constant 0.000000e+00 : f32
      %parallel_loop3A_183 = vector.broadcast %parallel_loop3A_182 : f32 to vector<16xf32>
      %parallel_loop3A_184 = arith.maximumf %parallel_loop3A_183, %parallel_loop3A_181 : vector<16xf32>
      %parallel_loop3A_185 = arith.addf %parallel_loop3A_169, %parallel_loop3A_184 : vector<16xf32>
      %parallel_loop3A_186 = arith.constant -224 : i32
      %parallel_loop3A_187 = arith.addi %parallel_loop3A_164, %parallel_loop3A_186 : i32
      %parallel_loop3A_188 = arith.constant 0 : i32
      %parallel_loop3A_189 = arith.addi %parallel_loop3A_187, %parallel_loop3A_188 : i32
      %parallel_loop3A_190 = arith.index_cast %parallel_loop3A_189 : i32 to index
      %parallel_loop3A_191 = tpu.vector_load %arg4[%parallel_loop3A_190] {strides = array<i32>} : memref<50208xf32, #tpu.memory_space<vmem>>, vector<16xf32>,
      %parallel_loop3A_192 = vector.shape_cast %parallel_loop3A_191 : vector<16xf32> to vector<16xf32>
      %parallel_loop3A_193 = arith.subf %parallel_loop3A_167, %parallel_loop3A_192 : vector<16xf32>
      %parallel_loop3A_194 = math.absf %parallel_loop3A_193 : vector<16xf32>
      %parallel_loop3A_195 = arith.constant 1.000000e-01 : f32
      %parallel_loop3A_196 = vector.broadcast %parallel_loop3A_195 : f32 to vector<16xf32>
      %parallel_loop3A_197 = arith.subf %parallel_loop3A_196, %parallel_loop3A_194 : vector<16xf32>
      %parallel_loop3A_198 = arith.constant 0.000000e+00 : f32
      %parallel_loop3A_199 = vector.broadcast %parallel_loop3A_198 : f32 to vector<16xf32>
      %parallel_loop3A_200 = arith.maximumf %parallel_loop3A_199, %parallel_loop3A_197 : vector<16xf32>
      %parallel_loop3A_201 = arith.addf %parallel_loop3A_185, %parallel_loop3A_200 : vector<16xf32>
      %parallel_loop3A_202 = arith.constant -224 : i32
      %parallel_loop3A_203 = arith.addi %parallel_loop3A_164, %parallel_loop3A_202 : i32
      %parallel_loop3A_204 = arith.constant 1 : i32
      %parallel_loop3A_205 = arith.addi %parallel_loop3A_203, %parallel_loop3A_204 : i32
      %parallel_loop3A_206 = arith.index_cast %parallel_loop3A_205 : i32 to index
      %parallel_loop3A_207 = tpu.vector_load %arg4[%parallel_loop3A_206] {strides = array<i32>} : memref<50208xf32, #tpu.memory_space<vmem>>, vector<16xf32>,
      %parallel_loop3A_208 = vector.shape_cast %parallel_loop3A_207 : vector<16xf32> to vector<16xf32>
      %parallel_loop3A_209 = arith.subf %parallel_loop3A_167, %parallel_loop3A_208 : vector<16xf32>
      %parallel_loop3A_210 = math.absf %parallel_loop3A_209 : vector<16xf32>
      %parallel_loop3A_211 = arith.constant 1.000000e-01 : f32
      %parallel_loop3A_212 = vector.broadcast %parallel_loop3A_211 : f32 to vector<16xf32>
      %parallel_loop3A_213 = arith.subf %parallel_loop3A_212, %parallel_loop3A_210 : vector<16xf32>
      %parallel_loop3A_214 = arith.constant 0.000000e+00 : f32
      %parallel_loop3A_215 = vector.broadcast %parallel_loop3A_214 : f32 to vector<16xf32>
      %parallel_loop3A_216 = arith.maximumf %parallel_loop3A_215, %parallel_loop3A_213 : vector<16xf32>
      %parallel_loop3A_217 = arith.addf %parallel_loop3A_201, %parallel_loop3A_216 : vector<16xf32>
      %parallel_loop3A_218 = arith.constant 0 : i32
      %parallel_loop3A_219 = arith.addi %parallel_loop3A_164, %parallel_loop3A_218 : i32
      %parallel_loop3A_220 = arith.constant -1 : i32
      %parallel_loop3A_221 = arith.addi %parallel_loop3A_219, %parallel_loop3A_220 : i32
      %parallel_loop3A_222 = arith.index_cast %parallel_loop3A_221 : i32 to index
      %parallel_loop3A_223 = tpu.vector_load %arg4[%parallel_loop3A_222] {strides = array<i32>} : memref<50208xf32, #tpu.memory_space<vmem>>, vector<16xf32>,
      %parallel_loop3A_224 = vector.shape_cast %parallel_loop3A_223 : vector<16xf32> to vector<16xf32>
      %parallel_loop3A_225 = arith.subf %parallel_loop3A_167, %parallel_loop3A_224 : vector<16xf32>
      %parallel_loop3A_226 = math.absf %parallel_loop3A_225 : vector<16xf32>
      %parallel_loop3A_227 = arith.constant 1.000000e-01 : f32
      %parallel_loop3A_228 = vector.broadcast %parallel_loop3A_227 : f32 to vector<16xf32>
      %parallel_loop3A_229 = arith.subf %parallel_loop3A_228, %parallel_loop3A_226 : vector<16xf32>
      %parallel_loop3A_230 = arith.constant 0.000000e+00 : f32
      %parallel_loop3A_231 = vector.broadcast %parallel_loop3A_230 : f32 to vector<16xf32>
      %parallel_loop3A_232 = arith.maximumf %parallel_loop3A_231, %parallel_loop3A_229 : vector<16xf32>
      %parallel_loop3A_233 = arith.addf %parallel_loop3A_217, %parallel_loop3A_232 : vector<16xf32>
      %parallel_loop3A_234 = arith.constant 0 : i32
      %parallel_loop3A_235 = arith.addi %parallel_loop3A_164, %parallel_loop3A_234 : i32
      %parallel_loop3A_236 = arith.constant 1 : i32
      %parallel_loop3A_237 = arith.addi %parallel_loop3A_235, %parallel_loop3A_236 : i32
      %parallel_loop3A_238 = arith.index_cast %parallel_loop3A_237 : i32 to index
      %parallel_loop3A_239 = tpu.vector_load %arg4[%parallel_loop3A_238] {strides = array<i32>} : memref<50208xf32, #tpu.memory_space<vmem>>, vector<16xf32>,
      %parallel_loop3A_240 = vector.shape_cast %parallel_loop3A_239 : vector<16xf32> to vector<16xf32>
      %parallel_loop3A_241 = arith.subf %parallel_loop3A_240, %parallel_loop3A_167 : vector<16xf32>
      %parallel_loop3A_242 = math.absf %parallel_loop3A_241 : vector<16xf32>
      %parallel_loop3A_243 = arith.constant 1.000000e-01 : f32
      %parallel_loop3A_244 = vector.broadcast %parallel_loop3A_243 : f32 to vector<16xf32>
      %parallel_loop3A_245 = arith.subf %parallel_loop3A_244, %parallel_loop3A_242 : vector<16xf32>
      %parallel_loop3A_246 = arith.constant 0.000000e+00 : f32
      %parallel_loop3A_247 = vector.broadcast %parallel_loop3A_246 : f32 to vector<16xf32>
      %parallel_loop3A_248 = arith.maximumf %parallel_loop3A_247, %parallel_loop3A_245 : vector<16xf32>
      %parallel_loop3A_249 = arith.addf %parallel_loop3A_233, %parallel_loop3A_248 : vector<16xf32>
      %parallel_loop3A_250 = arith.constant 224 : i32
      %parallel_loop3A_251 = arith.addi %parallel_loop3A_164, %parallel_loop3A_250 : i32
      %parallel_loop3A_252 = arith.constant -1 : i32
      %parallel_loop3A_253 = arith.addi %parallel_loop3A_251, %parallel_loop3A_252 : i32
      %parallel_loop3A_254 = arith.index_cast %parallel_loop3A_253 : i32 to index
      %parallel_loop3A_255 = tpu.vector_load %arg4[%parallel_loop3A_254] {strides = array<i32>} : memref<50208xf32, #tpu.memory_space<vmem>>, vector<16xf32>,
      %parallel_loop3A_256 = vector.shape_cast %parallel_loop3A_255 : vector<16xf32> to vector<16xf32>
      %parallel_loop3A_257 = arith.subf %parallel_loop3A_256, %parallel_loop3A_167 : vector<16xf32>
      %parallel_loop3A_258 = math.absf %parallel_loop3A_257 : vector<16xf32>
      %parallel_loop3A_259 = arith.constant 1.000000e-01 : f32
      %parallel_loop3A_260 = vector.broadcast %parallel_loop3A_259 : f32 to vector<16xf32>
      %parallel_loop3A_261 = arith.subf %parallel_loop3A_260, %parallel_loop3A_258 : vector<16xf32>
      %parallel_loop3A_262 = arith.constant 0.000000e+00 : f32
      %parallel_loop3A_263 = vector.broadcast %parallel_loop3A_262 : f32 to vector<16xf32>
      %parallel_loop3A_264 = arith.maximumf %parallel_loop3A_263, %parallel_loop3A_261 : vector<16xf32>
      %parallel_loop3A_265 = arith.addf %parallel_loop3A_249, %parallel_loop3A_264 : vector<16xf32>
      %parallel_loop3A_266 = arith.constant 224 : i32
      %parallel_loop3A_267 = arith.addi %parallel_loop3A_164, %parallel_loop3A_266 : i32
      %parallel_loop3A_268 = arith.constant 0 : i32
      %parallel_loop3A_269 = arith.addi %parallel_loop3A_267, %parallel_loop3A_268 : i32
      %parallel_loop3A_270 = arith.index_cast %parallel_loop3A_269 : i32 to index
      %parallel_loop3A_271 = tpu.vector_load %arg4[%parallel_loop3A_270] {strides = array<i32>} : memref<50208xf32, #tpu.memory_space<vmem>>, vector<16xf32>,
      %parallel_loop3A_272 = vector.shape_cast %parallel_loop3A_271 : vector<16xf32> to vector<16xf32>
      %parallel_loop3A_273 = arith.subf %parallel_loop3A_272, %parallel_loop3A_167 : vector<16xf32>
      %parallel_loop3A_274 = math.absf %parallel_loop3A_273 : vector<16xf32>
      %parallel_loop3A_275 = arith.constant 1.000000e-01 : f32
      %parallel_loop3A_276 = vector.broadcast %parallel_loop3A_275 : f32 to vector<16xf32>
      %parallel_loop3A_277 = arith.subf %parallel_loop3A_276, %parallel_loop3A_274 : vector<16xf32>
      %parallel_loop3A_278 = arith.constant 0.000000e+00 : f32
      %parallel_loop3A_279 = vector.broadcast %parallel_loop3A_278 : f32 to vector<16xf32>
      %parallel_loop3A_280 = arith.maximumf %parallel_loop3A_279, %parallel_loop3A_277 : vector<16xf32>
      %parallel_loop3A_281 = arith.addf %parallel_loop3A_265, %parallel_loop3A_280 : vector<16xf32>
      %parallel_loop3A_282 = arith.constant 224 : i32
      %parallel_loop3A_283 = arith.addi %parallel_loop3A_164, %parallel_loop3A_282 : i32
      %parallel_loop3A_284 = arith.constant 1 : i32
      %parallel_loop3A_285 = arith.addi %parallel_loop3A_283, %parallel_loop3A_284 : i32
      %parallel_loop3A_286 = arith.index_cast %parallel_loop3A_285 : i32 to index
      %parallel_loop3A_287 = tpu.vector_load %arg4[%parallel_loop3A_286] {strides = array<i32>} : memref<50208xf32, #tpu.memory_space<vmem>>, vector<16xf32>,
      %parallel_loop3A_288 = vector.shape_cast %parallel_loop3A_287 : vector<16xf32> to vector<16xf32>
      %parallel_loop3A_289 = arith.subf %parallel_loop3A_288, %parallel_loop3A_167 : vector<16xf32>
      %parallel_loop3A_290 = math.absf %parallel_loop3A_289 : vector<16xf32>
      %parallel_loop3A_291 = arith.constant 1.000000e-01 : f32
      %parallel_loop3A_292 = vector.broadcast %parallel_loop3A_291 : f32 to vector<16xf32>
      %parallel_loop3A_293 = arith.subf %parallel_loop3A_292, %parallel_loop3A_290 : vector<16xf32>
      %parallel_loop3A_294 = arith.constant 0.000000e+00 : f32
      %parallel_loop3A_295 = vector.broadcast %parallel_loop3A_294 : f32 to vector<16xf32>
      %parallel_loop3A_296 = arith.maximumf %parallel_loop3A_295, %parallel_loop3A_293 : vector<16xf32>
      %parallel_loop3A_297 = arith.addf %parallel_loop3A_281, %parallel_loop3A_296 : vector<16xf32>
      %parallel_loop3A_298 = arith.constant 1.11111116 : f32
      %parallel_loop3A_299 = vector.broadcast %parallel_loop3A_298 : f32 to vector<16xf32>
      %parallel_loop3A_300 = arith.mulf %parallel_loop3A_297, %parallel_loop3A_299 : vector<16xf32>
      %parallel_loop3A_301 = arith.constant 0.111111112 : f32
      %parallel_loop3A_302 = vector.broadcast %parallel_loop3A_301 : f32 to vector<16xf32>
      %parallel_loop3A_303 = arith.addf %parallel_loop3A_300, %parallel_loop3A_302 : vector<16xf32>
      %parallel_loop3A_304 = arith.constant 224 : i32
      %parallel_loop3A_305 = arith.muli %parallel_loop3A_158, %parallel_loop3A_304 : i32
      %parallel_loop3A_306 = arith.constant 160 : i32
      %parallel_loop3A_307 = arith.addi %parallel_loop3A_305, %parallel_loop3A_306 : i32
      %parallel_loop3A_308 = arith.index_cast %parallel_loop3A_307 : i32 to index
      %parallel_loop3A_309 = tpu.vector_load %arg5[%parallel_loop3A_308] {strides = array<i32>} : memref<50176xf32, #tpu.memory_space<vmem>>, vector<16xf32>,
      %parallel_loop3A_310 = vector.shape_cast %parallel_loop3A_309 : vector<16xf32> to vector<16xf32>
      %parallel_loop3A_311 = vector.shape_cast %parallel_loop3A_303 : vector<16xf32> to vector<16xf32>
      tpu.vector_store %arg5[%parallel_loop3A_308], %parallel_loop3A_311 {strides = array<i32>} : memref<50176xf32, #tpu.memory_space<vmem>>, vector<16xf32>,
    } {sc.loop_unroll_factor = 3 : i64, sc.parallel_access}
    %parallel_loop3A_149 = arith.constant 1 : i32
    %parallel_loop3A_150 = arith.constant 223 : i32
    %parallel_loop3A_151 = arith.constant 1 : i32
    scf.for %parallel_loop3A_158 = %parallel_loop3A_149 to %parallel_loop3A_150 step %parallel_loop3A_151  : i32 {
      %parallel_loop3A_159 = arith.constant 224 : i32
      %parallel_loop3A_160 = arith.muli %parallel_loop3A_158, %parallel_loop3A_159 : i32
      %parallel_loop3A_161 = arith.constant 176 : i32
      %parallel_loop3A_162 = arith.addi %parallel_loop3A_160, %parallel_loop3A_161 : i32
      %parallel_loop3A_163 = arith.constant 16 : i32
      %parallel_loop3A_164 = arith.addi %parallel_loop3A_162, %parallel_loop3A_163 : i32
      %parallel_loop3A_165 = arith.index_cast %parallel_loop3A_164 : i32 to index
      %parallel_loop3A_166 = tpu.vector_load %arg4[%parallel_loop3A_165] {strides = array<i32>} : memref<50208xf32, #tpu.memory_space<vmem>>, vector<16xf32>,
      %parallel_loop3A_167 = vector.shape_cast %parallel_loop3A_166 : vector<16xf32> to vector<16xf32>
      %parallel_loop3A_168 = arith.constant 0.000000e+00 : f32
      %parallel_loop3A_169 = vector.broadcast %parallel_loop3A_168 : f32 to vector<16xf32>
      %parallel_loop3A_170 = arith.constant -224 : i32
      %parallel_loop3A_171 = arith.addi %parallel_loop3A_164, %parallel_loop3A_170 : i32
      %parallel_loop3A_172 = arith.constant -1 : i32
      %parallel_loop3A_173 = arith.addi %parallel_loop3A_171, %parallel_loop3A_172 : i32
      %parallel_loop3A_174 = arith.index_cast %parallel_loop3A_173 : i32 to index
      %parallel_loop3A_175 = tpu.vector_load %arg4[%parallel_loop3A_174] {strides = array<i32>} : memref<50208xf32, #tpu.memory_space<vmem>>, vector<16xf32>,
      %parallel_loop3A_176 = vector.shape_cast %parallel_loop3A_175 : vector<16xf32> to vector<16xf32>
      %parallel_loop3A_177 = arith.subf %parallel_loop3A_167, %parallel_loop3A_176 : vector<16xf32>
      %parallel_loop3A_178 = math.absf %parallel_loop3A_177 : vector<16xf32>
      %parallel_loop3A_179 = arith.constant 1.000000e-01 : f32
      %parallel_loop3A_180 = vector.broadcast %parallel_loop3A_179 : f32 to vector<16xf32>
      %parallel_loop3A_181 = arith.subf %parallel_loop3A_180, %parallel_loop3A_178 : vector<16xf32>
      %parallel_loop3A_182 = arith.constant 0.000000e+00 : f32
      %parallel_loop3A_183 = vector.broadcast %parallel_loop3A_182 : f32 to vector<16xf32>
      %parallel_loop3A_184 = arith.maximumf %parallel_loop3A_183, %parallel_loop3A_181 : vector<16xf32>
      %parallel_loop3A_185 = arith.addf %parallel_loop3A_169, %parallel_loop3A_184 : vector<16xf32>
      %parallel_loop3A_186 = arith.constant -224 : i32
      %parallel_loop3A_187 = arith.addi %parallel_loop3A_164, %parallel_loop3A_186 : i32
      %parallel_loop3A_188 = arith.constant 0 : i32
      %parallel_loop3A_189 = arith.addi %parallel_loop3A_187, %parallel_loop3A_188 : i32
      %parallel_loop3A_190 = arith.index_cast %parallel_loop3A_189 : i32 to index
      %parallel_loop3A_191 = tpu.vector_load %arg4[%parallel_loop3A_190] {strides = array<i32>} : memref<50208xf32, #tpu.memory_space<vmem>>, vector<16xf32>,
      %parallel_loop3A_192 = vector.shape_cast %parallel_loop3A_191 : vector<16xf32> to vector<16xf32>
      %parallel_loop3A_193 = arith.subf %parallel_loop3A_167, %parallel_loop3A_192 : vector<16xf32>
      %parallel_loop3A_194 = math.absf %parallel_loop3A_193 : vector<16xf32>
      %parallel_loop3A_195 = arith.constant 1.000000e-01 : f32
      %parallel_loop3A_196 = vector.broadcast %parallel_loop3A_195 : f32 to vector<16xf32>
      %parallel_loop3A_197 = arith.subf %parallel_loop3A_196, %parallel_loop3A_194 : vector<16xf32>
      %parallel_loop3A_198 = arith.constant 0.000000e+00 : f32
      %parallel_loop3A_199 = vector.broadcast %parallel_loop3A_198 : f32 to vector<16xf32>
      %parallel_loop3A_200 = arith.maximumf %parallel_loop3A_199, %parallel_loop3A_197 : vector<16xf32>
      %parallel_loop3A_201 = arith.addf %parallel_loop3A_185, %parallel_loop3A_200 : vector<16xf32>
      %parallel_loop3A_202 = arith.constant -224 : i32
      %parallel_loop3A_203 = arith.addi %parallel_loop3A_164, %parallel_loop3A_202 : i32
      %parallel_loop3A_204 = arith.constant 1 : i32
      %parallel_loop3A_205 = arith.addi %parallel_loop3A_203, %parallel_loop3A_204 : i32
      %parallel_loop3A_206 = arith.index_cast %parallel_loop3A_205 : i32 to index
      %parallel_loop3A_207 = tpu.vector_load %arg4[%parallel_loop3A_206] {strides = array<i32>} : memref<50208xf32, #tpu.memory_space<vmem>>, vector<16xf32>,
      %parallel_loop3A_208 = vector.shape_cast %parallel_loop3A_207 : vector<16xf32> to vector<16xf32>
      %parallel_loop3A_209 = arith.subf %parallel_loop3A_167, %parallel_loop3A_208 : vector<16xf32>
      %parallel_loop3A_210 = math.absf %parallel_loop3A_209 : vector<16xf32>
      %parallel_loop3A_211 = arith.constant 1.000000e-01 : f32
      %parallel_loop3A_212 = vector.broadcast %parallel_loop3A_211 : f32 to vector<16xf32>
      %parallel_loop3A_213 = arith.subf %parallel_loop3A_212, %parallel_loop3A_210 : vector<16xf32>
      %parallel_loop3A_214 = arith.constant 0.000000e+00 : f32
      %parallel_loop3A_215 = vector.broadcast %parallel_loop3A_214 : f32 to vector<16xf32>
      %parallel_loop3A_216 = arith.maximumf %parallel_loop3A_215, %parallel_loop3A_213 : vector<16xf32>
      %parallel_loop3A_217 = arith.addf %parallel_loop3A_201, %parallel_loop3A_216 : vector<16xf32>
      %parallel_loop3A_218 = arith.constant 0 : i32
      %parallel_loop3A_219 = arith.addi %parallel_loop3A_164, %parallel_loop3A_218 : i32
      %parallel_loop3A_220 = arith.constant -1 : i32
      %parallel_loop3A_221 = arith.addi %parallel_loop3A_219, %parallel_loop3A_220 : i32
      %parallel_loop3A_222 = arith.index_cast %parallel_loop3A_221 : i32 to index
      %parallel_loop3A_223 = tpu.vector_load %arg4[%parallel_loop3A_222] {strides = array<i32>} : memref<50208xf32, #tpu.memory_space<vmem>>, vector<16xf32>,
      %parallel_loop3A_224 = vector.shape_cast %parallel_loop3A_223 : vector<16xf32> to vector<16xf32>
      %parallel_loop3A_225 = arith.subf %parallel_loop3A_167, %parallel_loop3A_224 : vector<16xf32>
      %parallel_loop3A_226 = math.absf %parallel_loop3A_225 : vector<16xf32>
      %parallel_loop3A_227 = arith.constant 1.000000e-01 : f32
      %parallel_loop3A_228 = vector.broadcast %parallel_loop3A_227 : f32 to vector<16xf32>
      %parallel_loop3A_229 = arith.subf %parallel_loop3A_228, %parallel_loop3A_226 : vector<16xf32>
      %parallel_loop3A_230 = arith.constant 0.000000e+00 : f32
      %parallel_loop3A_231 = vector.broadcast %parallel_loop3A_230 : f32 to vector<16xf32>
      %parallel_loop3A_232 = arith.maximumf %parallel_loop3A_231, %parallel_loop3A_229 : vector<16xf32>
      %parallel_loop3A_233 = arith.addf %parallel_loop3A_217, %parallel_loop3A_232 : vector<16xf32>
      %parallel_loop3A_234 = arith.constant 0 : i32
      %parallel_loop3A_235 = arith.addi %parallel_loop3A_164, %parallel_loop3A_234 : i32
      %parallel_loop3A_236 = arith.constant 1 : i32
      %parallel_loop3A_237 = arith.addi %parallel_loop3A_235, %parallel_loop3A_236 : i32
      %parallel_loop3A_238 = arith.index_cast %parallel_loop3A_237 : i32 to index
      %parallel_loop3A_239 = tpu.vector_load %arg4[%parallel_loop3A_238] {strides = array<i32>} : memref<50208xf32, #tpu.memory_space<vmem>>, vector<16xf32>,
      %parallel_loop3A_240 = vector.shape_cast %parallel_loop3A_239 : vector<16xf32> to vector<16xf32>
      %parallel_loop3A_241 = arith.subf %parallel_loop3A_240, %parallel_loop3A_167 : vector<16xf32>
      %parallel_loop3A_242 = math.absf %parallel_loop3A_241 : vector<16xf32>
      %parallel_loop3A_243 = arith.constant 1.000000e-01 : f32
      %parallel_loop3A_244 = vector.broadcast %parallel_loop3A_243 : f32 to vector<16xf32>
      %parallel_loop3A_245 = arith.subf %parallel_loop3A_244, %parallel_loop3A_242 : vector<16xf32>
      %parallel_loop3A_246 = arith.constant 0.000000e+00 : f32
      %parallel_loop3A_247 = vector.broadcast %parallel_loop3A_246 : f32 to vector<16xf32>
      %parallel_loop3A_248 = arith.maximumf %parallel_loop3A_247, %parallel_loop3A_245 : vector<16xf32>
      %parallel_loop3A_249 = arith.addf %parallel_loop3A_233, %parallel_loop3A_248 : vector<16xf32>
      %parallel_loop3A_250 = arith.constant 224 : i32
      %parallel_loop3A_251 = arith.addi %parallel_loop3A_164, %parallel_loop3A_250 : i32
      %parallel_loop3A_252 = arith.constant -1 : i32
      %parallel_loop3A_253 = arith.addi %parallel_loop3A_251, %parallel_loop3A_252 : i32
      %parallel_loop3A_254 = arith.index_cast %parallel_loop3A_253 : i32 to index
      %parallel_loop3A_255 = tpu.vector_load %arg4[%parallel_loop3A_254] {strides = array<i32>} : memref<50208xf32, #tpu.memory_space<vmem>>, vector<16xf32>,
      %parallel_loop3A_256 = vector.shape_cast %parallel_loop3A_255 : vector<16xf32> to vector<16xf32>
      %parallel_loop3A_257 = arith.subf %parallel_loop3A_256, %parallel_loop3A_167 : vector<16xf32>
      %parallel_loop3A_258 = math.absf %parallel_loop3A_257 : vector<16xf32>
      %parallel_loop3A_259 = arith.constant 1.000000e-01 : f32
      %parallel_loop3A_260 = vector.broadcast %parallel_loop3A_259 : f32 to vector<16xf32>
      %parallel_loop3A_261 = arith.subf %parallel_loop3A_260, %parallel_loop3A_258 : vector<16xf32>
      %parallel_loop3A_262 = arith.constant 0.000000e+00 : f32
      %parallel_loop3A_263 = vector.broadcast %parallel_loop3A_262 : f32 to vector<16xf32>
      %parallel_loop3A_264 = arith.maximumf %parallel_loop3A_263, %parallel_loop3A_261 : vector<16xf32>
      %parallel_loop3A_265 = arith.addf %parallel_loop3A_249, %parallel_loop3A_264 : vector<16xf32>
      %parallel_loop3A_266 = arith.constant 224 : i32
      %parallel_loop3A_267 = arith.addi %parallel_loop3A_164, %parallel_loop3A_266 : i32
      %parallel_loop3A_268 = arith.constant 0 : i32
      %parallel_loop3A_269 = arith.addi %parallel_loop3A_267, %parallel_loop3A_268 : i32
      %parallel_loop3A_270 = arith.index_cast %parallel_loop3A_269 : i32 to index
      %parallel_loop3A_271 = tpu.vector_load %arg4[%parallel_loop3A_270] {strides = array<i32>} : memref<50208xf32, #tpu.memory_space<vmem>>, vector<16xf32>,
      %parallel_loop3A_272 = vector.shape_cast %parallel_loop3A_271 : vector<16xf32> to vector<16xf32>
      %parallel_loop3A_273 = arith.subf %parallel_loop3A_272, %parallel_loop3A_167 : vector<16xf32>
      %parallel_loop3A_274 = math.absf %parallel_loop3A_273 : vector<16xf32>
      %parallel_loop3A_275 = arith.constant 1.000000e-01 : f32
      %parallel_loop3A_276 = vector.broadcast %parallel_loop3A_275 : f32 to vector<16xf32>
      %parallel_loop3A_277 = arith.subf %parallel_loop3A_276, %parallel_loop3A_274 : vector<16xf32>
      %parallel_loop3A_278 = arith.constant 0.000000e+00 : f32
      %parallel_loop3A_279 = vector.broadcast %parallel_loop3A_278 : f32 to vector<16xf32>
      %parallel_loop3A_280 = arith.maximumf %parallel_loop3A_279, %parallel_loop3A_277 : vector<16xf32>
      %parallel_loop3A_281 = arith.addf %parallel_loop3A_265, %parallel_loop3A_280 : vector<16xf32>
      %parallel_loop3A_282 = arith.constant 224 : i32
      %parallel_loop3A_283 = arith.addi %parallel_loop3A_164, %parallel_loop3A_282 : i32
      %parallel_loop3A_284 = arith.constant 1 : i32
      %parallel_loop3A_285 = arith.addi %parallel_loop3A_283, %parallel_loop3A_284 : i32
      %parallel_loop3A_286 = arith.index_cast %parallel_loop3A_285 : i32 to index
      %parallel_loop3A_287 = tpu.vector_load %arg4[%parallel_loop3A_286] {strides = array<i32>} : memref<50208xf32, #tpu.memory_space<vmem>>, vector<16xf32>,
      %parallel_loop3A_288 = vector.shape_cast %parallel_loop3A_287 : vector<16xf32> to vector<16xf32>
      %parallel_loop3A_289 = arith.subf %parallel_loop3A_288, %parallel_loop3A_167 : vector<16xf32>
      %parallel_loop3A_290 = math.absf %parallel_loop3A_289 : vector<16xf32>
      %parallel_loop3A_291 = arith.constant 1.000000e-01 : f32
      %parallel_loop3A_292 = vector.broadcast %parallel_loop3A_291 : f32 to vector<16xf32>
      %parallel_loop3A_293 = arith.subf %parallel_loop3A_292, %parallel_loop3A_290 : vector<16xf32>
      %parallel_loop3A_294 = arith.constant 0.000000e+00 : f32
      %parallel_loop3A_295 = vector.broadcast %parallel_loop3A_294 : f32 to vector<16xf32>
      %parallel_loop3A_296 = arith.maximumf %parallel_loop3A_295, %parallel_loop3A_293 : vector<16xf32>
      %parallel_loop3A_297 = arith.addf %parallel_loop3A_281, %parallel_loop3A_296 : vector<16xf32>
      %parallel_loop3A_298 = arith.constant 1.11111116 : f32
      %parallel_loop3A_299 = vector.broadcast %parallel_loop3A_298 : f32 to vector<16xf32>
      %parallel_loop3A_300 = arith.mulf %parallel_loop3A_297, %parallel_loop3A_299 : vector<16xf32>
      %parallel_loop3A_301 = arith.constant 0.111111112 : f32
      %parallel_loop3A_302 = vector.broadcast %parallel_loop3A_301 : f32 to vector<16xf32>
      %parallel_loop3A_303 = arith.addf %parallel_loop3A_300, %parallel_loop3A_302 : vector<16xf32>
      %parallel_loop3A_304 = arith.constant 224 : i32
      %parallel_loop3A_305 = arith.muli %parallel_loop3A_158, %parallel_loop3A_304 : i32
      %parallel_loop3A_306 = arith.constant 176 : i32
      %parallel_loop3A_307 = arith.addi %parallel_loop3A_305, %parallel_loop3A_306 : i32
      %parallel_loop3A_308 = arith.index_cast %parallel_loop3A_307 : i32 to index
      %parallel_loop3A_309 = tpu.vector_load %arg5[%parallel_loop3A_308] {strides = array<i32>} : memref<50176xf32, #tpu.memory_space<vmem>>, vector<16xf32>,
      %parallel_loop3A_310 = vector.shape_cast %parallel_loop3A_309 : vector<16xf32> to vector<16xf32>
      %parallel_loop3A_311 = vector.shape_cast %parallel_loop3A_303 : vector<16xf32> to vector<16xf32>
      tpu.vector_store %arg5[%parallel_loop3A_308], %parallel_loop3A_311 {strides = array<i32>} : memref<50176xf32, #tpu.memory_space<vmem>>, vector<16xf32>,
    } {sc.loop_unroll_factor = 3 : i64, sc.parallel_access}
    %parallel_loop3A_152 = arith.constant 1 : i32
    %parallel_loop3A_153 = arith.constant 223 : i32
    %parallel_loop3A_154 = arith.constant 1 : i32
    scf.for %parallel_loop3A_158 = %parallel_loop3A_152 to %parallel_loop3A_153 step %parallel_loop3A_154  : i32 {
      %parallel_loop3A_159 = arith.constant 224 : i32
      %parallel_loop3A_160 = arith.muli %parallel_loop3A_158, %parallel_loop3A_159 : i32
      %parallel_loop3A_161 = arith.constant 192 : i32
      %parallel_loop3A_162 = arith.addi %parallel_loop3A_160, %parallel_loop3A_161 : i32
      %parallel_loop3A_163 = arith.constant 16 : i32
      %parallel_loop3A_164 = arith.addi %parallel_loop3A_162, %parallel_loop3A_163 : i32
      %parallel_loop3A_165 = arith.index_cast %parallel_loop3A_164 : i32 to index
      %parallel_loop3A_166 = tpu.vector_load %arg4[%parallel_loop3A_165] {strides = array<i32>} : memref<50208xf32, #tpu.memory_space<vmem>>, vector<16xf32>,
      %parallel_loop3A_167 = vector.shape_cast %parallel_loop3A_166 : vector<16xf32> to vector<16xf32>
      %parallel_loop3A_168 = arith.constant 0.000000e+00 : f32
      %parallel_loop3A_169 = vector.broadcast %parallel_loop3A_168 : f32 to vector<16xf32>
      %parallel_loop3A_170 = arith.constant -224 : i32
      %parallel_loop3A_171 = arith.addi %parallel_loop3A_164, %parallel_loop3A_170 : i32
      %parallel_loop3A_172 = arith.constant -1 : i32
      %parallel_loop3A_173 = arith.addi %parallel_loop3A_171, %parallel_loop3A_172 : i32
      %parallel_loop3A_174 = arith.index_cast %parallel_loop3A_173 : i32 to index
      %parallel_loop3A_175 = tpu.vector_load %arg4[%parallel_loop3A_174] {strides = array<i32>} : memref<50208xf32, #tpu.memory_space<vmem>>, vector<16xf32>,
      %parallel_loop3A_176 = vector.shape_cast %parallel_loop3A_175 : vector<16xf32> to vector<16xf32>
      %parallel_loop3A_177 = arith.subf %parallel_loop3A_167, %parallel_loop3A_176 : vector<16xf32>
      %parallel_loop3A_178 = math.absf %parallel_loop3A_177 : vector<16xf32>
      %parallel_loop3A_179 = arith.constant 1.000000e-01 : f32
      %parallel_loop3A_180 = vector.broadcast %parallel_loop3A_179 : f32 to vector<16xf32>
      %parallel_loop3A_181 = arith.subf %parallel_loop3A_180, %parallel_loop3A_178 : vector<16xf32>
      %parallel_loop3A_182 = arith.constant 0.000000e+00 : f32
      %parallel_loop3A_183 = vector.broadcast %parallel_loop3A_182 : f32 to vector<16xf32>
      %parallel_loop3A_184 = arith.maximumf %parallel_loop3A_183, %parallel_loop3A_181 : vector<16xf32>
      %parallel_loop3A_185 = arith.addf %parallel_loop3A_169, %parallel_loop3A_184 : vector<16xf32>
      %parallel_loop3A_186 = arith.constant -224 : i32
      %parallel_loop3A_187 = arith.addi %parallel_loop3A_164, %parallel_loop3A_186 : i32
      %parallel_loop3A_188 = arith.constant 0 : i32
      %parallel_loop3A_189 = arith.addi %parallel_loop3A_187, %parallel_loop3A_188 : i32
      %parallel_loop3A_190 = arith.index_cast %parallel_loop3A_189 : i32 to index
      %parallel_loop3A_191 = tpu.vector_load %arg4[%parallel_loop3A_190] {strides = array<i32>} : memref<50208xf32, #tpu.memory_space<vmem>>, vector<16xf32>,
      %parallel_loop3A_192 = vector.shape_cast %parallel_loop3A_191 : vector<16xf32> to vector<16xf32>
      %parallel_loop3A_193 = arith.subf %parallel_loop3A_167, %parallel_loop3A_192 : vector<16xf32>
      %parallel_loop3A_194 = math.absf %parallel_loop3A_193 : vector<16xf32>
      %parallel_loop3A_195 = arith.constant 1.000000e-01 : f32
      %parallel_loop3A_196 = vector.broadcast %parallel_loop3A_195 : f32 to vector<16xf32>
      %parallel_loop3A_197 = arith.subf %parallel_loop3A_196, %parallel_loop3A_194 : vector<16xf32>
      %parallel_loop3A_198 = arith.constant 0.000000e+00 : f32
      %parallel_loop3A_199 = vector.broadcast %parallel_loop3A_198 : f32 to vector<16xf32>
      %parallel_loop3A_200 = arith.maximumf %parallel_loop3A_199, %parallel_loop3A_197 : vector<16xf32>
      %parallel_loop3A_201 = arith.addf %parallel_loop3A_185, %parallel_loop3A_200 : vector<16xf32>
      %parallel_loop3A_202 = arith.constant -224 : i32
      %parallel_loop3A_203 = arith.addi %parallel_loop3A_164, %parallel_loop3A_202 : i32
      %parallel_loop3A_204 = arith.constant 1 : i32
      %parallel_loop3A_205 = arith.addi %parallel_loop3A_203, %parallel_loop3A_204 : i32
      %parallel_loop3A_206 = arith.index_cast %parallel_loop3A_205 : i32 to index
      %parallel_loop3A_207 = tpu.vector_load %arg4[%parallel_loop3A_206] {strides = array<i32>} : memref<50208xf32, #tpu.memory_space<vmem>>, vector<16xf32>,
      %parallel_loop3A_208 = vector.shape_cast %parallel_loop3A_207 : vector<16xf32> to vector<16xf32>
      %parallel_loop3A_209 = arith.subf %parallel_loop3A_167, %parallel_loop3A_208 : vector<16xf32>
      %parallel_loop3A_210 = math.absf %parallel_loop3A_209 : vector<16xf32>
      %parallel_loop3A_211 = arith.constant 1.000000e-01 : f32
      %parallel_loop3A_212 = vector.broadcast %parallel_loop3A_211 : f32 to vector<16xf32>
      %parallel_loop3A_213 = arith.subf %parallel_loop3A_212, %parallel_loop3A_210 : vector<16xf32>
      %parallel_loop3A_214 = arith.constant 0.000000e+00 : f32
      %parallel_loop3A_215 = vector.broadcast %parallel_loop3A_214 : f32 to vector<16xf32>
      %parallel_loop3A_216 = arith.maximumf %parallel_loop3A_215, %parallel_loop3A_213 : vector<16xf32>
      %parallel_loop3A_217 = arith.addf %parallel_loop3A_201, %parallel_loop3A_216 : vector<16xf32>
      %parallel_loop3A_218 = arith.constant 0 : i32
      %parallel_loop3A_219 = arith.addi %parallel_loop3A_164, %parallel_loop3A_218 : i32
      %parallel_loop3A_220 = arith.constant -1 : i32
      %parallel_loop3A_221 = arith.addi %parallel_loop3A_219, %parallel_loop3A_220 : i32
      %parallel_loop3A_222 = arith.index_cast %parallel_loop3A_221 : i32 to index
      %parallel_loop3A_223 = tpu.vector_load %arg4[%parallel_loop3A_222] {strides = array<i32>} : memref<50208xf32, #tpu.memory_space<vmem>>, vector<16xf32>,
      %parallel_loop3A_224 = vector.shape_cast %parallel_loop3A_223 : vector<16xf32> to vector<16xf32>
      %parallel_loop3A_225 = arith.subf %parallel_loop3A_167, %parallel_loop3A_224 : vector<16xf32>
      %parallel_loop3A_226 = math.absf %parallel_loop3A_225 : vector<16xf32>
      %parallel_loop3A_227 = arith.constant 1.000000e-01 : f32
      %parallel_loop3A_228 = vector.broadcast %parallel_loop3A_227 : f32 to vector<16xf32>
      %parallel_loop3A_229 = arith.subf %parallel_loop3A_228, %parallel_loop3A_226 : vector<16xf32>
      %parallel_loop3A_230 = arith.constant 0.000000e+00 : f32
      %parallel_loop3A_231 = vector.broadcast %parallel_loop3A_230 : f32 to vector<16xf32>
      %parallel_loop3A_232 = arith.maximumf %parallel_loop3A_231, %parallel_loop3A_229 : vector<16xf32>
      %parallel_loop3A_233 = arith.addf %parallel_loop3A_217, %parallel_loop3A_232 : vector<16xf32>
      %parallel_loop3A_234 = arith.constant 0 : i32
      %parallel_loop3A_235 = arith.addi %parallel_loop3A_164, %parallel_loop3A_234 : i32
      %parallel_loop3A_236 = arith.constant 1 : i32
      %parallel_loop3A_237 = arith.addi %parallel_loop3A_235, %parallel_loop3A_236 : i32
      %parallel_loop3A_238 = arith.index_cast %parallel_loop3A_237 : i32 to index
      %parallel_loop3A_239 = tpu.vector_load %arg4[%parallel_loop3A_238] {strides = array<i32>} : memref<50208xf32, #tpu.memory_space<vmem>>, vector<16xf32>,
      %parallel_loop3A_240 = vector.shape_cast %parallel_loop3A_239 : vector<16xf32> to vector<16xf32>
      %parallel_loop3A_241 = arith.subf %parallel_loop3A_240, %parallel_loop3A_167 : vector<16xf32>
      %parallel_loop3A_242 = math.absf %parallel_loop3A_241 : vector<16xf32>
      %parallel_loop3A_243 = arith.constant 1.000000e-01 : f32
      %parallel_loop3A_244 = vector.broadcast %parallel_loop3A_243 : f32 to vector<16xf32>
      %parallel_loop3A_245 = arith.subf %parallel_loop3A_244, %parallel_loop3A_242 : vector<16xf32>
      %parallel_loop3A_246 = arith.constant 0.000000e+00 : f32
      %parallel_loop3A_247 = vector.broadcast %parallel_loop3A_246 : f32 to vector<16xf32>
      %parallel_loop3A_248 = arith.maximumf %parallel_loop3A_247, %parallel_loop3A_245 : vector<16xf32>
      %parallel_loop3A_249 = arith.addf %parallel_loop3A_233, %parallel_loop3A_248 : vector<16xf32>
      %parallel_loop3A_250 = arith.constant 224 : i32
      %parallel_loop3A_251 = arith.addi %parallel_loop3A_164, %parallel_loop3A_250 : i32
      %parallel_loop3A_252 = arith.constant -1 : i32
      %parallel_loop3A_253 = arith.addi %parallel_loop3A_251, %parallel_loop3A_252 : i32
      %parallel_loop3A_254 = arith.index_cast %parallel_loop3A_253 : i32 to index
      %parallel_loop3A_255 = tpu.vector_load %arg4[%parallel_loop3A_254] {strides = array<i32>} : memref<50208xf32, #tpu.memory_space<vmem>>, vector<16xf32>,
      %parallel_loop3A_256 = vector.shape_cast %parallel_loop3A_255 : vector<16xf32> to vector<16xf32>
      %parallel_loop3A_257 = arith.subf %parallel_loop3A_256, %parallel_loop3A_167 : vector<16xf32>
      %parallel_loop3A_258 = math.absf %parallel_loop3A_257 : vector<16xf32>
      %parallel_loop3A_259 = arith.constant 1.000000e-01 : f32
      %parallel_loop3A_260 = vector.broadcast %parallel_loop3A_259 : f32 to vector<16xf32>
      %parallel_loop3A_261 = arith.subf %parallel_loop3A_260, %parallel_loop3A_258 : vector<16xf32>
      %parallel_loop3A_262 = arith.constant 0.000000e+00 : f32
      %parallel_loop3A_263 = vector.broadcast %parallel_loop3A_262 : f32 to vector<16xf32>
      %parallel_loop3A_264 = arith.maximumf %parallel_loop3A_263, %parallel_loop3A_261 : vector<16xf32>
      %parallel_loop3A_265 = arith.addf %parallel_loop3A_249, %parallel_loop3A_264 : vector<16xf32>
      %parallel_loop3A_266 = arith.constant 224 : i32
      %parallel_loop3A_267 = arith.addi %parallel_loop3A_164, %parallel_loop3A_266 : i32
      %parallel_loop3A_268 = arith.constant 0 : i32
      %parallel_loop3A_269 = arith.addi %parallel_loop3A_267, %parallel_loop3A_268 : i32
      %parallel_loop3A_270 = arith.index_cast %parallel_loop3A_269 : i32 to index
      %parallel_loop3A_271 = tpu.vector_load %arg4[%parallel_loop3A_270] {strides = array<i32>} : memref<50208xf32, #tpu.memory_space<vmem>>, vector<16xf32>,
      %parallel_loop3A_272 = vector.shape_cast %parallel_loop3A_271 : vector<16xf32> to vector<16xf32>
      %parallel_loop3A_273 = arith.subf %parallel_loop3A_272, %parallel_loop3A_167 : vector<16xf32>
      %parallel_loop3A_274 = math.absf %parallel_loop3A_273 : vector<16xf32>
      %parallel_loop3A_275 = arith.constant 1.000000e-01 : f32
      %parallel_loop3A_276 = vector.broadcast %parallel_loop3A_275 : f32 to vector<16xf32>
      %parallel_loop3A_277 = arith.subf %parallel_loop3A_276, %parallel_loop3A_274 : vector<16xf32>
      %parallel_loop3A_278 = arith.constant 0.000000e+00 : f32
      %parallel_loop3A_279 = vector.broadcast %parallel_loop3A_278 : f32 to vector<16xf32>
      %parallel_loop3A_280 = arith.maximumf %parallel_loop3A_279, %parallel_loop3A_277 : vector<16xf32>
      %parallel_loop3A_281 = arith.addf %parallel_loop3A_265, %parallel_loop3A_280 : vector<16xf32>
      %parallel_loop3A_282 = arith.constant 224 : i32
      %parallel_loop3A_283 = arith.addi %parallel_loop3A_164, %parallel_loop3A_282 : i32
      %parallel_loop3A_284 = arith.constant 1 : i32
      %parallel_loop3A_285 = arith.addi %parallel_loop3A_283, %parallel_loop3A_284 : i32
      %parallel_loop3A_286 = arith.index_cast %parallel_loop3A_285 : i32 to index
      %parallel_loop3A_287 = tpu.vector_load %arg4[%parallel_loop3A_286] {strides = array<i32>} : memref<50208xf32, #tpu.memory_space<vmem>>, vector<16xf32>,
      %parallel_loop3A_288 = vector.shape_cast %parallel_loop3A_287 : vector<16xf32> to vector<16xf32>
      %parallel_loop3A_289 = arith.subf %parallel_loop3A_288, %parallel_loop3A_167 : vector<16xf32>
      %parallel_loop3A_290 = math.absf %parallel_loop3A_289 : vector<16xf32>
      %parallel_loop3A_291 = arith.constant 1.000000e-01 : f32
      %parallel_loop3A_292 = vector.broadcast %parallel_loop3A_291 : f32 to vector<16xf32>
      %parallel_loop3A_293 = arith.subf %parallel_loop3A_292, %parallel_loop3A_290 : vector<16xf32>
      %parallel_loop3A_294 = arith.constant 0.000000e+00 : f32
      %parallel_loop3A_295 = vector.broadcast %parallel_loop3A_294 : f32 to vector<16xf32>
      %parallel_loop3A_296 = arith.maximumf %parallel_loop3A_295, %parallel_loop3A_293 : vector<16xf32>
      %parallel_loop3A_297 = arith.addf %parallel_loop3A_281, %parallel_loop3A_296 : vector<16xf32>
      %parallel_loop3A_298 = arith.constant 1.11111116 : f32
      %parallel_loop3A_299 = vector.broadcast %parallel_loop3A_298 : f32 to vector<16xf32>
      %parallel_loop3A_300 = arith.mulf %parallel_loop3A_297, %parallel_loop3A_299 : vector<16xf32>
      %parallel_loop3A_301 = arith.constant 0.111111112 : f32
      %parallel_loop3A_302 = vector.broadcast %parallel_loop3A_301 : f32 to vector<16xf32>
      %parallel_loop3A_303 = arith.addf %parallel_loop3A_300, %parallel_loop3A_302 : vector<16xf32>
      %parallel_loop3A_304 = arith.constant 224 : i32
      %parallel_loop3A_305 = arith.muli %parallel_loop3A_158, %parallel_loop3A_304 : i32
      %parallel_loop3A_306 = arith.constant 192 : i32
      %parallel_loop3A_307 = arith.addi %parallel_loop3A_305, %parallel_loop3A_306 : i32
      %parallel_loop3A_308 = arith.index_cast %parallel_loop3A_307 : i32 to index
      %parallel_loop3A_309 = tpu.vector_load %arg5[%parallel_loop3A_308] {strides = array<i32>} : memref<50176xf32, #tpu.memory_space<vmem>>, vector<16xf32>,
      %parallel_loop3A_310 = vector.shape_cast %parallel_loop3A_309 : vector<16xf32> to vector<16xf32>
      %parallel_loop3A_311 = vector.shape_cast %parallel_loop3A_303 : vector<16xf32> to vector<16xf32>
      tpu.vector_store %arg5[%parallel_loop3A_308], %parallel_loop3A_311 {strides = array<i32>} : memref<50176xf32, #tpu.memory_space<vmem>>, vector<16xf32>,
    } {sc.loop_unroll_factor = 3 : i64, sc.parallel_access}
    %parallel_loop3A_155 = arith.constant 1 : i32
    %parallel_loop3A_156 = arith.constant 223 : i32
    %parallel_loop3A_157 = arith.constant 1 : i32
    scf.for %parallel_loop3A_158 = %parallel_loop3A_155 to %parallel_loop3A_156 step %parallel_loop3A_157  : i32 {
      %parallel_loop3A_159 = arith.constant 224 : i32
      %parallel_loop3A_160 = arith.muli %parallel_loop3A_158, %parallel_loop3A_159 : i32
      %parallel_loop3A_161 = arith.constant 208 : i32
      %parallel_loop3A_162 = arith.addi %parallel_loop3A_160, %parallel_loop3A_161 : i32
      %parallel_loop3A_163 = arith.constant 16 : i32
      %parallel_loop3A_164 = arith.addi %parallel_loop3A_162, %parallel_loop3A_163 : i32
      %parallel_loop3A_165 = arith.index_cast %parallel_loop3A_164 : i32 to index
      %parallel_loop3A_166 = tpu.vector_load %arg4[%parallel_loop3A_165] {strides = array<i32>} : memref<50208xf32, #tpu.memory_space<vmem>>, vector<16xf32>,
      %parallel_loop3A_167 = vector.shape_cast %parallel_loop3A_166 : vector<16xf32> to vector<16xf32>
      %parallel_loop3A_168 = arith.constant 0.000000e+00 : f32
      %parallel_loop3A_169 = vector.broadcast %parallel_loop3A_168 : f32 to vector<16xf32>
      %parallel_loop3A_170 = arith.constant -224 : i32
      %parallel_loop3A_171 = arith.addi %parallel_loop3A_164, %parallel_loop3A_170 : i32
      %parallel_loop3A_172 = arith.constant -1 : i32
      %parallel_loop3A_173 = arith.addi %parallel_loop3A_171, %parallel_loop3A_172 : i32
      %parallel_loop3A_174 = arith.index_cast %parallel_loop3A_173 : i32 to index
      %parallel_loop3A_175 = tpu.vector_load %arg4[%parallel_loop3A_174] {strides = array<i32>} : memref<50208xf32, #tpu.memory_space<vmem>>, vector<16xf32>,
      %parallel_loop3A_176 = vector.shape_cast %parallel_loop3A_175 : vector<16xf32> to vector<16xf32>
      %parallel_loop3A_177 = arith.subf %parallel_loop3A_167, %parallel_loop3A_176 : vector<16xf32>
      %parallel_loop3A_178 = math.absf %parallel_loop3A_177 : vector<16xf32>
      %parallel_loop3A_179 = arith.constant 1.000000e-01 : f32
      %parallel_loop3A_180 = vector.broadcast %parallel_loop3A_179 : f32 to vector<16xf32>
      %parallel_loop3A_181 = arith.subf %parallel_loop3A_180, %parallel_loop3A_178 : vector<16xf32>
      %parallel_loop3A_182 = arith.constant 0.000000e+00 : f32
      %parallel_loop3A_183 = vector.broadcast %parallel_loop3A_182 : f32 to vector<16xf32>
      %parallel_loop3A_184 = arith.maximumf %parallel_loop3A_183, %parallel_loop3A_181 : vector<16xf32>
      %parallel_loop3A_185 = arith.addf %parallel_loop3A_169, %parallel_loop3A_184 : vector<16xf32>
      %parallel_loop3A_186 = arith.constant -224 : i32
      %parallel_loop3A_187 = arith.addi %parallel_loop3A_164, %parallel_loop3A_186 : i32
      %parallel_loop3A_188 = arith.constant 0 : i32
      %parallel_loop3A_189 = arith.addi %parallel_loop3A_187, %parallel_loop3A_188 : i32
      %parallel_loop3A_190 = arith.index_cast %parallel_loop3A_189 : i32 to index
      %parallel_loop3A_191 = tpu.vector_load %arg4[%parallel_loop3A_190] {strides = array<i32>} : memref<50208xf32, #tpu.memory_space<vmem>>, vector<16xf32>,
      %parallel_loop3A_192 = vector.shape_cast %parallel_loop3A_191 : vector<16xf32> to vector<16xf32>
      %parallel_loop3A_193 = arith.subf %parallel_loop3A_167, %parallel_loop3A_192 : vector<16xf32>
      %parallel_loop3A_194 = math.absf %parallel_loop3A_193 : vector<16xf32>
      %parallel_loop3A_195 = arith.constant 1.000000e-01 : f32
      %parallel_loop3A_196 = vector.broadcast %parallel_loop3A_195 : f32 to vector<16xf32>
      %parallel_loop3A_197 = arith.subf %parallel_loop3A_196, %parallel_loop3A_194 : vector<16xf32>
      %parallel_loop3A_198 = arith.constant 0.000000e+00 : f32
      %parallel_loop3A_199 = vector.broadcast %parallel_loop3A_198 : f32 to vector<16xf32>
      %parallel_loop3A_200 = arith.maximumf %parallel_loop3A_199, %parallel_loop3A_197 : vector<16xf32>
      %parallel_loop3A_201 = arith.addf %parallel_loop3A_185, %parallel_loop3A_200 : vector<16xf32>
      %parallel_loop3A_202 = arith.constant -224 : i32
      %parallel_loop3A_203 = arith.addi %parallel_loop3A_164, %parallel_loop3A_202 : i32
      %parallel_loop3A_204 = arith.constant 1 : i32
      %parallel_loop3A_205 = arith.addi %parallel_loop3A_203, %parallel_loop3A_204 : i32
      %parallel_loop3A_206 = arith.index_cast %parallel_loop3A_205 : i32 to index
      %parallel_loop3A_207 = tpu.vector_load %arg4[%parallel_loop3A_206] {strides = array<i32>} : memref<50208xf32, #tpu.memory_space<vmem>>, vector<16xf32>,
      %parallel_loop3A_208 = vector.shape_cast %parallel_loop3A_207 : vector<16xf32> to vector<16xf32>
      %parallel_loop3A_209 = arith.subf %parallel_loop3A_167, %parallel_loop3A_208 : vector<16xf32>
      %parallel_loop3A_210 = math.absf %parallel_loop3A_209 : vector<16xf32>
      %parallel_loop3A_211 = arith.constant 1.000000e-01 : f32
      %parallel_loop3A_212 = vector.broadcast %parallel_loop3A_211 : f32 to vector<16xf32>
      %parallel_loop3A_213 = arith.subf %parallel_loop3A_212, %parallel_loop3A_210 : vector<16xf32>
      %parallel_loop3A_214 = arith.constant 0.000000e+00 : f32
      %parallel_loop3A_215 = vector.broadcast %parallel_loop3A_214 : f32 to vector<16xf32>
      %parallel_loop3A_216 = arith.maximumf %parallel_loop3A_215, %parallel_loop3A_213 : vector<16xf32>
      %parallel_loop3A_217 = arith.addf %parallel_loop3A_201, %parallel_loop3A_216 : vector<16xf32>
      %parallel_loop3A_218 = arith.constant 0 : i32
      %parallel_loop3A_219 = arith.addi %parallel_loop3A_164, %parallel_loop3A_218 : i32
      %parallel_loop3A_220 = arith.constant -1 : i32
      %parallel_loop3A_221 = arith.addi %parallel_loop3A_219, %parallel_loop3A_220 : i32
      %parallel_loop3A_222 = arith.index_cast %parallel_loop3A_221 : i32 to index
      %parallel_loop3A_223 = tpu.vector_load %arg4[%parallel_loop3A_222] {strides = array<i32>} : memref<50208xf32, #tpu.memory_space<vmem>>, vector<16xf32>,
      %parallel_loop3A_224 = vector.shape_cast %parallel_loop3A_223 : vector<16xf32> to vector<16xf32>
      %parallel_loop3A_225 = arith.subf %parallel_loop3A_167, %parallel_loop3A_224 : vector<16xf32>
      %parallel_loop3A_226 = math.absf %parallel_loop3A_225 : vector<16xf32>
      %parallel_loop3A_227 = arith.constant 1.000000e-01 : f32
      %parallel_loop3A_228 = vector.broadcast %parallel_loop3A_227 : f32 to vector<16xf32>
      %parallel_loop3A_229 = arith.subf %parallel_loop3A_228, %parallel_loop3A_226 : vector<16xf32>
      %parallel_loop3A_230 = arith.constant 0.000000e+00 : f32
      %parallel_loop3A_231 = vector.broadcast %parallel_loop3A_230 : f32 to vector<16xf32>
      %parallel_loop3A_232 = arith.maximumf %parallel_loop3A_231, %parallel_loop3A_229 : vector<16xf32>
      %parallel_loop3A_233 = arith.addf %parallel_loop3A_217, %parallel_loop3A_232 : vector<16xf32>
      %parallel_loop3A_234 = arith.constant 0 : i32
      %parallel_loop3A_235 = arith.addi %parallel_loop3A_164, %parallel_loop3A_234 : i32
      %parallel_loop3A_236 = arith.constant 1 : i32
      %parallel_loop3A_237 = arith.addi %parallel_loop3A_235, %parallel_loop3A_236 : i32
      %parallel_loop3A_238 = arith.index_cast %parallel_loop3A_237 : i32 to index
      %parallel_loop3A_239 = tpu.vector_load %arg4[%parallel_loop3A_238] {strides = array<i32>} : memref<50208xf32, #tpu.memory_space<vmem>>, vector<16xf32>,
      %parallel_loop3A_240 = vector.shape_cast %parallel_loop3A_239 : vector<16xf32> to vector<16xf32>
      %parallel_loop3A_241 = arith.subf %parallel_loop3A_240, %parallel_loop3A_167 : vector<16xf32>
      %parallel_loop3A_242 = math.absf %parallel_loop3A_241 : vector<16xf32>
      %parallel_loop3A_243 = arith.constant 1.000000e-01 : f32
      %parallel_loop3A_244 = vector.broadcast %parallel_loop3A_243 : f32 to vector<16xf32>
      %parallel_loop3A_245 = arith.subf %parallel_loop3A_244, %parallel_loop3A_242 : vector<16xf32>
      %parallel_loop3A_246 = arith.constant 0.000000e+00 : f32
      %parallel_loop3A_247 = vector.broadcast %parallel_loop3A_246 : f32 to vector<16xf32>
      %parallel_loop3A_248 = arith.maximumf %parallel_loop3A_247, %parallel_loop3A_245 : vector<16xf32>
      %parallel_loop3A_249 = arith.addf %parallel_loop3A_233, %parallel_loop3A_248 : vector<16xf32>
      %parallel_loop3A_250 = arith.constant 224 : i32
      %parallel_loop3A_251 = arith.addi %parallel_loop3A_164, %parallel_loop3A_250 : i32
      %parallel_loop3A_252 = arith.constant -1 : i32
      %parallel_loop3A_253 = arith.addi %parallel_loop3A_251, %parallel_loop3A_252 : i32
      %parallel_loop3A_254 = arith.index_cast %parallel_loop3A_253 : i32 to index
      %parallel_loop3A_255 = tpu.vector_load %arg4[%parallel_loop3A_254] {strides = array<i32>} : memref<50208xf32, #tpu.memory_space<vmem>>, vector<16xf32>,
      %parallel_loop3A_256 = vector.shape_cast %parallel_loop3A_255 : vector<16xf32> to vector<16xf32>
      %parallel_loop3A_257 = arith.subf %parallel_loop3A_256, %parallel_loop3A_167 : vector<16xf32>
      %parallel_loop3A_258 = math.absf %parallel_loop3A_257 : vector<16xf32>
      %parallel_loop3A_259 = arith.constant 1.000000e-01 : f32
      %parallel_loop3A_260 = vector.broadcast %parallel_loop3A_259 : f32 to vector<16xf32>
      %parallel_loop3A_261 = arith.subf %parallel_loop3A_260, %parallel_loop3A_258 : vector<16xf32>
      %parallel_loop3A_262 = arith.constant 0.000000e+00 : f32
      %parallel_loop3A_263 = vector.broadcast %parallel_loop3A_262 : f32 to vector<16xf32>
      %parallel_loop3A_264 = arith.maximumf %parallel_loop3A_263, %parallel_loop3A_261 : vector<16xf32>
      %parallel_loop3A_265 = arith.addf %parallel_loop3A_249, %parallel_loop3A_264 : vector<16xf32>
      %parallel_loop3A_266 = arith.constant 224 : i32
      %parallel_loop3A_267 = arith.addi %parallel_loop3A_164, %parallel_loop3A_266 : i32
      %parallel_loop3A_268 = arith.constant 0 : i32
      %parallel_loop3A_269 = arith.addi %parallel_loop3A_267, %parallel_loop3A_268 : i32
      %parallel_loop3A_270 = arith.index_cast %parallel_loop3A_269 : i32 to index
      %parallel_loop3A_271 = tpu.vector_load %arg4[%parallel_loop3A_270] {strides = array<i32>} : memref<50208xf32, #tpu.memory_space<vmem>>, vector<16xf32>,
      %parallel_loop3A_272 = vector.shape_cast %parallel_loop3A_271 : vector<16xf32> to vector<16xf32>
      %parallel_loop3A_273 = arith.subf %parallel_loop3A_272, %parallel_loop3A_167 : vector<16xf32>
      %parallel_loop3A_274 = math.absf %parallel_loop3A_273 : vector<16xf32>
      %parallel_loop3A_275 = arith.constant 1.000000e-01 : f32
      %parallel_loop3A_276 = vector.broadcast %parallel_loop3A_275 : f32 to vector<16xf32>
      %parallel_loop3A_277 = arith.subf %parallel_loop3A_276, %parallel_loop3A_274 : vector<16xf32>
      %parallel_loop3A_278 = arith.constant 0.000000e+00 : f32
      %parallel_loop3A_279 = vector.broadcast %parallel_loop3A_278 : f32 to vector<16xf32>
      %parallel_loop3A_280 = arith.maximumf %parallel_loop3A_279, %parallel_loop3A_277 : vector<16xf32>
      %parallel_loop3A_281 = arith.addf %parallel_loop3A_265, %parallel_loop3A_280 : vector<16xf32>
      %parallel_loop3A_282 = arith.constant 224 : i32
      %parallel_loop3A_283 = arith.addi %parallel_loop3A_164, %parallel_loop3A_282 : i32
      %parallel_loop3A_284 = arith.constant 1 : i32
      %parallel_loop3A_285 = arith.addi %parallel_loop3A_283, %parallel_loop3A_284 : i32
      %parallel_loop3A_286 = arith.index_cast %parallel_loop3A_285 : i32 to index
      %parallel_loop3A_287 = tpu.vector_load %arg4[%parallel_loop3A_286] {strides = array<i32>} : memref<50208xf32, #tpu.memory_space<vmem>>, vector<16xf32>,
      %parallel_loop3A_288 = vector.shape_cast %parallel_loop3A_287 : vector<16xf32> to vector<16xf32>
      %parallel_loop3A_289 = arith.subf %parallel_loop3A_288, %parallel_loop3A_167 : vector<16xf32>
      %parallel_loop3A_290 = math.absf %parallel_loop3A_289 : vector<16xf32>
      %parallel_loop3A_291 = arith.constant 1.000000e-01 : f32
      %parallel_loop3A_292 = vector.broadcast %parallel_loop3A_291 : f32 to vector<16xf32>
      %parallel_loop3A_293 = arith.subf %parallel_loop3A_292, %parallel_loop3A_290 : vector<16xf32>
      %parallel_loop3A_294 = arith.constant 0.000000e+00 : f32
      %parallel_loop3A_295 = vector.broadcast %parallel_loop3A_294 : f32 to vector<16xf32>
      %parallel_loop3A_296 = arith.maximumf %parallel_loop3A_295, %parallel_loop3A_293 : vector<16xf32>
      %parallel_loop3A_297 = arith.addf %parallel_loop3A_281, %parallel_loop3A_296 : vector<16xf32>
      %parallel_loop3A_298 = arith.constant 1.11111116 : f32
      %parallel_loop3A_299 = vector.broadcast %parallel_loop3A_298 : f32 to vector<16xf32>
      %parallel_loop3A_300 = arith.mulf %parallel_loop3A_297, %parallel_loop3A_299 : vector<16xf32>
      %parallel_loop3A_301 = arith.constant 0.111111112 : f32
      %parallel_loop3A_302 = vector.broadcast %parallel_loop3A_301 : f32 to vector<16xf32>
      %parallel_loop3A_303 = arith.addf %parallel_loop3A_300, %parallel_loop3A_302 : vector<16xf32>
      %parallel_loop3A_304 = arith.constant 14 : i32
      %parallel_loop3A_305 = vector.broadcast %parallel_loop3A_304 : i32 to vector<16xi32>
      %parallel_loop3A_306 = arith.cmpi sle, %iota3A, %parallel_loop3A_305 : vector<16xi32>
      %parallel_loop3A_307 = arith.constant 0.000000e+00 : f32
      %parallel_loop3A_308 = vector.broadcast %parallel_loop3A_307 : f32 to vector<16xf32>
      %parallel_loop3A_309 = arith.select %parallel_loop3A_306, %parallel_loop3A_303, %parallel_loop3A_308 : vector<16xi1>, vector<16xf32>
      %parallel_loop3A_310 = arith.constant 224 : i32
      %parallel_loop3A_311 = arith.muli %parallel_loop3A_158, %parallel_loop3A_310 : i32
      %parallel_loop3A_312 = arith.constant 208 : i32
      %parallel_loop3A_313 = arith.addi %parallel_loop3A_311, %parallel_loop3A_312 : i32
      %parallel_loop3A_314 = arith.index_cast %parallel_loop3A_313 : i32 to index
      %parallel_loop3A_315 = tpu.vector_load %arg5[%parallel_loop3A_314] {strides = array<i32>} : memref<50176xf32, #tpu.memory_space<vmem>>, vector<16xf32>,
      %parallel_loop3A_316 = vector.shape_cast %parallel_loop3A_315 : vector<16xf32> to vector<16xf32>
      %parallel_loop3A_317 = vector.shape_cast %parallel_loop3A_309 : vector<16xf32> to vector<16xf32>
      tpu.vector_store %arg5[%parallel_loop3A_314], %parallel_loop3A_317 {strides = array<i32>} : memref<50176xf32, #tpu.memory_space<vmem>>, vector<16xf32>,
    } {sc.loop_unroll_factor = 3 : i64, sc.parallel_access}
    "tpu.region"() ({
      %run_scoped3A = tpu.sem_alloc : memref<!tpu.dma_semaphore, #tpu.memory_space<semaphore_mem>>
      %dma_start3A = arith.constant 0 : i32
      %dma_start3A_158 = tpu.memref_slice %arg3[%add3A_5, %dma_start3A] : memref<32x50176xf32, #tpu.memory_space<hbm>> -> memref<1x50176xf32, #tpu.memory_space<hbm>>
      %dma_start3A_159 = tpu.memref_squeeze %dma_start3A_158 : memref<1x50176xf32, #tpu.memory_space<hbm>> -> memref<50176xf32, #tpu.memory_space<hbm>>
      %dma_start3A_160 = arith.constant 0 : i32
      %dma_start3A_161 = tpu.memref_slice %arg3[%add3A_5, %dma_start3A_160] : memref<32x50176xf32, #tpu.memory_space<hbm>> -> memref<1x50176xf32, #tpu.memory_space<hbm>>
      %dma_start3A_162 = tpu.memref_squeeze %dma_start3A_161 : memref<1x50176xf32, #tpu.memory_space<hbm>> -> memref<50176xf32, #tpu.memory_space<hbm>>
      tpu.enqueue_dma source(%arg5 : memref<50176xf32, #tpu.memory_space<vmem>>) target(%dma_start3A_162 : memref<50176xf32, #tpu.memory_space<hbm>>) target_semaphore(%run_scoped3A : memref<!tpu.dma_semaphore, #tpu.memory_space<semaphore_mem>>)
      %dma_wait3A = arith.constant 0 : i32
      %dma_wait3A_163 = tpu.memref_slice %arg3[%add3A_5, %dma_wait3A] : memref<32x50176xf32, #tpu.memory_space<hbm>> -> memref<1x50176xf32, #tpu.memory_space<hbm>>
      %dma_wait3A_164 = tpu.memref_squeeze %dma_wait3A_163 : memref<1x50176xf32, #tpu.memory_space<hbm>> -> memref<50176xf32, #tpu.memory_space<hbm>>
      %dma_wait3A_165 = arith.constant 0 : i32
      %dma_wait3A_166 = tpu.memref_slice %arg3[%add3A_5, %dma_wait3A_165] : memref<32x50176xf32, #tpu.memory_space<hbm>> -> memref<1x50176xf32, #tpu.memory_space<hbm>>
      %dma_wait3A_167 = tpu.memref_squeeze %dma_wait3A_166 : memref<1x50176xf32, #tpu.memory_space<hbm>> -> memref<50176xf32, #tpu.memory_space<hbm>>
      tpu.wait_dma2 semaphore(%run_scoped3A : memref<!tpu.dma_semaphore, #tpu.memory_space<semaphore_mem>>) src(%arg5 : memref<50176xf32, #tpu.memory_space<vmem>>) dst(%dma_wait3A_167 : memref<50176xf32, #tpu.memory_space<hbm>>)
      tpu.yield
    }) : () -> ()
    return
  }
}

module attributes {stable_mosaic.version = 14 : i64} {
  func.func @_tc_body(%arg0: i32, %arg1: memref<8x224x224xf32, #tpu.memory_space<vmem>>, %arg2: memref<8x224x224xf32, #tpu.memory_space<vmem>>) attributes {dimension_semantics = [#tpu.dimension_semantics<arbitrary>], iteration_bounds = array<i64: 8>, scalar_prefetch = 0 : i64, scratch_operands = 0 : i64, tpu.core_type = #tpu.core_type<tc>, window_params = [{transform_indices = @transform_0, window_bounds = array<i64: 8, 224, 224>}, {transform_indices = @transform_1, window_bounds = array<i64: 8, 224, 224>}]} {
    %get3A = arith.constant 0 : index
    %get3A_0 = arith.constant 0 : index
    %get3A_1 = arith.constant 0 : index
    %get3A_2 = vector.load %arg1[%get3A, %get3A_0, %get3A_1] : memref<8x224x224xf32, #tpu.memory_space<vmem>>, vector<8x224x224xf32>
    %slice3A = vector.extract_strided_slice %get3A_2 {offsets = [0, 0, 223], sizes = [8, 224, 1], strides = [1, 1, 1]} : vector<8x224x224xf32> to vector<8x224x1xf32>
    %slice3A_3 = vector.extract_strided_slice %get3A_2 {offsets = [0, 0, 0], sizes = [8, 224, 223], strides = [1, 1, 1]} : vector<8x224x224xf32> to vector<8x224x223xf32>
    %concatenate3A = tpu.concatenate %slice3A, %slice3A_3 in 2 : vector<8x224x1xf32>, vector<8x224x223xf32> -> vector<8x224x224xf32>
    %slice3A_4 = vector.extract_strided_slice %get3A_2 {offsets = [0, 0, 1], sizes = [8, 224, 223], strides = [1, 1, 1]} : vector<8x224x224xf32> to vector<8x224x223xf32>
    %slice3A_5 = vector.extract_strided_slice %get3A_2 {offsets = [0, 0, 0], sizes = [8, 224, 1], strides = [1, 1, 1]} : vector<8x224x224xf32> to vector<8x224x1xf32>
    %concatenate3A_6 = tpu.concatenate %slice3A_4, %slice3A_5 in 2 : vector<8x224x223xf32>, vector<8x224x1xf32> -> vector<8x224x224xf32>
    %sub3A = arith.subf %concatenate3A, %get3A_2 : vector<8x224x224xf32>
    %abs3A = math.absf %sub3A : vector<8x224x224xf32>
    %sub3A_7 = arith.constant 1.000000e-01 : f32
    %sub3A_8 = vector.broadcast %sub3A_7 : f32 to vector<8x224x224xf32>
    %sub3A_9 = arith.subf %sub3A_8, %abs3A : vector<8x224x224xf32>
    %max3A = arith.constant 0.000000e+00 : f32
    %max3A_10 = vector.broadcast %max3A : f32 to vector<8x224x224xf32>
    %max3A_11 = arith.maximumf %max3A_10, %sub3A_9 : vector<8x224x224xf32>
    %sub3A_12 = arith.subf %concatenate3A_6, %get3A_2 : vector<8x224x224xf32>
    %abs3A_13 = math.absf %sub3A_12 : vector<8x224x224xf32>
    %sub3A_14 = arith.constant 1.000000e-01 : f32
    %sub3A_15 = vector.broadcast %sub3A_14 : f32 to vector<8x224x224xf32>
    %sub3A_16 = arith.subf %sub3A_15, %abs3A_13 : vector<8x224x224xf32>
    %max3A_17 = arith.constant 0.000000e+00 : f32
    %max3A_18 = vector.broadcast %max3A_17 : f32 to vector<8x224x224xf32>
    %max3A_19 = arith.maximumf %max3A_18, %sub3A_16 : vector<8x224x224xf32>
    %add3A = arith.addf %max3A_11, %max3A_19 : vector<8x224x224xf32>
    %slice3A_20 = vector.extract_strided_slice %get3A_2 {offsets = [0, 223, 0], sizes = [8, 1, 224], strides = [1, 1, 1]} : vector<8x224x224xf32> to vector<8x1x224xf32>
    %slice3A_21 = vector.extract_strided_slice %get3A_2 {offsets = [0, 0, 0], sizes = [8, 223, 224], strides = [1, 1, 1]} : vector<8x224x224xf32> to vector<8x223x224xf32>
    %concatenate3A_22 = tpu.concatenate %slice3A_20, %slice3A_21 in 1 : vector<8x1x224xf32>, vector<8x223x224xf32> -> vector<8x224x224xf32>
    %sub3A_23 = arith.subf %concatenate3A_22, %get3A_2 : vector<8x224x224xf32>
    %abs3A_24 = math.absf %sub3A_23 : vector<8x224x224xf32>
    %sub3A_25 = arith.constant 1.000000e-01 : f32
    %sub3A_26 = vector.broadcast %sub3A_25 : f32 to vector<8x224x224xf32>
    %sub3A_27 = arith.subf %sub3A_26, %abs3A_24 : vector<8x224x224xf32>
    %max3A_28 = arith.constant 0.000000e+00 : f32
    %max3A_29 = vector.broadcast %max3A_28 : f32 to vector<8x224x224xf32>
    %max3A_30 = arith.maximumf %max3A_29, %sub3A_27 : vector<8x224x224xf32>
    %add3A_31 = arith.addf %add3A, %max3A_30 : vector<8x224x224xf32>
    %slice3A_32 = vector.extract_strided_slice %get3A_2 {offsets = [0, 1, 0], sizes = [8, 223, 224], strides = [1, 1, 1]} : vector<8x224x224xf32> to vector<8x223x224xf32>
    %slice3A_33 = vector.extract_strided_slice %get3A_2 {offsets = [0, 0, 0], sizes = [8, 1, 224], strides = [1, 1, 1]} : vector<8x224x224xf32> to vector<8x1x224xf32>
    %concatenate3A_34 = tpu.concatenate %slice3A_32, %slice3A_33 in 1 : vector<8x223x224xf32>, vector<8x1x224xf32> -> vector<8x224x224xf32>
    %sub3A_35 = arith.subf %concatenate3A_34, %get3A_2 : vector<8x224x224xf32>
    %abs3A_36 = math.absf %sub3A_35 : vector<8x224x224xf32>
    %sub3A_37 = arith.constant 1.000000e-01 : f32
    %sub3A_38 = vector.broadcast %sub3A_37 : f32 to vector<8x224x224xf32>
    %sub3A_39 = arith.subf %sub3A_38, %abs3A_36 : vector<8x224x224xf32>
    %max3A_40 = arith.constant 0.000000e+00 : f32
    %max3A_41 = vector.broadcast %max3A_40 : f32 to vector<8x224x224xf32>
    %max3A_42 = arith.maximumf %max3A_41, %sub3A_39 : vector<8x224x224xf32>
    %add3A_43 = arith.addf %add3A_31, %max3A_42 : vector<8x224x224xf32>
    %slice3A_44 = vector.extract_strided_slice %concatenate3A {offsets = [0, 223, 0], sizes = [8, 1, 224], strides = [1, 1, 1]} : vector<8x224x224xf32> to vector<8x1x224xf32>
    %slice3A_45 = vector.extract_strided_slice %concatenate3A {offsets = [0, 0, 0], sizes = [8, 223, 224], strides = [1, 1, 1]} : vector<8x224x224xf32> to vector<8x223x224xf32>
    %concatenate3A_46 = tpu.concatenate %slice3A_44, %slice3A_45 in 1 : vector<8x1x224xf32>, vector<8x223x224xf32> -> vector<8x224x224xf32>
    %sub3A_47 = arith.subf %concatenate3A_46, %get3A_2 : vector<8x224x224xf32>
    %abs3A_48 = math.absf %sub3A_47 : vector<8x224x224xf32>
    %sub3A_49 = arith.constant 1.000000e-01 : f32
    %sub3A_50 = vector.broadcast %sub3A_49 : f32 to vector<8x224x224xf32>
    %sub3A_51 = arith.subf %sub3A_50, %abs3A_48 : vector<8x224x224xf32>
    %max3A_52 = arith.constant 0.000000e+00 : f32
    %max3A_53 = vector.broadcast %max3A_52 : f32 to vector<8x224x224xf32>
    %max3A_54 = arith.maximumf %max3A_53, %sub3A_51 : vector<8x224x224xf32>
    %add3A_55 = arith.addf %add3A_43, %max3A_54 : vector<8x224x224xf32>
    %slice3A_56 = vector.extract_strided_slice %concatenate3A {offsets = [0, 1, 0], sizes = [8, 223, 224], strides = [1, 1, 1]} : vector<8x224x224xf32> to vector<8x223x224xf32>
    %slice3A_57 = vector.extract_strided_slice %concatenate3A {offsets = [0, 0, 0], sizes = [8, 1, 224], strides = [1, 1, 1]} : vector<8x224x224xf32> to vector<8x1x224xf32>
    %concatenate3A_58 = tpu.concatenate %slice3A_56, %slice3A_57 in 1 : vector<8x223x224xf32>, vector<8x1x224xf32> -> vector<8x224x224xf32>
    %sub3A_59 = arith.subf %concatenate3A_58, %get3A_2 : vector<8x224x224xf32>
    %abs3A_60 = math.absf %sub3A_59 : vector<8x224x224xf32>
    %sub3A_61 = arith.constant 1.000000e-01 : f32
    %sub3A_62 = vector.broadcast %sub3A_61 : f32 to vector<8x224x224xf32>
    %sub3A_63 = arith.subf %sub3A_62, %abs3A_60 : vector<8x224x224xf32>
    %max3A_64 = arith.constant 0.000000e+00 : f32
    %max3A_65 = vector.broadcast %max3A_64 : f32 to vector<8x224x224xf32>
    %max3A_66 = arith.maximumf %max3A_65, %sub3A_63 : vector<8x224x224xf32>
    %add3A_67 = arith.addf %add3A_55, %max3A_66 : vector<8x224x224xf32>
    %slice3A_68 = vector.extract_strided_slice %concatenate3A_6 {offsets = [0, 223, 0], sizes = [8, 1, 224], strides = [1, 1, 1]} : vector<8x224x224xf32> to vector<8x1x224xf32>
    %slice3A_69 = vector.extract_strided_slice %concatenate3A_6 {offsets = [0, 0, 0], sizes = [8, 223, 224], strides = [1, 1, 1]} : vector<8x224x224xf32> to vector<8x223x224xf32>
    %concatenate3A_70 = tpu.concatenate %slice3A_68, %slice3A_69 in 1 : vector<8x1x224xf32>, vector<8x223x224xf32> -> vector<8x224x224xf32>
    %sub3A_71 = arith.subf %concatenate3A_70, %get3A_2 : vector<8x224x224xf32>
    %abs3A_72 = math.absf %sub3A_71 : vector<8x224x224xf32>
    %sub3A_73 = arith.constant 1.000000e-01 : f32
    %sub3A_74 = vector.broadcast %sub3A_73 : f32 to vector<8x224x224xf32>
    %sub3A_75 = arith.subf %sub3A_74, %abs3A_72 : vector<8x224x224xf32>
    %max3A_76 = arith.constant 0.000000e+00 : f32
    %max3A_77 = vector.broadcast %max3A_76 : f32 to vector<8x224x224xf32>
    %max3A_78 = arith.maximumf %max3A_77, %sub3A_75 : vector<8x224x224xf32>
    %add3A_79 = arith.addf %add3A_67, %max3A_78 : vector<8x224x224xf32>
    %slice3A_80 = vector.extract_strided_slice %concatenate3A_6 {offsets = [0, 1, 0], sizes = [8, 223, 224], strides = [1, 1, 1]} : vector<8x224x224xf32> to vector<8x223x224xf32>
    %slice3A_81 = vector.extract_strided_slice %concatenate3A_6 {offsets = [0, 0, 0], sizes = [8, 1, 224], strides = [1, 1, 1]} : vector<8x224x224xf32> to vector<8x1x224xf32>
    %concatenate3A_82 = tpu.concatenate %slice3A_80, %slice3A_81 in 1 : vector<8x223x224xf32>, vector<8x1x224xf32> -> vector<8x224x224xf32>
    %sub3A_83 = arith.subf %concatenate3A_82, %get3A_2 : vector<8x224x224xf32>
    %abs3A_84 = math.absf %sub3A_83 : vector<8x224x224xf32>
    %sub3A_85 = arith.constant 1.000000e-01 : f32
    %sub3A_86 = vector.broadcast %sub3A_85 : f32 to vector<8x224x224xf32>
    %sub3A_87 = arith.subf %sub3A_86, %abs3A_84 : vector<8x224x224xf32>
    %max3A_88 = arith.constant 0.000000e+00 : f32
    %max3A_89 = vector.broadcast %max3A_88 : f32 to vector<8x224x224xf32>
    %max3A_90 = arith.maximumf %max3A_89, %sub3A_87 : vector<8x224x224xf32>
    %add3A_91 = arith.addf %add3A_79, %max3A_90 : vector<8x224x224xf32>
    %mul3A = arith.constant 1.11111116 : f32
    %mul3A_92 = vector.broadcast %mul3A : f32 to vector<8x224x224xf32>
    %mul3A_93 = arith.mulf %add3A_91, %mul3A_92 : vector<8x224x224xf32>
    %add3A_94 = arith.constant 0.111111112 : f32
    %add3A_95 = vector.broadcast %add3A_94 : f32 to vector<8x224x224xf32>
    %add3A_96 = arith.addf %mul3A_93, %add3A_95 : vector<8x224x224xf32>
    %iota3A = tpu.iota {dimensions = array<i32: 1>} : vector<8x224x224xi32>
    %iota3A_97 = tpu.iota {dimensions = array<i32: 2>} : vector<8x224x224xi32>
    %ge3A = arith.constant 1 : i32
    %ge3A_98 = vector.broadcast %ge3A : i32 to vector<8x224x224xi32>
    %ge3A_99 = arith.cmpi sge, %iota3A, %ge3A_98 : vector<8x224x224xi32>
    %le3A = arith.constant 222 : i32
    %le3A_100 = vector.broadcast %le3A : i32 to vector<8x224x224xi32>
    %le3A_101 = arith.cmpi sle, %iota3A, %le3A_100 : vector<8x224x224xi32>
    %and3A = arith.andi %ge3A_99, %le3A_101 : vector<8x224x224xi1>
    %ge3A_102 = arith.constant 1 : i32
    %ge3A_103 = vector.broadcast %ge3A_102 : i32 to vector<8x224x224xi32>
    %ge3A_104 = arith.cmpi sge, %iota3A_97, %ge3A_103 : vector<8x224x224xi32>
    %le3A_105 = arith.constant 222 : i32
    %le3A_106 = vector.broadcast %le3A_105 : i32 to vector<8x224x224xi32>
    %le3A_107 = arith.cmpi sle, %iota3A_97, %le3A_106 : vector<8x224x224xi32>
    %and3A_108 = arith.andi %ge3A_104, %le3A_107 : vector<8x224x224xi1>
    %and3A_109 = arith.andi %and3A, %and3A_108 : vector<8x224x224xi1>
    %jit3A = arith.constant 0.000000e+00 : f32
    %broadcast_in_dim3A = vector.broadcast %jit3A : f32 to vector<8x224x224xf32>
    %select_n3A = arith.select %and3A_109, %add3A_96, %broadcast_in_dim3A : vector<8x224x224xi1>, vector<8x224x224xf32>
    %swap3A = arith.constant 0 : index
    %swap3A_110 = arith.constant 0 : index
    %swap3A_111 = arith.constant 0 : index
    %swap3A_112 = vector.load %arg2[%swap3A, %swap3A_110, %swap3A_111] : memref<8x224x224xf32, #tpu.memory_space<vmem>>, vector<8x224x224xf32>
    tpu.vector_store %arg2[%swap3A, %swap3A_110, %swap3A_111], %select_n3A {strides = array<i32>} : memref<8x224x224xf32, #tpu.memory_space<vmem>>, vector<8x224x224xf32>,
    return
  }
  func.func @transform_0(%arg0: i32) -> (i32, i32, i32) {
    %c0_i32 = arith.constant 0 : i32
    %c0_i32_0 = arith.constant 0 : i32
    %c0_i32_1 = arith.constant 0 : i32
    return %arg0, %c0_i32, %c0_i32_0 : i32, i32, i32
  }
  func.func @transform_1(%arg0: i32) -> (i32, i32, i32) {
    %c0_i32 = arith.constant 0 : i32
    %c0_i32_0 = arith.constant 0 : i32
    %c0_i32_1 = arith.constant 0 : i32
    return %arg0, %c0_i32, %c0_i32_0 : i32, i32, i32
  }
}

</mosaic_0001>

<sc_bundles>
// kernel: _hist.4.cloned.1.call-start
scs
__scs_entry_jumppad:
0x0: {  	(pc) =	sbr.rel $0x88, $3  }
0x1: {  	(tag) =	ssettag $0x0;
	lr =	simm.s32 $0x1  }
0x2: {  	[smem:$0x3FA0] =	sst lr;
	_ =	strace $0xD0000000  }
0x3: {  	_ = 	snop  }
0x4: {  	_ = 	snop  }
0x5: {  	_ = 	snop  }
0x6: {  	_ = 	snop  }
0x7: {  	_ = 	snop  }
__scs_overlays_trampoline_lowered:
0x8: {  	[smem:$0x3FAF] =	sst s0  }
0x9: {  	[smem:$0x3FB0] =	sst s1  }
0xa: {  	[smem:$0x3FB1] =	sst s2  }
0xb: {  	[smem:$0x3FB2] =	sst s3  }
0xc: {  	[smem:$0x3FB3] =	sst s4  }
0xd: {  	[smem:$0x3FB4] =	sst s5  }
0xe: {  	[smem:$0x3FB5] =	sst s6  }
0xf: {  	[smem:$0x3FB6] =	sst s7  }
0x10: {  	[smem:$0x3FB7] =	sst s8  }
0x11: {  	[smem:$0x3FB8] =	sst s9;
	s0 =	simm.s32 @!p0 $0x0  }
0x12: {  	s1 =	sld [smem:$0x3F9E];
	s0 =	simm.s32 @p0 $0x1  }
0x13: {  	[smem:$0x3FB9] =	sst s0;
	s0 =	simm.s32 @!p1 $0x0  }
0x14: {  	s2 =	sld [smem:$0x3F9D];
	s0 =	simm.s32 @p1 $0x1  }
0x15: {  	[smem:$0x3FBA] =	sst s0;
	s0 =	simm.s32 @!p2 $0x0  }
0x16: {  	s3 =	sld [smem:$0x3FDB];
	s0 =	simm.s32 @p2 $0x1  }
0x17: {  	s4 =	simm.s32 $0x1BF5;
	[smem:$0x3FBC] =	sst s0  }
0x18: {  	s0 =	sld [smem:$0x3F9F];
	_ =	swait.ge [sflag:s4], $0x0  }
0x19: {  	s7 =	sld [smem:$0x3FA0]  }
0x1a: {  	s8 =	sadd.s32 $0xFFFFE003, lr  }
0x1b: {  	s9 =	sadd.s32 $0xFFFFFEF7, lr;
	s5 =	simm.s32 $0xFFFFFFFF;
	p2 =	slt.u32 s8, $0xFFFFF086  }
0x1c: {  	p1 =	slt.u32 s9, $0xF7A;
	s5 =	simm.s32 @!p2 $0x0  }
0x1d: {  	s5 =	simm.s32 @p1 $0x1;
	p0 =	seq.s32 s7, s2  }
0x1e: {  	s7 =	smul.u32 @!p0 $0xF7A, s2;
	p2 =	seq.s32 @!p0 s5, $0x0  }
0x1f: {  	s9 =	smul.u32 $0xF7A, s1;
	s8 =	simm.s32 @!p0 $0x1BF5;
	p2 =	por !p2, p0  }
0x20: {  	[sflag:s8] =	ssyncset.s32 @!p0 $0xFFFFF086;
	s6 =	sadd.s32 @!p0 s3, s7;
	s7 =	simm.s32 @!p0 $0x108  }
0x21: {  	s3 =	sadd.s32 s3, s9;
	s6 =	sadd.s32 @!p0 $0x88, s6;
	s7 =	simm.s32 @p2 $0x1082  }
0x22: {  	[simem:s7], [sflag:s8] =	dma.local @!p0 [hbm:s6], $0xF7A  }
0x23: {  	s9 =	sor.u32 $0xD0000000, s2;
	s6 =	simm.s32 $0x108;
	_ =	swait.ge @!p0 [sflag:s8], $0x0  }
0x24: {  	s3 =	sadd.s32 $0x88, s3;
	s6 =	simm.s32 @!p1 $0x1082;
	[sflag:s4] =	ssyncset.s32 $0xFFFFF086  }
0x25: {  	[simem:s6], [sflag:s4] =	dma.local [hbm:s3], $0xF7A  }
0x26: {  	[smem:$0x3FA0] =	sst s1;
	(tag) =	ssettag s2;
	_ =	strace s9  }
0x27: {  	s1 =	sld [smem:$0x3FB0]  }
0x28: {  	s2 =	sld [smem:$0x3FB1]  }
0x29: {  	s4 =	sld [smem:$0x3FB3]  }
0x2a: {  	p0 =	seq.s32 s5, $0x0;
	s5 =	sld [smem:$0x3FB4]  }
0x2b: {  	s6 =	sld [smem:$0x3FB5]  }
0x2c: {  	s7 =	sld [smem:$0x3FB6]  }
0x2d: {  	s3 =	simm.s32 $0x108;
	s8 =	sld [smem:$0x3FB7]  }
0x2e: {  	s3 =	simm.s32 @!p0 $0x1082;
	s9 =	sld [smem:$0x3FB8]  }
0x2f: {  	lr =	sadd.s32 s0, s3;
	s0 =	sld [smem:$0x3FAF]  }
0x30: {  	s3 =	sld [smem:$0x3FB2]  }
0x31: {  	[smem:$0x3FBB] =	sst s10  }
0x32: {  	s10 =	sld [smem:$0x3FB9];
	_ =	sdelay $0x3  }
0x33: {  	p0 =	seq.s32 s10, $0x1;
	s10 =	sld [smem:$0x3FBB];
	_ =	sdelay $0x3  }
0x34: {  	[smem:$0x3FBB] =	sst s10  }
0x35: {  	s10 =	sld [smem:$0x3FBA];
	_ =	sdelay $0x3  }
0x36: {  	p1 =	seq.s32 s10, $0x1;
	s10 =	sld [smem:$0x3FBB];
	_ =	sdelay $0x3  }
0x37: {  	[smem:$0x3FBB] =	sst s10  }
0x38: {  	s10 =	sld [smem:$0x3FBC]  }
0x39: {  	_ = 	snop;
	(pc) =	sbr.ind lr, $3  }
0x3a: {  	_ = 	snop  }
0x3b: {  	_ = 	snop  }
0x3c: {  	p2 =	seq.s32 s10, $0x1;
	s10 =	sld [smem:$0x3FBB]  }
0x3d: {  	_ =	shalt  }
0x3e: {  	_ =	shalt  }
0x3f: {  	_ =	shalt  }
0x40: {  	_ =	shalt  }
0x41: {  	_ =	shalt  }
0x42: {  	_ =	shalt  }
0x43: {  	_ =	shalt  }
0x44: {  	_ =	shalt  }
0x45: {  	_ =	shalt  }
0x46: {  	_ =	shalt  }
0x47: {  	_ =	shalt  }
0x48: {  	_ =	shalt  }
0x49: {  	_ =	shalt  }
0x4a: {  	_ =	shalt  }
0x4b: {  	_ =	shalt  }
0x4c: {  	_ =	shalt  }
0x4d: {  	_ =	shalt  }
0x4e: {  	_ =	shalt  }
0x4f: {  	_ =	shalt  }
0x50: {  	_ =	shalt  }
0x51: {  	_ =	shalt  }
0x52: {  	_ =	shalt  }
0x53: {  	_ =	shalt  }
0x54: {  	_ =	shalt  }
0x55: {  	_ =	shalt  }
0x56: {  	_ =	shalt  }
0x57: {  	_ =	shalt  }
0x58: {  	_ =	shalt  }
0x59: {  	_ =	shalt  }
0x5a: {  	_ =	shalt  }
0x5b: {  	_ =	shalt  }
0x5c: {  	_ =	shalt  }
0x5d: {  	_ =	shalt  }
0x5e: {  	_ =	shalt  }
0x5f: {  	_ =	shalt  }
0x60: {  	_ =	shalt  }
0x61: {  	_ =	shalt  }
0x62: {  	_ =	shalt  }
0x63: {  	_ =	shalt  }
0x64: {  	_ =	shalt  }
0x65: {  	_ =	shalt  }
0x66: {  	_ =	shalt  }
0x67: {  	_ =	shalt  }
0x68: {  	_ =	shalt  }
0x69: {  	_ =	shalt  }
0x6a: {  	_ =	shalt  }
0x6b: {  	_ =	shalt  }
0x6c: {  	_ =	shalt  }
0x6d: {  	_ =	shalt  }
0x6e: {  	_ =	shalt  }
0x6f: {  	_ =	shalt  }
0x70: {  	_ =	shalt  }
0x71: {  	_ =	shalt  }
0x72: {  	_ =	shalt  }
0x73: {  	_ =	shalt  }
0x74: {  	_ =	shalt  }
0x75: {  	_ =	shalt  }
0x76: {  	_ =	shalt  }
0x77: {  	_ =	shalt  }
0x78: {  	_ =	shalt  }
0x79: {  	_ =	shalt  }
0x7a: {  	_ =	shalt  }
0x7b: {  	_ =	shalt  }
0x7c: {  	_ =	shalt  }
0x7d: {  	_ =	shalt  }
0x7e: {  	_ =	shalt  }
0x7f: {  	_ =	shalt  }
0x80: {  	_ =	shalt  }
0x81: {  	_ =	shalt  }
0x82: {  	_ =	shalt  }
0x83: {  	_ =	shalt  }
0x84: {  	_ =	shalt  }
0x85: {  	_ =	shalt  }
0x86: {  	_ =	shalt  }
0x87: {  	_ =	shalt  }
.Lfunc_end0:
.L_simem_size_0:
called_computation_lowered:
.L_overlay_start_0:
0x88: {  	s2 =	sld [smem:$0x3FD9]  }
0x89: {  	s3 =	sld [smem:$0x3FFE];
	_ =	sdelay $0x1  }
0x8a: {  	s1 =	srdreg.scid  }
0x8b: {  	s0 =	sand.u32 $0x1, s1  }
0x8c: {  	s16 =	sshll.u32 s0, $0xA;
	s2 =	sadd.s32 s3, s2  }
0x8d: {  	s2 =	sadd.s32 s2, s16  }
0x8e: {  	[smem:$0x3FC7] =	sst s2  }
0x8f: {  	_ = 	snop  }
0x90: {  	(tm) =	ssettm $0x1  }
0x91: {  	s17 =	sld [smem:$0x3FFB];
	_ =	sdelay $0x3  }
0x92: {  	_ =	strace s17  }
0x93: {  	s2 =	sld [smem:$0x3FFC];
	_ =	sdelay $0x3  }
0x94: {  	_ =	strace s2  }
0x95: {  	s2 =	sld [smem:$0x3FFD];
	_ =	sdelay $0x3  }
0x96: {  	_ =	strace s2  }
0x97: {  	_ =	strace $0x8FFFFFFF  }
0x98: {  	s18 =	sld [smem:$0x3FDB];
	_ =	sdelay $0x1  }
0x99: {  	s19 =	simm.s32 $_scs_section_size  }
0x9a: {  	s4 =	simm.s32 $_size__tile_overlayer_lowered;
	s5 =	simm.s32 $_tile_overlayer_lowered  }
0x9b: {  	s22 =	simm.s32 $0x1BFF;
	s21 =	sshll.u32 s5, $0x1;
	s2 =	sadd.s32 s19, s18  }
0x9c: {  	s6 =	simm.s32 $0x0;
	s20 =	sshll.u32 s4, $0x1;
	s4 =	sadd.s32 s21, s2  }
0x9d: {  	[timem:s6], [sflag:s22] =	dma.local [hbm:s4], s20  }
0x9e: {  	_ =	swait.ge [sflag:s22], s20  }
0x9f: {  	s3 =	ssub.s32 $0x0, s20;
	[sflag:s22] =	ssyncset.done $0x0  }
0xa0: {  	[sflag:s22] =	ssyncadd.s32 s3;
	_ =	sdelay $0x1  }
0xa1: {  	s23 =	simm.s32 $0x1B8B  }
0xa2: {  	_ =	swait.ge [sflag:s23], $0x1  }
0xa3: {  	[sflag:s23] =	ssyncset.done $0x0  }
0xa4: {  	s25 =	simm.s32 $0x1B8E;
	s24 =	sld [smem:$0x3FFE];
	[sflag:s23] =	ssyncadd.s32 $0xFFFFFFFF  }
0xa5: {  	s26 =	simm.s32 $execute0_lowered;
	[smem:$0x3FD2] =	sst s25  }
0xa6: {  	s4 =	sshll.u32 s26, $0x1;
	_ =	strace $0x80000046;
	[dreg:$0x1] =	wrdreg $0xFFFFFFFF  }
0xa7: {  	s28 =	simm.s32 $_size_execute0_lowered;
	s2 =	sadd.s32 s2, s4;
	[dreg:$0x0] =	wrdreg $0x0  }
0xa8: {  	s4 =	sshll.u32 s28, $0x1;
	[dreg:$0x2] =	wrdreg s2  }
0xa9: {  	[dreg:$0x3] =	wrdreg s4  }
0xaa: {  	[dreg:$0x4] =	wrdreg $0xC0  }
0xab: {  	_ =	task [dreg:s6], $0x5FFFF  }
0xac: {  	[dreg:$0x1] =	wrdreg $0xFFFFFFFF  }
0xad: {  	[dreg:$0x0] =	wrdreg $0x60  }
0xae: {  	[dreg:$0x2] =	wrdreg s24  }
0xaf: {  	[dreg:$0x3] =	wrdreg $0x9  }
0xb0: {  	_ =	task.clear_ibuf [dreg:s6], $0x4FFFF;
	_ =	strace $0x90000046  }
0xb1: {  	s29 =	simm.s32 $0x9;
	_ =	strace $0x80000048  }
0xb2: {  	_ =	swait.ge [sflag:s29], $0x1  }
0xb3: {  	[sflag:s29] =	ssyncadd.s32 $0xFFFFFFFF  }
0xb4: {  	_ =	strace $0x90000048  }
0xb5: {  	_ =	sfence  }
0xb6: {  	s30 =	sld [smem:$0x0];
	_ =	sdelay $0x2  }
0xb7: {  	s31 =	sshll.u32 s1, $0xD;
	s1 =	sshrl.u32 s1, $0x2  }
0xb8: {  	s3 =	sand.u32 $0x4000, s31;
	s1 =	sadd.s32 s1, s30  }
0xb9: {  	s0 =	sor.u32 s3, s0;
	s1 =	sshll.u32 s1, $0x11  }
0xba: {  	s0 =	sor.u32 s1, s0  }
0xbb: {  	s0 =	sadd.s32 $0x8F2B, s0  }
0xbc: {  	[sflag:s0] =	ssyncadd.remote.s32 $0x1  }
0xbd: {  	_ =	sfence.sel $0xFFFF  }
0xbe: {  	[dreg:$0x0] =	wrdreg $0xFFFFFFFF;
	(pc) =	sbr.abs _section_cstart, $3  }
0xbf: {  	[dreg:$0x1] =	wrdreg $0xFFFFFFFF  }
0xc0: {  	_ =	task.clear_ibuf [dreg:s6], $0x2FFFF;
	_ =	strace $0x9FFFFFFF  }
0xc1: {  	(tm) =	ssettm $0x7FFFFFFF  }
tec
execute0_lowered:
.L_overlay_start_1:
0x0: {  	(tag) =	ssettag $0x1  }
0x1: {  	s1 =	srdreg.scid  }
0x2: {  	s0 =	stileid.u32;
	s4 =	rddreg [dreg:$0x0];
	s2 =	simm.s32 $0x0  }
0x3: {  	s6 =	simm.s32 $0x10;
	s3 =	sand.u32 $0x1, s1;
	s30 =	sshll.u32 s0, $0x1  }
0x4: {  	s7 =	simm.s32 $0x1;
	s8 =	simm.s32 $0xC420;
	s1 =	sor.u32 s3, s30  }
0x5: {  	[smem:$0x7FF] =	sst s2;
	s3 =	ssub.s32 $0x2, s3;
	s5 =	smul.u32 $0x1880, s1  }
0x6: {  	s9 =	simm.s32 $0x0;
	s1 =	rddreg [dreg:$0x1];
	s31 =	sshrl.u32 s3, $0x1  }
0x7: {  	_ =	strace $0x80000047;
	s4 =	sadd.s32 s5, s4;
	s5 =	ssub.s32 s3, s31  }
0x8: {  	v0 =	vimm.f32 $0.0e+00;
	v1 =	vlaneseq.u32;
	s3 =	sadd.s32 $0x2000, s4;
	s4 =	sadd.s32 $0x33000, s4;
	s5 =	smax.u32 s5, $0x1  }
.LBB2_1:
0x9: {  	[tilespmem:s6], [sflag:$0x1] =	stream.linear.gather [hbm4b:s3+s2], $0xC400, $0x38;
	[tilespmem:$0x18820] =	vst v63  }
0xa: {  	_ =	swait.ge [sflag:s7], $0xC400  }
0xb: {  	[sflag:s7] =	ssyncset.done $0x0  }
0xc: {  	[sflag:s7] =	ssyncadd.s32 $0xFFFF3C00  }
0xd: {  	[tilespmem:$0xC420] =	vst v0  }
0xe: {  	[tilespmem:$0x18740] =	vst v0  }
0xf: {  	[tilespmem:$0xC430] =	vst v0  }
0x10: {  	[tilespmem:$0x18750] =	vst v0  }
0x11: {  	[tilespmem:$0xC440] =	vst v0  }
0x12: {  	[tilespmem:$0x18760] =	vst v0  }
0x13: {  	[tilespmem:$0xC450] =	vst v0  }
0x14: {  	[tilespmem:$0x18770] =	vst v0  }
0x15: {  	[tilespmem:$0xC460] =	vst v0  }
0x16: {  	[tilespmem:$0x18780] =	vst v0  }
0x17: {  	[tilespmem:$0xC470] =	vst v0  }
0x18: {  	[tilespmem:$0x18790] =	vst v0  }
0x19: {  	[tilespmem:$0xC480] =	vst v0  }
0x1a: {  	[tilespmem:$0x187A0] =	vst v0  }
0x1b: {  	[tilespmem:$0xC490] =	vst v0  }
0x1c: {  	[tilespmem:$0x187B0] =	vst v0  }
0x1d: {  	[tilespmem:$0xC4A0] =	vst v0  }
0x1e: {  	[tilespmem:$0x187C0] =	vst v0  }
0x1f: {  	[tilespmem:$0xC4B0] =	vst v0  }
0x20: {  	[tilespmem:$0x187D0] =	vst v0  }
0x21: {  	[tilespmem:$0xC4C0] =	vst v0  }
0x22: {  	[tilespmem:$0x187E0] =	vst v0  }
0x23: {  	[tilespmem:$0xC4D0] =	vst v0  }
0x24: {  	[tilespmem:$0x187F0] =	vst v0  }
0x25: {  	[tilespmem:$0xC4E0] =	vst v0  }
0x26: {  	[tilespmem:$0x18800] =	vst v0  }
0x27: {  	[tilespmem:$0xC4F0] =	vst v0  }
0x28: {  	s10 =	simm.s32 $0x1CF;
	[tilespmem:$0x18810] =	vst v0  }
0x29: {  	v2 =	vld [tilespmem:s10+$0xFFFFFF21]  }
0x2a: {  	v3 =	vld [tilespmem:s10+$0xFFFFFF22]  }
0x2b: {  	v4 =	vld [tilespmem:s10+$0xFFFFFE42]  }
0x2c: {  	v5 =	vld [tilespmem:s10+$0xFFFFFE41]  }
0x2d: {  	v6 =	vld [tilespmem:s10+$0xE0]  }
0x2e: {  	v7 =	vld [tilespmem:s10+$0x0]  }
0x2f: {  	v8 =	vld [tilespmem:s10+$0xE1]  }
0x30: {  	v9 =	vld [tilespmem:s10+$0xFFFFFE40]  }
0x31: {  	v11 =	vld [tilespmem:s10+$0xFFFFFF20]  }
0x32: {  	v12 =	vld [tilespmem:s10+$0x2]  }
0x33: {  	v13 =	vld [tilespmem:s10+$0x1];
	v10 =	vsub.f32 v3, v2  }
0x34: {  	v4 =	vsub.f32 v2, v4;
	v5 =	vsub.f32 v2, v5  }
0x35: {  	v14 =	vsub.f32 v7, v2;
	v15 =	vsub.f32 v8, v7  }
0x36: {  	v21 =	vld [tilespmem:s10+$0x1C2];
	v9 =	vsub.f32 v2, v9;
	v16 =	vsub.f32 v8, v6  }
0x37: {  	v19 =	vld [tilespmem:s10+$0xE2];
	v17 =	vsub.f32 v2, v11;
	v18 =	vsub.f32 v12, v2  }
0x38: {  	v11 =	vsub.f32 v13, v11;
	v2 =	vsub.f32 v13, v2  }
0x39: {  	v7 =	vsub.f32 v13, v7;
	v22 =	vsub.f32 v12, v13  }
0x3a: {  	v12 =	vsub.f32 v8, v12;
	v6 =	vsub.f32 v6, v13  }
0x3b: {  	v3 =	vsub.f32 v13, v3;
	v21 =	vsub.f32 v21, v8  }
0x3c: {  	v23 =	vsub.f32 v8, v13;
	v13 =	vsub.f32 v19, v13;
	v10 =	vand.u32 $0x7FFFFFFF, v10  }
0x3d: {  	v5 =	vand.u32 $0x7FFFFFFF, v5;
	v15 =	vand.u32 $0x7FFFFFFF, v15;
	v9 =	vand.u32 $0x7FFFFFFF, v9  }
0x3e: {  	v4 =	vand.u32 $0x7FFFFFFF, v4;
	v14 =	vand.u32 $0x7FFFFFFF, v14;
	v17 =	vand.u32 $0x7FFFFFFF, v17  }
0x3f: {  	v2 =	vand.u32 $0x7FFFFFFF, v2;
	v11 =	vand.u32 $0x7FFFFFFF, v11;
	v10 =	vsub.f32 $1.000000010e-01, v10  }
0x40: {  	v16 =	vand.u32 $0x7FFFFFFF, v16;
	v15 =	vsub.f32 $1.000000010e-01, v15;
	v9 =	vsub.f32 $1.000000010e-01, v9  }
0x41: {  	v6 =	vand.u32 $0x7FFFFFFF, v6;
	v5 =	vsub.f32 $1.000000010e-01, v5;
	v4 =	vsub.f32 $1.000000010e-01, v4  }
0x42: {  	v7 =	vand.u32 $0x7FFFFFFF, v7;
	v16 =	vsub.f32 $1.000000010e-01, v16;
	v6 =	vsub.f32 $1.000000010e-01, v6  }
0x43: {  	v12 =	vand.u32 $0x7FFFFFFF, v12;
	v2 =	vsub.f32 $1.000000010e-01, v2;
	v17 =	vsub.f32 $1.000000010e-01, v17  }
0x44: {  	v3 =	vand.u32 $0x7FFFFFFF, v3;
	v12 =	vsub.f32 $1.000000010e-01, v12;
	v14 =	vsub.f32 $1.000000010e-01, v14  }
0x45: {  	v20 =	vld [tilespmem:s10+$0x1C0];
	v21 =	vand.u32 $0x7FFFFFFF, v21;
	v11 =	vsub.f32 $1.000000010e-01, v11;
	v7 =	vsub.f32 $1.000000010e-01, v7  }
0x46: {  	v21 =	vsub.f32 $1.000000010e-01, v21;
	v15 =	vmax.f32 v15, $0.0e+00;
	v9 =	vmax.f32 v9, $0.0e+00  }
0x47: {  	v5 =	vmax.f32 v5, $0.0e+00;
	v10 =	vmax.f32 v10, $0.0e+00;
	v24 =	vmax.f32 v6, $0.0e+00  }
0x48: {  	v6 =	vand.u32 $0x7FFFFFFF, v23;
	v23 =	vmax.f32 v2, $0.0e+00;
	v2 =	vsub.f32 $1.000000010e-01, v3  }
0x49: {  	v16 =	vmax.f32 v16, $0.0e+00;
	v11 =	vmax.f32 v11, $0.0e+00;
	v5 =	vadd.f32 v5, v9  }
0x4a: {  	v9 =	vsub.f32 v20, v8;
	v20 =	vand.u32 $0x7FFFFFFF, v22;
	v22 =	vsub.f32 v19, v8  }
0x4b: {  	s13 =	simm.s32 $0x46F;
	v4 =	vmax.f32 v4, $0.0e+00;
	v6 =	vsub.f32 $1.000000010e-01, v6;
	v11 =	vadd.f32 v23, v11  }
0x4c: {  	v25 =	vld [tilespmem:s13+$0xFFFFFF21];
	v20 =	vsub.f32 $1.000000010e-01, v20;
	v19 =	vmax.f32 v2, $0.0e+00;
	v22 =	vand.u32 $0x7FFFFFFF, v22  }
0x4d: {  	v4 =	vadd.f32 v4, v5;
	v5 =	vmax.f32 v17, $0.0e+00;
	v17 =	vand.u32 $0x7FFFFFFF, v18;
	v18 =	vld [tilespmem:s13+$0xFFFFFE42]  }
0x4e: {  	v9 =	vand.u32 $0x7FFFFFFF, v9;
	v30 =	vmax.f32 v6, $0.0e+00;
	v6 =	vadd.f32 v11, v19;
	v11 =	vld [tilespmem:s13+$0xFFFFFF20]  }
0x4f: {  	v12 =	vmax.f32 v12, $0.0e+00;
	v3 =	vsub.f32 $1.000000010e-01, v22;
	v22 =	vld [tilespmem:s10+$0x1C1];
	v9 =	vsub.f32 $1.000000010e-01, v9  }
0x50: {  	v26 =	vld [tilespmem:s13+$0xFFFFFF22];
	v7 =	vmax.f32 v7, $0.0e+00;
	v15 =	vadd.f32 v30, v15;
	v4 =	vadd.f32 v5, v4  }
0x51: {  	v17 =	vsub.f32 $1.000000010e-01, v17;
	v5 =	vand.u32 $0x7FFFFFFF, v13;
	v13 =	vmax.f32 v14, $0.0e+00;
	v14 =	vld [tilespmem:s13+$0xFFFFFE41]  }
0x52: {  	v28 =	vmax.f32 v20, $0.0e+00;
	v12 =	vadd.f32 v15, v12;
	v4 =	vadd.f32 v10, v4  }
0x53: {  	v20 =	vld [tilespmem:s13+$0xFFFFFE40];
	v3 =	vmax.f32 v3, $0.0e+00;
	v18 =	vsub.f32 v25, v18;
	v15 =	vsub.f32 v25, v11  }
0x54: {  	v9 =	vmax.f32 v9, $0.0e+00;
	v12 =	vadd.f32 v12, v16;
	v8 =	vsub.f32 v22, v8  }
0x55: {  	v27 =	vld [tilespmem:s13+$0xE0];
	v17 =	vmax.f32 v17, $0.0e+00;
	v22 =	vsub.f32 $1.000000010e-01, v5;
	v5 =	vsub.f32 v26, v25  }
0x56: {  	v4 =	vadd.f32 v13, v4;
	v14 =	vsub.f32 v25, v14;
	v2 =	vand.u32 $0x7FFFFFFF, v8;
	v8 =	vld [tilespmem:s13+$0x0]  }
0x57: {  	v3 =	vadd.f32 v12, v3;
	v5 =	vand.u32 $0x7FFFFFFF, v5;
	v10 =	vsub.f32 $1.000000010e-01, v2;
	v2 =	vld [tilespmem:s13+$0xE1]  }
0x58: {  	v20 =	vsub.f32 v25, v20;
	v18 =	vand.u32 $0x7FFFFFFF, v18;
	v29 =	vsub.f32 $1.000000010e-01, v5;
	v5 =	vld [tilespmem:s13+$0x1]  }
0x59: {  	v4 =	vadd.f32 v23, v4;
	v14 =	vand.u32 $0x7FFFFFFF, v14;
	v9 =	vadd.f32 v3, v9  }
0x5a: {  	v13 =	vld [tilespmem:s13+$0x2];
	v18 =	vsub.f32 $1.000000010e-01, v18;
	v14 =	vsub.f32 $1.000000010e-01, v14;
	v10 =	vmax.f32 v10, $0.0e+00  }
0x5b: {  	v34 =	vand.u32 $0x7FFFFFFF, v15;
	v4 =	vadd.f32 v17, v4;
	v9 =	vadd.f32 v9, v10  }
0x5c: {  	v32 =	vmax.f32 v22, $0.0e+00;
	v19 =	vsub.f32 v8, v25;
	v31 =	vsub.f32 v2, v27  }
0x5d: {  	v12 =	vmax.f32 v14, $0.0e+00;
	v23 =	vsub.f32 v2, v8;
	v11 =	vsub.f32 v5, v11  }
0x5e: {  	v10 =	vmax.f32 v29, $0.0e+00;
	v8 =	vsub.f32 v5, v8;
	v14 =	vsub.f32 v5, v25  }
0x5f: {  	v16 =	vsub.f32 v13, v5;
	v26 =	vsub.f32 v5, v26;
	v33 =	vand.u32 $0x7FFFFFFF, v19  }
0x60: {  	v22 =	vand.u32 $0x7FFFFFFF, v23;
	v23 =	vadd.f32 v6, v7;
	v6 =	vand.u32 $0x7FFFFFFF, v20  }
0x61: {  	v7 =	vsub.f32 v13, v25;
	v14 =	vand.u32 $0x7FFFFFFF, v14;
	v17 =	vand.u32 $0x7FFFFFFF, v11  }
0x62: {  	v11 =	vsub.f32 v2, v13;
	v13 =	vsub.f32 v27, v5;
	v25 =	vand.u32 $0x7FFFFFFF, v31  }
0x63: {  	v19 =	vand.u32 $0x7FFFFFFF, v8;
	v20 =	vsub.f32 $1.000000010e-01, v22;
	v22 =	vsub.f32 $1.000000010e-01, v6  }
0x64: {  	v3 =	vld [tilespmem:s13+$0xE2];
	v25 =	vsub.f32 $1.000000010e-01, v25;
	v8 =	vand.u32 $0x7FFFFFFF, v13;
	v23 =	vadd.f32 v23, v28  }
0x65: {  	v6 =	vmax.f32 v20, $0.0e+00;
	v15 =	vmax.f32 v22, $0.0e+00;
	v22 =	vld [tilespmem:s13+$0x1C0];
	v20 =	vmax.f32 v21, $0.0e+00  }
0x66: {  	v11 =	vand.u32 $0x7FFFFFFF, v11;
	v21 =	vld [tilespmem:s13+$0x1C2];
	v8 =	vsub.f32 $1.000000010e-01, v8;
	v9 =	vadd.f32 v9, v20  }
0x67: {  	v29 =	vsub.f32 $1.000000010e-01, v11;
	v20 =	vadd.f32 v12, v15;
	v12 =	vand.u32 $0x7FFFFFFF, v16  }
0x68: {  	v13 =	vsub.f32 $1.000000010e-01, v12;
	v12 =	vmul.f32 $1.111111160e+00, v9;
	v9 =	vsub.f32 $1.000000010e-01, v14  }
0x69: {  	v26 =	vand.u32 $0x7FFFFFFF, v26;
	v14 =	vadd.f32 v23, v24;
	v24 =	vsub.f32 $1.000000010e-01, v34  }
0x6a: {  	v15 =	vmul.f32 $1.111111160e+00, v4;
	v27 =	vsub.f32 v22, v2;
	v22 =	vsub.f32 v3, v2  }
0x6b: {  	v4 =	vmax.f32 v8, $0.0e+00;
	v16 =	vsub.f32 v21, v2;
	v21 =	vsub.f32 v2, v5  }
0x6c: {  	v8 =	vmax.f32 v9, $0.0e+00;
	v9 =	vmax.f32 v25, $0.0e+00;
	v25 =	vadd.f32 v14, v30  }
0x6d: {  	v28 =	vand.u32 $0x7FFFFFFF, v21;
	v21 =	vsub.f32 $1.000000010e-01, v26;
	v22 =	vand.u32 $0x7FFFFFFF, v22  }
0x6e: {  	s11 =	simm.s32 $0x1;
	v14 =	vand.u32 $0x7FFFFFFF, v27;
	v27 =	vmax.f32 v18, $0.0e+00;
	v23 =	vsub.f32 $1.000000010e-01, v22  }
0x6f: {  	s12 =	simm.s32 $0xC5F0;
	s14 =	simm.s32 $0x4;
	s15 =	simm.s32 $0xC880;
	v26 =	vld [tilespmem:s13+$0x1C1];
	v18 =	vmax.f32 v29, $0.0e+00;
	v22 =	vsub.f32 $1.000000010e-01, v33;
	v14 =	vsub.f32 $1.000000010e-01, v14  }
0x70: {  	s16 =	simm.s32 $0x70F;
	s10 =	simm.s32 $0xC5E0;
	s13 =	simm.s32 $0xC880;
	v11 =	vmax.f32 v23, $0.0e+00;
	v23 =	vadd.f32 v25, v32;
	v25 =	vsub.f32 $1.000000010e-01, v28  }
.LBB2_2:
0x71: {  	v17 =	vsub.f32 $1.000000010e-01, v17  }
0x72: {  	v28 =	vld [tilespmem:s16+$0xFFFFFF21];
	s14 =	sadd.s32 $0x3, s14;
	v19 =	vsub.f32 $1.000000010e-01, v19;
	v29 =	vmax.f32 v14, $0.0e+00;
	s15 =	sadd.s32 $0x2A0, s15;
	v20 =	vadd.f32 v27, v20  }
0x73: {  	v24 =	vmax.f32 v24, $0.0e+00;
	v5 =	vsub.f32 v3, v5;
	v7 =	vand.u32 $0x7FFFFFFF, v7;
	v14 =	vld [tilespmem:s16+$0x1C2];
	p0 =	slt.u32 s14, $0xDC  }
0x74: {  	v23 =	vmul.f32 $1.111111160e+00, v23;
	v3 =	vld [tilespmem:s16+$0xE2];
	v17 =	vmax.f32 v17, $0.0e+00;
	v2 =	vsub.f32 v26, v2  }
0x75: {  	v22 =	vmax.f32 v22, $0.0e+00;
	v20 =	vadd.f32 v24, v20;
	v5 =	vand.u32 $0x7FFFFFFF, v5;
	v26 =	vld [tilespmem:s16+$0xFFFFFF22]  }
0x76: {  	v21 =	vmax.f32 v21, $0.0e+00;
	v15 =	vadd.f32 $1.111111120e-01, v15;
	v27 =	vsub.f32 $1.000000010e-01, v5;
	v24 =	vld [tilespmem:s16+$0xFFFFFE42]  }
0x77: {  	v16 =	vand.u32 $0x7FFFFFFF, v16;
	v19 =	vmax.f32 v19, $0.0e+00;
	v2 =	vand.u32 $0x7FFFFFFF, v2;
	v5 =	vld [tilespmem:s16+$0xFFFFFE41]  }
0x78: {  	v13 =	vmax.f32 v13, $0.0e+00;
	v10 =	vadd.f32 v10, v20;
	v20 =	vsub.f32 $1.000000010e-01, v2;
	v30 =	vld [tilespmem:s16+$0xE0]  }
0x79: {  	v12 =	vadd.f32 $1.111111120e-01, v12;
	vm0 =	veq.s32 v1, $0x0;
	v7 =	vsub.f32 $1.000000010e-01, v7;
	v31 =	vld [tilespmem:s16+$0x2]  }
0x7a: {  	v25 =	vmax.f32 v25, $0.0e+00;
	v17 =	vadd.f32 v8, v17;
	v32 =	vsub.f32 v26, v28;
	v33 =	vld [tilespmem:s16+$0x0]  }
0x7b: {  	v23 =	vadd.f32 $1.111111120e-01, v23;
	v12 =	vsel vm0, $0x0, v12;
	v24 =	vsub.f32 v28, v24;
	v2 =	vld [tilespmem:s16+$0xE1]  }
0x7c: {  	v15 =	vsel vm0, $0x0, v15;
	v34 =	vsub.f32 v28, v5;
	v32 =	vand.u32 $0x7FFFFFFF, v32;
	v5 =	vld [tilespmem:s16+$0x1];
	[tilespmem:s10+$0xE0] =	vst v12  }
0x7d: {  	v17 =	vadd.f32 v17, v21;
	v12 =	vld [tilespmem:s16+$0xFFFFFE40];
	v32 =	vsub.f32 $1.000000010e-01, v32;
	[tilespmem:s10+$0xFFFFFF20] =	vst v15;
	v15 =	vsel vm0, $0x0, v23  }
0x7e: {  	v10 =	vadd.f32 v22, v10;
	v23 =	vand.u32 $0x7FFFFFFF, v24;
	v21 =	vand.u32 $0x7FFFFFFF, v34;
	v24 =	vld [tilespmem:s16+$0xFFFFFF20];
	[tilespmem:s10+$0x0] =	vst v15;
	s10 =	smov.u32 s13;
	s13 =	smov.u32 s15  }
0x7f: {  	v6 =	vadd.f32 v25, v6;
	v22 =	vmax.f32 v7, $0.0e+00;
	v15 =	vsub.f32 v33, v28  }
0x80: {  	v8 =	vadd.f32 v8, v10;
	v34 =	vsub.f32 v2, v30  }
0x81: {  	v27 =	vmax.f32 v27, $0.0e+00;
	v10 =	vsub.f32 $1.000000010e-01, v16;
	v7 =	vsub.f32 v2, v33  }
0x82: {  	v6 =	vadd.f32 v6, v18;
	v16 =	vmax.f32 v20, $0.0e+00;
	v12 =	vsub.f32 v28, v12  }
0x83: {  	v35 =	vadd.f32 v17, v19;
	v20 =	vand.u32 $0x7FFFFFFF, v7;
	v18 =	vsub.f32 v28, v24  }
0x84: {  	v7 =	vsub.f32 v31, v28;
	v17 =	vsub.f32 $1.000000010e-01, v20;
	v12 =	vand.u32 $0x7FFFFFFF, v12  }
0x85: {  	v19 =	vsub.f32 $1.000000010e-01, v21;
	v36 =	vand.u32 $0x7FFFFFFF, v15;
	v12 =	vsub.f32 $1.000000010e-01, v12  }
0x86: {  	v9 =	vadd.f32 v6, v9;
	v15 =	vsub.f32 v5, v24  }
0x87: {  	v37 =	vsub.f32 $1.000000010e-01, v23;
	v18 =	vand.u32 $0x7FFFFFFF, v18;
	v6 =	vmax.f32 v17, $0.0e+00  }
0x88: {  	v9 =	vadd.f32 v9, v11;
	v20 =	vsub.f32 v5, v33;
	v12 =	vmax.f32 v12, $0.0e+00  }
0x89: {  	v8 =	vadd.f32 v22, v8;
	v11 =	vmax.f32 v19, $0.0e+00;
	v17 =	vsub.f32 v5, v28  }
0x8a: {  	v9 =	vadd.f32 v9, v29;
	v23 =	vmax.f32 v10, $0.0e+00;
	v21 =	vsub.f32 v31, v5;
	v22 =	vld [tilespmem:s16+$0x1C0]  }
0x8b: {  	v24 =	vand.u32 $0x7FFFFFFF, v17;
	v17 =	vand.u32 $0x7FFFFFFF, v15;
	v15 =	vsub.f32 v2, v31  }
0x8c: {  	v9 =	vadd.f32 v9, v16;
	v29 =	vand.u32 $0x7FFFFFFF, v34;
	v28 =	vsub.f32 v30, v5  }
0x8d: {  	v10 =	vmax.f32 v32, $0.0e+00;
	v16 =	vsub.f32 v5, v26;
	v19 =	vand.u32 $0x7FFFFFFF, v20  }
0x8e: {  	v9 =	vadd.f32 v9, v23;
	v26 =	vand.u32 $0x7FFFFFFF, v28;
	v28 =	vsub.f32 $1.000000010e-01, v29  }
0x8f: {  	v20 =	vadd.f32 v11, v12;
	v11 =	vand.u32 $0x7FFFFFFF, v16;
	v23 =	vsub.f32 v22, v2  }
0x90: {  	v12 =	vand.u32 $0x7FFFFFFF, v21;
	v21 =	vadd.f32 v35, v13;
	v22 =	vsub.f32 v3, v2  }
0x91: {  	v16 =	vsub.f32 v14, v2;
	v13 =	vsub.f32 $1.000000010e-01, v12;
	v29 =	vand.u32 $0x7FFFFFFF, v15  }
0x92: {  	v14 =	vsub.f32 $1.000000010e-01, v26;
	v26 =	vsub.f32 v2, v5;
	v12 =	vmul.f32 $1.111111160e+00, v9  }
0x93: {  	v9 =	vsub.f32 $1.000000010e-01, v24;
	v15 =	vmul.f32 $1.111111160e+00, v8;
	v30 =	vadd.f32 v21, v4  }
0x94: {  	v24 =	vsub.f32 $1.000000010e-01, v18;
	v4 =	vmax.f32 v14, $0.0e+00;
	v18 =	vand.u32 $0x7FFFFFFF, v26  }
.Ltmp0:
0x95: {  	v21 =	vsub.f32 $1.000000010e-01, v11;
	v8 =	vmax.f32 v9, $0.0e+00;
	v11 =	vand.u32 $0x7FFFFFFF, v22;
	(pc) =	sbr.rel @p0 .LBB2_2-.Ltmp0, $4  }
0x96: {  	v9 =	vmax.f32 v28, $0.0e+00;
	v25 =	vadd.f32 v30, v25;
	v11 =	vsub.f32 $1.000000010e-01, v11  }
0x97: {  	v28 =	vsub.f32 $1.000000010e-01, v29;
	v22 =	vsub.f32 $1.000000010e-01, v36;
	v14 =	vand.u32 $0x7FFFFFFF, v23;
	v26 =	vld [tilespmem:s16+$0x1C1]  }
0x98: {  	v23 =	vadd.f32 v25, v27;
	v14 =	vsub.f32 $1.000000010e-01, v14;
	v11 =	vmax.f32 v11, $0.0e+00  }
0x99: {  	v27 =	vmax.f32 v37, $0.0e+00;
	v25 =	vsub.f32 $1.000000010e-01, v18;
	v18 =	vmax.f32 v28, $0.0e+00;
	s16 =	sadd.s32 $0x2A0, s16  }
0x9a: {  	v17 =	vsub.f32 $1.000000010e-01, v17;
	v19 =	vsub.f32 $1.000000010e-01, v19  }
0x9b: {  	v20 =	vadd.f32 v27, v20;
	v24 =	vmax.f32 v24, $0.0e+00;
	v7 =	vand.u32 $0x7FFFFFFF, v7  }
0x9c: {  	v3 =	vsub.f32 v3, v5;
	v25 =	vmax.f32 v25, $0.0e+00;
	v7 =	vsub.f32 $1.000000010e-01, v7  }
0x9d: {  	v6 =	vadd.f32 v25, v6;
	v5 =	vmax.f32 v17, $0.0e+00;
	v2 =	vsub.f32 v26, v2  }
0x9e: {  	v17 =	vadd.f32 v24, v20;
	v3 =	vand.u32 $0x7FFFFFFF, v3;
	v5 =	vadd.f32 v8, v5  }
0x9f: {  	v3 =	vsub.f32 $1.000000010e-01, v3;
	v6 =	vadd.f32 v6, v18;
	v18 =	vmax.f32 v21, $0.0e+00  }
0xa0: {  	v10 =	vadd.f32 v10, v17;
	v5 =	vadd.f32 v5, v18  }
0xa1: {  	v2 =	vand.u32 $0x7FFFFFFF, v2;
	v18 =	vmax.f32 v19, $0.0e+00;
	v6 =	vadd.f32 v6, v9  }
0xa2: {  	v14 =	vmax.f32 v14, $0.0e+00;
	v2 =	vsub.f32 $1.000000010e-01, v2;
	v5 =	vadd.f32 v5, v18  }
0xa3: {  	v9 =	vmax.f32 v22, $0.0e+00;
	v6 =	vadd.f32 v6, v11;
	v11 =	vmax.f32 v13, $0.0e+00  }
0xa4: {  	v9 =	vadd.f32 v9, v10;
	v13 =	vand.u32 $0x7FFFFFFF, v16;
	v5 =	vadd.f32 v5, v11  }
0xa5: {  	v10 =	vsub.f32 $1.000000010e-01, v13;
	v6 =	vadd.f32 v6, v14  }
0xa6: {  	v2 =	vmax.f32 v2, $0.0e+00;
	v4 =	vadd.f32 v5, v4;
	v5 =	vadd.f32 v8, v9  }
0xa7: {  	v7 =	vmax.f32 v7, $0.0e+00;
	v3 =	vmax.f32 v3, $0.0e+00;
	v2 =	vadd.f32 v6, v2  }
0xa8: {  	v6 =	vmax.f32 v10, $0.0e+00;
	v4 =	vadd.f32 v4, v25;
	v5 =	vadd.f32 v7, v5  }
0xa9: {  	v11 =	vmul.f32 $1.111111160e+00, v23;
	v7 =	vadd.f32 $1.111111120e-01, v15;
	v2 =	vadd.f32 v2, v6  }
0xaa: {  	v6 =	vadd.f32 $1.111111120e-01, v12;
	v3 =	vadd.f32 v4, v3;
	v5 =	vmul.f32 $1.111111160e+00, v5  }
0xab: {  	v4 =	vadd.f32 $1.111111120e-01, v11;
	v7 =	vsel vm0, $0x0, v7;
	v2 =	vmul.f32 $1.111111160e+00, v2  }
0xac: {  	v6 =	vsel vm0, $0x0, v6;
	[tilespmem:s10+$0xFFFFFF20] =	vst v7;
	v3 =	vmul.f32 $1.111111160e+00, v3;
	v5 =	vadd.f32 $1.111111120e-01, v5  }
0xad: {  	[tilespmem:s10+$0xE0] =	vst v6;
	v4 =	vsel vm0, $0x0, v4;
	v2 =	vadd.f32 $1.111111120e-01, v2  }
0xae: {  	[tilespmem:s10+$0x0] =	vst v4;
	v3 =	vadd.f32 $1.111111120e-01, v3;
	v4 =	vsel vm0, $0x0, v5  }
0xaf: {  	v2 =	vsel vm0, $0x0, v2;
	[tilespmem:s13+$0xFFFFFF20] =	vst v4  }
0xb0: {  	[tilespmem:s13+$0xE0] =	vst v2;
	v2 =	vsel vm0, $0x0, v3  }
0xb1: {  	s31 =	simm.s32 $0x1DF;
	[tilespmem:s13+$0x0] =	vst v2  }
0xb2: {  	v3 =	vld [tilespmem:s31+$0xFFFFFF21]  }
0xb3: {  	v7 =	vld [tilespmem:s31+$0xFFFFFF22]  }
0xb4: {  	v4 =	vld [tilespmem:s31+$0xFFFFFF20]  }
0xb5: {  	v5 =	vld [tilespmem:s31+$0xFFFFFE42]  }
0xb6: {  	v6 =	vld [tilespmem:s31+$0xFFFFFE41]  }
0xb7: {  	v9 =	vld [tilespmem:s31+$0xFFFFFE40]  }
0xb8: {  	v12 =	vld [tilespmem:s31+$0xE1]  }
0xb9: {  	v2 =	vld [tilespmem:s31+$0x1]  }
0xba: {  	v13 =	vld [tilespmem:s31+$0x1C2]  }
0xbb: {  	v19 =	vld [tilespmem:s31+$0x1C1]  }
0xbc: {  	v8 =	vld [tilespmem:s31+$0x0];
	v10 =	vsub.f32 v7, v3  }
0xbd: {  	v11 =	vsub.f32 v3, v4;
	v14 =	vsub.f32 v3, v5  }
0xbe: {  	v15 =	vsub.f32 v3, v6;
	v9 =	vsub.f32 v3, v9  }
0xbf: {  	v17 =	vsub.f32 v12, v2;
	v13 =	vsub.f32 v13, v12  }
0xc0: {  	v23 =	vsub.f32 v2, v3;
	v19 =	vsub.f32 v19, v12  }
0xc1: {  	v61 =	vsub.f32 v2, v8;
	v7 =	vsub.f32 v2, v7;
	v10 =	vand.u32 $0x7FFFFFFF, v10  }
0xc2: {  	v5 =	vld [tilespmem:s31+$0x2];
	v11 =	vand.u32 $0x7FFFFFFF, v11;
	v14 =	vand.u32 $0x7FFFFFFF, v14;
	v15 =	vand.u32 $0x7FFFFFFF, v15  }
0xc3: {  	v6 =	vld [tilespmem:s31+$0xE2];
	v17 =	vand.u32 $0x7FFFFFFF, v17;
	v10 =	vsub.f32 $1.000000010e-01, v10;
	v16 =	vsub.f32 $1.000000010e-01, v11  }
0xc4: {  	v19 =	vand.u32 $0x7FFFFFFF, v19;
	v11 =	vsub.f32 v8, v3;
	v14 =	vsub.f32 $1.000000010e-01, v14  }
0xc5: {  	v13 =	vand.u32 $0x7FFFFFFF, v13;
	v15 =	vsub.f32 $1.000000010e-01, v15;
	v17 =	vsub.f32 $1.000000010e-01, v17  }
0xc6: {  	v8 =	vsub.f32 v12, v8;
	v19 =	vsub.f32 $1.000000010e-01, v19;
	v18 =	vand.u32 $0x7FFFFFFF, v11  }
0xc7: {  	v11 =	vand.u32 $0x7FFFFFFF, v9;
	v14 =	vmax.f32 v14, $0.0e+00;
	v20 =	vsub.f32 v12, v5  }
0xc8: {  	v62 =	vld [tilespmem:s31+$0x1C0];
	v21 =	vsub.f32 v6, v12;
	v15 =	vmax.f32 v15, $0.0e+00;
	v22 =	vsub.f32 v5, v2  }
0xc9: {  	v9 =	vld [tilespmem:s31+$0xE0];
	v8 =	vand.u32 $0x7FFFFFFF, v8;
	v11 =	vsub.f32 $1.000000010e-01, v11;
	v20 =	vand.u32 $0x7FFFFFFF, v20  }
0xca: {  	v60 =	vand.u32 $0x7FFFFFFF, v21;
	v21 =	vand.u32 $0x7FFFFFFF, v22;
	v22 =	vand.u32 $0x7FFFFFFF, v23  }
0xcb: {  	v20 =	vsub.f32 $1.000000010e-01, v20;
	v23 =	vmax.f32 v11, $0.0e+00;
	v22 =	vsub.f32 $1.000000010e-01, v22  }
0xcc: {  	v63 =	vsub.f32 $1.000000010e-01, v21;
	v21 =	vsub.f32 $1.000000010e-01, v13;
	v13 =	vmax.f32 v19, $0.0e+00  }
0xcd: {  	v19 =	vand.u32 $0x7FFFFFFF, v7;
	v7 =	vmax.f32 v17, $0.0e+00;
	v15 =	vadd.f32 v15, v23  }
0xce: {  	v11 =	vmax.f32 v20, $0.0e+00;
	v20 =	vsub.f32 v12, v9;
	v12 =	vsub.f32 v62, v12  }
0xcf: {  	v14 =	vadd.f32 v14, v15;
	v15 =	vmax.f32 v10, $0.0e+00;
	v10 =	vsub.f32 $1.000000010e-01, v18  }
0xd0: {  	v19 =	vsub.f32 $1.000000010e-01, v19;
	v18 =	vmax.f32 v16, $0.0e+00;
	v23 =	vand.u32 $0x7FFFFFFF, v20  }
0xd1: {  	v20 =	vand.u32 $0x7FFFFFFF, v61;
	v26 =	vand.u32 $0x7FFFFFFF, v12;
	v16 =	vmax.f32 v10, $0.0e+00  }
0xd2: {  	v10 =	vmax.f32 v22, $0.0e+00;
	v22 =	vsub.f32 $1.000000010e-01, v20;
	v14 =	vadd.f32 v18, v14  }
0xd3: {  	v12 =	vmax.f32 v63, $0.0e+00;
	v18 =	vsub.f32 $1.000000010e-01, v8;
	v17 =	vsub.f32 $1.000000010e-01, v23  }
0xd4: {  	s15 =	simm.s32 $0x47F;
	v8 =	vmax.f32 v21, $0.0e+00;
	v20 =	vadd.f32 v15, v14;
	v14 =	vmax.f32 v22, $0.0e+00  }
0xd5: {  	s14 =	simm.s32 $0xC5F0;
	s10 =	simm.s32 $0xC600;
	s13 =	simm.s32 $0x1EF;
	v21 =	vmax.f32 v18, $0.0e+00;
	v18 =	vsub.f32 $1.000000010e-01, v60;
	v15 =	vsub.f32 $1.000000010e-01, v26  }
.LBB2_4:
0xd6: {  	v22 =	vld [tilespmem:s15+$0xFFFFFF21];
	s11 =	sadd.s32 $0x3, s11;
	v16 =	vadd.f32 v16, v20;
	v20 =	vadd.f32 v7, v21;
	s12 =	sadd.s32 $0x2A0, s12  }
0xd7: {  	v23 =	vsub.f32 v2, v4;
	v9 =	vsub.f32 v9, v2;
	v21 =	vld [tilespmem:s15+$0xFFFFFF22];
	p0 =	slt.u32 s11, $0xDC  }
0xd8: {  	v26 =	vsub.f32 v5, v3;
	v19 =	vmax.f32 v19, $0.0e+00;
	v24 =	vld [tilespmem:s15+$0x1C2];
	v5 =	vadd.f32 v20, v11  }
0xd9: {  	v17 =	vmax.f32 v17, $0.0e+00;
	v11 =	vand.u32 $0x7FFFFFFF, v23;
	v9 =	vand.u32 $0x7FFFFFFF, v9;
	v4 =	vld [tilespmem:s15+$0xFFFFFF20]  }
0xda: {  	v25 =	vand.u32 $0x7FFFFFFF, v26;
	v11 =	vsub.f32 $1.000000010e-01, v11;
	v20 =	vld [tilespmem:s15+$0xFFFFFE42];
	v17 =	vadd.f32 v5, v17  }
0xdb: {  	v18 =	vmax.f32 v18, $0.0e+00;
	v23 =	vsub.f32 $1.000000010e-01, v25;
	v9 =	vsub.f32 $1.000000010e-01, v9;
	v5 =	vld [tilespmem:s15+$0x2];
	v3 =	vmovc v22  }
0xdc: {  	v11 =	vmax.f32 v11, $0.0e+00;
	v22 =	vsub.f32 v21, v3;
	v25 =	vld [tilespmem:s15+$0x0];
	v17 =	vadd.f32 v17, v18  }
0xdd: {  	v2 =	vsub.f32 v6, v2;
	v6 =	vmax.f32 v15, $0.0e+00;
	v26 =	vmax.f32 v9, $0.0e+00;
	v18 =	vld [tilespmem:s15+$0xFFFFFE41]  }
0xde: {  	v9 =	vld [tilespmem:s15+$0xFFFFFE40];
	v15 =	vsub.f32 v3, v4;
	v22 =	vand.u32 $0x7FFFFFFF, v22;
	v6 =	vadd.f32 v17, v6  }
0xdf: {  	v27 =	vand.u32 $0x7FFFFFFF, v2;
	v17 =	vsub.f32 v3, v20;
	v20 =	vsub.f32 $1.000000010e-01, v22;
	v22 =	vld [tilespmem:s15+$0xE1]  }
0xe0: {  	v11 =	vadd.f32 v10, v11;
	v15 =	vand.u32 $0x7FFFFFFF, v15;
	v2 =	vld [tilespmem:s15+$0x1];
	v13 =	vadd.f32 v6, v13  }
0xe1: {  	v27 =	vsub.f32 $1.000000010e-01, v27;
	v17 =	vand.u32 $0x7FFFFFFF, v17;
	v15 =	vsub.f32 $1.000000010e-01, v15  }
0xe2: {  	v23 =	vmax.f32 v23, $0.0e+00;
	v11 =	vadd.f32 v11, v19;
	v18 =	vsub.f32 v3, v18  }
0xe3: {  	v10 =	vadd.f32 v10, v16;
	v16 =	vmax.f32 v27, $0.0e+00;
	v19 =	vsub.f32 v25, v3;
	v6 =	vld [tilespmem:s15+$0xE2]  }
0xe4: {  	v17 =	vsub.f32 $1.000000010e-01, v17;
	v9 =	vsub.f32 v3, v9;
	v18 =	vand.u32 $0x7FFFFFFF, v18  }
0xe5: {  	v11 =	vadd.f32 v11, v14;
	v19 =	vand.u32 $0x7FFFFFFF, v19;
	v18 =	vsub.f32 $1.000000010e-01, v18  }
0xe6: {  	v24 =	vsub.f32 v24, v22;
	v9 =	vand.u32 $0x7FFFFFFF, v9;
	v14 =	vsub.f32 v22, v2  }
0xe7: {  	v10 =	vadd.f32 v23, v10;
	v17 =	vmax.f32 v17, $0.0e+00;
	v27 =	vsub.f32 v22, v5;
	v28 =	vld [tilespmem:s15+$0x1C1]  }
0xe8: {  	v11 =	vadd.f32 v11, v12;
	v14 =	vand.u32 $0x7FFFFFFF, v14;
	v23 =	vsub.f32 v6, v22  }
0xe9: {  	v10 =	vmul.f32 $1.111111160e+00, v10;
	v12 =	vmax.f32 v18, $0.0e+00;
	v18 =	vsub.f32 v5, v2  }
0xea: {  	v8 =	vadd.f32 v13, v8;
	v27 =	vand.u32 $0x7FFFFFFF, v27;
	v14 =	vsub.f32 $1.000000010e-01, v14  }
0xeb: {  	v11 =	vadd.f32 v11, v26;
	v13 =	vsub.f32 $1.000000010e-01, v9;
	v23 =	vand.u32 $0x7FFFFFFF, v23;
	v9 =	vld [tilespmem:s15+$0xE0]  }
0xec: {  	v26 =	vsub.f32 v2, v3;
	v18 =	vand.u32 $0x7FFFFFFF, v18;
	v28 =	vsub.f32 v28, v22  }
0xed: {  	v7 =	vadd.f32 v11, v7;
	v27 =	vsub.f32 $1.000000010e-01, v27;
	v13 =	vmax.f32 v13, $0.0e+00  }
0xee: {  	v10 =	vadd.f32 $1.111111120e-01, v10;
	v11 =	vand.u32 $0x7FFFFFFF, v26;
	v26 =	vsub.f32 v2, v25  }
0xef: {  	v29 =	vsub.f32 $1.000000010e-01, v11;
	v7 =	vadd.f32 v7, v16;
	v11 =	vmax.f32 v27, $0.0e+00  }
0xf0: {  	v8 =	vmul.f32 $1.111111160e+00, v8;
	v12 =	vadd.f32 v12, v13;
	v13 =	vsub.f32 v22, v9;
	v16 =	vld [tilespmem:s15+$0x1C0];
	[tilespmem:s14+$0xFFFFFF20] =	vst v10  }
0xf1: {  	v21 =	vsub.f32 v2, v21;
	v7 =	vmul.f32 $1.111111160e+00, v7;
	v10 =	vand.u32 $0x7FFFFFFF, v28  }
0xf2: {  	v8 =	vadd.f32 $1.111111120e-01, v8;
	v25 =	vsub.f32 v22, v25;
	v27 =	vand.u32 $0x7FFFFFFF, v13  }
0xf3: {  	v7 =	vadd.f32 $1.111111120e-01, v7;
	v13 =	vand.u32 $0x7FFFFFFF, v26;
	v26 =	vsub.f32 $1.000000010e-01, v10  }
0xf4: {  	v12 =	vadd.f32 v17, v12;
	v17 =	vmax.f32 v20, $0.0e+00;
	v10 =	vsub.f32 $1.000000010e-01, v19;
	[tilespmem:s14+$0xE0] =	vst v8  }
0xf5: {  	v8 =	vand.u32 $0x7FFFFFFF, v25;
	v19 =	vsub.f32 v16, v22;
	v16 =	vand.u32 $0x7FFFFFFF, v24;
	[tilespmem:s14+$0x0] =	vst v7;
	s14 =	smov.u32 s12  }
0xf6: {  	v7 =	vmax.f32 v15, $0.0e+00;
	v15 =	vsub.f32 $1.000000010e-01, v18;
	v18 =	vsub.f32 $1.000000010e-01, v16  }
0xf7: {  	v22 =	vsub.f32 $1.000000010e-01, v13;
	v16 =	vmax.f32 v10, $0.0e+00;
	v10 =	vmax.f32 v29, $0.0e+00  }
.Ltmp1:
0xf8: {  	v24 =	vsub.f32 $1.000000010e-01, v8;
	v13 =	vmax.f32 v26, $0.0e+00;
	v12 =	vadd.f32 v7, v12;
	(pc) =	sbr.rel @p0 .LBB2_4-.Ltmp1, $4  }
0xf9: {  	v21 =	vand.u32 $0x7FFFFFFF, v21;
	v7 =	vmax.f32 v14, $0.0e+00;
	v25 =	vand.u32 $0x7FFFFFFF, v19  }
0xfa: {  	v20 =	vadd.f32 v17, v12;
	v17 =	vsub.f32 $1.000000010e-01, v27;
	v8 =	vmax.f32 v18, $0.0e+00  }
0xfb: {  	v19 =	vsub.f32 $1.000000010e-01, v21;
	v14 =	vmax.f32 v22, $0.0e+00;
	v21 =	vmax.f32 v24, $0.0e+00  }
0xfc: {  	s15 =	sadd.s32 $0x2A0, s15;
	v12 =	vmax.f32 v15, $0.0e+00;
	v18 =	vsub.f32 $1.000000010e-01, v23;
	v15 =	vsub.f32 $1.000000010e-01, v25  }
0xfd: {  	v4 =	vsub.f32 v2, v4;
	_ =	sdelay $0x1  }
0xfe: {  	v4 =	vand.u32 $0x7FFFFFFF, v4  }
0xff: {  	v4 =	vsub.f32 $1.000000010e-01, v4;
	_ =	sdelay $0x1  }
0x100: {  	v21 =	vadd.f32 v7, v21;
	v4 =	vmax.f32 v4, $0.0e+00  }
0x101: {  	v16 =	vadd.f32 v16, v20;
	v4 =	vadd.f32 v10, v4  }
0x102: {  	v19 =	vmax.f32 v19, $0.0e+00;
	v9 =	vsub.f32 v9, v2;
	v11 =	vadd.f32 v21, v11  }
0x103: {  	v17 =	vmax.f32 v17, $0.0e+00;
	v3 =	vsub.f32 v5, v3;
	v4 =	vadd.f32 v4, v19  }
0x104: {  	v2 =	vsub.f32 v6, v2;
	v5 =	vadd.f32 v11, v17  }
0x105: {  	v9 =	vand.u32 $0x7FFFFFFF, v9;
	v11 =	vmax.f32 v18, $0.0e+00;
	v4 =	vadd.f32 v4, v14  }
0x106: {  	v9 =	vsub.f32 $1.000000010e-01, v9;
	v5 =	vadd.f32 v5, v11  }
0x107: {  	v6 =	vmax.f32 v15, $0.0e+00;
	v3 =	vand.u32 $0x7FFFFFFF, v3;
	v4 =	vadd.f32 v4, v12  }
0x108: {  	v3 =	vsub.f32 $1.000000010e-01, v3;
	v9 =	vmax.f32 v9, $0.0e+00;
	v5 =	vadd.f32 v5, v6  }
0x109: {  	v2 =	vand.u32 $0x7FFFFFFF, v2;
	v6 =	vadd.f32 v10, v16;
	v4 =	vadd.f32 v4, v9  }
0x10a: {  	v2 =	vsub.f32 $1.000000010e-01, v2;
	v3 =	vmax.f32 v3, $0.0e+00;
	v5 =	vadd.f32 v5, v13  }
0x10b: {  	v3 =	vadd.f32 v3, v6;
	v4 =	vadd.f32 v4, v7  }
0x10c: {  	v2 =	vmax.f32 v2, $0.0e+00;
	v5 =	vadd.f32 v5, v8  }
0x10d: {  	v3 =	vmul.f32 $1.111111160e+00, v3;
	v2 =	vadd.f32 v4, v2  }
0x10e: {  	v4 =	vmul.f32 $1.111111160e+00, v5  }
0x10f: {  	v3 =	vadd.f32 $1.111111120e-01, v3;
	v2 =	vmul.f32 $1.111111160e+00, v2  }
0x110: {  	v4 =	vadd.f32 $1.111111120e-01, v4  }
0x111: {  	[tilespmem:s14+$0xFFFFFF20] =	vst v3;
	v2 =	vadd.f32 $1.111111120e-01, v2  }
0x112: {  	[tilespmem:s14+$0xE0] =	vst v4  }
0x113: {  	[tilespmem:s14+$0x0] =	vst v2  }
0x114: {  	v2 =	vld [tilespmem:s13+$0xFFFFFF21]  }
0x115: {  	v3 =	vld [tilespmem:s13+$0x1C1]  }
0x116: {  	v4 =	vld [tilespmem:s13+$0xFFFFFF22]  }
0x117: {  	v5 =	vld [tilespmem:s13+$0xFFFFFE42]  }
0x118: {  	v6 =	vld [tilespmem:s13+$0x2]  }
0x119: {  	v7 =	vld [tilespmem:s13+$0xE0]  }
0x11a: {  	v8 =	vld [tilespmem:s13+$0xFFFFFE40]  }
0x11b: {  	v9 =	vld [tilespmem:s13+$0xFFFFFF20]  }
0x11c: {  	v10 =	vld [tilespmem:s13+$0x0]  }
0x11d: {  	v12 =	vld [tilespmem:s13+$0xFFFFFE41]  }
0x11e: {  	v13 =	vld [tilespmem:s13+$0xE1]  }
0x11f: {  	v15 =	vld [tilespmem:s13+$0x1]  }
0x120: {  	v11 =	vsub.f32 v4, v2;
	v14 =	vsub.f32 v6, v2  }
0x121: {  	v5 =	vsub.f32 v2, v5;
	v8 =	vsub.f32 v2, v8  }
0x122: {  	v16 =	vsub.f32 v2, v9;
	v17 =	vsub.f32 v10, v2  }
0x123: {  	v12 =	vsub.f32 v2, v12;
	v3 =	vsub.f32 v3, v13  }
0x124: {  	v18 =	vsub.f32 v7, v15;
	v2 =	vsub.f32 v15, v2  }
0x125: {  	v19 =	vsub.f32 v13, v15;
	v21 =	vsub.f32 v6, v15  }
0x126: {  	v22 =	vsub.f32 v15, v10;
	v7 =	vsub.f32 v13, v7  }
0x127: {  	v9 =	vsub.f32 v15, v9;
	v10 =	vsub.f32 v13, v10  }
0x128: {  	v4 =	vsub.f32 v15, v4;
	v6 =	vsub.f32 v13, v6  }
0x129: {  	v11 =	vand.u32 $0x7FFFFFFF, v11;
	v14 =	vand.u32 $0x7FFFFFFF, v14;
	v5 =	vand.u32 $0x7FFFFFFF, v5  }
0x12a: {  	v16 =	vand.u32 $0x7FFFFFFF, v16;
	v12 =	vand.u32 $0x7FFFFFFF, v12;
	v8 =	vand.u32 $0x7FFFFFFF, v8  }
0x12b: {  	v18 =	vand.u32 $0x7FFFFFFF, v18;
	v2 =	vand.u32 $0x7FFFFFFF, v2;
	v17 =	vand.u32 $0x7FFFFFFF, v17  }
0x12c: {  	v10 =	vand.u32 $0x7FFFFFFF, v10;
	v9 =	vand.u32 $0x7FFFFFFF, v9;
	v11 =	vsub.f32 $1.000000010e-01, v11  }
0x12d: {  	v4 =	vand.u32 $0x7FFFFFFF, v4;
	v14 =	vsub.f32 $1.000000010e-01, v14;
	v5 =	vsub.f32 $1.000000010e-01, v5  }
0x12e: {  	v7 =	vand.u32 $0x7FFFFFFF, v7;
	v16 =	vsub.f32 $1.000000010e-01, v16;
	v12 =	vsub.f32 $1.000000010e-01, v12  }
0x12f: {  	v6 =	vand.u32 $0x7FFFFFFF, v6;
	v8 =	vsub.f32 $1.000000010e-01, v8;
	v2 =	vsub.f32 $1.000000010e-01, v2  }
0x130: {  	v19 =	vand.u32 $0x7FFFFFFF, v19;
	v10 =	vsub.f32 $1.000000010e-01, v10;
	v9 =	vsub.f32 $1.000000010e-01, v9  }
0x131: {  	v4 =	vsub.f32 $1.000000010e-01, v4;
	v12 =	vmax.f32 v12, $0.0e+00;
	v8 =	vmax.f32 v8, $0.0e+00  }
0x132: {  	v20 =	vld [tilespmem:s13+$0xE2];
	v3 =	vand.u32 $0x7FFFFFFF, v3;
	v7 =	vsub.f32 $1.000000010e-01, v7;
	v8 =	vadd.f32 v12, v8  }
0x133: {  	v6 =	vsub.f32 $1.000000010e-01, v6;
	v26 =	vsub.f32 $1.000000010e-01, v3;
	v5 =	vmax.f32 v5, $0.0e+00  }
0x134: {  	v16 =	vmax.f32 v16, $0.0e+00;
	v11 =	vmax.f32 v11, $0.0e+00;
	v5 =	vadd.f32 v5, v8  }
0x135: {  	v9 =	vmax.f32 v9, $0.0e+00;
	v14 =	vmax.f32 v14, $0.0e+00;
	v4 =	vmax.f32 v4, $0.0e+00  }
0x136: {  	v10 =	vmax.f32 v10, $0.0e+00;
	v7 =	vmax.f32 v7, $0.0e+00;
	v5 =	vadd.f32 v16, v5  }
0x137: {  	v12 =	vsub.f32 v20, v15;
	v8 =	vmax.f32 v2, $0.0e+00;
	v2 =	vsub.f32 $1.000000010e-01, v17  }
0x138: {  	v9 =	vadd.f32 v8, v9;
	v16 =	vand.u32 $0x7FFFFFFF, v22;
	v5 =	vadd.f32 v11, v5;
	v11 =	vld [tilespmem:s13+$0x1C0]  }
0x139: {  	s15 =	simm.s32 $0x48F;
	v15 =	vld [tilespmem:s13+$0x1C2];
	v17 =	vand.u32 $0x7FFFFFFF, v21;
	v2 =	vmax.f32 v2, $0.0e+00;
	v16 =	vsub.f32 $1.000000010e-01, v16  }
0x13a: {  	v12 =	vand.u32 $0x7FFFFFFF, v12;
	v22 =	vld [tilespmem:s15+$0x2];
	v4 =	vadd.f32 v9, v4;
	v5 =	vadd.f32 v2, v5  }
0x13b: {  	v2 =	vmax.f32 v16, $0.0e+00;
	v16 =	vsub.f32 $1.000000010e-01, v17;
	v17 =	vsub.f32 v20, v13;
	v20 =	vld [tilespmem:s15+$0xFFFFFF21]  }
0x13c: {  	v24 =	vld [tilespmem:s15+$0xFFFFFF20];
	v26 =	vmax.f32 v26, $0.0e+00;
	v12 =	vsub.f32 $1.000000010e-01, v12;
	v23 =	vadd.f32 v4, v2  }
0x13d: {  	v17 =	vand.u32 $0x7FFFFFFF, v17;
	v5 =	vadd.f32 v8, v5;
	v11 =	vsub.f32 v11, v13  }
0x13e: {  	v16 =	vmax.f32 v16, $0.0e+00;
	v13 =	vsub.f32 v15, v13;
	v15 =	vsub.f32 $1.000000010e-01, v19;
	v19 =	vld [tilespmem:s15+$0xFFFFFE42]  }
0x13f: {  	v9 =	vld [tilespmem:s15+$0xFFFFFF22];
	v4 =	vmax.f32 v6, $0.0e+00;
	v17 =	vsub.f32 $1.000000010e-01, v17;
	v16 =	vadd.f32 v23, v16  }
0x140: {  	v6 =	vld [tilespmem:s15+$0xFFFFFE40];
	v5 =	vadd.f32 v14, v5;
	v11 =	vand.u32 $0x7FFFFFFF, v11;
	v28 =	vsub.f32 v22, v20  }
0x141: {  	v27 =	vld [tilespmem:s15+$0x0];
	v15 =	vmax.f32 v15, $0.0e+00;
	v60 =	vsub.f32 v20, v24;
	v2 =	vsub.f32 $1.000000010e-01, v11  }
0x142: {  	v21 =	vld [tilespmem:s15+$0x1C1];
	v13 =	vand.u32 $0x7FFFFFFF, v13;
	v11 =	vsub.f32 $1.000000010e-01, v18;
	v10 =	vadd.f32 v15, v10  }
0x143: {  	v18 =	vld [tilespmem:s15+$0xE0];
	v13 =	vsub.f32 $1.000000010e-01, v13;
	v25 =	vmax.f32 v2, $0.0e+00;
	v3 =	vsub.f32 v20, v19  }
0x144: {  	v2 =	vld [tilespmem:s15+$0xE1];
	v11 =	vmax.f32 v11, $0.0e+00;
	v19 =	vsub.f32 v9, v20;
	v4 =	vadd.f32 v10, v4  }
0x145: {  	v12 =	vmax.f32 v12, $0.0e+00;
	v6 =	vsub.f32 v20, v6;
	v10 =	vld [tilespmem:s15+$0x1];
	v11 =	vadd.f32 v16, v11  }
0x146: {  	v19 =	vand.u32 $0x7FFFFFFF, v19;
	v4 =	vadd.f32 v4, v7;
	v14 =	vand.u32 $0x7FFFFFFF, v3  }
0x147: {  	v8 =	vsub.f32 $1.000000010e-01, v19;
	v19 =	vand.u32 $0x7FFFFFFF, v28;
	v14 =	vsub.f32 $1.000000010e-01, v14  }
0x148: {  	v7 =	vmax.f32 v17, $0.0e+00;
	v11 =	vadd.f32 v11, v15;
	v19 =	vsub.f32 $1.000000010e-01, v19  }
0x149: {  	v29 =	vmul.f32 $1.111111160e+00, v5;
	v17 =	vld [tilespmem:s15+$0xFFFFFE41];
	v4 =	vadd.f32 v4, v7;
	v7 =	vsub.f32 v27, v20  }
0x14a: {  	v13 =	vmax.f32 v13, $0.0e+00;
	v3 =	vsub.f32 v21, v2;
	v61 =	vsub.f32 v18, v10  }
0x14b: {  	v6 =	vand.u32 $0x7FFFFFFF, v6;
	v63 =	vsub.f32 v10, v27;
	v18 =	vsub.f32 v2, v18  }
0x14c: {  	v21 =	vand.u32 $0x7FFFFFFF, v60;
	v16 =	vsub.f32 v2, v27;
	v11 =	vadd.f32 v11, v12  }
0x14d: {  	v8 =	vmax.f32 v8, $0.0e+00;
	v9 =	vsub.f32 v10, v9;
	v21 =	vsub.f32 $1.000000010e-01, v21  }
0x14e: {  	v14 =	vmax.f32 v14, $0.0e+00;
	v25 =	vadd.f32 v4, v25;
	v5 =	vsub.f32 v20, v17  }
0x14f: {  	v7 =	vand.u32 $0x7FFFFFFF, v7;
	v17 =	vsub.f32 v10, v20;
	v20 =	vsub.f32 $1.000000010e-01, v6  }
0x150: {  	v6 =	vsub.f32 v2, v10;
	v7 =	vsub.f32 $1.000000010e-01, v7;
	v5 =	vand.u32 $0x7FFFFFFF, v5  }
0x151: {  	v4 =	vand.u32 $0x7FFFFFFF, v61;
	v25 =	vadd.f32 v25, v26;
	v5 =	vsub.f32 $1.000000010e-01, v5  }
0x152: {  	v62 =	vld [tilespmem:s15+$0xE2];
	v16 =	vand.u32 $0x7FFFFFFF, v16;
	v15 =	vand.u32 $0x7FFFFFFF, v63;
	v17 =	vand.u32 $0x7FFFFFFF, v17  }
0x153: {  	v20 =	vmax.f32 v20, $0.0e+00;
	v23 =	vadd.f32 v25, v13;
	v5 =	vmax.f32 v5, $0.0e+00  }
0x154: {  	v21 =	vmax.f32 v21, $0.0e+00;
	v13 =	vsub.f32 $1.000000010e-01, v17;
	v20 =	vadd.f32 v5, v20  }
0x155: {  	v15 =	vsub.f32 $1.000000010e-01, v15;
	v7 =	vmax.f32 v7, $0.0e+00;
	v17 =	vsub.f32 v22, v10  }
0x156: {  	v22 =	vsub.f32 v2, v22;
	v5 =	vmax.f32 v13, $0.0e+00;
	v14 =	vadd.f32 v14, v20  }
0x157: {  	v13 =	vsub.f32 v10, v24;
	v20 =	vsub.f32 v62, v10;
	v10 =	vmul.f32 $1.111111160e+00, v11  }
0x158: {  	v17 =	vand.u32 $0x7FFFFFFF, v17;
	v12 =	vmul.f32 $1.111111160e+00, v23;
	v14 =	vadd.f32 v21, v14  }
0x159: {  	v21 =	vadd.f32 $1.111111120e-01, v29;
	v20 =	vand.u32 $0x7FFFFFFF, v20;
	v10 =	vadd.f32 $1.111111120e-01, v10  }
0x15a: {  	v23 =	vand.u32 $0x7FFFFFFF, v18;
	v11 =	vsub.f32 $1.000000010e-01, v20;
	v20 =	vsub.f32 $1.000000010e-01, v17  }
0x15b: {  	v17 =	vld [tilespmem:s15+$0x1C0];
	v8 =	vadd.f32 v8, v14;
	v14 =	vand.u32 $0x7FFFFFFF, v13;
	v13 =	vsub.f32 $1.000000010e-01, v16  }
0x15c: {  	v18 =	vld [tilespmem:s15+$0x1C2];
	[tilespmem:s10+$0xFFFFFF20] =	vst v21;
	v21 =	vand.u32 $0x7FFFFFFF, v22;
	v16 =	vsub.f32 $1.000000010e-01, v14;
	v14 =	vmax.f32 v15, $0.0e+00  }
0x15d: {  	s11 =	simm.s32 $0xC610;
	v15 =	vand.u32 $0x7FFFFFFF, v9;
	v9 =	vmax.f32 v19, $0.0e+00;
	v7 =	vadd.f32 v7, v8  }
0x15e: {  	s12 =	simm.s32 $0x1;
	s16 =	simm.s32 $0x72F;
	s17 =	simm.s32 $0xCB40;
	v19 =	vsub.f32 $1.000000010e-01, v15;
	v15 =	vsub.f32 $1.000000010e-01, v23;
	v8 =	vmax.f32 v16, $0.0e+00  }
0x15f: {  	s14 =	simm.s32 $0xC8A0;
	s13 =	simm.s32 $0x1FF;
	s15 =	simm.s32 $0x4;
	v16 =	vadd.f32 v5, v8;
	v8 =	vmax.f32 v20, $0.0e+00;
	v20 =	vsub.f32 v62, v2  }
.LBB2_6:
0x160: {  	v22 =	vld [tilespmem:s16+$0xFFFFFF21];
	s15 =	sadd.s32 $0x3, s15;
	v6 =	vand.u32 $0x7FFFFFFF, v6;
	v17 =	vsub.f32 v17, v2;
	v12 =	vadd.f32 $1.111111120e-01, v12  }
0x161: {  	v21 =	vsub.f32 $1.000000010e-01, v21;
	v23 =	vld [tilespmem:s16+$0x1C1];
	p0 =	slt.u32 s15, $0xDC;
	v20 =	vand.u32 $0x7FFFFFFF, v20;
	v2 =	vsub.f32 v18, v2;
	[tilespmem:s10+$0x0] =	vst v10  }
0x162: {  	v18 =	vmax.f32 v19, $0.0e+00;
	v6 =	vsub.f32 $1.000000010e-01, v6;
	v10 =	vld [tilespmem:s16+$0xFFFFFF22];
	v19 =	vsub.f32 $1.000000010e-01, v20;
	[tilespmem:s10+$0xE0] =	vst v12;
	s10 =	smov.u32 s14;
	s14 =	smov.u32 s17  }
0x163: {  	v3 =	vand.u32 $0x7FFFFFFF, v3;
	v16 =	vadd.f32 v16, v18;
	v17 =	vand.u32 $0x7FFFFFFF, v17;
	v12 =	vld [tilespmem:s16+$0xFFFFFE42]  }
0x164: {  	v20 =	vmax.f32 v6, $0.0e+00;
	v6 =	vmax.f32 v13, $0.0e+00;
	v2 =	vand.u32 $0x7FFFFFFF, v2;
	v18 =	vld [tilespmem:s16+$0x2]  }
0x165: {  	v17 =	vsub.f32 $1.000000010e-01, v17;
	v14 =	vadd.f32 v16, v14;
	v16 =	vmax.f32 v21, $0.0e+00;
	v13 =	vld [tilespmem:s16+$0xE0]  }
0x166: {  	v4 =	vsub.f32 $1.000000010e-01, v4;
	v11 =	vmax.f32 v11, $0.0e+00;
	v24 =	vsub.f32 $1.000000010e-01, v2;
	v21 =	vld [tilespmem:s16+$0xFFFFFE40]  }
0x167: {  	v3 =	vsub.f32 $1.000000010e-01, v3;
	v6 =	vadd.f32 v20, v6;
	v17 =	vmax.f32 v17, $0.0e+00;
	v25 =	vld [tilespmem:s16+$0xFFFFFF20]  }
0x168: {  	v26 =	vmax.f32 v4, $0.0e+00;
	v4 =	vmax.f32 v15, $0.0e+00;
	v12 =	vsub.f32 v22, v12;
	v2 =	vld [tilespmem:s16+$0xE1]  }
0x169: {  	v24 =	vmax.f32 v24, $0.0e+00;
	v15 =	vsub.f32 v10, v22;
	v27 =	vld [tilespmem:s16+$0x0];
	v28 =	vsub.f32 v18, v22  }
0x16a: {  	v6 =	vadd.f32 v6, v16;
	v16 =	vmax.f32 v19, $0.0e+00;
	v12 =	vand.u32 $0x7FFFFFFF, v12;
	v29 =	vld [tilespmem:s16+$0x1]  }
0x16b: {  	v5 =	vadd.f32 v5, v7;
	v15 =	vand.u32 $0x7FFFFFFF, v15;
	v19 =	vsub.f32 v22, v21  }
0x16c: {  	v4 =	vadd.f32 v6, v4;
	v7 =	vsub.f32 $1.000000010e-01, v15;
	v15 =	vand.u32 $0x7FFFFFFF, v28  }
0x16d: {  	v5 =	vadd.f32 v9, v5;
	v15 =	vsub.f32 $1.000000010e-01, v15;
	v6 =	vand.u32 $0x7FFFFFFF, v19;
	v19 =	vld [tilespmem:s16+$0xFFFFFE41]  }
0x16e: {  	v4 =	vadd.f32 v4, v16;
	v16 =	vmax.f32 v3, $0.0e+00;
	v9 =	vsub.f32 v22, v25  }
0x16f: {  	v3 =	vsub.f32 v23, v2;
	v23 =	vmul.f32 $1.111111160e+00, v5;
	v21 =	vsub.f32 v27, v22  }
0x170: {  	v5 =	vsub.f32 $1.000000010e-01, v12;
	v9 =	vand.u32 $0x7FFFFFFF, v9;
	v12 =	vsub.f32 v13, v29  }
0x171: {  	v17 =	vadd.f32 v4, v17;
	v9 =	vsub.f32 $1.000000010e-01, v9  }
0x172: {  	v4 =	vand.u32 $0x7FFFFFFF, v12;
	v19 =	vsub.f32 v22, v19;
	v22 =	vsub.f32 v29, v22  }
0x173: {  	v16 =	vadd.f32 v17, v16;
	v12 =	vsub.f32 $1.000000010e-01, v6;
	v9 =	vmax.f32 v9, $0.0e+00  }
0x174: {  	v6 =	vsub.f32 v2, v29;
	v17 =	vand.u32 $0x7FFFFFFF, v19;
	v19 =	vand.u32 $0x7FFFFFFF, v21  }
0x175: {  	v8 =	vadd.f32 v14, v8;
	v7 =	vmax.f32 v7, $0.0e+00;
	v17 =	vsub.f32 $1.000000010e-01, v17  }
0x176: {  	v14 =	vmax.f32 v5, $0.0e+00;
	v16 =	vadd.f32 v16, v24;
	v5 =	vand.u32 $0x7FFFFFFF, v22  }
0x177: {  	v21 =	vsub.f32 v18, v29;
	v5 =	vsub.f32 $1.000000010e-01, v5;
	v17 =	vmax.f32 v17, $0.0e+00;
	v22 =	vld [tilespmem:s16+$0xE2]  }
0x178: {  	v28 =	vsub.f32 v2, v13;
	v24 =	vsub.f32 v29, v27;
	v12 =	vmax.f32 v12, $0.0e+00  }
0x179: {  	v8 =	vadd.f32 v8, v26;
	v5 =	vmax.f32 v5, $0.0e+00;
	v12 =	vadd.f32 v17, v12  }
0x17a: {  	v13 =	vsub.f32 v29, v25;
	v17 =	vsub.f32 v2, v27  }
0x17b: {  	v12 =	vadd.f32 v14, v12;
	v14 =	vsub.f32 $1.000000010e-01, v19;
	v19 =	vand.u32 $0x7FFFFFFF, v21  }
0x17c: {  	v8 =	vadd.f32 v8, v20;
	v17 =	vand.u32 $0x7FFFFFFF, v17;
	v21 =	vsub.f32 v22, v29  }
0x17d: {  	v20 =	vadd.f32 $1.111111120e-01, v23;
	v9 =	vadd.f32 v9, v12;
	v12 =	vand.u32 $0x7FFFFFFF, v24  }
0x17e: {  	v8 =	vadd.f32 v8, v11;
	v23 =	vsub.f32 $1.000000010e-01, v12;
	v21 =	vand.u32 $0x7FFFFFFF, v21  }
0x17f: {  	v7 =	vadd.f32 v7, v9;
	v9 =	vand.u32 $0x7FFFFFFF, v13;
	v13 =	vsub.f32 $1.000000010e-01, v17;
	[tilespmem:s10+$0xFFFFFF20] =	vst v20  }
0x180: {  	v11 =	vmax.f32 v14, $0.0e+00;
	v12 =	vmul.f32 $1.111111160e+00, v16;
	v20 =	vsub.f32 v2, v18  }
0x181: {  	v10 =	vsub.f32 v29, v10;
	v24 =	vmul.f32 $1.111111160e+00, v8;
	v9 =	vsub.f32 $1.000000010e-01, v9  }
.Ltmp2:
0x182: {  	v14 =	vmax.f32 v23, $0.0e+00;
	v7 =	vadd.f32 v11, v7;
	v11 =	vsub.f32 $1.000000010e-01, v21;
	v17 =	vld [tilespmem:s16+$0x1C0];
	(pc) =	sbr.rel @p0 .LBB2_6-.Ltmp2, $4  }
0x183: {  	v10 =	vand.u32 $0x7FFFFFFF, v10;
	v21 =	vsub.f32 $1.000000010e-01, v19;
	v8 =	vmax.f32 v9, $0.0e+00;
	v18 =	vld [tilespmem:s16+$0x1C2]  }
0x184: {  	v9 =	vmax.f32 v15, $0.0e+00;
	v15 =	vand.u32 $0x7FFFFFFF, v28;
	v16 =	vadd.f32 v5, v8  }
0x185: {  	v19 =	vsub.f32 $1.000000010e-01, v10;
	v8 =	vmax.f32 v21, $0.0e+00;
	v15 =	vsub.f32 $1.000000010e-01, v15  }
0x186: {  	s17 =	sadd.s32 $0x2A0, s17;
	v10 =	vadd.f32 $1.111111120e-01, v24;
	v21 =	vand.u32 $0x7FFFFFFF, v20;
	v20 =	vsub.f32 v22, v2;
	s16 =	sadd.s32 $0x2A0, s16  }
0x187: {  	v6 =	vand.u32 $0x7FFFFFFF, v6  }
0x188: {  	v6 =	vsub.f32 $1.000000010e-01, v6;
	_ =	sdelay $0x1  }
0x189: {  	v21 =	vsub.f32 $1.000000010e-01, v21;
	v13 =	vmax.f32 v13, $0.0e+00;
	v6 =	vmax.f32 v6, $0.0e+00  }
0x18a: {  	v19 =	vmax.f32 v19, $0.0e+00;
	v13 =	vadd.f32 v6, v13  }
0x18b: {  	v17 =	vsub.f32 v17, v2;
	v16 =	vadd.f32 v16, v19;
	v19 =	vmax.f32 v21, $0.0e+00  }
0x18c: {  	v20 =	vand.u32 $0x7FFFFFFF, v20;
	v2 =	vsub.f32 v18, v2;
	v13 =	vadd.f32 v13, v19  }
0x18d: {  	v15 =	vmax.f32 v15, $0.0e+00;
	v18 =	vsub.f32 $1.000000010e-01, v20;
	v14 =	vadd.f32 v16, v14  }
0x18e: {  	v4 =	vsub.f32 $1.000000010e-01, v4;
	v16 =	vand.u32 $0x7FFFFFFF, v17;
	v13 =	vadd.f32 v13, v15  }
0x18f: {  	v8 =	vadd.f32 v14, v8;
	v15 =	vsub.f32 $1.000000010e-01, v16;
	v16 =	vmax.f32 v18, $0.0e+00  }
0x190: {  	v3 =	vand.u32 $0x7FFFFFFF, v3;
	v4 =	vmax.f32 v4, $0.0e+00;
	v13 =	vadd.f32 v13, v16  }
0x191: {  	v3 =	vsub.f32 $1.000000010e-01, v3;
	v4 =	vadd.f32 v8, v4;
	v14 =	vmax.f32 v15, $0.0e+00  }
0x192: {  	v5 =	vadd.f32 v5, v7;
	v2 =	vand.u32 $0x7FFFFFFF, v2;
	v7 =	vadd.f32 v13, v14  }
0x193: {  	v3 =	vmax.f32 v3, $0.0e+00;
	v2 =	vsub.f32 $1.000000010e-01, v2;
	v4 =	vadd.f32 v4, v6  }
0x194: {  	v5 =	vadd.f32 v9, v5;
	v6 =	vmax.f32 v11, $0.0e+00;
	v3 =	vadd.f32 v7, v3  }
0x195: {  	v2 =	vmax.f32 v2, $0.0e+00;
	v4 =	vadd.f32 v4, v6  }
0x196: {  	v5 =	vmul.f32 $1.111111160e+00, v5;
	v2 =	vadd.f32 v3, v2  }
0x197: {  	v4 =	vmul.f32 $1.111111160e+00, v4;
	v3 =	vadd.f32 $1.111111120e-01, v12  }
0x198: {  	[tilespmem:s10+$0x0] =	vst v10;
	v5 =	vadd.f32 $1.111111120e-01, v5;
	v2 =	vmul.f32 $1.111111160e+00, v2  }
0x199: {  	[tilespmem:s10+$0xE0] =	vst v3;
	v3 =	vadd.f32 $1.111111120e-01, v4  }
0x19a: {  	[tilespmem:s14+$0xFFFFFF20] =	vst v5;
	v2 =	vadd.f32 $1.111111120e-01, v2  }
0x19b: {  	[tilespmem:s14+$0x0] =	vst v3  }
0x19c: {  	[tilespmem:s14+$0xE0] =	vst v2  }
0x19d: {  	v3 =	vld [tilespmem:s13+$0xFFFFFF21]  }
0x19e: {  	v7 =	vld [tilespmem:s13+$0xFFFFFF22]  }
0x19f: {  	v4 =	vld [tilespmem:s13+$0xFFFFFF20]  }
0x1a0: {  	v5 =	vld [tilespmem:s13+$0xFFFFFE42]  }
0x1a1: {  	v6 =	vld [tilespmem:s13+$0xFFFFFE41]  }
0x1a2: {  	v9 =	vld [tilespmem:s13+$0xFFFFFE40]  }
0x1a3: {  	v12 =	vld [tilespmem:s13+$0xE1]  }
0x1a4: {  	v2 =	vld [tilespmem:s13+$0x1]  }
0x1a5: {  	v13 =	vld [tilespmem:s13+$0x1C2]  }
0x1a6: {  	v19 =	vld [tilespmem:s13+$0x1C1]  }
0x1a7: {  	v8 =	vld [tilespmem:s13+$0x0];
	v10 =	vsub.f32 v7, v3  }
0x1a8: {  	v11 =	vsub.f32 v3, v4;
	v14 =	vsub.f32 v3, v5  }
0x1a9: {  	v15 =	vsub.f32 v3, v6;
	v9 =	vsub.f32 v3, v9  }
0x1aa: {  	v17 =	vsub.f32 v12, v2;
	v13 =	vsub.f32 v13, v12  }
0x1ab: {  	v23 =	vsub.f32 v2, v3;
	v19 =	vsub.f32 v19, v12  }
0x1ac: {  	v25 =	vsub.f32 v2, v8;
	v7 =	vsub.f32 v2, v7;
	v10 =	vand.u32 $0x7FFFFFFF, v10  }
0x1ad: {  	v5 =	vld [tilespmem:s13+$0x2];
	v11 =	vand.u32 $0x7FFFFFFF, v11;
	v14 =	vand.u32 $0x7FFFFFFF, v14;
	v15 =	vand.u32 $0x7FFFFFFF, v15  }
0x1ae: {  	v6 =	vld [tilespmem:s13+$0xE2];
	v17 =	vand.u32 $0x7FFFFFFF, v17;
	v10 =	vsub.f32 $1.000000010e-01, v10;
	v16 =	vsub.f32 $1.000000010e-01, v11  }
0x1af: {  	v19 =	vand.u32 $0x7FFFFFFF, v19;
	v11 =	vsub.f32 v8, v3;
	v14 =	vsub.f32 $1.000000010e-01, v14  }
0x1b0: {  	v13 =	vand.u32 $0x7FFFFFFF, v13;
	v15 =	vsub.f32 $1.000000010e-01, v15;
	v17 =	vsub.f32 $1.000000010e-01, v17  }
0x1b1: {  	v8 =	vsub.f32 v12, v8;
	v19 =	vsub.f32 $1.000000010e-01, v19;
	v18 =	vand.u32 $0x7FFFFFFF, v11  }
0x1b2: {  	v11 =	vand.u32 $0x7FFFFFFF, v9;
	v14 =	vmax.f32 v14, $0.0e+00;
	v20 =	vsub.f32 v12, v5  }
0x1b3: {  	v26 =	vld [tilespmem:s13+$0x1C0];
	v21 =	vsub.f32 v6, v12;
	v15 =	vmax.f32 v15, $0.0e+00;
	v22 =	vsub.f32 v5, v2  }
0x1b4: {  	v9 =	vld [tilespmem:s13+$0xE0];
	v8 =	vand.u32 $0x7FFFFFFF, v8;
	v11 =	vsub.f32 $1.000000010e-01, v11;
	v20 =	vand.u32 $0x7FFFFFFF, v20  }
0x1b5: {  	v24 =	vand.u32 $0x7FFFFFFF, v21;
	v21 =	vand.u32 $0x7FFFFFFF, v22;
	v22 =	vand.u32 $0x7FFFFFFF, v23  }
0x1b6: {  	v20 =	vsub.f32 $1.000000010e-01, v20;
	v23 =	vmax.f32 v11, $0.0e+00;
	v22 =	vsub.f32 $1.000000010e-01, v22  }
0x1b7: {  	v63 =	vsub.f32 $1.000000010e-01, v21;
	v21 =	vsub.f32 $1.000000010e-01, v13;
	v13 =	vmax.f32 v19, $0.0e+00  }
0x1b8: {  	v19 =	vand.u32 $0x7FFFFFFF, v7;
	v7 =	vmax.f32 v17, $0.0e+00;
	v15 =	vadd.f32 v15, v23  }
0x1b9: {  	v11 =	vmax.f32 v20, $0.0e+00;
	v20 =	vsub.f32 v12, v9;
	v12 =	vsub.f32 v26, v12  }
0x1ba: {  	v14 =	vadd.f32 v14, v15;
	v15 =	vmax.f32 v10, $0.0e+00;
	v10 =	vsub.f32 $1.000000010e-01, v18  }
0x1bb: {  	v19 =	vsub.f32 $1.000000010e-01, v19;
	v18 =	vmax.f32 v16, $0.0e+00;
	v23 =	vand.u32 $0x7FFFFFFF, v20  }
0x1bc: {  	v20 =	vand.u32 $0x7FFFFFFF, v25;
	v26 =	vand.u32 $0x7FFFFFFF, v12;
	v16 =	vmax.f32 v10, $0.0e+00  }
0x1bd: {  	v10 =	vmax.f32 v22, $0.0e+00;
	v22 =	vsub.f32 $1.000000010e-01, v20;
	v14 =	vadd.f32 v18, v14  }
0x1be: {  	v12 =	vmax.f32 v63, $0.0e+00;
	v18 =	vsub.f32 $1.000000010e-01, v8;
	v17 =	vsub.f32 $1.000000010e-01, v23  }
0x1bf: {  	s15 =	simm.s32 $0x49F;
	v8 =	vmax.f32 v21, $0.0e+00;
	v20 =	vadd.f32 v15, v14;
	v14 =	vmax.f32 v22, $0.0e+00  }
0x1c0: {  	s10 =	simm.s32 $0xC620;
	s14 =	simm.s32 $0xC610;
	s13 =	simm.s32 $0x20F;
	v21 =	vmax.f32 v18, $0.0e+00;
	v18 =	vsub.f32 $1.000000010e-01, v24;
	v15 =	vsub.f32 $1.000000010e-01, v26  }
.LBB2_8:
0x1c1: {  	v22 =	vld [tilespmem:s15+$0xFFFFFF21];
	s12 =	sadd.s32 $0x3, s12;
	v16 =	vadd.f32 v16, v20;
	v20 =	vadd.f32 v7, v21;
	s11 =	sadd.s32 $0x2A0, s11  }
0x1c2: {  	v23 =	vsub.f32 v2, v4;
	v9 =	vsub.f32 v9, v2;
	v21 =	vld [tilespmem:s15+$0xFFFFFF22];
	p0 =	slt.u32 s12, $0xDC  }
0x1c3: {  	v26 =	vsub.f32 v5, v3;
	v19 =	vmax.f32 v19, $0.0e+00;
	v24 =	vld [tilespmem:s15+$0x1C2];
	v5 =	vadd.f32 v20, v11  }
0x1c4: {  	v17 =	vmax.f32 v17, $0.0e+00;
	v11 =	vand.u32 $0x7FFFFFFF, v23;
	v9 =	vand.u32 $0x7FFFFFFF, v9;
	v4 =	vld [tilespmem:s15+$0xFFFFFF20]  }
0x1c5: {  	v25 =	vand.u32 $0x7FFFFFFF, v26;
	v11 =	vsub.f32 $1.000000010e-01, v11;
	v20 =	vld [tilespmem:s15+$0xFFFFFE42];
	v17 =	vadd.f32 v5, v17  }
0x1c6: {  	v18 =	vmax.f32 v18, $0.0e+00;
	v23 =	vsub.f32 $1.000000010e-01, v25;
	v9 =	vsub.f32 $1.000000010e-01, v9;
	v5 =	vld [tilespmem:s15+$0x2];
	v3 =	vmovc v22  }
0x1c7: {  	v11 =	vmax.f32 v11, $0.0e+00;
	v22 =	vsub.f32 v21, v3;
	v25 =	vld [tilespmem:s15+$0x0];
	v17 =	vadd.f32 v17, v18  }
0x1c8: {  	v2 =	vsub.f32 v6, v2;
	v6 =	vmax.f32 v15, $0.0e+00;
	v26 =	vmax.f32 v9, $0.0e+00;
	v18 =	vld [tilespmem:s15+$0xFFFFFE41]  }
0x1c9: {  	v9 =	vld [tilespmem:s15+$0xFFFFFE40];
	v15 =	vsub.f32 v3, v4;
	v22 =	vand.u32 $0x7FFFFFFF, v22;
	v6 =	vadd.f32 v17, v6  }
0x1ca: {  	v27 =	vand.u32 $0x7FFFFFFF, v2;
	v17 =	vsub.f32 v3, v20;
	v20 =	vsub.f32 $1.000000010e-01, v22;
	v22 =	vld [tilespmem:s15+$0xE1]  }
0x1cb: {  	v11 =	vadd.f32 v10, v11;
	v15 =	vand.u32 $0x7FFFFFFF, v15;
	v2 =	vld [tilespmem:s15+$0x1];
	v13 =	vadd.f32 v6, v13  }
0x1cc: {  	v27 =	vsub.f32 $1.000000010e-01, v27;
	v17 =	vand.u32 $0x7FFFFFFF, v17;
	v15 =	vsub.f32 $1.000000010e-01, v15  }
0x1cd: {  	v23 =	vmax.f32 v23, $0.0e+00;
	v11 =	vadd.f32 v11, v19;
	v18 =	vsub.f32 v3, v18  }
0x1ce: {  	v10 =	vadd.f32 v10, v16;
	v16 =	vmax.f32 v27, $0.0e+00;
	v19 =	vsub.f32 v25, v3;
	v6 =	vld [tilespmem:s15+$0xE2]  }
0x1cf: {  	v17 =	vsub.f32 $1.000000010e-01, v17;
	v9 =	vsub.f32 v3, v9;
	v18 =	vand.u32 $0x7FFFFFFF, v18  }
0x1d0: {  	v11 =	vadd.f32 v11, v14;
	v19 =	vand.u32 $0x7FFFFFFF, v19;
	v18 =	vsub.f32 $1.000000010e-01, v18  }
0x1d1: {  	v24 =	vsub.f32 v24, v22;
	v9 =	vand.u32 $0x7FFFFFFF, v9;
	v14 =	vsub.f32 v22, v2  }
0x1d2: {  	v10 =	vadd.f32 v23, v10;
	v17 =	vmax.f32 v17, $0.0e+00;
	v27 =	vsub.f32 v22, v5;
	v28 =	vld [tilespmem:s15+$0x1C1]  }
0x1d3: {  	v11 =	vadd.f32 v11, v12;
	v14 =	vand.u32 $0x7FFFFFFF, v14;
	v23 =	vsub.f32 v6, v22  }
0x1d4: {  	v10 =	vmul.f32 $1.111111160e+00, v10;
	v12 =	vmax.f32 v18, $0.0e+00;
	v18 =	vsub.f32 v5, v2  }
0x1d5: {  	v8 =	vadd.f32 v13, v8;
	v27 =	vand.u32 $0x7FFFFFFF, v27;
	v14 =	vsub.f32 $1.000000010e-01, v14  }
0x1d6: {  	v11 =	vadd.f32 v11, v26;
	v13 =	vsub.f32 $1.000000010e-01, v9;
	v23 =	vand.u32 $0x7FFFFFFF, v23;
	v9 =	vld [tilespmem:s15+$0xE0]  }
0x1d7: {  	v26 =	vsub.f32 v2, v3;
	v18 =	vand.u32 $0x7FFFFFFF, v18;
	v28 =	vsub.f32 v28, v22  }
0x1d8: {  	v7 =	vadd.f32 v11, v7;
	v27 =	vsub.f32 $1.000000010e-01, v27;
	v13 =	vmax.f32 v13, $0.0e+00  }
0x1d9: {  	v10 =	vadd.f32 $1.111111120e-01, v10;
	v11 =	vand.u32 $0x7FFFFFFF, v26;
	v26 =	vsub.f32 v2, v25  }
0x1da: {  	v29 =	vsub.f32 $1.000000010e-01, v11;
	v7 =	vadd.f32 v7, v16;
	v11 =	vmax.f32 v27, $0.0e+00  }
0x1db: {  	v8 =	vmul.f32 $1.111111160e+00, v8;
	v12 =	vadd.f32 v12, v13;
	v13 =	vsub.f32 v22, v9;
	v16 =	vld [tilespmem:s15+$0x1C0];
	[tilespmem:s14+$0xFFFFFF20] =	vst v10  }
0x1dc: {  	v21 =	vsub.f32 v2, v21;
	v7 =	vmul.f32 $1.111111160e+00, v7;
	v10 =	vand.u32 $0x7FFFFFFF, v28  }
0x1dd: {  	v8 =	vadd.f32 $1.111111120e-01, v8;
	v25 =	vsub.f32 v22, v25;
	v27 =	vand.u32 $0x7FFFFFFF, v13  }
0x1de: {  	v7 =	vadd.f32 $1.111111120e-01, v7;
	v13 =	vand.u32 $0x7FFFFFFF, v26;
	v26 =	vsub.f32 $1.000000010e-01, v10  }
0x1df: {  	v12 =	vadd.f32 v17, v12;
	v17 =	vmax.f32 v20, $0.0e+00;
	v10 =	vsub.f32 $1.000000010e-01, v19;
	[tilespmem:s14+$0xE0] =	vst v8  }
0x1e0: {  	v8 =	vand.u32 $0x7FFFFFFF, v25;
	v19 =	vsub.f32 v16, v22;
	v16 =	vand.u32 $0x7FFFFFFF, v24;
	[tilespmem:s14+$0x0] =	vst v7;
	s14 =	smov.u32 s11  }
0x1e1: {  	v7 =	vmax.f32 v15, $0.0e+00;
	v15 =	vsub.f32 $1.000000010e-01, v18;
	v18 =	vsub.f32 $1.000000010e-01, v16  }
0x1e2: {  	v22 =	vsub.f32 $1.000000010e-01, v13;
	v16 =	vmax.f32 v10, $0.0e+00;
	v10 =	vmax.f32 v29, $0.0e+00  }
.Ltmp3:
0x1e3: {  	v24 =	vsub.f32 $1.000000010e-01, v8;
	v13 =	vmax.f32 v26, $0.0e+00;
	v12 =	vadd.f32 v7, v12;
	(pc) =	sbr.rel @p0 .LBB2_8-.Ltmp3, $4  }
0x1e4: {  	v21 =	vand.u32 $0x7FFFFFFF, v21;
	v7 =	vmax.f32 v14, $0.0e+00;
	v25 =	vand.u32 $0x7FFFFFFF, v19  }
0x1e5: {  	v20 =	vadd.f32 v17, v12;
	v17 =	vsub.f32 $1.000000010e-01, v27;
	v8 =	vmax.f32 v18, $0.0e+00  }
0x1e6: {  	v19 =	vsub.f32 $1.000000010e-01, v21;
	v14 =	vmax.f32 v22, $0.0e+00;
	v21 =	vmax.f32 v24, $0.0e+00  }
0x1e7: {  	s15 =	sadd.s32 $0x2A0, s15;
	v12 =	vmax.f32 v15, $0.0e+00;
	v18 =	vsub.f32 $1.000000010e-01, v23;
	v15 =	vsub.f32 $1.000000010e-01, v25  }
0x1e8: {  	v4 =	vsub.f32 v2, v4;
	_ =	sdelay $0x1  }
0x1e9: {  	v4 =	vand.u32 $0x7FFFFFFF, v4  }
0x1ea: {  	v4 =	vsub.f32 $1.000000010e-01, v4;
	_ =	sdelay $0x1  }
0x1eb: {  	v21 =	vadd.f32 v7, v21;
	v4 =	vmax.f32 v4, $0.0e+00  }
0x1ec: {  	v16 =	vadd.f32 v16, v20;
	v4 =	vadd.f32 v10, v4  }
0x1ed: {  	v19 =	vmax.f32 v19, $0.0e+00;
	v9 =	vsub.f32 v9, v2;
	v11 =	vadd.f32 v21, v11  }
0x1ee: {  	v17 =	vmax.f32 v17, $0.0e+00;
	v3 =	vsub.f32 v5, v3;
	v4 =	vadd.f32 v4, v19  }
0x1ef: {  	v2 =	vsub.f32 v6, v2;
	v5 =	vadd.f32 v11, v17  }
0x1f0: {  	v9 =	vand.u32 $0x7FFFFFFF, v9;
	v11 =	vmax.f32 v18, $0.0e+00;
	v4 =	vadd.f32 v4, v14  }
0x1f1: {  	v9 =	vsub.f32 $1.000000010e-01, v9;
	v5 =	vadd.f32 v5, v11  }
0x1f2: {  	v6 =	vmax.f32 v15, $0.0e+00;
	v3 =	vand.u32 $0x7FFFFFFF, v3;
	v4 =	vadd.f32 v4, v12  }
0x1f3: {  	v3 =	vsub.f32 $1.000000010e-01, v3;
	v9 =	vmax.f32 v9, $0.0e+00;
	v5 =	vadd.f32 v5, v6  }
0x1f4: {  	v2 =	vand.u32 $0x7FFFFFFF, v2;
	v6 =	vadd.f32 v10, v16;
	v4 =	vadd.f32 v4, v9  }
0x1f5: {  	v2 =	vsub.f32 $1.000000010e-01, v2;
	v3 =	vmax.f32 v3, $0.0e+00;
	v5 =	vadd.f32 v5, v13  }
0x1f6: {  	v3 =	vadd.f32 v3, v6;
	v4 =	vadd.f32 v4, v7  }
0x1f7: {  	v2 =	vmax.f32 v2, $0.0e+00;
	v5 =	vadd.f32 v5, v8  }
0x1f8: {  	v3 =	vmul.f32 $1.111111160e+00, v3;
	v2 =	vadd.f32 v4, v2  }
0x1f9: {  	v4 =	vmul.f32 $1.111111160e+00, v5  }
0x1fa: {  	v3 =	vadd.f32 $1.111111120e-01, v3;
	v2 =	vmul.f32 $1.111111160e+00, v2  }
0x1fb: {  	v4 =	vadd.f32 $1.111111120e-01, v4  }
0x1fc: {  	[tilespmem:s14+$0xFFFFFF20] =	vst v3;
	v2 =	vadd.f32 $1.111111120e-01, v2  }
0x1fd: {  	[tilespmem:s14+$0xE0] =	vst v4  }
0x1fe: {  	[tilespmem:s14+$0x0] =	vst v2  }
0x1ff: {  	v2 =	vld [tilespmem:s13+$0xFFFFFF21]  }
0x200: {  	v3 =	vld [tilespmem:s13+$0x1C1]  }
0x201: {  	v4 =	vld [tilespmem:s13+$0xFFFFFF22]  }
0x202: {  	v5 =	vld [tilespmem:s13+$0xFFFFFE42]  }
0x203: {  	v6 =	vld [tilespmem:s13+$0x2]  }
0x204: {  	v7 =	vld [tilespmem:s13+$0xE0]  }
0x205: {  	v8 =	vld [tilespmem:s13+$0xFFFFFE40]  }
0x206: {  	v9 =	vld [tilespmem:s13+$0xFFFFFF20]  }
0x207: {  	v10 =	vld [tilespmem:s13+$0x0]  }
0x208: {  	v12 =	vld [tilespmem:s13+$0xFFFFFE41]  }
0x209: {  	v13 =	vld [tilespmem:s13+$0xE1]  }
0x20a: {  	v15 =	vld [tilespmem:s13+$0x1]  }
0x20b: {  	v11 =	vsub.f32 v4, v2;
	v14 =	vsub.f32 v6, v2  }
0x20c: {  	v5 =	vsub.f32 v2, v5;
	v8 =	vsub.f32 v2, v8  }
0x20d: {  	v16 =	vsub.f32 v2, v9;
	v17 =	vsub.f32 v10, v2  }
0x20e: {  	v12 =	vsub.f32 v2, v12;
	v3 =	vsub.f32 v3, v13  }
0x20f: {  	v18 =	vsub.f32 v7, v15;
	v2 =	vsub.f32 v15, v2  }
0x210: {  	v19 =	vsub.f32 v13, v15;
	v21 =	vsub.f32 v6, v15  }
0x211: {  	v22 =	vsub.f32 v15, v10;
	v7 =	vsub.f32 v13, v7  }
0x212: {  	v9 =	vsub.f32 v15, v9;
	v10 =	vsub.f32 v13, v10  }
0x213: {  	v4 =	vsub.f32 v15, v4;
	v6 =	vsub.f32 v13, v6  }
0x214: {  	v11 =	vand.u32 $0x7FFFFFFF, v11;
	v14 =	vand.u32 $0x7FFFFFFF, v14;
	v5 =	vand.u32 $0x7FFFFFFF, v5  }
0x215: {  	v16 =	vand.u32 $0x7FFFFFFF, v16;
	v12 =	vand.u32 $0x7FFFFFFF, v12;
	v8 =	vand.u32 $0x7FFFFFFF, v8  }
0x216: {  	v18 =	vand.u32 $0x7FFFFFFF, v18;
	v2 =	vand.u32 $0x7FFFFFFF, v2;
	v17 =	vand.u32 $0x7FFFFFFF, v17  }
0x217: {  	v10 =	vand.u32 $0x7FFFFFFF, v10;
	v9 =	vand.u32 $0x7FFFFFFF, v9;
	v11 =	vsub.f32 $1.000000010e-01, v11  }
0x218: {  	v4 =	vand.u32 $0x7FFFFFFF, v4;
	v14 =	vsub.f32 $1.000000010e-01, v14;
	v5 =	vsub.f32 $1.000000010e-01, v5  }
0x219: {  	v7 =	vand.u32 $0x7FFFFFFF, v7;
	v16 =	vsub.f32 $1.000000010e-01, v16;
	v12 =	vsub.f32 $1.000000010e-01, v12  }
0x21a: {  	v6 =	vand.u32 $0x7FFFFFFF, v6;
	v8 =	vsub.f32 $1.000000010e-01, v8;
	v2 =	vsub.f32 $1.000000010e-01, v2  }
0x21b: {  	v19 =	vand.u32 $0x7FFFFFFF, v19;
	v10 =	vsub.f32 $1.000000010e-01, v10;
	v9 =	vsub.f32 $1.000000010e-01, v9  }
0x21c: {  	v4 =	vsub.f32 $1.000000010e-01, v4;
	v12 =	vmax.f32 v12, $0.0e+00;
	v8 =	vmax.f32 v8, $0.0e+00  }
0x21d: {  	v20 =	vld [tilespmem:s13+$0xE2];
	v3 =	vand.u32 $0x7FFFFFFF, v3;
	v7 =	vsub.f32 $1.000000010e-01, v7;
	v8 =	vadd.f32 v12, v8  }
0x21e: {  	v6 =	vsub.f32 $1.000000010e-01, v6;
	v26 =	vsub.f32 $1.000000010e-01, v3;
	v5 =	vmax.f32 v5, $0.0e+00  }
0x21f: {  	v16 =	vmax.f32 v16, $0.0e+00;
	v11 =	vmax.f32 v11, $0.0e+00;
	v5 =	vadd.f32 v5, v8  }
0x220: {  	v9 =	vmax.f32 v9, $0.0e+00;
	v14 =	vmax.f32 v14, $0.0e+00;
	v4 =	vmax.f32 v4, $0.0e+00  }
0x221: {  	v10 =	vmax.f32 v10, $0.0e+00;
	v7 =	vmax.f32 v7, $0.0e+00;
	v5 =	vadd.f32 v16, v5  }
0x222: {  	v12 =	vsub.f32 v20, v15;
	v8 =	vmax.f32 v2, $0.0e+00;
	v2 =	vsub.f32 $1.000000010e-01, v17  }
0x223: {  	v9 =	vadd.f32 v8, v9;
	v16 =	vand.u32 $0x7FFFFFFF, v22;
	v5 =	vadd.f32 v11, v5;
	v11 =	vld [tilespmem:s13+$0x1C0]  }
0x224: {  	s15 =	simm.s32 $0x4AF;
	v15 =	vld [tilespmem:s13+$0x1C2];
	v17 =	vand.u32 $0x7FFFFFFF, v21;
	v2 =	vmax.f32 v2, $0.0e+00;
	v16 =	vsub.f32 $1.000000010e-01, v16  }
0x225: {  	v12 =	vand.u32 $0x7FFFFFFF, v12;
	v22 =	vld [tilespmem:s15+$0x2];
	v4 =	vadd.f32 v9, v4;
	v5 =	vadd.f32 v2, v5  }
0x226: {  	v2 =	vmax.f32 v16, $0.0e+00;
	v16 =	vsub.f32 $1.000000010e-01, v17;
	v17 =	vsub.f32 v20, v13;
	v20 =	vld [tilespmem:s15+$0xFFFFFF21]  }
0x227: {  	v24 =	vld [tilespmem:s15+$0xFFFFFF20];
	v26 =	vmax.f32 v26, $0.0e+00;
	v12 =	vsub.f32 $1.000000010e-01, v12;
	v23 =	vadd.f32 v4, v2  }
0x228: {  	v17 =	vand.u32 $0x7FFFFFFF, v17;
	v5 =	vadd.f32 v8, v5;
	v11 =	vsub.f32 v11, v13  }
0x229: {  	v16 =	vmax.f32 v16, $0.0e+00;
	v13 =	vsub.f32 v15, v13;
	v15 =	vsub.f32 $1.000000010e-01, v19;
	v19 =	vld [tilespmem:s15+$0xFFFFFE42]  }
0x22a: {  	v9 =	vld [tilespmem:s15+$0xFFFFFF22];
	v4 =	vmax.f32 v6, $0.0e+00;
	v17 =	vsub.f32 $1.000000010e-01, v17;
	v16 =	vadd.f32 v23, v16  }
0x22b: {  	v6 =	vld [tilespmem:s15+$0xFFFFFE40];
	v5 =	vadd.f32 v14, v5;
	v11 =	vand.u32 $0x7FFFFFFF, v11;
	v28 =	vsub.f32 v22, v20  }
0x22c: {  	v27 =	vld [tilespmem:s15+$0x0];
	v15 =	vmax.f32 v15, $0.0e+00;
	v60 =	vsub.f32 v20, v24;
	v2 =	vsub.f32 $1.000000010e-01, v11  }
0x22d: {  	v21 =	vld [tilespmem:s15+$0x1C1];
	v13 =	vand.u32 $0x7FFFFFFF, v13;
	v11 =	vsub.f32 $1.000000010e-01, v18;
	v10 =	vadd.f32 v15, v10  }
0x22e: {  	v18 =	vld [tilespmem:s15+$0xE0];
	v13 =	vsub.f32 $1.000000010e-01, v13;
	v25 =	vmax.f32 v2, $0.0e+00;
	v3 =	vsub.f32 v20, v19  }
0x22f: {  	v2 =	vld [tilespmem:s15+$0xE1];
	v11 =	vmax.f32 v11, $0.0e+00;
	v19 =	vsub.f32 v9, v20;
	v4 =	vadd.f32 v10, v4  }
0x230: {  	v12 =	vmax.f32 v12, $0.0e+00;
	v6 =	vsub.f32 v20, v6;
	v10 =	vld [tilespmem:s15+$0x1];
	v11 =	vadd.f32 v16, v11  }
0x231: {  	v19 =	vand.u32 $0x7FFFFFFF, v19;
	v4 =	vadd.f32 v4, v7;
	v14 =	vand.u32 $0x7FFFFFFF, v3  }
0x232: {  	v8 =	vsub.f32 $1.000000010e-01, v19;
	v19 =	vand.u32 $0x7FFFFFFF, v28;
	v14 =	vsub.f32 $1.000000010e-01, v14  }
0x233: {  	v7 =	vmax.f32 v17, $0.0e+00;
	v11 =	vadd.f32 v11, v15;
	v19 =	vsub.f32 $1.000000010e-01, v19  }
0x234: {  	v29 =	vmul.f32 $1.111111160e+00, v5;
	v17 =	vld [tilespmem:s15+$0xFFFFFE41];
	v4 =	vadd.f32 v4, v7;
	v7 =	vsub.f32 v27, v20  }
0x235: {  	v13 =	vmax.f32 v13, $0.0e+00;
	v3 =	vsub.f32 v21, v2;
	v61 =	vsub.f32 v18, v10  }
0x236: {  	v6 =	vand.u32 $0x7FFFFFFF, v6;
	v63 =	vsub.f32 v10, v27;
	v18 =	vsub.f32 v2, v18  }
0x237: {  	v21 =	vand.u32 $0x7FFFFFFF, v60;
	v16 =	vsub.f32 v2, v27;
	v11 =	vadd.f32 v11, v12  }
0x238: {  	v8 =	vmax.f32 v8, $0.0e+00;
	v9 =	vsub.f32 v10, v9;
	v21 =	vsub.f32 $1.000000010e-01, v21  }
0x239: {  	v14 =	vmax.f32 v14, $0.0e+00;
	v25 =	vadd.f32 v4, v25;
	v5 =	vsub.f32 v20, v17  }
0x23a: {  	v7 =	vand.u32 $0x7FFFFFFF, v7;
	v17 =	vsub.f32 v10, v20;
	v20 =	vsub.f32 $1.000000010e-01, v6  }
0x23b: {  	v6 =	vsub.f32 v2, v10;
	v7 =	vsub.f32 $1.000000010e-01, v7;
	v5 =	vand.u32 $0x7FFFFFFF, v5  }
0x23c: {  	v4 =	vand.u32 $0x7FFFFFFF, v61;
	v25 =	vadd.f32 v25, v26;
	v5 =	vsub.f32 $1.000000010e-01, v5  }
0x23d: {  	v62 =	vld [tilespmem:s15+$0xE2];
	v16 =	vand.u32 $0x7FFFFFFF, v16;
	v15 =	vand.u32 $0x7FFFFFFF, v63;
	v17 =	vand.u32 $0x7FFFFFFF, v17  }
0x23e: {  	v20 =	vmax.f32 v20, $0.0e+00;
	v23 =	vadd.f32 v25, v13;
	v5 =	vmax.f32 v5, $0.0e+00  }
0x23f: {  	v21 =	vmax.f32 v21, $0.0e+00;
	v13 =	vsub.f32 $1.000000010e-01, v17;
	v20 =	vadd.f32 v5, v20  }
0x240: {  	v15 =	vsub.f32 $1.000000010e-01, v15;
	v7 =	vmax.f32 v7, $0.0e+00;
	v17 =	vsub.f32 v22, v10  }
0x241: {  	v22 =	vsub.f32 v2, v22;
	v5 =	vmax.f32 v13, $0.0e+00;
	v14 =	vadd.f32 v14, v20  }
0x242: {  	v13 =	vsub.f32 v10, v24;
	v20 =	vsub.f32 v62, v10;
	v10 =	vmul.f32 $1.111111160e+00, v11  }
0x243: {  	v17 =	vand.u32 $0x7FFFFFFF, v17;
	v12 =	vmul.f32 $1.111111160e+00, v23;
	v14 =	vadd.f32 v21, v14  }
0x244: {  	v21 =	vadd.f32 $1.111111120e-01, v29;
	v20 =	vand.u32 $0x7FFFFFFF, v20;
	v10 =	vadd.f32 $1.111111120e-01, v10  }
0x245: {  	v23 =	vand.u32 $0x7FFFFFFF, v18;
	v11 =	vsub.f32 $1.000000010e-01, v20;
	v20 =	vsub.f32 $1.000000010e-01, v17  }
0x246: {  	v17 =	vld [tilespmem:s15+$0x1C0];
	v8 =	vadd.f32 v8, v14;
	v14 =	vand.u32 $0x7FFFFFFF, v13;
	v13 =	vsub.f32 $1.000000010e-01, v16  }
0x247: {  	v18 =	vld [tilespmem:s15+$0x1C2];
	[tilespmem:s10+$0xFFFFFF20] =	vst v21;
	v21 =	vand.u32 $0x7FFFFFFF, v22;
	v16 =	vsub.f32 $1.000000010e-01, v14;
	v14 =	vmax.f32 v15, $0.0e+00  }
0x248: {  	s11 =	simm.s32 $0xC630;
	v15 =	vand.u32 $0x7FFFFFFF, v9;
	v9 =	vmax.f32 v19, $0.0e+00;
	v7 =	vadd.f32 v7, v8  }
0x249: {  	s12 =	simm.s32 $0x1;
	s16 =	simm.s32 $0x74F;
	s17 =	simm.s32 $0xCB60;
	v19 =	vsub.f32 $1.000000010e-01, v15;
	v15 =	vsub.f32 $1.000000010e-01, v23;
	v8 =	vmax.f32 v16, $0.0e+00  }
0x24a: {  	s14 =	simm.s32 $0xC8C0;
	s13 =	simm.s32 $0x21F;
	s15 =	simm.s32 $0x4;
	v16 =	vadd.f32 v5, v8;
	v8 =	vmax.f32 v20, $0.0e+00;
	v20 =	vsub.f32 v62, v2  }
.LBB2_10:
0x24b: {  	v22 =	vld [tilespmem:s16+$0xFFFFFF21];
	s15 =	sadd.s32 $0x3, s15;
	v6 =	vand.u32 $0x7FFFFFFF, v6;
	v17 =	vsub.f32 v17, v2;
	v12 =	vadd.f32 $1.111111120e-01, v12  }
0x24c: {  	v21 =	vsub.f32 $1.000000010e-01, v21;
	v23 =	vld [tilespmem:s16+$0x1C1];
	p0 =	slt.u32 s15, $0xDC;
	v20 =	vand.u32 $0x7FFFFFFF, v20;
	v2 =	vsub.f32 v18, v2;
	[tilespmem:s10+$0x0] =	vst v10  }
0x24d: {  	v18 =	vmax.f32 v19, $0.0e+00;
	v6 =	vsub.f32 $1.000000010e-01, v6;
	v10 =	vld [tilespmem:s16+$0xFFFFFF22];
	v19 =	vsub.f32 $1.000000010e-01, v20;
	[tilespmem:s10+$0xE0] =	vst v12;
	s10 =	smov.u32 s14;
	s14 =	smov.u32 s17  }
0x24e: {  	v3 =	vand.u32 $0x7FFFFFFF, v3;
	v16 =	vadd.f32 v16, v18;
	v17 =	vand.u32 $0x7FFFFFFF, v17;
	v12 =	vld [tilespmem:s16+$0xFFFFFE42]  }
0x24f: {  	v20 =	vmax.f32 v6, $0.0e+00;
	v6 =	vmax.f32 v13, $0.0e+00;
	v2 =	vand.u32 $0x7FFFFFFF, v2;
	v18 =	vld [tilespmem:s16+$0x2]  }
0x250: {  	v17 =	vsub.f32 $1.000000010e-01, v17;
	v14 =	vadd.f32 v16, v14;
	v16 =	vmax.f32 v21, $0.0e+00;
	v13 =	vld [tilespmem:s16+$0xE0]  }
0x251: {  	v4 =	vsub.f32 $1.000000010e-01, v4;
	v11 =	vmax.f32 v11, $0.0e+00;
	v24 =	vsub.f32 $1.000000010e-01, v2;
	v21 =	vld [tilespmem:s16+$0xFFFFFE40]  }
0x252: {  	v3 =	vsub.f32 $1.000000010e-01, v3;
	v6 =	vadd.f32 v20, v6;
	v17 =	vmax.f32 v17, $0.0e+00;
	v25 =	vld [tilespmem:s16+$0xFFFFFF20]  }
0x253: {  	v26 =	vmax.f32 v4, $0.0e+00;
	v4 =	vmax.f32 v15, $0.0e+00;
	v12 =	vsub.f32 v22, v12;
	v2 =	vld [tilespmem:s16+$0xE1]  }
0x254: {  	v24 =	vmax.f32 v24, $0.0e+00;
	v15 =	vsub.f32 v10, v22;
	v27 =	vld [tilespmem:s16+$0x0];
	v28 =	vsub.f32 v18, v22  }
0x255: {  	v6 =	vadd.f32 v6, v16;
	v16 =	vmax.f32 v19, $0.0e+00;
	v12 =	vand.u32 $0x7FFFFFFF, v12;
	v29 =	vld [tilespmem:s16+$0x1]  }
0x256: {  	v5 =	vadd.f32 v5, v7;
	v15 =	vand.u32 $0x7FFFFFFF, v15;
	v19 =	vsub.f32 v22, v21  }
0x257: {  	v4 =	vadd.f32 v6, v4;
	v7 =	vsub.f32 $1.000000010e-01, v15;
	v15 =	vand.u32 $0x7FFFFFFF, v28  }
0x258: {  	v5 =	vadd.f32 v9, v5;
	v15 =	vsub.f32 $1.000000010e-01, v15;
	v6 =	vand.u32 $0x7FFFFFFF, v19;
	v19 =	vld [tilespmem:s16+$0xFFFFFE41]  }
0x259: {  	v4 =	vadd.f32 v4, v16;
	v16 =	vmax.f32 v3, $0.0e+00;
	v9 =	vsub.f32 v22, v25  }
0x25a: {  	v3 =	vsub.f32 v23, v2;
	v23 =	vmul.f32 $1.111111160e+00, v5;
	v21 =	vsub.f32 v27, v22  }
0x25b: {  	v5 =	vsub.f32 $1.000000010e-01, v12;
	v9 =	vand.u32 $0x7FFFFFFF, v9;
	v12 =	vsub.f32 v13, v29  }
0x25c: {  	v17 =	vadd.f32 v4, v17;
	v9 =	vsub.f32 $1.000000010e-01, v9  }
0x25d: {  	v4 =	vand.u32 $0x7FFFFFFF, v12;
	v19 =	vsub.f32 v22, v19;
	v22 =	vsub.f32 v29, v22  }
0x25e: {  	v16 =	vadd.f32 v17, v16;
	v12 =	vsub.f32 $1.000000010e-01, v6;
	v9 =	vmax.f32 v9, $0.0e+00  }
0x25f: {  	v6 =	vsub.f32 v2, v29;
	v17 =	vand.u32 $0x7FFFFFFF, v19;
	v19 =	vand.u32 $0x7FFFFFFF, v21  }
0x260: {  	v8 =	vadd.f32 v14, v8;
	v7 =	vmax.f32 v7, $0.0e+00;
	v17 =	vsub.f32 $1.000000010e-01, v17  }
0x261: {  	v14 =	vmax.f32 v5, $0.0e+00;
	v16 =	vadd.f32 v16, v24;
	v5 =	vand.u32 $0x7FFFFFFF, v22  }
0x262: {  	v21 =	vsub.f32 v18, v29;
	v5 =	vsub.f32 $1.000000010e-01, v5;
	v17 =	vmax.f32 v17, $0.0e+00;
	v22 =	vld [tilespmem:s16+$0xE2]  }
0x263: {  	v28 =	vsub.f32 v2, v13;
	v24 =	vsub.f32 v29, v27;
	v12 =	vmax.f32 v12, $0.0e+00  }
0x264: {  	v8 =	vadd.f32 v8, v26;
	v5 =	vmax.f32 v5, $0.0e+00;
	v12 =	vadd.f32 v17, v12  }
0x265: {  	v13 =	vsub.f32 v29, v25;
	v17 =	vsub.f32 v2, v27  }
0x266: {  	v12 =	vadd.f32 v14, v12;
	v14 =	vsub.f32 $1.000000010e-01, v19;
	v19 =	vand.u32 $0x7FFFFFFF, v21  }
0x267: {  	v8 =	vadd.f32 v8, v20;
	v17 =	vand.u32 $0x7FFFFFFF, v17;
	v21 =	vsub.f32 v22, v29  }
0x268: {  	v20 =	vadd.f32 $1.111111120e-01, v23;
	v9 =	vadd.f32 v9, v12;
	v12 =	vand.u32 $0x7FFFFFFF, v24  }
0x269: {  	v8 =	vadd.f32 v8, v11;
	v23 =	vsub.f32 $1.000000010e-01, v12;
	v21 =	vand.u32 $0x7FFFFFFF, v21  }
0x26a: {  	v7 =	vadd.f32 v7, v9;
	v9 =	vand.u32 $0x7FFFFFFF, v13;
	v13 =	vsub.f32 $1.000000010e-01, v17;
	[tilespmem:s10+$0xFFFFFF20] =	vst v20  }
0x26b: {  	v11 =	vmax.f32 v14, $0.0e+00;
	v12 =	vmul.f32 $1.111111160e+00, v16;
	v20 =	vsub.f32 v2, v18  }
0x26c: {  	v10 =	vsub.f32 v29, v10;
	v24 =	vmul.f32 $1.111111160e+00, v8;
	v9 =	vsub.f32 $1.000000010e-01, v9  }
.Ltmp4:
0x26d: {  	v14 =	vmax.f32 v23, $0.0e+00;
	v7 =	vadd.f32 v11, v7;
	v11 =	vsub.f32 $1.000000010e-01, v21;
	v17 =	vld [tilespmem:s16+$0x1C0];
	(pc) =	sbr.rel @p0 .LBB2_10-.Ltmp4, $4  }
0x26e: {  	v10 =	vand.u32 $0x7FFFFFFF, v10;
	v21 =	vsub.f32 $1.000000010e-01, v19;
	v8 =	vmax.f32 v9, $0.0e+00;
	v18 =	vld [tilespmem:s16+$0x1C2]  }
0x26f: {  	v9 =	vmax.f32 v15, $0.0e+00;
	v15 =	vand.u32 $0x7FFFFFFF, v28;
	v16 =	vadd.f32 v5, v8  }
0x270: {  	v19 =	vsub.f32 $1.000000010e-01, v10;
	v8 =	vmax.f32 v21, $0.0e+00;
	v15 =	vsub.f32 $1.000000010e-01, v15  }
0x271: {  	s17 =	sadd.s32 $0x2A0, s17;
	v10 =	vadd.f32 $1.111111120e-01, v24;
	v21 =	vand.u32 $0x7FFFFFFF, v20;
	v20 =	vsub.f32 v22, v2;
	s16 =	sadd.s32 $0x2A0, s16  }
0x272: {  	v6 =	vand.u32 $0x7FFFFFFF, v6  }
0x273: {  	v6 =	vsub.f32 $1.000000010e-01, v6;
	_ =	sdelay $0x1  }
0x274: {  	v21 =	vsub.f32 $1.000000010e-01, v21;
	v13 =	vmax.f32 v13, $0.0e+00;
	v6 =	vmax.f32 v6, $0.0e+00  }
0x275: {  	v19 =	vmax.f32 v19, $0.0e+00;
	v13 =	vadd.f32 v6, v13  }
0x276: {  	v17 =	vsub.f32 v17, v2;
	v16 =	vadd.f32 v16, v19;
	v19 =	vmax.f32 v21, $0.0e+00  }
0x277: {  	v20 =	vand.u32 $0x7FFFFFFF, v20;
	v2 =	vsub.f32 v18, v2;
	v13 =	vadd.f32 v13, v19  }
0x278: {  	v15 =	vmax.f32 v15, $0.0e+00;
	v18 =	vsub.f32 $1.000000010e-01, v20;
	v14 =	vadd.f32 v16, v14  }
0x279: {  	v4 =	vsub.f32 $1.000000010e-01, v4;
	v16 =	vand.u32 $0x7FFFFFFF, v17;
	v13 =	vadd.f32 v13, v15  }
0x27a: {  	v8 =	vadd.f32 v14, v8;
	v15 =	vsub.f32 $1.000000010e-01, v16;
	v16 =	vmax.f32 v18, $0.0e+00  }
0x27b: {  	v3 =	vand.u32 $0x7FFFFFFF, v3;
	v4 =	vmax.f32 v4, $0.0e+00;
	v13 =	vadd.f32 v13, v16  }
0x27c: {  	v3 =	vsub.f32 $1.000000010e-01, v3;
	v4 =	vadd.f32 v8, v4;
	v14 =	vmax.f32 v15, $0.0e+00  }
0x27d: {  	v5 =	vadd.f32 v5, v7;
	v2 =	vand.u32 $0x7FFFFFFF, v2;
	v7 =	vadd.f32 v13, v14  }
0x27e: {  	v3 =	vmax.f32 v3, $0.0e+00;
	v2 =	vsub.f32 $1.000000010e-01, v2;
	v4 =	vadd.f32 v4, v6  }
0x27f: {  	v5 =	vadd.f32 v9, v5;
	v6 =	vmax.f32 v11, $0.0e+00;
	v3 =	vadd.f32 v7, v3  }
0x280: {  	v2 =	vmax.f32 v2, $0.0e+00;
	v4 =	vadd.f32 v4, v6  }
0x281: {  	v5 =	vmul.f32 $1.111111160e+00, v5;
	v2 =	vadd.f32 v3, v2  }
0x282: {  	v4 =	vmul.f32 $1.111111160e+00, v4;
	v3 =	vadd.f32 $1.111111120e-01, v12  }
0x283: {  	[tilespmem:s10+$0x0] =	vst v10;
	v5 =	vadd.f32 $1.111111120e-01, v5;
	v2 =	vmul.f32 $1.111111160e+00, v2  }
0x284: {  	[tilespmem:s10+$0xE0] =	vst v3;
	v3 =	vadd.f32 $1.111111120e-01, v4  }
0x285: {  	[tilespmem:s14+$0xFFFFFF20] =	vst v5;
	v2 =	vadd.f32 $1.111111120e-01, v2  }
0x286: {  	[tilespmem:s14+$0x0] =	vst v3  }
0x287: {  	[tilespmem:s14+$0xE0] =	vst v2  }
0x288: {  	v3 =	vld [tilespmem:s13+$0xFFFFFF21]  }
0x289: {  	v7 =	vld [tilespmem:s13+$0xFFFFFF22]  }
0x28a: {  	v4 =	vld [tilespmem:s13+$0xFFFFFF20]  }
0x28b: {  	v5 =	vld [tilespmem:s13+$0xFFFFFE42]  }
0x28c: {  	v6 =	vld [tilespmem:s13+$0xFFFFFE41]  }
0x28d: {  	v9 =	vld [tilespmem:s13+$0xFFFFFE40]  }
0x28e: {  	v12 =	vld [tilespmem:s13+$0xE1]  }
0x28f: {  	v2 =	vld [tilespmem:s13+$0x1]  }
0x290: {  	v13 =	vld [tilespmem:s13+$0x1C2]  }
0x291: {  	v19 =	vld [tilespmem:s13+$0x1C1]  }
0x292: {  	v8 =	vld [tilespmem:s13+$0x0];
	v10 =	vsub.f32 v7, v3  }
0x293: {  	v11 =	vsub.f32 v3, v4;
	v14 =	vsub.f32 v3, v5  }
0x294: {  	v15 =	vsub.f32 v3, v6;
	v9 =	vsub.f32 v3, v9  }
0x295: {  	v17 =	vsub.f32 v12, v2;
	v13 =	vsub.f32 v13, v12  }
0x296: {  	v23 =	vsub.f32 v2, v3;
	v19 =	vsub.f32 v19, v12  }
0x297: {  	v25 =	vsub.f32 v2, v8;
	v7 =	vsub.f32 v2, v7;
	v10 =	vand.u32 $0x7FFFFFFF, v10  }
0x298: {  	v5 =	vld [tilespmem:s13+$0x2];
	v11 =	vand.u32 $0x7FFFFFFF, v11;
	v14 =	vand.u32 $0x7FFFFFFF, v14;
	v15 =	vand.u32 $0x7FFFFFFF, v15  }
0x299: {  	v6 =	vld [tilespmem:s13+$0xE2];
	v17 =	vand.u32 $0x7FFFFFFF, v17;
	v10 =	vsub.f32 $1.000000010e-01, v10;
	v16 =	vsub.f32 $1.000000010e-01, v11  }
0x29a: {  	v19 =	vand.u32 $0x7FFFFFFF, v19;
	v11 =	vsub.f32 v8, v3;
	v14 =	vsub.f32 $1.000000010e-01, v14  }
0x29b: {  	v13 =	vand.u32 $0x7FFFFFFF, v13;
	v15 =	vsub.f32 $1.000000010e-01, v15;
	v17 =	vsub.f32 $1.000000010e-01, v17  }
0x29c: {  	v8 =	vsub.f32 v12, v8;
	v19 =	vsub.f32 $1.000000010e-01, v19;
	v18 =	vand.u32 $0x7FFFFFFF, v11  }
0x29d: {  	v11 =	vand.u32 $0x7FFFFFFF, v9;
	v14 =	vmax.f32 v14, $0.0e+00;
	v20 =	vsub.f32 v12, v5  }
0x29e: {  	v26 =	vld [tilespmem:s13+$0x1C0];
	v21 =	vsub.f32 v6, v12;
	v15 =	vmax.f32 v15, $0.0e+00;
	v22 =	vsub.f32 v5, v2  }
0x29f: {  	v9 =	vld [tilespmem:s13+$0xE0];
	v8 =	vand.u32 $0x7FFFFFFF, v8;
	v11 =	vsub.f32 $1.000000010e-01, v11;
	v20 =	vand.u32 $0x7FFFFFFF, v20  }
0x2a0: {  	v24 =	vand.u32 $0x7FFFFFFF, v21;
	v21 =	vand.u32 $0x7FFFFFFF, v22;
	v22 =	vand.u32 $0x7FFFFFFF, v23  }
0x2a1: {  	v20 =	vsub.f32 $1.000000010e-01, v20;
	v23 =	vmax.f32 v11, $0.0e+00;
	v22 =	vsub.f32 $1.000000010e-01, v22  }
0x2a2: {  	v63 =	vsub.f32 $1.000000010e-01, v21;
	v21 =	vsub.f32 $1.000000010e-01, v13;
	v13 =	vmax.f32 v19, $0.0e+00  }
0x2a3: {  	v19 =	vand.u32 $0x7FFFFFFF, v7;
	v7 =	vmax.f32 v17, $0.0e+00;
	v15 =	vadd.f32 v15, v23  }
0x2a4: {  	v11 =	vmax.f32 v20, $0.0e+00;
	v20 =	vsub.f32 v12, v9;
	v12 =	vsub.f32 v26, v12  }
0x2a5: {  	v14 =	vadd.f32 v14, v15;
	v15 =	vmax.f32 v10, $0.0e+00;
	v10 =	vsub.f32 $1.000000010e-01, v18  }
0x2a6: {  	v19 =	vsub.f32 $1.000000010e-01, v19;
	v18 =	vmax.f32 v16, $0.0e+00;
	v23 =	vand.u32 $0x7FFFFFFF, v20  }
0x2a7: {  	v20 =	vand.u32 $0x7FFFFFFF, v25;
	v26 =	vand.u32 $0x7FFFFFFF, v12;
	v16 =	vmax.f32 v10, $0.0e+00  }
0x2a8: {  	v10 =	vmax.f32 v22, $0.0e+00;
	v22 =	vsub.f32 $1.000000010e-01, v20;
	v14 =	vadd.f32 v18, v14  }
0x2a9: {  	v12 =	vmax.f32 v63, $0.0e+00;
	v18 =	vsub.f32 $1.000000010e-01, v8;
	v17 =	vsub.f32 $1.000000010e-01, v23  }
0x2aa: {  	s15 =	simm.s32 $0x4BF;
	v8 =	vmax.f32 v21, $0.0e+00;
	v20 =	vadd.f32 v15, v14;
	v14 =	vmax.f32 v22, $0.0e+00  }
0x2ab: {  	s10 =	simm.s32 $0xC640;
	s14 =	simm.s32 $0xC630;
	s13 =	simm.s32 $0x22F;
	v21 =	vmax.f32 v18, $0.0e+00;
	v18 =	vsub.f32 $1.000000010e-01, v24;
	v15 =	vsub.f32 $1.000000010e-01, v26  }
.LBB2_12:
0x2ac: {  	v22 =	vld [tilespmem:s15+$0xFFFFFF21];
	s12 =	sadd.s32 $0x3, s12;
	v16 =	vadd.f32 v16, v20;
	v20 =	vadd.f32 v7, v21;
	s11 =	sadd.s32 $0x2A0, s11  }
0x2ad: {  	v23 =	vsub.f32 v2, v4;
	v9 =	vsub.f32 v9, v2;
	v21 =	vld [tilespmem:s15+$0xFFFFFF22];
	p0 =	slt.u32 s12, $0xDC  }
0x2ae: {  	v26 =	vsub.f32 v5, v3;
	v19 =	vmax.f32 v19, $0.0e+00;
	v24 =	vld [tilespmem:s15+$0x1C2];
	v5 =	vadd.f32 v20, v11  }
0x2af: {  	v17 =	vmax.f32 v17, $0.0e+00;
	v11 =	vand.u32 $0x7FFFFFFF, v23;
	v9 =	vand.u32 $0x7FFFFFFF, v9;
	v4 =	vld [tilespmem:s15+$0xFFFFFF20]  }
0x2b0: {  	v25 =	vand.u32 $0x7FFFFFFF, v26;
	v11 =	vsub.f32 $1.000000010e-01, v11;
	v20 =	vld [tilespmem:s15+$0xFFFFFE42];
	v17 =	vadd.f32 v5, v17  }
0x2b1: {  	v18 =	vmax.f32 v18, $0.0e+00;
	v23 =	vsub.f32 $1.000000010e-01, v25;
	v9 =	vsub.f32 $1.000000010e-01, v9;
	v5 =	vld [tilespmem:s15+$0x2];
	v3 =	vmovc v22  }
0x2b2: {  	v11 =	vmax.f32 v11, $0.0e+00;
	v22 =	vsub.f32 v21, v3;
	v25 =	vld [tilespmem:s15+$0x0];
	v17 =	vadd.f32 v17, v18  }
0x2b3: {  	v2 =	vsub.f32 v6, v2;
	v6 =	vmax.f32 v15, $0.0e+00;
	v26 =	vmax.f32 v9, $0.0e+00;
	v18 =	vld [tilespmem:s15+$0xFFFFFE41]  }
0x2b4: {  	v9 =	vld [tilespmem:s15+$0xFFFFFE40];
	v15 =	vsub.f32 v3, v4;
	v22 =	vand.u32 $0x7FFFFFFF, v22;
	v6 =	vadd.f32 v17, v6  }
0x2b5: {  	v27 =	vand.u32 $0x7FFFFFFF, v2;
	v17 =	vsub.f32 v3, v20;
	v20 =	vsub.f32 $1.000000010e-01, v22;
	v22 =	vld [tilespmem:s15+$0xE1]  }
0x2b6: {  	v11 =	vadd.f32 v10, v11;
	v15 =	vand.u32 $0x7FFFFFFF, v15;
	v2 =	vld [tilespmem:s15+$0x1];
	v13 =	vadd.f32 v6, v13  }
0x2b7: {  	v27 =	vsub.f32 $1.000000010e-01, v27;
	v17 =	vand.u32 $0x7FFFFFFF, v17;
	v15 =	vsub.f32 $1.000000010e-01, v15  }
0x2b8: {  	v23 =	vmax.f32 v23, $0.0e+00;
	v11 =	vadd.f32 v11, v19;
	v18 =	vsub.f32 v3, v18  }
0x2b9: {  	v10 =	vadd.f32 v10, v16;
	v16 =	vmax.f32 v27, $0.0e+00;
	v19 =	vsub.f32 v25, v3;
	v6 =	vld [tilespmem:s15+$0xE2]  }
0x2ba: {  	v17 =	vsub.f32 $1.000000010e-01, v17;
	v9 =	vsub.f32 v3, v9;
	v18 =	vand.u32 $0x7FFFFFFF, v18  }
0x2bb: {  	v11 =	vadd.f32 v11, v14;
	v19 =	vand.u32 $0x7FFFFFFF, v19;
	v18 =	vsub.f32 $1.000000010e-01, v18  }
0x2bc: {  	v24 =	vsub.f32 v24, v22;
	v9 =	vand.u32 $0x7FFFFFFF, v9;
	v14 =	vsub.f32 v22, v2  }
0x2bd: {  	v10 =	vadd.f32 v23, v10;
	v17 =	vmax.f32 v17, $0.0e+00;
	v27 =	vsub.f32 v22, v5;
	v28 =	vld [tilespmem:s15+$0x1C1]  }
0x2be: {  	v11 =	vadd.f32 v11, v12;
	v14 =	vand.u32 $0x7FFFFFFF, v14;
	v23 =	vsub.f32 v6, v22  }
0x2bf: {  	v10 =	vmul.f32 $1.111111160e+00, v10;
	v12 =	vmax.f32 v18, $0.0e+00;
	v18 =	vsub.f32 v5, v2  }
0x2c0: {  	v8 =	vadd.f32 v13, v8;
	v27 =	vand.u32 $0x7FFFFFFF, v27;
	v14 =	vsub.f32 $1.000000010e-01, v14  }
0x2c1: {  	v11 =	vadd.f32 v11, v26;
	v13 =	vsub.f32 $1.000000010e-01, v9;
	v23 =	vand.u32 $0x7FFFFFFF, v23;
	v9 =	vld [tilespmem:s15+$0xE0]  }
0x2c2: {  	v26 =	vsub.f32 v2, v3;
	v18 =	vand.u32 $0x7FFFFFFF, v18;
	v28 =	vsub.f32 v28, v22  }
0x2c3: {  	v7 =	vadd.f32 v11, v7;
	v27 =	vsub.f32 $1.000000010e-01, v27;
	v13 =	vmax.f32 v13, $0.0e+00  }
0x2c4: {  	v10 =	vadd.f32 $1.111111120e-01, v10;
	v11 =	vand.u32 $0x7FFFFFFF, v26;
	v26 =	vsub.f32 v2, v25  }
0x2c5: {  	v29 =	vsub.f32 $1.000000010e-01, v11;
	v7 =	vadd.f32 v7, v16;
	v11 =	vmax.f32 v27, $0.0e+00  }
0x2c6: {  	v8 =	vmul.f32 $1.111111160e+00, v8;
	v12 =	vadd.f32 v12, v13;
	v13 =	vsub.f32 v22, v9;
	v16 =	vld [tilespmem:s15+$0x1C0];
	[tilespmem:s14+$0xFFFFFF20] =	vst v10  }
0x2c7: {  	v21 =	vsub.f32 v2, v21;
	v7 =	vmul.f32 $1.111111160e+00, v7;
	v10 =	vand.u32 $0x7FFFFFFF, v28  }
0x2c8: {  	v8 =	vadd.f32 $1.111111120e-01, v8;
	v25 =	vsub.f32 v22, v25;
	v27 =	vand.u32 $0x7FFFFFFF, v13  }
0x2c9: {  	v7 =	vadd.f32 $1.111111120e-01, v7;
	v13 =	vand.u32 $0x7FFFFFFF, v26;
	v26 =	vsub.f32 $1.000000010e-01, v10  }
0x2ca: {  	v12 =	vadd.f32 v17, v12;
	v17 =	vmax.f32 v20, $0.0e+00;
	v10 =	vsub.f32 $1.000000010e-01, v19;
	[tilespmem:s14+$0xE0] =	vst v8  }
0x2cb: {  	v8 =	vand.u32 $0x7FFFFFFF, v25;
	v19 =	vsub.f32 v16, v22;
	v16 =	vand.u32 $0x7FFFFFFF, v24;
	[tilespmem:s14+$0x0] =	vst v7;
	s14 =	smov.u32 s11  }
0x2cc: {  	v7 =	vmax.f32 v15, $0.0e+00;
	v15 =	vsub.f32 $1.000000010e-01, v18;
	v18 =	vsub.f32 $1.000000010e-01, v16  }
0x2cd: {  	v22 =	vsub.f32 $1.000000010e-01, v13;
	v16 =	vmax.f32 v10, $0.0e+00;
	v10 =	vmax.f32 v29, $0.0e+00  }
.Ltmp5:
0x2ce: {  	v24 =	vsub.f32 $1.000000010e-01, v8;
	v13 =	vmax.f32 v26, $0.0e+00;
	v12 =	vadd.f32 v7, v12;
	(pc) =	sbr.rel @p0 .LBB2_12-.Ltmp5, $4  }
0x2cf: {  	v21 =	vand.u32 $0x7FFFFFFF, v21;
	v7 =	vmax.f32 v14, $0.0e+00;
	v25 =	vand.u32 $0x7FFFFFFF, v19  }
0x2d0: {  	v20 =	vadd.f32 v17, v12;
	v17 =	vsub.f32 $1.000000010e-01, v27;
	v8 =	vmax.f32 v18, $0.0e+00  }
0x2d1: {  	v19 =	vsub.f32 $1.000000010e-01, v21;
	v14 =	vmax.f32 v22, $0.0e+00;
	v21 =	vmax.f32 v24, $0.0e+00  }
0x2d2: {  	s15 =	sadd.s32 $0x2A0, s15;
	v12 =	vmax.f32 v15, $0.0e+00;
	v18 =	vsub.f32 $1.000000010e-01, v23;
	v15 =	vsub.f32 $1.000000010e-01, v25  }
0x2d3: {  	v4 =	vsub.f32 v2, v4;
	_ =	sdelay $0x1  }
0x2d4: {  	v4 =	vand.u32 $0x7FFFFFFF, v4  }
0x2d5: {  	v4 =	vsub.f32 $1.000000010e-01, v4;
	_ =	sdelay $0x1  }
0x2d6: {  	v21 =	vadd.f32 v7, v21;
	v4 =	vmax.f32 v4, $0.0e+00  }
0x2d7: {  	v16 =	vadd.f32 v16, v20;
	v4 =	vadd.f32 v10, v4  }
0x2d8: {  	v19 =	vmax.f32 v19, $0.0e+00;
	v9 =	vsub.f32 v9, v2;
	v11 =	vadd.f32 v21, v11  }
0x2d9: {  	v17 =	vmax.f32 v17, $0.0e+00;
	v3 =	vsub.f32 v5, v3;
	v4 =	vadd.f32 v4, v19  }
0x2da: {  	v2 =	vsub.f32 v6, v2;
	v5 =	vadd.f32 v11, v17  }
0x2db: {  	v9 =	vand.u32 $0x7FFFFFFF, v9;
	v11 =	vmax.f32 v18, $0.0e+00;
	v4 =	vadd.f32 v4, v14  }
0x2dc: {  	v9 =	vsub.f32 $1.000000010e-01, v9;
	v5 =	vadd.f32 v5, v11  }
0x2dd: {  	v6 =	vmax.f32 v15, $0.0e+00;
	v3 =	vand.u32 $0x7FFFFFFF, v3;
	v4 =	vadd.f32 v4, v12  }
0x2de: {  	v3 =	vsub.f32 $1.000000010e-01, v3;
	v9 =	vmax.f32 v9, $0.0e+00;
	v5 =	vadd.f32 v5, v6  }
0x2df: {  	v2 =	vand.u32 $0x7FFFFFFF, v2;
	v6 =	vadd.f32 v10, v16;
	v4 =	vadd.f32 v4, v9  }
0x2e0: {  	v2 =	vsub.f32 $1.000000010e-01, v2;
	v3 =	vmax.f32 v3, $0.0e+00;
	v5 =	vadd.f32 v5, v13  }
0x2e1: {  	v3 =	vadd.f32 v3, v6;
	v4 =	vadd.f32 v4, v7  }
0x2e2: {  	v2 =	vmax.f32 v2, $0.0e+00;
	v5 =	vadd.f32 v5, v8  }
0x2e3: {  	v3 =	vmul.f32 $1.111111160e+00, v3;
	v2 =	vadd.f32 v4, v2  }
0x2e4: {  	v4 =	vmul.f32 $1.111111160e+00, v5  }
0x2e5: {  	v3 =	vadd.f32 $1.111111120e-01, v3;
	v2 =	vmul.f32 $1.111111160e+00, v2  }
0x2e6: {  	v4 =	vadd.f32 $1.111111120e-01, v4  }
0x2e7: {  	[tilespmem:s14+$0xFFFFFF20] =	vst v3;
	v2 =	vadd.f32 $1.111111120e-01, v2  }
0x2e8: {  	[tilespmem:s14+$0xE0] =	vst v4  }
0x2e9: {  	[tilespmem:s14+$0x0] =	vst v2  }
0x2ea: {  	v2 =	vld [tilespmem:s13+$0xFFFFFF21]  }
0x2eb: {  	v3 =	vld [tilespmem:s13+$0x1C1]  }
0x2ec: {  	v4 =	vld [tilespmem:s13+$0xFFFFFF22]  }
0x2ed: {  	v5 =	vld [tilespmem:s13+$0xFFFFFE42]  }
0x2ee: {  	v6 =	vld [tilespmem:s13+$0x2]  }
0x2ef: {  	v7 =	vld [tilespmem:s13+$0xE0]  }
0x2f0: {  	v8 =	vld [tilespmem:s13+$0xFFFFFE40]  }
0x2f1: {  	v9 =	vld [tilespmem:s13+$0xFFFFFF20]  }
0x2f2: {  	v10 =	vld [tilespmem:s13+$0x0]  }
0x2f3: {  	v12 =	vld [tilespmem:s13+$0xFFFFFE41]  }
0x2f4: {  	v13 =	vld [tilespmem:s13+$0xE1]  }
0x2f5: {  	v15 =	vld [tilespmem:s13+$0x1]  }
0x2f6: {  	v11 =	vsub.f32 v4, v2;
	v14 =	vsub.f32 v6, v2  }
0x2f7: {  	v5 =	vsub.f32 v2, v5;
	v8 =	vsub.f32 v2, v8  }
0x2f8: {  	v16 =	vsub.f32 v2, v9;
	v17 =	vsub.f32 v10, v2  }
0x2f9: {  	v12 =	vsub.f32 v2, v12;
	v3 =	vsub.f32 v3, v13  }
0x2fa: {  	v18 =	vsub.f32 v7, v15;
	v2 =	vsub.f32 v15, v2  }
0x2fb: {  	v19 =	vsub.f32 v13, v15;
	v21 =	vsub.f32 v6, v15  }
0x2fc: {  	v22 =	vsub.f32 v15, v10;
	v7 =	vsub.f32 v13, v7  }
0x2fd: {  	v9 =	vsub.f32 v15, v9;
	v10 =	vsub.f32 v13, v10  }
0x2fe: {  	v4 =	vsub.f32 v15, v4;
	v6 =	vsub.f32 v13, v6  }
0x2ff: {  	v11 =	vand.u32 $0x7FFFFFFF, v11;
	v14 =	vand.u32 $0x7FFFFFFF, v14;
	v5 =	vand.u32 $0x7FFFFFFF, v5  }
0x300: {  	v16 =	vand.u32 $0x7FFFFFFF, v16;
	v12 =	vand.u32 $0x7FFFFFFF, v12;
	v8 =	vand.u32 $0x7FFFFFFF, v8  }
0x301: {  	v18 =	vand.u32 $0x7FFFFFFF, v18;
	v2 =	vand.u32 $0x7FFFFFFF, v2;
	v17 =	vand.u32 $0x7FFFFFFF, v17  }
0x302: {  	v10 =	vand.u32 $0x7FFFFFFF, v10;
	v9 =	vand.u32 $0x7FFFFFFF, v9;
	v11 =	vsub.f32 $1.000000010e-01, v11  }
0x303: {  	v4 =	vand.u32 $0x7FFFFFFF, v4;
	v14 =	vsub.f32 $1.000000010e-01, v14;
	v5 =	vsub.f32 $1.000000010e-01, v5  }
0x304: {  	v7 =	vand.u32 $0x7FFFFFFF, v7;
	v16 =	vsub.f32 $1.000000010e-01, v16;
	v12 =	vsub.f32 $1.000000010e-01, v12  }
0x305: {  	v6 =	vand.u32 $0x7FFFFFFF, v6;
	v8 =	vsub.f32 $1.000000010e-01, v8;
	v2 =	vsub.f32 $1.000000010e-01, v2  }
0x306: {  	v19 =	vand.u32 $0x7FFFFFFF, v19;
	v10 =	vsub.f32 $1.000000010e-01, v10;
	v9 =	vsub.f32 $1.000000010e-01, v9  }
0x307: {  	v4 =	vsub.f32 $1.000000010e-01, v4;
	v12 =	vmax.f32 v12, $0.0e+00;
	v8 =	vmax.f32 v8, $0.0e+00  }
0x308: {  	v20 =	vld [tilespmem:s13+$0xE2];
	v3 =	vand.u32 $0x7FFFFFFF, v3;
	v7 =	vsub.f32 $1.000000010e-01, v7;
	v8 =	vadd.f32 v12, v8  }
0x309: {  	v6 =	vsub.f32 $1.000000010e-01, v6;
	v26 =	vsub.f32 $1.000000010e-01, v3;
	v5 =	vmax.f32 v5, $0.0e+00  }
0x30a: {  	v16 =	vmax.f32 v16, $0.0e+00;
	v11 =	vmax.f32 v11, $0.0e+00;
	v5 =	vadd.f32 v5, v8  }
0x30b: {  	v9 =	vmax.f32 v9, $0.0e+00;
	v14 =	vmax.f32 v14, $0.0e+00;
	v4 =	vmax.f32 v4, $0.0e+00  }
0x30c: {  	v10 =	vmax.f32 v10, $0.0e+00;
	v7 =	vmax.f32 v7, $0.0e+00;
	v5 =	vadd.f32 v16, v5  }
0x30d: {  	v12 =	vsub.f32 v20, v15;
	v8 =	vmax.f32 v2, $0.0e+00;
	v2 =	vsub.f32 $1.000000010e-01, v17  }
0x30e: {  	v9 =	vadd.f32 v8, v9;
	v16 =	vand.u32 $0x7FFFFFFF, v22;
	v5 =	vadd.f32 v11, v5;
	v11 =	vld [tilespmem:s13+$0x1C0]  }
0x30f: {  	s15 =	simm.s32 $0x4CF;
	v15 =	vld [tilespmem:s13+$0x1C2];
	v17 =	vand.u32 $0x7FFFFFFF, v21;
	v2 =	vmax.f32 v2, $0.0e+00;
	v16 =	vsub.f32 $1.000000010e-01, v16  }
0x310: {  	v12 =	vand.u32 $0x7FFFFFFF, v12;
	v22 =	vld [tilespmem:s15+$0x2];
	v4 =	vadd.f32 v9, v4;
	v5 =	vadd.f32 v2, v5  }
0x311: {  	v2 =	vmax.f32 v16, $0.0e+00;
	v16 =	vsub.f32 $1.000000010e-01, v17;
	v17 =	vsub.f32 v20, v13;
	v20 =	vld [tilespmem:s15+$0xFFFFFF21]  }
0x312: {  	v24 =	vld [tilespmem:s15+$0xFFFFFF20];
	v26 =	vmax.f32 v26, $0.0e+00;
	v12 =	vsub.f32 $1.000000010e-01, v12;
	v23 =	vadd.f32 v4, v2  }
0x313: {  	v17 =	vand.u32 $0x7FFFFFFF, v17;
	v5 =	vadd.f32 v8, v5;
	v11 =	vsub.f32 v11, v13  }
0x314: {  	v16 =	vmax.f32 v16, $0.0e+00;
	v13 =	vsub.f32 v15, v13;
	v15 =	vsub.f32 $1.000000010e-01, v19;
	v19 =	vld [tilespmem:s15+$0xFFFFFE42]  }
0x315: {  	v9 =	vld [tilespmem:s15+$0xFFFFFF22];
	v4 =	vmax.f32 v6, $0.0e+00;
	v17 =	vsub.f32 $1.000000010e-01, v17;
	v16 =	vadd.f32 v23, v16  }
0x316: {  	v6 =	vld [tilespmem:s15+$0xFFFFFE40];
	v5 =	vadd.f32 v14, v5;
	v11 =	vand.u32 $0x7FFFFFFF, v11;
	v28 =	vsub.f32 v22, v20  }
0x317: {  	v27 =	vld [tilespmem:s15+$0x0];
	v15 =	vmax.f32 v15, $0.0e+00;
	v60 =	vsub.f32 v20, v24;
	v2 =	vsub.f32 $1.000000010e-01, v11  }
0x318: {  	v21 =	vld [tilespmem:s15+$0x1C1];
	v13 =	vand.u32 $0x7FFFFFFF, v13;
	v11 =	vsub.f32 $1.000000010e-01, v18;
	v10 =	vadd.f32 v15, v10  }
0x319: {  	v18 =	vld [tilespmem:s15+$0xE0];
	v13 =	vsub.f32 $1.000000010e-01, v13;
	v25 =	vmax.f32 v2, $0.0e+00;
	v3 =	vsub.f32 v20, v19  }
0x31a: {  	v2 =	vld [tilespmem:s15+$0xE1];
	v11 =	vmax.f32 v11, $0.0e+00;
	v19 =	vsub.f32 v9, v20;
	v4 =	vadd.f32 v10, v4  }
0x31b: {  	v12 =	vmax.f32 v12, $0.0e+00;
	v6 =	vsub.f32 v20, v6;
	v10 =	vld [tilespmem:s15+$0x1];
	v11 =	vadd.f32 v16, v11  }
0x31c: {  	v19 =	vand.u32 $0x7FFFFFFF, v19;
	v4 =	vadd.f32 v4, v7;
	v14 =	vand.u32 $0x7FFFFFFF, v3  }
0x31d: {  	v8 =	vsub.f32 $1.000000010e-01, v19;
	v19 =	vand.u32 $0x7FFFFFFF, v28;
	v14 =	vsub.f32 $1.000000010e-01, v14  }
0x31e: {  	v7 =	vmax.f32 v17, $0.0e+00;
	v11 =	vadd.f32 v11, v15;
	v19 =	vsub.f32 $1.000000010e-01, v19  }
0x31f: {  	v29 =	vmul.f32 $1.111111160e+00, v5;
	v17 =	vld [tilespmem:s15+$0xFFFFFE41];
	v4 =	vadd.f32 v4, v7;
	v7 =	vsub.f32 v27, v20  }
0x320: {  	v13 =	vmax.f32 v13, $0.0e+00;
	v3 =	vsub.f32 v21, v2;
	v61 =	vsub.f32 v18, v10  }
0x321: {  	v6 =	vand.u32 $0x7FFFFFFF, v6;
	v63 =	vsub.f32 v10, v27;
	v18 =	vsub.f32 v2, v18  }
0x322: {  	v21 =	vand.u32 $0x7FFFFFFF, v60;
	v16 =	vsub.f32 v2, v27;
	v11 =	vadd.f32 v11, v12  }
0x323: {  	v8 =	vmax.f32 v8, $0.0e+00;
	v9 =	vsub.f32 v10, v9;
	v21 =	vsub.f32 $1.000000010e-01, v21  }
0x324: {  	v14 =	vmax.f32 v14, $0.0e+00;
	v25 =	vadd.f32 v4, v25;
	v5 =	vsub.f32 v20, v17  }
0x325: {  	v7 =	vand.u32 $0x7FFFFFFF, v7;
	v17 =	vsub.f32 v10, v20;
	v20 =	vsub.f32 $1.000000010e-01, v6  }
0x326: {  	v6 =	vsub.f32 v2, v10;
	v7 =	vsub.f32 $1.000000010e-01, v7;
	v5 =	vand.u32 $0x7FFFFFFF, v5  }
0x327: {  	v4 =	vand.u32 $0x7FFFFFFF, v61;
	v25 =	vadd.f32 v25, v26;
	v5 =	vsub.f32 $1.000000010e-01, v5  }
0x328: {  	v62 =	vld [tilespmem:s15+$0xE2];
	v16 =	vand.u32 $0x7FFFFFFF, v16;
	v15 =	vand.u32 $0x7FFFFFFF, v63;
	v17 =	vand.u32 $0x7FFFFFFF, v17  }
0x329: {  	v20 =	vmax.f32 v20, $0.0e+00;
	v23 =	vadd.f32 v25, v13;
	v5 =	vmax.f32 v5, $0.0e+00  }
0x32a: {  	v21 =	vmax.f32 v21, $0.0e+00;
	v13 =	vsub.f32 $1.000000010e-01, v17;
	v20 =	vadd.f32 v5, v20  }
0x32b: {  	v15 =	vsub.f32 $1.000000010e-01, v15;
	v7 =	vmax.f32 v7, $0.0e+00;
	v17 =	vsub.f32 v22, v10  }
0x32c: {  	v22 =	vsub.f32 v2, v22;
	v5 =	vmax.f32 v13, $0.0e+00;
	v14 =	vadd.f32 v14, v20  }
0x32d: {  	v13 =	vsub.f32 v10, v24;
	v20 =	vsub.f32 v62, v10;
	v10 =	vmul.f32 $1.111111160e+00, v11  }
0x32e: {  	v17 =	vand.u32 $0x7FFFFFFF, v17;
	v12 =	vmul.f32 $1.111111160e+00, v23;
	v14 =	vadd.f32 v21, v14  }
0x32f: {  	v21 =	vadd.f32 $1.111111120e-01, v29;
	v20 =	vand.u32 $0x7FFFFFFF, v20;
	v10 =	vadd.f32 $1.111111120e-01, v10  }
0x330: {  	v23 =	vand.u32 $0x7FFFFFFF, v18;
	v11 =	vsub.f32 $1.000000010e-01, v20;
	v20 =	vsub.f32 $1.000000010e-01, v17  }
0x331: {  	v17 =	vld [tilespmem:s15+$0x1C0];
	v8 =	vadd.f32 v8, v14;
	v14 =	vand.u32 $0x7FFFFFFF, v13;
	v13 =	vsub.f32 $1.000000010e-01, v16  }
0x332: {  	v18 =	vld [tilespmem:s15+$0x1C2];
	[tilespmem:s10+$0xFFFFFF20] =	vst v21;
	v21 =	vand.u32 $0x7FFFFFFF, v22;
	v16 =	vsub.f32 $1.000000010e-01, v14;
	v14 =	vmax.f32 v15, $0.0e+00  }
0x333: {  	s11 =	simm.s32 $0xC650;
	v15 =	vand.u32 $0x7FFFFFFF, v9;
	v9 =	vmax.f32 v19, $0.0e+00;
	v7 =	vadd.f32 v7, v8  }
0x334: {  	s12 =	simm.s32 $0x1;
	s16 =	simm.s32 $0x76F;
	s17 =	simm.s32 $0xCB80;
	v19 =	vsub.f32 $1.000000010e-01, v15;
	v15 =	vsub.f32 $1.000000010e-01, v23;
	v8 =	vmax.f32 v16, $0.0e+00  }
0x335: {  	s14 =	simm.s32 $0xC8E0;
	s13 =	simm.s32 $0x23F;
	s15 =	simm.s32 $0x4;
	v16 =	vadd.f32 v5, v8;
	v8 =	vmax.f32 v20, $0.0e+00;
	v20 =	vsub.f32 v62, v2  }
.LBB2_14:
0x336: {  	v22 =	vld [tilespmem:s16+$0xFFFFFF21];
	s15 =	sadd.s32 $0x3, s15;
	v6 =	vand.u32 $0x7FFFFFFF, v6;
	v17 =	vsub.f32 v17, v2;
	v12 =	vadd.f32 $1.111111120e-01, v12  }
0x337: {  	v21 =	vsub.f32 $1.000000010e-01, v21;
	v23 =	vld [tilespmem:s16+$0x1C1];
	p0 =	slt.u32 s15, $0xDC;
	v20 =	vand.u32 $0x7FFFFFFF, v20;
	v2 =	vsub.f32 v18, v2;
	[tilespmem:s10+$0x0] =	vst v10  }
0x338: {  	v18 =	vmax.f32 v19, $0.0e+00;
	v6 =	vsub.f32 $1.000000010e-01, v6;
	v10 =	vld [tilespmem:s16+$0xFFFFFF22];
	v19 =	vsub.f32 $1.000000010e-01, v20;
	[tilespmem:s10+$0xE0] =	vst v12;
	s10 =	smov.u32 s14;
	s14 =	smov.u32 s17  }
0x339: {  	v3 =	vand.u32 $0x7FFFFFFF, v3;
	v16 =	vadd.f32 v16, v18;
	v17 =	vand.u32 $0x7FFFFFFF, v17;
	v12 =	vld [tilespmem:s16+$0xFFFFFE42]  }
0x33a: {  	v20 =	vmax.f32 v6, $0.0e+00;
	v6 =	vmax.f32 v13, $0.0e+00;
	v2 =	vand.u32 $0x7FFFFFFF, v2;
	v18 =	vld [tilespmem:s16+$0x2]  }
0x33b: {  	v17 =	vsub.f32 $1.000000010e-01, v17;
	v14 =	vadd.f32 v16, v14;
	v16 =	vmax.f32 v21, $0.0e+00;
	v13 =	vld [tilespmem:s16+$0xE0]  }
0x33c: {  	v4 =	vsub.f32 $1.000000010e-01, v4;
	v11 =	vmax.f32 v11, $0.0e+00;
	v24 =	vsub.f32 $1.000000010e-01, v2;
	v21 =	vld [tilespmem:s16+$0xFFFFFE40]  }
0x33d: {  	v3 =	vsub.f32 $1.000000010e-01, v3;
	v6 =	vadd.f32 v20, v6;
	v17 =	vmax.f32 v17, $0.0e+00;
	v25 =	vld [tilespmem:s16+$0xFFFFFF20]  }
0x33e: {  	v26 =	vmax.f32 v4, $0.0e+00;
	v4 =	vmax.f32 v15, $0.0e+00;
	v12 =	vsub.f32 v22, v12;
	v2 =	vld [tilespmem:s16+$0xE1]  }
0x33f: {  	v24 =	vmax.f32 v24, $0.0e+00;
	v15 =	vsub.f32 v10, v22;
	v27 =	vld [tilespmem:s16+$0x0];
	v28 =	vsub.f32 v18, v22  }
0x340: {  	v6 =	vadd.f32 v6, v16;
	v16 =	vmax.f32 v19, $0.0e+00;
	v12 =	vand.u32 $0x7FFFFFFF, v12;
	v29 =	vld [tilespmem:s16+$0x1]  }
0x341: {  	v5 =	vadd.f32 v5, v7;
	v15 =	vand.u32 $0x7FFFFFFF, v15;
	v19 =	vsub.f32 v22, v21  }
0x342: {  	v4 =	vadd.f32 v6, v4;
	v7 =	vsub.f32 $1.000000010e-01, v15;
	v15 =	vand.u32 $0x7FFFFFFF, v28  }
0x343: {  	v5 =	vadd.f32 v9, v5;
	v15 =	vsub.f32 $1.000000010e-01, v15;
	v6 =	vand.u32 $0x7FFFFFFF, v19;
	v19 =	vld [tilespmem:s16+$0xFFFFFE41]  }
0x344: {  	v4 =	vadd.f32 v4, v16;
	v16 =	vmax.f32 v3, $0.0e+00;
	v9 =	vsub.f32 v22, v25  }
0x345: {  	v3 =	vsub.f32 v23, v2;
	v23 =	vmul.f32 $1.111111160e+00, v5;
	v21 =	vsub.f32 v27, v22  }
0x346: {  	v5 =	vsub.f32 $1.000000010e-01, v12;
	v9 =	vand.u32 $0x7FFFFFFF, v9;
	v12 =	vsub.f32 v13, v29  }
0x347: {  	v17 =	vadd.f32 v4, v17;
	v9 =	vsub.f32 $1.000000010e-01, v9  }
0x348: {  	v4 =	vand.u32 $0x7FFFFFFF, v12;
	v19 =	vsub.f32 v22, v19;
	v22 =	vsub.f32 v29, v22  }
0x349: {  	v16 =	vadd.f32 v17, v16;
	v12 =	vsub.f32 $1.000000010e-01, v6;
	v9 =	vmax.f32 v9, $0.0e+00  }
0x34a: {  	v6 =	vsub.f32 v2, v29;
	v17 =	vand.u32 $0x7FFFFFFF, v19;
	v19 =	vand.u32 $0x7FFFFFFF, v21  }
0x34b: {  	v8 =	vadd.f32 v14, v8;
	v7 =	vmax.f32 v7, $0.0e+00;
	v17 =	vsub.f32 $1.000000010e-01, v17  }
0x34c: {  	v14 =	vmax.f32 v5, $0.0e+00;
	v16 =	vadd.f32 v16, v24;
	v5 =	vand.u32 $0x7FFFFFFF, v22  }
0x34d: {  	v21 =	vsub.f32 v18, v29;
	v5 =	vsub.f32 $1.000000010e-01, v5;
	v17 =	vmax.f32 v17, $0.0e+00;
	v22 =	vld [tilespmem:s16+$0xE2]  }
0x34e: {  	v28 =	vsub.f32 v2, v13;
	v24 =	vsub.f32 v29, v27;
	v12 =	vmax.f32 v12, $0.0e+00  }
0x34f: {  	v8 =	vadd.f32 v8, v26;
	v5 =	vmax.f32 v5, $0.0e+00;
	v12 =	vadd.f32 v17, v12  }
0x350: {  	v13 =	vsub.f32 v29, v25;
	v17 =	vsub.f32 v2, v27  }
0x351: {  	v12 =	vadd.f32 v14, v12;
	v14 =	vsub.f32 $1.000000010e-01, v19;
	v19 =	vand.u32 $0x7FFFFFFF, v21  }
0x352: {  	v8 =	vadd.f32 v8, v20;
	v17 =	vand.u32 $0x7FFFFFFF, v17;
	v21 =	vsub.f32 v22, v29  }
0x353: {  	v20 =	vadd.f32 $1.111111120e-01, v23;
	v9 =	vadd.f32 v9, v12;
	v12 =	vand.u32 $0x7FFFFFFF, v24  }
0x354: {  	v8 =	vadd.f32 v8, v11;
	v23 =	vsub.f32 $1.000000010e-01, v12;
	v21 =	vand.u32 $0x7FFFFFFF, v21  }
0x355: {  	v7 =	vadd.f32 v7, v9;
	v9 =	vand.u32 $0x7FFFFFFF, v13;
	v13 =	vsub.f32 $1.000000010e-01, v17;
	[tilespmem:s10+$0xFFFFFF20] =	vst v20  }
0x356: {  	v11 =	vmax.f32 v14, $0.0e+00;
	v12 =	vmul.f32 $1.111111160e+00, v16;
	v20 =	vsub.f32 v2, v18  }
0x357: {  	v10 =	vsub.f32 v29, v10;
	v24 =	vmul.f32 $1.111111160e+00, v8;
	v9 =	vsub.f32 $1.000000010e-01, v9  }
.Ltmp6:
0x358: {  	v14 =	vmax.f32 v23, $0.0e+00;
	v7 =	vadd.f32 v11, v7;
	v11 =	vsub.f32 $1.000000010e-01, v21;
	v17 =	vld [tilespmem:s16+$0x1C0];
	(pc) =	sbr.rel @p0 .LBB2_14-.Ltmp6, $4  }
0x359: {  	v10 =	vand.u32 $0x7FFFFFFF, v10;
	v21 =	vsub.f32 $1.000000010e-01, v19;
	v8 =	vmax.f32 v9, $0.0e+00;
	v18 =	vld [tilespmem:s16+$0x1C2]  }
0x35a: {  	v9 =	vmax.f32 v15, $0.0e+00;
	v15 =	vand.u32 $0x7FFFFFFF, v28;
	v16 =	vadd.f32 v5, v8  }
0x35b: {  	v19 =	vsub.f32 $1.000000010e-01, v10;
	v8 =	vmax.f32 v21, $0.0e+00;
	v15 =	vsub.f32 $1.000000010e-01, v15  }
0x35c: {  	s17 =	sadd.s32 $0x2A0, s17;
	v10 =	vadd.f32 $1.111111120e-01, v24;
	v21 =	vand.u32 $0x7FFFFFFF, v20;
	v20 =	vsub.f32 v22, v2;
	s16 =	sadd.s32 $0x2A0, s16  }
0x35d: {  	v6 =	vand.u32 $0x7FFFFFFF, v6  }
0x35e: {  	v6 =	vsub.f32 $1.000000010e-01, v6;
	_ =	sdelay $0x1  }
0x35f: {  	v21 =	vsub.f32 $1.000000010e-01, v21;
	v13 =	vmax.f32 v13, $0.0e+00;
	v6 =	vmax.f32 v6, $0.0e+00  }
0x360: {  	v19 =	vmax.f32 v19, $0.0e+00;
	v13 =	vadd.f32 v6, v13  }
0x361: {  	v17 =	vsub.f32 v17, v2;
	v16 =	vadd.f32 v16, v19;
	v19 =	vmax.f32 v21, $0.0e+00  }
0x362: {  	v20 =	vand.u32 $0x7FFFFFFF, v20;
	v2 =	vsub.f32 v18, v2;
	v13 =	vadd.f32 v13, v19  }
0x363: {  	v15 =	vmax.f32 v15, $0.0e+00;
	v18 =	vsub.f32 $1.000000010e-01, v20;
	v14 =	vadd.f32 v16, v14  }
0x364: {  	v4 =	vsub.f32 $1.000000010e-01, v4;
	v16 =	vand.u32 $0x7FFFFFFF, v17;
	v13 =	vadd.f32 v13, v15  }
0x365: {  	v8 =	vadd.f32 v14, v8;
	v15 =	vsub.f32 $1.000000010e-01, v16;
	v16 =	vmax.f32 v18, $0.0e+00  }
0x366: {  	v3 =	vand.u32 $0x7FFFFFFF, v3;
	v4 =	vmax.f32 v4, $0.0e+00;
	v13 =	vadd.f32 v13, v16  }
0x367: {  	v3 =	vsub.f32 $1.000000010e-01, v3;
	v4 =	vadd.f32 v8, v4;
	v14 =	vmax.f32 v15, $0.0e+00  }
0x368: {  	v5 =	vadd.f32 v5, v7;
	v2 =	vand.u32 $0x7FFFFFFF, v2;
	v7 =	vadd.f32 v13, v14  }
0x369: {  	v3 =	vmax.f32 v3, $0.0e+00;
	v2 =	vsub.f32 $1.000000010e-01, v2;
	v4 =	vadd.f32 v4, v6  }
0x36a: {  	v5 =	vadd.f32 v9, v5;
	v6 =	vmax.f32 v11, $0.0e+00;
	v3 =	vadd.f32 v7, v3  }
0x36b: {  	v2 =	vmax.f32 v2, $0.0e+00;
	v4 =	vadd.f32 v4, v6  }
0x36c: {  	v5 =	vmul.f32 $1.111111160e+00, v5;
	v2 =	vadd.f32 v3, v2  }
0x36d: {  	v4 =	vmul.f32 $1.111111160e+00, v4;
	v3 =	vadd.f32 $1.111111120e-01, v12  }
0x36e: {  	[tilespmem:s10+$0x0] =	vst v10;
	v5 =	vadd.f32 $1.111111120e-01, v5;
	v2 =	vmul.f32 $1.111111160e+00, v2  }
0x36f: {  	[tilespmem:s10+$0xE0] =	vst v3;
	v3 =	vadd.f32 $1.111111120e-01, v4  }
0x370: {  	[tilespmem:s14+$0xFFFFFF20] =	vst v5;
	v2 =	vadd.f32 $1.111111120e-01, v2  }
0x371: {  	[tilespmem:s14+$0x0] =	vst v3  }
0x372: {  	[tilespmem:s14+$0xE0] =	vst v2  }
0x373: {  	v3 =	vld [tilespmem:s13+$0xFFFFFF21]  }
0x374: {  	v7 =	vld [tilespmem:s13+$0xFFFFFF22]  }
0x375: {  	v4 =	vld [tilespmem:s13+$0xFFFFFF20]  }
0x376: {  	v5 =	vld [tilespmem:s13+$0xFFFFFE42]  }
0x377: {  	v6 =	vld [tilespmem:s13+$0xFFFFFE41]  }
0x378: {  	v9 =	vld [tilespmem:s13+$0xFFFFFE40]  }
0x379: {  	v12 =	vld [tilespmem:s13+$0xE1]  }
0x37a: {  	v2 =	vld [tilespmem:s13+$0x1]  }
0x37b: {  	v13 =	vld [tilespmem:s13+$0x1C2]  }
0x37c: {  	v19 =	vld [tilespmem:s13+$0x1C1]  }
0x37d: {  	v8 =	vld [tilespmem:s13+$0x0];
	v10 =	vsub.f32 v7, v3  }
0x37e: {  	v11 =	vsub.f32 v3, v4;
	v14 =	vsub.f32 v3, v5  }
0x37f: {  	v15 =	vsub.f32 v3, v6;
	v9 =	vsub.f32 v3, v9  }
0x380: {  	v17 =	vsub.f32 v12, v2;
	v13 =	vsub.f32 v13, v12  }
0x381: {  	v23 =	vsub.f32 v2, v3;
	v19 =	vsub.f32 v19, v12  }
0x382: {  	v25 =	vsub.f32 v2, v8;
	v7 =	vsub.f32 v2, v7;
	v10 =	vand.u32 $0x7FFFFFFF, v10  }
0x383: {  	v5 =	vld [tilespmem:s13+$0x2];
	v11 =	vand.u32 $0x7FFFFFFF, v11;
	v14 =	vand.u32 $0x7FFFFFFF, v14;
	v15 =	vand.u32 $0x7FFFFFFF, v15  }
0x384: {  	v6 =	vld [tilespmem:s13+$0xE2];
	v17 =	vand.u32 $0x7FFFFFFF, v17;
	v10 =	vsub.f32 $1.000000010e-01, v10;
	v16 =	vsub.f32 $1.000000010e-01, v11  }
0x385: {  	v19 =	vand.u32 $0x7FFFFFFF, v19;
	v11 =	vsub.f32 v8, v3;
	v14 =	vsub.f32 $1.000000010e-01, v14  }
0x386: {  	v13 =	vand.u32 $0x7FFFFFFF, v13;
	v15 =	vsub.f32 $1.000000010e-01, v15;
	v17 =	vsub.f32 $1.000000010e-01, v17  }
0x387: {  	v8 =	vsub.f32 v12, v8;
	v19 =	vsub.f32 $1.000000010e-01, v19;
	v18 =	vand.u32 $0x7FFFFFFF, v11  }
0x388: {  	v11 =	vand.u32 $0x7FFFFFFF, v9;
	v14 =	vmax.f32 v14, $0.0e+00;
	v20 =	vsub.f32 v12, v5  }
0x389: {  	v26 =	vld [tilespmem:s13+$0x1C0];
	v21 =	vsub.f32 v6, v12;
	v15 =	vmax.f32 v15, $0.0e+00;
	v22 =	vsub.f32 v5, v2  }
0x38a: {  	v9 =	vld [tilespmem:s13+$0xE0];
	v8 =	vand.u32 $0x7FFFFFFF, v8;
	v11 =	vsub.f32 $1.000000010e-01, v11;
	v20 =	vand.u32 $0x7FFFFFFF, v20  }
0x38b: {  	v24 =	vand.u32 $0x7FFFFFFF, v21;
	v21 =	vand.u32 $0x7FFFFFFF, v22;
	v22 =	vand.u32 $0x7FFFFFFF, v23  }
0x38c: {  	v20 =	vsub.f32 $1.000000010e-01, v20;
	v23 =	vmax.f32 v11, $0.0e+00;
	v22 =	vsub.f32 $1.000000010e-01, v22  }
0x38d: {  	v63 =	vsub.f32 $1.000000010e-01, v21;
	v21 =	vsub.f32 $1.000000010e-01, v13;
	v13 =	vmax.f32 v19, $0.0e+00  }
0x38e: {  	v19 =	vand.u32 $0x7FFFFFFF, v7;
	v7 =	vmax.f32 v17, $0.0e+00;
	v15 =	vadd.f32 v15, v23  }
0x38f: {  	v11 =	vmax.f32 v20, $0.0e+00;
	v20 =	vsub.f32 v12, v9;
	v12 =	vsub.f32 v26, v12  }
0x390: {  	v14 =	vadd.f32 v14, v15;
	v15 =	vmax.f32 v10, $0.0e+00;
	v10 =	vsub.f32 $1.000000010e-01, v18  }
0x391: {  	v19 =	vsub.f32 $1.000000010e-01, v19;
	v18 =	vmax.f32 v16, $0.0e+00;
	v23 =	vand.u32 $0x7FFFFFFF, v20  }
0x392: {  	v20 =	vand.u32 $0x7FFFFFFF, v25;
	v26 =	vand.u32 $0x7FFFFFFF, v12;
	v16 =	vmax.f32 v10, $0.0e+00  }
0x393: {  	v10 =	vmax.f32 v22, $0.0e+00;
	v22 =	vsub.f32 $1.000000010e-01, v20;
	v14 =	vadd.f32 v18, v14  }
0x394: {  	v12 =	vmax.f32 v63, $0.0e+00;
	v18 =	vsub.f32 $1.000000010e-01, v8;
	v17 =	vsub.f32 $1.000000010e-01, v23  }
0x395: {  	s15 =	simm.s32 $0x4DF;
	v8 =	vmax.f32 v21, $0.0e+00;
	v20 =	vadd.f32 v15, v14;
	v14 =	vmax.f32 v22, $0.0e+00  }
0x396: {  	s10 =	simm.s32 $0xC660;
	s14 =	simm.s32 $0xC650;
	s13 =	simm.s32 $0x24F;
	v21 =	vmax.f32 v18, $0.0e+00;
	v18 =	vsub.f32 $1.000000010e-01, v24;
	v15 =	vsub.f32 $1.000000010e-01, v26  }
.LBB2_16:
0x397: {  	v22 =	vld [tilespmem:s15+$0xFFFFFF21];
	s12 =	sadd.s32 $0x3, s12;
	v16 =	vadd.f32 v16, v20;
	v20 =	vadd.f32 v7, v21;
	s11 =	sadd.s32 $0x2A0, s11  }
0x398: {  	v23 =	vsub.f32 v2, v4;
	v9 =	vsub.f32 v9, v2;
	v21 =	vld [tilespmem:s15+$0xFFFFFF22];
	p0 =	slt.u32 s12, $0xDC  }
0x399: {  	v26 =	vsub.f32 v5, v3;
	v19 =	vmax.f32 v19, $0.0e+00;
	v24 =	vld [tilespmem:s15+$0x1C2];
	v5 =	vadd.f32 v20, v11  }
0x39a: {  	v17 =	vmax.f32 v17, $0.0e+00;
	v11 =	vand.u32 $0x7FFFFFFF, v23;
	v9 =	vand.u32 $0x7FFFFFFF, v9;
	v4 =	vld [tilespmem:s15+$0xFFFFFF20]  }
0x39b: {  	v25 =	vand.u32 $0x7FFFFFFF, v26;
	v11 =	vsub.f32 $1.000000010e-01, v11;
	v20 =	vld [tilespmem:s15+$0xFFFFFE42];
	v17 =	vadd.f32 v5, v17  }
0x39c: {  	v18 =	vmax.f32 v18, $0.0e+00;
	v23 =	vsub.f32 $1.000000010e-01, v25;
	v9 =	vsub.f32 $1.000000010e-01, v9;
	v5 =	vld [tilespmem:s15+$0x2];
	v3 =	vmovc v22  }
0x39d: {  	v11 =	vmax.f32 v11, $0.0e+00;
	v22 =	vsub.f32 v21, v3;
	v25 =	vld [tilespmem:s15+$0x0];
	v17 =	vadd.f32 v17, v18  }
0x39e: {  	v2 =	vsub.f32 v6, v2;
	v6 =	vmax.f32 v15, $0.0e+00;
	v26 =	vmax.f32 v9, $0.0e+00;
	v18 =	vld [tilespmem:s15+$0xFFFFFE41]  }
0x39f: {  	v9 =	vld [tilespmem:s15+$0xFFFFFE40];
	v15 =	vsub.f32 v3, v4;
	v22 =	vand.u32 $0x7FFFFFFF, v22;
	v6 =	vadd.f32 v17, v6  }
0x3a0: {  	v27 =	vand.u32 $0x7FFFFFFF, v2;
	v17 =	vsub.f32 v3, v20;
	v20 =	vsub.f32 $1.000000010e-01, v22;
	v22 =	vld [tilespmem:s15+$0xE1]  }
0x3a1: {  	v11 =	vadd.f32 v10, v11;
	v15 =	vand.u32 $0x7FFFFFFF, v15;
	v2 =	vld [tilespmem:s15+$0x1];
	v13 =	vadd.f32 v6, v13  }
0x3a2: {  	v27 =	vsub.f32 $1.000000010e-01, v27;
	v17 =	vand.u32 $0x7FFFFFFF, v17;
	v15 =	vsub.f32 $1.000000010e-01, v15  }
0x3a3: {  	v23 =	vmax.f32 v23, $0.0e+00;
	v11 =	vadd.f32 v11, v19;
	v18 =	vsub.f32 v3, v18  }
0x3a4: {  	v10 =	vadd.f32 v10, v16;
	v16 =	vmax.f32 v27, $0.0e+00;
	v19 =	vsub.f32 v25, v3;
	v6 =	vld [tilespmem:s15+$0xE2]  }
0x3a5: {  	v17 =	vsub.f32 $1.000000010e-01, v17;
	v9 =	vsub.f32 v3, v9;
	v18 =	vand.u32 $0x7FFFFFFF, v18  }
0x3a6: {  	v11 =	vadd.f32 v11, v14;
	v19 =	vand.u32 $0x7FFFFFFF, v19;
	v18 =	vsub.f32 $1.000000010e-01, v18  }
0x3a7: {  	v24 =	vsub.f32 v24, v22;
	v9 =	vand.u32 $0x7FFFFFFF, v9;
	v14 =	vsub.f32 v22, v2  }
0x3a8: {  	v10 =	vadd.f32 v23, v10;
	v17 =	vmax.f32 v17, $0.0e+00;
	v27 =	vsub.f32 v22, v5;
	v28 =	vld [tilespmem:s15+$0x1C1]  }
0x3a9: {  	v11 =	vadd.f32 v11, v12;
	v14 =	vand.u32 $0x7FFFFFFF, v14;
	v23 =	vsub.f32 v6, v22  }
0x3aa: {  	v10 =	vmul.f32 $1.111111160e+00, v10;
	v12 =	vmax.f32 v18, $0.0e+00;
	v18 =	vsub.f32 v5, v2  }
0x3ab: {  	v8 =	vadd.f32 v13, v8;
	v27 =	vand.u32 $0x7FFFFFFF, v27;
	v14 =	vsub.f32 $1.000000010e-01, v14  }
0x3ac: {  	v11 =	vadd.f32 v11, v26;
	v13 =	vsub.f32 $1.000000010e-01, v9;
	v23 =	vand.u32 $0x7FFFFFFF, v23;
	v9 =	vld [tilespmem:s15+$0xE0]  }
0x3ad: {  	v26 =	vsub.f32 v2, v3;
	v18 =	vand.u32 $0x7FFFFFFF, v18;
	v28 =	vsub.f32 v28, v22  }
0x3ae: {  	v7 =	vadd.f32 v11, v7;
	v27 =	vsub.f32 $1.000000010e-01, v27;
	v13 =	vmax.f32 v13, $0.0e+00  }
0x3af: {  	v10 =	vadd.f32 $1.111111120e-01, v10;
	v11 =	vand.u32 $0x7FFFFFFF, v26;
	v26 =	vsub.f32 v2, v25  }
0x3b0: {  	v29 =	vsub.f32 $1.000000010e-01, v11;
	v7 =	vadd.f32 v7, v16;
	v11 =	vmax.f32 v27, $0.0e+00  }
0x3b1: {  	v8 =	vmul.f32 $1.111111160e+00, v8;
	v12 =	vadd.f32 v12, v13;
	v13 =	vsub.f32 v22, v9;
	v16 =	vld [tilespmem:s15+$0x1C0];
	[tilespmem:s14+$0xFFFFFF20] =	vst v10  }
0x3b2: {  	v21 =	vsub.f32 v2, v21;
	v7 =	vmul.f32 $1.111111160e+00, v7;
	v10 =	vand.u32 $0x7FFFFFFF, v28  }
0x3b3: {  	v8 =	vadd.f32 $1.111111120e-01, v8;
	v25 =	vsub.f32 v22, v25;
	v27 =	vand.u32 $0x7FFFFFFF, v13  }
0x3b4: {  	v7 =	vadd.f32 $1.111111120e-01, v7;
	v13 =	vand.u32 $0x7FFFFFFF, v26;
	v26 =	vsub.f32 $1.000000010e-01, v10  }
0x3b5: {  	v12 =	vadd.f32 v17, v12;
	v17 =	vmax.f32 v20, $0.0e+00;
	v10 =	vsub.f32 $1.000000010e-01, v19;
	[tilespmem:s14+$0xE0] =	vst v8  }
0x3b6: {  	v8 =	vand.u32 $0x7FFFFFFF, v25;
	v19 =	vsub.f32 v16, v22;
	v16 =	vand.u32 $0x7FFFFFFF, v24;
	[tilespmem:s14+$0x0] =	vst v7;
	s14 =	smov.u32 s11  }
0x3b7: {  	v7 =	vmax.f32 v15, $0.0e+00;
	v15 =	vsub.f32 $1.000000010e-01, v18;
	v18 =	vsub.f32 $1.000000010e-01, v16  }
0x3b8: {  	v22 =	vsub.f32 $1.000000010e-01, v13;
	v16 =	vmax.f32 v10, $0.0e+00;
	v10 =	vmax.f32 v29, $0.0e+00  }
.Ltmp7:
0x3b9: {  	v24 =	vsub.f32 $1.000000010e-01, v8;
	v13 =	vmax.f32 v26, $0.0e+00;
	v12 =	vadd.f32 v7, v12;
	(pc) =	sbr.rel @p0 .LBB2_16-.Ltmp7, $4  }
0x3ba: {  	v21 =	vand.u32 $0x7FFFFFFF, v21;
	v7 =	vmax.f32 v14, $0.0e+00;
	v25 =	vand.u32 $0x7FFFFFFF, v19  }
0x3bb: {  	v20 =	vadd.f32 v17, v12;
	v17 =	vsub.f32 $1.000000010e-01, v27;
	v8 =	vmax.f32 v18, $0.0e+00  }
0x3bc: {  	v19 =	vsub.f32 $1.000000010e-01, v21;
	v14 =	vmax.f32 v22, $0.0e+00;
	v21 =	vmax.f32 v24, $0.0e+00  }
0x3bd: {  	s15 =	sadd.s32 $0x2A0, s15;
	v12 =	vmax.f32 v15, $0.0e+00;
	v18 =	vsub.f32 $1.000000010e-01, v23;
	v15 =	vsub.f32 $1.000000010e-01, v25  }
0x3be: {  	v4 =	vsub.f32 v2, v4;
	_ =	sdelay $0x1  }
0x3bf: {  	v4 =	vand.u32 $0x7FFFFFFF, v4  }
0x3c0: {  	v4 =	vsub.f32 $1.000000010e-01, v4;
	_ =	sdelay $0x1  }
0x3c1: {  	v21 =	vadd.f32 v7, v21;
	v4 =	vmax.f32 v4, $0.0e+00  }
0x3c2: {  	v16 =	vadd.f32 v16, v20;
	v4 =	vadd.f32 v10, v4  }
0x3c3: {  	v19 =	vmax.f32 v19, $0.0e+00;
	v9 =	vsub.f32 v9, v2;
	v11 =	vadd.f32 v21, v11  }
0x3c4: {  	v17 =	vmax.f32 v17, $0.0e+00;
	v3 =	vsub.f32 v5, v3;
	v4 =	vadd.f32 v4, v19  }
0x3c5: {  	v2 =	vsub.f32 v6, v2;
	v5 =	vadd.f32 v11, v17  }
0x3c6: {  	v9 =	vand.u32 $0x7FFFFFFF, v9;
	v11 =	vmax.f32 v18, $0.0e+00;
	v4 =	vadd.f32 v4, v14  }
0x3c7: {  	v9 =	vsub.f32 $1.000000010e-01, v9;
	v5 =	vadd.f32 v5, v11  }
0x3c8: {  	v6 =	vmax.f32 v15, $0.0e+00;
	v3 =	vand.u32 $0x7FFFFFFF, v3;
	v4 =	vadd.f32 v4, v12  }
0x3c9: {  	v3 =	vsub.f32 $1.000000010e-01, v3;
	v9 =	vmax.f32 v9, $0.0e+00;
	v5 =	vadd.f32 v5, v6  }
0x3ca: {  	v2 =	vand.u32 $0x7FFFFFFF, v2;
	v6 =	vadd.f32 v10, v16;
	v4 =	vadd.f32 v4, v9  }
0x3cb: {  	v2 =	vsub.f32 $1.000000010e-01, v2;
	v3 =	vmax.f32 v3, $0.0e+00;
	v5 =	vadd.f32 v5, v13  }
0x3cc: {  	v3 =	vadd.f32 v3, v6;
	v4 =	vadd.f32 v4, v7  }
0x3cd: {  	v2 =	vmax.f32 v2, $0.0e+00;
	v5 =	vadd.f32 v5, v8  }
0x3ce: {  	v3 =	vmul.f32 $1.111111160e+00, v3;
	v2 =	vadd.f32 v4, v2  }
0x3cf: {  	v4 =	vmul.f32 $1.111111160e+00, v5  }
0x3d0: {  	v3 =	vadd.f32 $1.111111120e-01, v3;
	v2 =	vmul.f32 $1.111111160e+00, v2  }
0x3d1: {  	v4 =	vadd.f32 $1.111111120e-01, v4  }
0x3d2: {  	[tilespmem:s14+$0xFFFFFF20] =	vst v3;
	v2 =	vadd.f32 $1.111111120e-01, v2  }
0x3d3: {  	[tilespmem:s14+$0xE0] =	vst v4  }
0x3d4: {  	[tilespmem:s14+$0x0] =	vst v2  }
0x3d5: {  	v2 =	vld [tilespmem:s13+$0xFFFFFF21]  }
0x3d6: {  	v3 =	vld [tilespmem:s13+$0x1C1]  }
0x3d7: {  	v4 =	vld [tilespmem:s13+$0xFFFFFF22]  }
0x3d8: {  	v5 =	vld [tilespmem:s13+$0xFFFFFE42]  }
0x3d9: {  	v6 =	vld [tilespmem:s13+$0x2]  }
0x3da: {  	v7 =	vld [tilespmem:s13+$0xE0]  }
0x3db: {  	v8 =	vld [tilespmem:s13+$0xFFFFFE40]  }
0x3dc: {  	v9 =	vld [tilespmem:s13+$0xFFFFFF20]  }
0x3dd: {  	v10 =	vld [tilespmem:s13+$0x0]  }
0x3de: {  	v12 =	vld [tilespmem:s13+$0xFFFFFE41]  }
0x3df: {  	v13 =	vld [tilespmem:s13+$0xE1]  }
0x3e0: {  	v15 =	vld [tilespmem:s13+$0x1]  }
0x3e1: {  	v11 =	vsub.f32 v4, v2;
	v14 =	vsub.f32 v6, v2  }
0x3e2: {  	v5 =	vsub.f32 v2, v5;
	v8 =	vsub.f32 v2, v8  }
0x3e3: {  	v16 =	vsub.f32 v2, v9;
	v17 =	vsub.f32 v10, v2  }
0x3e4: {  	v12 =	vsub.f32 v2, v12;
	v3 =	vsub.f32 v3, v13  }
0x3e5: {  	v18 =	vsub.f32 v7, v15;
	v2 =	vsub.f32 v15, v2  }
0x3e6: {  	v19 =	vsub.f32 v13, v15;
	v21 =	vsub.f32 v6, v15  }
0x3e7: {  	v22 =	vsub.f32 v15, v10;
	v7 =	vsub.f32 v13, v7  }
0x3e8: {  	v9 =	vsub.f32 v15, v9;
	v10 =	vsub.f32 v13, v10  }
0x3e9: {  	v4 =	vsub.f32 v15, v4;
	v6 =	vsub.f32 v13, v6  }
0x3ea: {  	v11 =	vand.u32 $0x7FFFFFFF, v11;
	v14 =	vand.u32 $0x7FFFFFFF, v14;
	v5 =	vand.u32 $0x7FFFFFFF, v5  }
0x3eb: {  	v16 =	vand.u32 $0x7FFFFFFF, v16;
	v12 =	vand.u32 $0x7FFFFFFF, v12;
	v8 =	vand.u32 $0x7FFFFFFF, v8  }
0x3ec: {  	v18 =	vand.u32 $0x7FFFFFFF, v18;
	v2 =	vand.u32 $0x7FFFFFFF, v2;
	v17 =	vand.u32 $0x7FFFFFFF, v17  }
0x3ed: {  	v10 =	vand.u32 $0x7FFFFFFF, v10;
	v9 =	vand.u32 $0x7FFFFFFF, v9;
	v11 =	vsub.f32 $1.000000010e-01, v11  }
0x3ee: {  	v4 =	vand.u32 $0x7FFFFFFF, v4;
	v14 =	vsub.f32 $1.000000010e-01, v14;
	v5 =	vsub.f32 $1.000000010e-01, v5  }
0x3ef: {  	v7 =	vand.u32 $0x7FFFFFFF, v7;
	v16 =	vsub.f32 $1.000000010e-01, v16;
	v12 =	vsub.f32 $1.000000010e-01, v12  }
0x3f0: {  	v6 =	vand.u32 $0x7FFFFFFF, v6;
	v8 =	vsub.f32 $1.000000010e-01, v8;
	v2 =	vsub.f32 $1.000000010e-01, v2  }
0x3f1: {  	v19 =	vand.u32 $0x7FFFFFFF, v19;
	v10 =	vsub.f32 $1.000000010e-01, v10;
	v9 =	vsub.f32 $1.000000010e-01, v9  }
0x3f2: {  	v4 =	vsub.f32 $1.000000010e-01, v4;
	v12 =	vmax.f32 v12, $0.0e+00;
	v8 =	vmax.f32 v8, $0.0e+00  }
0x3f3: {  	v20 =	vld [tilespmem:s13+$0xE2];
	v3 =	vand.u32 $0x7FFFFFFF, v3;
	v7 =	vsub.f32 $1.000000010e-01, v7;
	v8 =	vadd.f32 v12, v8  }
0x3f4: {  	v6 =	vsub.f32 $1.000000010e-01, v6;
	v26 =	vsub.f32 $1.000000010e-01, v3;
	v5 =	vmax.f32 v5, $0.0e+00  }
0x3f5: {  	v16 =	vmax.f32 v16, $0.0e+00;
	v11 =	vmax.f32 v11, $0.0e+00;
	v5 =	vadd.f32 v5, v8  }
0x3f6: {  	v9 =	vmax.f32 v9, $0.0e+00;
	v14 =	vmax.f32 v14, $0.0e+00;
	v4 =	vmax.f32 v4, $0.0e+00  }
0x3f7: {  	v10 =	vmax.f32 v10, $0.0e+00;
	v7 =	vmax.f32 v7, $0.0e+00;
	v5 =	vadd.f32 v16, v5  }
0x3f8: {  	v12 =	vsub.f32 v20, v15;
	v8 =	vmax.f32 v2, $0.0e+00;
	v2 =	vsub.f32 $1.000000010e-01, v17  }
0x3f9: {  	v9 =	vadd.f32 v8, v9;
	v16 =	vand.u32 $0x7FFFFFFF, v22;
	v5 =	vadd.f32 v11, v5;
	v11 =	vld [tilespmem:s13+$0x1C0]  }
0x3fa: {  	s15 =	simm.s32 $0x4EF;
	v15 =	vld [tilespmem:s13+$0x1C2];
	v17 =	vand.u32 $0x7FFFFFFF, v21;
	v2 =	vmax.f32 v2, $0.0e+00;
	v16 =	vsub.f32 $1.000000010e-01, v16  }
0x3fb: {  	v12 =	vand.u32 $0x7FFFFFFF, v12;
	v22 =	vld [tilespmem:s15+$0x2];
	v4 =	vadd.f32 v9, v4;
	v5 =	vadd.f32 v2, v5  }
0x3fc: {  	v2 =	vmax.f32 v16, $0.0e+00;
	v16 =	vsub.f32 $1.000000010e-01, v17;
	v17 =	vsub.f32 v20, v13;
	v20 =	vld [tilespmem:s15+$0xFFFFFF21]  }
0x3fd: {  	v24 =	vld [tilespmem:s15+$0xFFFFFF20];
	v26 =	vmax.f32 v26, $0.0e+00;
	v12 =	vsub.f32 $1.000000010e-01, v12;
	v23 =	vadd.f32 v4, v2  }
0x3fe: {  	v17 =	vand.u32 $0x7FFFFFFF, v17;
	v5 =	vadd.f32 v8, v5;
	v11 =	vsub.f32 v11, v13  }
0x3ff: {  	v16 =	vmax.f32 v16, $0.0e+00;
	v13 =	vsub.f32 v15, v13;
	v15 =	vsub.f32 $1.000000010e-01, v19;
	v19 =	vld [tilespmem:s15+$0xFFFFFE42]  }
0x400: {  	v9 =	vld [tilespmem:s15+$0xFFFFFF22];
	v4 =	vmax.f32 v6, $0.0e+00;
	v17 =	vsub.f32 $1.000000010e-01, v17;
	v16 =	vadd.f32 v23, v16  }
0x401: {  	v6 =	vld [tilespmem:s15+$0xFFFFFE40];
	v5 =	vadd.f32 v14, v5;
	v11 =	vand.u32 $0x7FFFFFFF, v11;
	v28 =	vsub.f32 v22, v20  }
0x402: {  	v27 =	vld [tilespmem:s15+$0x0];
	v15 =	vmax.f32 v15, $0.0e+00;
	v60 =	vsub.f32 v20, v24;
	v2 =	vsub.f32 $1.000000010e-01, v11  }
0x403: {  	v21 =	vld [tilespmem:s15+$0x1C1];
	v13 =	vand.u32 $0x7FFFFFFF, v13;
	v11 =	vsub.f32 $1.000000010e-01, v18;
	v10 =	vadd.f32 v15, v10  }
0x404: {  	v18 =	vld [tilespmem:s15+$0xE0];
	v13 =	vsub.f32 $1.000000010e-01, v13;
	v25 =	vmax.f32 v2, $0.0e+00;
	v3 =	vsub.f32 v20, v19  }
0x405: {  	v2 =	vld [tilespmem:s15+$0xE1];
	v11 =	vmax.f32 v11, $0.0e+00;
	v19 =	vsub.f32 v9, v20;
	v4 =	vadd.f32 v10, v4  }
0x406: {  	v12 =	vmax.f32 v12, $0.0e+00;
	v6 =	vsub.f32 v20, v6;
	v10 =	vld [tilespmem:s15+$0x1];
	v11 =	vadd.f32 v16, v11  }
0x407: {  	v19 =	vand.u32 $0x7FFFFFFF, v19;
	v4 =	vadd.f32 v4, v7;
	v14 =	vand.u32 $0x7FFFFFFF, v3  }
0x408: {  	v8 =	vsub.f32 $1.000000010e-01, v19;
	v19 =	vand.u32 $0x7FFFFFFF, v28;
	v14 =	vsub.f32 $1.000000010e-01, v14  }
0x409: {  	v7 =	vmax.f32 v17, $0.0e+00;
	v11 =	vadd.f32 v11, v15;
	v19 =	vsub.f32 $1.000000010e-01, v19  }
0x40a: {  	v29 =	vmul.f32 $1.111111160e+00, v5;
	v17 =	vld [tilespmem:s15+$0xFFFFFE41];
	v4 =	vadd.f32 v4, v7;
	v7 =	vsub.f32 v27, v20  }
0x40b: {  	v13 =	vmax.f32 v13, $0.0e+00;
	v3 =	vsub.f32 v21, v2;
	v61 =	vsub.f32 v18, v10  }
0x40c: {  	v6 =	vand.u32 $0x7FFFFFFF, v6;
	v63 =	vsub.f32 v10, v27;
	v18 =	vsub.f32 v2, v18  }
0x40d: {  	v21 =	vand.u32 $0x7FFFFFFF, v60;
	v16 =	vsub.f32 v2, v27;
	v11 =	vadd.f32 v11, v12  }
0x40e: {  	v8 =	vmax.f32 v8, $0.0e+00;
	v9 =	vsub.f32 v10, v9;
	v21 =	vsub.f32 $1.000000010e-01, v21  }
0x40f: {  	v14 =	vmax.f32 v14, $0.0e+00;
	v25 =	vadd.f32 v4, v25;
	v5 =	vsub.f32 v20, v17  }
0x410: {  	v7 =	vand.u32 $0x7FFFFFFF, v7;
	v17 =	vsub.f32 v10, v20;
	v20 =	vsub.f32 $1.000000010e-01, v6  }
0x411: {  	v6 =	vsub.f32 v2, v10;
	v7 =	vsub.f32 $1.000000010e-01, v7;
	v5 =	vand.u32 $0x7FFFFFFF, v5  }
0x412: {  	v4 =	vand.u32 $0x7FFFFFFF, v61;
	v25 =	vadd.f32 v25, v26;
	v5 =	vsub.f32 $1.000000010e-01, v5  }
0x413: {  	v62 =	vld [tilespmem:s15+$0xE2];
	v16 =	vand.u32 $0x7FFFFFFF, v16;
	v15 =	vand.u32 $0x7FFFFFFF, v63;
	v17 =	vand.u32 $0x7FFFFFFF, v17  }
0x414: {  	v20 =	vmax.f32 v20, $0.0e+00;
	v23 =	vadd.f32 v25, v13;
	v5 =	vmax.f32 v5, $0.0e+00  }
0x415: {  	v21 =	vmax.f32 v21, $0.0e+00;
	v13 =	vsub.f32 $1.000000010e-01, v17;
	v20 =	vadd.f32 v5, v20  }
0x416: {  	v15 =	vsub.f32 $1.000000010e-01, v15;
	v7 =	vmax.f32 v7, $0.0e+00;
	v17 =	vsub.f32 v22, v10  }
0x417: {  	v22 =	vsub.f32 v2, v22;
	v5 =	vmax.f32 v13, $0.0e+00;
	v14 =	vadd.f32 v14, v20  }
0x418: {  	v13 =	vsub.f32 v10, v24;
	v20 =	vsub.f32 v62, v10;
	v10 =	vmul.f32 $1.111111160e+00, v11  }
0x419: {  	v17 =	vand.u32 $0x7FFFFFFF, v17;
	v12 =	vmul.f32 $1.111111160e+00, v23;
	v14 =	vadd.f32 v21, v14  }
0x41a: {  	v21 =	vadd.f32 $1.111111120e-01, v29;
	v20 =	vand.u32 $0x7FFFFFFF, v20;
	v10 =	vadd.f32 $1.111111120e-01, v10  }
0x41b: {  	v23 =	vand.u32 $0x7FFFFFFF, v18;
	v11 =	vsub.f32 $1.000000010e-01, v20;
	v20 =	vsub.f32 $1.000000010e-01, v17  }
0x41c: {  	v17 =	vld [tilespmem:s15+$0x1C0];
	v8 =	vadd.f32 v8, v14;
	v14 =	vand.u32 $0x7FFFFFFF, v13;
	v13 =	vsub.f32 $1.000000010e-01, v16  }
0x41d: {  	v18 =	vld [tilespmem:s15+$0x1C2];
	[tilespmem:s10+$0xFFFFFF20] =	vst v21;
	v21 =	vand.u32 $0x7FFFFFFF, v22;
	v16 =	vsub.f32 $1.000000010e-01, v14;
	v14 =	vmax.f32 v15, $0.0e+00  }
0x41e: {  	s11 =	simm.s32 $0xC670;
	v15 =	vand.u32 $0x7FFFFFFF, v9;
	v9 =	vmax.f32 v19, $0.0e+00;
	v7 =	vadd.f32 v7, v8  }
0x41f: {  	s12 =	simm.s32 $0x1;
	s16 =	simm.s32 $0x78F;
	s17 =	simm.s32 $0xCBA0;
	v19 =	vsub.f32 $1.000000010e-01, v15;
	v15 =	vsub.f32 $1.000000010e-01, v23;
	v8 =	vmax.f32 v16, $0.0e+00  }
0x420: {  	s14 =	simm.s32 $0xC900;
	s13 =	simm.s32 $0x25F;
	s15 =	simm.s32 $0x4;
	v16 =	vadd.f32 v5, v8;
	v8 =	vmax.f32 v20, $0.0e+00;
	v20 =	vsub.f32 v62, v2  }
.LBB2_18:
0x421: {  	v22 =	vld [tilespmem:s16+$0xFFFFFF21];
	s15 =	sadd.s32 $0x3, s15;
	v6 =	vand.u32 $0x7FFFFFFF, v6;
	v17 =	vsub.f32 v17, v2;
	v12 =	vadd.f32 $1.111111120e-01, v12  }
0x422: {  	v21 =	vsub.f32 $1.000000010e-01, v21;
	v23 =	vld [tilespmem:s16+$0x1C1];
	p0 =	slt.u32 s15, $0xDC;
	v20 =	vand.u32 $0x7FFFFFFF, v20;
	v2 =	vsub.f32 v18, v2;
	[tilespmem:s10+$0x0] =	vst v10  }
0x423: {  	v18 =	vmax.f32 v19, $0.0e+00;
	v6 =	vsub.f32 $1.000000010e-01, v6;
	v10 =	vld [tilespmem:s16+$0xFFFFFF22];
	v19 =	vsub.f32 $1.000000010e-01, v20;
	[tilespmem:s10+$0xE0] =	vst v12;
	s10 =	smov.u32 s14;
	s14 =	smov.u32 s17  }
0x424: {  	v3 =	vand.u32 $0x7FFFFFFF, v3;
	v16 =	vadd.f32 v16, v18;
	v17 =	vand.u32 $0x7FFFFFFF, v17;
	v12 =	vld [tilespmem:s16+$0xFFFFFE42]  }
0x425: {  	v20 =	vmax.f32 v6, $0.0e+00;
	v6 =	vmax.f32 v13, $0.0e+00;
	v2 =	vand.u32 $0x7FFFFFFF, v2;
	v18 =	vld [tilespmem:s16+$0x2]  }
0x426: {  	v17 =	vsub.f32 $1.000000010e-01, v17;
	v14 =	vadd.f32 v16, v14;
	v16 =	vmax.f32 v21, $0.0e+00;
	v13 =	vld [tilespmem:s16+$0xE0]  }
0x427: {  	v4 =	vsub.f32 $1.000000010e-01, v4;
	v11 =	vmax.f32 v11, $0.0e+00;
	v24 =	vsub.f32 $1.000000010e-01, v2;
	v21 =	vld [tilespmem:s16+$0xFFFFFE40]  }
0x428: {  	v3 =	vsub.f32 $1.000000010e-01, v3;
	v6 =	vadd.f32 v20, v6;
	v17 =	vmax.f32 v17, $0.0e+00;
	v25 =	vld [tilespmem:s16+$0xFFFFFF20]  }
0x429: {  	v26 =	vmax.f32 v4, $0.0e+00;
	v4 =	vmax.f32 v15, $0.0e+00;
	v12 =	vsub.f32 v22, v12;
	v2 =	vld [tilespmem:s16+$0xE1]  }
0x42a: {  	v24 =	vmax.f32 v24, $0.0e+00;
	v15 =	vsub.f32 v10, v22;
	v27 =	vld [tilespmem:s16+$0x0];
	v28 =	vsub.f32 v18, v22  }
0x42b: {  	v6 =	vadd.f32 v6, v16;
	v16 =	vmax.f32 v19, $0.0e+00;
	v12 =	vand.u32 $0x7FFFFFFF, v12;
	v29 =	vld [tilespmem:s16+$0x1]  }
0x42c: {  	v5 =	vadd.f32 v5, v7;
	v15 =	vand.u32 $0x7FFFFFFF, v15;
	v19 =	vsub.f32 v22, v21  }
0x42d: {  	v4 =	vadd.f32 v6, v4;
	v7 =	vsub.f32 $1.000000010e-01, v15;
	v15 =	vand.u32 $0x7FFFFFFF, v28  }
0x42e: {  	v5 =	vadd.f32 v9, v5;
	v15 =	vsub.f32 $1.000000010e-01, v15;
	v6 =	vand.u32 $0x7FFFFFFF, v19;
	v19 =	vld [tilespmem:s16+$0xFFFFFE41]  }
0x42f: {  	v4 =	vadd.f32 v4, v16;
	v16 =	vmax.f32 v3, $0.0e+00;
	v9 =	vsub.f32 v22, v25  }
0x430: {  	v3 =	vsub.f32 v23, v2;
	v23 =	vmul.f32 $1.111111160e+00, v5;
	v21 =	vsub.f32 v27, v22  }
0x431: {  	v5 =	vsub.f32 $1.000000010e-01, v12;
	v9 =	vand.u32 $0x7FFFFFFF, v9;
	v12 =	vsub.f32 v13, v29  }
0x432: {  	v17 =	vadd.f32 v4, v17;
	v9 =	vsub.f32 $1.000000010e-01, v9  }
0x433: {  	v4 =	vand.u32 $0x7FFFFFFF, v12;
	v19 =	vsub.f32 v22, v19;
	v22 =	vsub.f32 v29, v22  }
0x434: {  	v16 =	vadd.f32 v17, v16;
	v12 =	vsub.f32 $1.000000010e-01, v6;
	v9 =	vmax.f32 v9, $0.0e+00  }
0x435: {  	v6 =	vsub.f32 v2, v29;
	v17 =	vand.u32 $0x7FFFFFFF, v19;
	v19 =	vand.u32 $0x7FFFFFFF, v21  }
0x436: {  	v8 =	vadd.f32 v14, v8;
	v7 =	vmax.f32 v7, $0.0e+00;
	v17 =	vsub.f32 $1.000000010e-01, v17  }
0x437: {  	v14 =	vmax.f32 v5, $0.0e+00;
	v16 =	vadd.f32 v16, v24;
	v5 =	vand.u32 $0x7FFFFFFF, v22  }
0x438: {  	v21 =	vsub.f32 v18, v29;
	v5 =	vsub.f32 $1.000000010e-01, v5;
	v17 =	vmax.f32 v17, $0.0e+00;
	v22 =	vld [tilespmem:s16+$0xE2]  }
0x439: {  	v28 =	vsub.f32 v2, v13;
	v24 =	vsub.f32 v29, v27;
	v12 =	vmax.f32 v12, $0.0e+00  }
0x43a: {  	v8 =	vadd.f32 v8, v26;
	v5 =	vmax.f32 v5, $0.0e+00;
	v12 =	vadd.f32 v17, v12  }
0x43b: {  	v13 =	vsub.f32 v29, v25;
	v17 =	vsub.f32 v2, v27  }
0x43c: {  	v12 =	vadd.f32 v14, v12;
	v14 =	vsub.f32 $1.000000010e-01, v19;
	v19 =	vand.u32 $0x7FFFFFFF, v21  }
0x43d: {  	v8 =	vadd.f32 v8, v20;
	v17 =	vand.u32 $0x7FFFFFFF, v17;
	v21 =	vsub.f32 v22, v29  }
0x43e: {  	v20 =	vadd.f32 $1.111111120e-01, v23;
	v9 =	vadd.f32 v9, v12;
	v12 =	vand.u32 $0x7FFFFFFF, v24  }
0x43f: {  	v8 =	vadd.f32 v8, v11;
	v23 =	vsub.f32 $1.000000010e-01, v12;
	v21 =	vand.u32 $0x7FFFFFFF, v21  }
0x440: {  	v7 =	vadd.f32 v7, v9;
	v9 =	vand.u32 $0x7FFFFFFF, v13;
	v13 =	vsub.f32 $1.000000010e-01, v17;
	[tilespmem:s10+$0xFFFFFF20] =	vst v20  }
0x441: {  	v11 =	vmax.f32 v14, $0.0e+00;
	v12 =	vmul.f32 $1.111111160e+00, v16;
	v20 =	vsub.f32 v2, v18  }
0x442: {  	v10 =	vsub.f32 v29, v10;
	v24 =	vmul.f32 $1.111111160e+00, v8;
	v9 =	vsub.f32 $1.000000010e-01, v9  }
.Ltmp8:
0x443: {  	v14 =	vmax.f32 v23, $0.0e+00;
	v7 =	vadd.f32 v11, v7;
	v11 =	vsub.f32 $1.000000010e-01, v21;
	v17 =	vld [tilespmem:s16+$0x1C0];
	(pc) =	sbr.rel @p0 .LBB2_18-.Ltmp8, $4  }
0x444: {  	v10 =	vand.u32 $0x7FFFFFFF, v10;
	v21 =	vsub.f32 $1.000000010e-01, v19;
	v8 =	vmax.f32 v9, $0.0e+00;
	v18 =	vld [tilespmem:s16+$0x1C2]  }
0x445: {  	v9 =	vmax.f32 v15, $0.0e+00;
	v15 =	vand.u32 $0x7FFFFFFF, v28;
	v16 =	vadd.f32 v5, v8  }
0x446: {  	v19 =	vsub.f32 $1.000000010e-01, v10;
	v8 =	vmax.f32 v21, $0.0e+00;
	v15 =	vsub.f32 $1.000000010e-01, v15  }
0x447: {  	s17 =	sadd.s32 $0x2A0, s17;
	v10 =	vadd.f32 $1.111111120e-01, v24;
	v21 =	vand.u32 $0x7FFFFFFF, v20;
	v20 =	vsub.f32 v22, v2;
	s16 =	sadd.s32 $0x2A0, s16  }
0x448: {  	v6 =	vand.u32 $0x7FFFFFFF, v6  }
0x449: {  	v6 =	vsub.f32 $1.000000010e-01, v6;
	_ =	sdelay $0x1  }
0x44a: {  	v21 =	vsub.f32 $1.000000010e-01, v21;
	v13 =	vmax.f32 v13, $0.0e+00;
	v6 =	vmax.f32 v6, $0.0e+00  }
0x44b: {  	v19 =	vmax.f32 v19, $0.0e+00;
	v13 =	vadd.f32 v6, v13  }
0x44c: {  	v17 =	vsub.f32 v17, v2;
	v16 =	vadd.f32 v16, v19;
	v19 =	vmax.f32 v21, $0.0e+00  }
0x44d: {  	v20 =	vand.u32 $0x7FFFFFFF, v20;
	v2 =	vsub.f32 v18, v2;
	v13 =	vadd.f32 v13, v19  }
0x44e: {  	v15 =	vmax.f32 v15, $0.0e+00;
	v18 =	vsub.f32 $1.000000010e-01, v20;
	v14 =	vadd.f32 v16, v14  }
0x44f: {  	v4 =	vsub.f32 $1.000000010e-01, v4;
	v16 =	vand.u32 $0x7FFFFFFF, v17;
	v13 =	vadd.f32 v13, v15  }
0x450: {  	v8 =	vadd.f32 v14, v8;
	v15 =	vsub.f32 $1.000000010e-01, v16;
	v16 =	vmax.f32 v18, $0.0e+00  }
0x451: {  	v3 =	vand.u32 $0x7FFFFFFF, v3;
	v4 =	vmax.f32 v4, $0.0e+00;
	v13 =	vadd.f32 v13, v16  }
0x452: {  	v3 =	vsub.f32 $1.000000010e-01, v3;
	v4 =	vadd.f32 v8, v4;
	v14 =	vmax.f32 v15, $0.0e+00  }
0x453: {  	v5 =	vadd.f32 v5, v7;
	v2 =	vand.u32 $0x7FFFFFFF, v2;
	v7 =	vadd.f32 v13, v14  }
0x454: {  	v3 =	vmax.f32 v3, $0.0e+00;
	v2 =	vsub.f32 $1.000000010e-01, v2;
	v4 =	vadd.f32 v4, v6  }
0x455: {  	v5 =	vadd.f32 v9, v5;
	v6 =	vmax.f32 v11, $0.0e+00;
	v3 =	vadd.f32 v7, v3  }
0x456: {  	v2 =	vmax.f32 v2, $0.0e+00;
	v4 =	vadd.f32 v4, v6  }
0x457: {  	v5 =	vmul.f32 $1.111111160e+00, v5;
	v2 =	vadd.f32 v3, v2  }
0x458: {  	v4 =	vmul.f32 $1.111111160e+00, v4;
	v3 =	vadd.f32 $1.111111120e-01, v12  }
0x459: {  	[tilespmem:s10+$0x0] =	vst v10;
	v5 =	vadd.f32 $1.111111120e-01, v5;
	v2 =	vmul.f32 $1.111111160e+00, v2  }
0x45a: {  	[tilespmem:s10+$0xE0] =	vst v3;
	v3 =	vadd.f32 $1.111111120e-01, v4  }
0x45b: {  	[tilespmem:s14+$0xFFFFFF20] =	vst v5;
	v2 =	vadd.f32 $1.111111120e-01, v2  }
0x45c: {  	[tilespmem:s14+$0x0] =	vst v3  }
0x45d: {  	[tilespmem:s14+$0xE0] =	vst v2  }
0x45e: {  	v3 =	vld [tilespmem:s13+$0xFFFFFF21]  }
0x45f: {  	v7 =	vld [tilespmem:s13+$0xFFFFFF22]  }
0x460: {  	v4 =	vld [tilespmem:s13+$0xFFFFFF20]  }
0x461: {  	v5 =	vld [tilespmem:s13+$0xFFFFFE42]  }
0x462: {  	v6 =	vld [tilespmem:s13+$0xFFFFFE41]  }
0x463: {  	v9 =	vld [tilespmem:s13+$0xFFFFFE40]  }
0x464: {  	v12 =	vld [tilespmem:s13+$0xE1]  }
0x465: {  	v2 =	vld [tilespmem:s13+$0x1]  }
0x466: {  	v13 =	vld [tilespmem:s13+$0x1C2]  }
0x467: {  	v19 =	vld [tilespmem:s13+$0x1C1]  }
0x468: {  	v8 =	vld [tilespmem:s13+$0x0];
	v10 =	vsub.f32 v7, v3  }
0x469: {  	v11 =	vsub.f32 v3, v4;
	v14 =	vsub.f32 v3, v5  }
0x46a: {  	v15 =	vsub.f32 v3, v6;
	v9 =	vsub.f32 v3, v9  }
0x46b: {  	v17 =	vsub.f32 v12, v2;
	v13 =	vsub.f32 v13, v12  }
0x46c: {  	v23 =	vsub.f32 v2, v3;
	v19 =	vsub.f32 v19, v12  }
0x46d: {  	v25 =	vsub.f32 v2, v8;
	v7 =	vsub.f32 v2, v7;
	v10 =	vand.u32 $0x7FFFFFFF, v10  }
0x46e: {  	v5 =	vld [tilespmem:s13+$0x2];
	v11 =	vand.u32 $0x7FFFFFFF, v11;
	v14 =	vand.u32 $0x7FFFFFFF, v14;
	v15 =	vand.u32 $0x7FFFFFFF, v15  }
0x46f: {  	v6 =	vld [tilespmem:s13+$0xE2];
	v17 =	vand.u32 $0x7FFFFFFF, v17;
	v10 =	vsub.f32 $1.000000010e-01, v10;
	v16 =	vsub.f32 $1.000000010e-01, v11  }
0x470: {  	v19 =	vand.u32 $0x7FFFFFFF, v19;
	v11 =	vsub.f32 v8, v3;
	v14 =	vsub.f32 $1.000000010e-01, v14  }
0x471: {  	v13 =	vand.u32 $0x7FFFFFFF, v13;
	v15 =	vsub.f32 $1.000000010e-01, v15;
	v17 =	vsub.f32 $1.000000010e-01, v17  }
0x472: {  	v8 =	vsub.f32 v12, v8;
	v19 =	vsub.f32 $1.000000010e-01, v19;
	v18 =	vand.u32 $0x7FFFFFFF, v11  }
0x473: {  	v11 =	vand.u32 $0x7FFFFFFF, v9;
	v14 =	vmax.f32 v14, $0.0e+00;
	v20 =	vsub.f32 v12, v5  }
0x474: {  	v26 =	vld [tilespmem:s13+$0x1C0];
	v21 =	vsub.f32 v6, v12;
	v15 =	vmax.f32 v15, $0.0e+00;
	v22 =	vsub.f32 v5, v2  }
0x475: {  	v9 =	vld [tilespmem:s13+$0xE0];
	v8 =	vand.u32 $0x7FFFFFFF, v8;
	v11 =	vsub.f32 $1.000000010e-01, v11;
	v20 =	vand.u32 $0x7FFFFFFF, v20  }
0x476: {  	v24 =	vand.u32 $0x7FFFFFFF, v21;
	v21 =	vand.u32 $0x7FFFFFFF, v22;
	v22 =	vand.u32 $0x7FFFFFFF, v23  }
0x477: {  	v20 =	vsub.f32 $1.000000010e-01, v20;
	v23 =	vmax.f32 v11, $0.0e+00;
	v22 =	vsub.f32 $1.000000010e-01, v22  }
0x478: {  	v63 =	vsub.f32 $1.000000010e-01, v21;
	v21 =	vsub.f32 $1.000000010e-01, v13;
	v13 =	vmax.f32 v19, $0.0e+00  }
0x479: {  	v19 =	vand.u32 $0x7FFFFFFF, v7;
	v7 =	vmax.f32 v17, $0.0e+00;
	v15 =	vadd.f32 v15, v23  }
0x47a: {  	v11 =	vmax.f32 v20, $0.0e+00;
	v20 =	vsub.f32 v12, v9;
	v12 =	vsub.f32 v26, v12  }
0x47b: {  	v14 =	vadd.f32 v14, v15;
	v15 =	vmax.f32 v10, $0.0e+00;
	v10 =	vsub.f32 $1.000000010e-01, v18  }
0x47c: {  	v19 =	vsub.f32 $1.000000010e-01, v19;
	v18 =	vmax.f32 v16, $0.0e+00;
	v23 =	vand.u32 $0x7FFFFFFF, v20  }
0x47d: {  	v20 =	vand.u32 $0x7FFFFFFF, v25;
	v26 =	vand.u32 $0x7FFFFFFF, v12;
	v16 =	vmax.f32 v10, $0.0e+00  }
0x47e: {  	v10 =	vmax.f32 v22, $0.0e+00;
	v22 =	vsub.f32 $1.000000010e-01, v20;
	v14 =	vadd.f32 v18, v14  }
0x47f: {  	v12 =	vmax.f32 v63, $0.0e+00;
	v18 =	vsub.f32 $1.000000010e-01, v8;
	v17 =	vsub.f32 $1.000000010e-01, v23  }
0x480: {  	s15 =	simm.s32 $0x4FF;
	v8 =	vmax.f32 v21, $0.0e+00;
	v20 =	vadd.f32 v15, v14;
	v14 =	vmax.f32 v22, $0.0e+00  }
0x481: {  	s10 =	simm.s32 $0xC680;
	s14 =	simm.s32 $0xC670;
	s13 =	simm.s32 $0x26F;
	v21 =	vmax.f32 v18, $0.0e+00;
	v18 =	vsub.f32 $1.000000010e-01, v24;
	v15 =	vsub.f32 $1.000000010e-01, v26  }
.LBB2_20:
0x482: {  	v22 =	vld [tilespmem:s15+$0xFFFFFF21];
	s12 =	sadd.s32 $0x3, s12;
	v16 =	vadd.f32 v16, v20;
	v20 =	vadd.f32 v7, v21;
	s11 =	sadd.s32 $0x2A0, s11  }
0x483: {  	v23 =	vsub.f32 v2, v4;
	v9 =	vsub.f32 v9, v2;
	v21 =	vld [tilespmem:s15+$0xFFFFFF22];
	p0 =	slt.u32 s12, $0xDC  }
0x484: {  	v26 =	vsub.f32 v5, v3;
	v19 =	vmax.f32 v19, $0.0e+00;
	v24 =	vld [tilespmem:s15+$0x1C2];
	v5 =	vadd.f32 v20, v11  }
0x485: {  	v17 =	vmax.f32 v17, $0.0e+00;
	v11 =	vand.u32 $0x7FFFFFFF, v23;
	v9 =	vand.u32 $0x7FFFFFFF, v9;
	v4 =	vld [tilespmem:s15+$0xFFFFFF20]  }
0x486: {  	v25 =	vand.u32 $0x7FFFFFFF, v26;
	v11 =	vsub.f32 $1.000000010e-01, v11;
	v20 =	vld [tilespmem:s15+$0xFFFFFE42];
	v17 =	vadd.f32 v5, v17  }
0x487: {  	v18 =	vmax.f32 v18, $0.0e+00;
	v23 =	vsub.f32 $1.000000010e-01, v25;
	v9 =	vsub.f32 $1.000000010e-01, v9;
	v5 =	vld [tilespmem:s15+$0x2];
	v3 =	vmovc v22  }
0x488: {  	v11 =	vmax.f32 v11, $0.0e+00;
	v22 =	vsub.f32 v21, v3;
	v25 =	vld [tilespmem:s15+$0x0];
	v17 =	vadd.f32 v17, v18  }
0x489: {  	v2 =	vsub.f32 v6, v2;
	v6 =	vmax.f32 v15, $0.0e+00;
	v26 =	vmax.f32 v9, $0.0e+00;
	v18 =	vld [tilespmem:s15+$0xFFFFFE41]  }
0x48a: {  	v9 =	vld [tilespmem:s15+$0xFFFFFE40];
	v15 =	vsub.f32 v3, v4;
	v22 =	vand.u32 $0x7FFFFFFF, v22;
	v6 =	vadd.f32 v17, v6  }
0x48b: {  	v27 =	vand.u32 $0x7FFFFFFF, v2;
	v17 =	vsub.f32 v3, v20;
	v20 =	vsub.f32 $1.000000010e-01, v22;
	v22 =	vld [tilespmem:s15+$0xE1]  }
0x48c: {  	v11 =	vadd.f32 v10, v11;
	v15 =	vand.u32 $0x7FFFFFFF, v15;
	v2 =	vld [tilespmem:s15+$0x1];
	v13 =	vadd.f32 v6, v13  }
0x48d: {  	v27 =	vsub.f32 $1.000000010e-01, v27;
	v17 =	vand.u32 $0x7FFFFFFF, v17;
	v15 =	vsub.f32 $1.000000010e-01, v15  }
0x48e: {  	v23 =	vmax.f32 v23, $0.0e+00;
	v11 =	vadd.f32 v11, v19;
	v18 =	vsub.f32 v3, v18  }
0x48f: {  	v10 =	vadd.f32 v10, v16;
	v16 =	vmax.f32 v27, $0.0e+00;
	v19 =	vsub.f32 v25, v3;
	v6 =	vld [tilespmem:s15+$0xE2]  }
0x490: {  	v17 =	vsub.f32 $1.000000010e-01, v17;
	v9 =	vsub.f32 v3, v9;
	v18 =	vand.u32 $0x7FFFFFFF, v18  }
0x491: {  	v11 =	vadd.f32 v11, v14;
	v19 =	vand.u32 $0x7FFFFFFF, v19;
	v18 =	vsub.f32 $1.000000010e-01, v18  }
0x492: {  	v24 =	vsub.f32 v24, v22;
	v9 =	vand.u32 $0x7FFFFFFF, v9;
	v14 =	vsub.f32 v22, v2  }
0x493: {  	v10 =	vadd.f32 v23, v10;
	v17 =	vmax.f32 v17, $0.0e+00;
	v27 =	vsub.f32 v22, v5;
	v28 =	vld [tilespmem:s15+$0x1C1]  }
0x494: {  	v11 =	vadd.f32 v11, v12;
	v14 =	vand.u32 $0x7FFFFFFF, v14;
	v23 =	vsub.f32 v6, v22  }
0x495: {  	v10 =	vmul.f32 $1.111111160e+00, v10;
	v12 =	vmax.f32 v18, $0.0e+00;
	v18 =	vsub.f32 v5, v2  }
0x496: {  	v8 =	vadd.f32 v13, v8;
	v27 =	vand.u32 $0x7FFFFFFF, v27;
	v14 =	vsub.f32 $1.000000010e-01, v14  }
0x497: {  	v11 =	vadd.f32 v11, v26;
	v13 =	vsub.f32 $1.000000010e-01, v9;
	v23 =	vand.u32 $0x7FFFFFFF, v23;
	v9 =	vld [tilespmem:s15+$0xE0]  }
0x498: {  	v26 =	vsub.f32 v2, v3;
	v18 =	vand.u32 $0x7FFFFFFF, v18;
	v28 =	vsub.f32 v28, v22  }
0x499: {  	v7 =	vadd.f32 v11, v7;
	v27 =	vsub.f32 $1.000000010e-01, v27;
	v13 =	vmax.f32 v13, $0.0e+00  }
0x49a: {  	v10 =	vadd.f32 $1.111111120e-01, v10;
	v11 =	vand.u32 $0x7FFFFFFF, v26;
	v26 =	vsub.f32 v2, v25  }
0x49b: {  	v29 =	vsub.f32 $1.000000010e-01, v11;
	v7 =	vadd.f32 v7, v16;
	v11 =	vmax.f32 v27, $0.0e+00  }
0x49c: {  	v8 =	vmul.f32 $1.111111160e+00, v8;
	v12 =	vadd.f32 v12, v13;
	v13 =	vsub.f32 v22, v9;
	v16 =	vld [tilespmem:s15+$0x1C0];
	[tilespmem:s14+$0xFFFFFF20] =	vst v10  }
0x49d: {  	v21 =	vsub.f32 v2, v21;
	v7 =	vmul.f32 $1.111111160e+00, v7;
	v10 =	vand.u32 $0x7FFFFFFF, v28  }
0x49e: {  	v8 =	vadd.f32 $1.111111120e-01, v8;
	v25 =	vsub.f32 v22, v25;
	v27 =	vand.u32 $0x7FFFFFFF, v13  }
0x49f: {  	v7 =	vadd.f32 $1.111111120e-01, v7;
	v13 =	vand.u32 $0x7FFFFFFF, v26;
	v26 =	vsub.f32 $1.000000010e-01, v10  }
0x4a0: {  	v12 =	vadd.f32 v17, v12;
	v17 =	vmax.f32 v20, $0.0e+00;
	v10 =	vsub.f32 $1.000000010e-01, v19;
	[tilespmem:s14+$0xE0] =	vst v8  }
0x4a1: {  	v8 =	vand.u32 $0x7FFFFFFF, v25;
	v19 =	vsub.f32 v16, v22;
	v16 =	vand.u32 $0x7FFFFFFF, v24;
	[tilespmem:s14+$0x0] =	vst v7;
	s14 =	smov.u32 s11  }
0x4a2: {  	v7 =	vmax.f32 v15, $0.0e+00;
	v15 =	vsub.f32 $1.000000010e-01, v18;
	v18 =	vsub.f32 $1.000000010e-01, v16  }
0x4a3: {  	v22 =	vsub.f32 $1.000000010e-01, v13;
	v16 =	vmax.f32 v10, $0.0e+00;
	v10 =	vmax.f32 v29, $0.0e+00  }
.Ltmp9:
0x4a4: {  	v24 =	vsub.f32 $1.000000010e-01, v8;
	v13 =	vmax.f32 v26, $0.0e+00;
	v12 =	vadd.f32 v7, v12;
	(pc) =	sbr.rel @p0 .LBB2_20-.Ltmp9, $4  }
0x4a5: {  	v21 =	vand.u32 $0x7FFFFFFF, v21;
	v7 =	vmax.f32 v14, $0.0e+00;
	v25 =	vand.u32 $0x7FFFFFFF, v19  }
0x4a6: {  	v20 =	vadd.f32 v17, v12;
	v17 =	vsub.f32 $1.000000010e-01, v27;
	v8 =	vmax.f32 v18, $0.0e+00  }
0x4a7: {  	v19 =	vsub.f32 $1.000000010e-01, v21;
	v14 =	vmax.f32 v22, $0.0e+00;
	v21 =	vmax.f32 v24, $0.0e+00  }
0x4a8: {  	s15 =	sadd.s32 $0x2A0, s15;
	v12 =	vmax.f32 v15, $0.0e+00;
	v18 =	vsub.f32 $1.000000010e-01, v23;
	v15 =	vsub.f32 $1.000000010e-01, v25  }
0x4a9: {  	v4 =	vsub.f32 v2, v4;
	_ =	sdelay $0x1  }
0x4aa: {  	v4 =	vand.u32 $0x7FFFFFFF, v4  }
0x4ab: {  	v4 =	vsub.f32 $1.000000010e-01, v4;
	_ =	sdelay $0x1  }
0x4ac: {  	v21 =	vadd.f32 v7, v21;
	v4 =	vmax.f32 v4, $0.0e+00  }
0x4ad: {  	v16 =	vadd.f32 v16, v20;
	v4 =	vadd.f32 v10, v4  }
0x4ae: {  	v19 =	vmax.f32 v19, $0.0e+00;
	v9 =	vsub.f32 v9, v2;
	v11 =	vadd.f32 v21, v11  }
0x4af: {  	v17 =	vmax.f32 v17, $0.0e+00;
	v3 =	vsub.f32 v5, v3;
	v4 =	vadd.f32 v4, v19  }
0x4b0: {  	v2 =	vsub.f32 v6, v2;
	v5 =	vadd.f32 v11, v17  }
0x4b1: {  	v9 =	vand.u32 $0x7FFFFFFF, v9;
	v11 =	vmax.f32 v18, $0.0e+00;
	v4 =	vadd.f32 v4, v14  }
0x4b2: {  	v9 =	vsub.f32 $1.000000010e-01, v9;
	v5 =	vadd.f32 v5, v11  }
0x4b3: {  	v6 =	vmax.f32 v15, $0.0e+00;
	v3 =	vand.u32 $0x7FFFFFFF, v3;
	v4 =	vadd.f32 v4, v12  }
0x4b4: {  	v3 =	vsub.f32 $1.000000010e-01, v3;
	v9 =	vmax.f32 v9, $0.0e+00;
	v5 =	vadd.f32 v5, v6  }
0x4b5: {  	v2 =	vand.u32 $0x7FFFFFFF, v2;
	v6 =	vadd.f32 v10, v16;
	v4 =	vadd.f32 v4, v9  }
0x4b6: {  	v2 =	vsub.f32 $1.000000010e-01, v2;
	v3 =	vmax.f32 v3, $0.0e+00;
	v5 =	vadd.f32 v5, v13  }
0x4b7: {  	v3 =	vadd.f32 v3, v6;
	v4 =	vadd.f32 v4, v7  }
0x4b8: {  	v2 =	vmax.f32 v2, $0.0e+00;
	v5 =	vadd.f32 v5, v8  }
0x4b9: {  	v3 =	vmul.f32 $1.111111160e+00, v3;
	v2 =	vadd.f32 v4, v2  }
0x4ba: {  	v4 =	vmul.f32 $1.111111160e+00, v5  }
0x4bb: {  	v3 =	vadd.f32 $1.111111120e-01, v3;
	v2 =	vmul.f32 $1.111111160e+00, v2  }
0x4bc: {  	v4 =	vadd.f32 $1.111111120e-01, v4  }
0x4bd: {  	[tilespmem:s14+$0xFFFFFF20] =	vst v3;
	v2 =	vadd.f32 $1.111111120e-01, v2  }
0x4be: {  	[tilespmem:s14+$0xE0] =	vst v4  }
0x4bf: {  	[tilespmem:s14+$0x0] =	vst v2  }
0x4c0: {  	v2 =	vld [tilespmem:s13+$0xFFFFFF21]  }
0x4c1: {  	v3 =	vld [tilespmem:s13+$0x1C1]  }
0x4c2: {  	v4 =	vld [tilespmem:s13+$0xFFFFFF22]  }
0x4c3: {  	v5 =	vld [tilespmem:s13+$0xFFFFFE42]  }
0x4c4: {  	v6 =	vld [tilespmem:s13+$0x2]  }
0x4c5: {  	v7 =	vld [tilespmem:s13+$0xE0]  }
0x4c6: {  	v8 =	vld [tilespmem:s13+$0xFFFFFE40]  }
0x4c7: {  	v9 =	vld [tilespmem:s13+$0xFFFFFF20]  }
0x4c8: {  	v10 =	vld [tilespmem:s13+$0x0]  }
0x4c9: {  	v12 =	vld [tilespmem:s13+$0xFFFFFE41]  }
0x4ca: {  	v13 =	vld [tilespmem:s13+$0xE1]  }
0x4cb: {  	v15 =	vld [tilespmem:s13+$0x1]  }
0x4cc: {  	v11 =	vsub.f32 v4, v2;
	v14 =	vsub.f32 v6, v2  }
0x4cd: {  	v5 =	vsub.f32 v2, v5;
	v8 =	vsub.f32 v2, v8  }
0x4ce: {  	v16 =	vsub.f32 v2, v9;
	v17 =	vsub.f32 v10, v2  }
0x4cf: {  	v12 =	vsub.f32 v2, v12;
	v3 =	vsub.f32 v3, v13  }
0x4d0: {  	v18 =	vsub.f32 v7, v15;
	v2 =	vsub.f32 v15, v2  }
0x4d1: {  	v19 =	vsub.f32 v13, v15;
	v21 =	vsub.f32 v6, v15  }
0x4d2: {  	v22 =	vsub.f32 v15, v10;
	v7 =	vsub.f32 v13, v7  }
0x4d3: {  	v9 =	vsub.f32 v15, v9;
	v10 =	vsub.f32 v13, v10  }
0x4d4: {  	v4 =	vsub.f32 v15, v4;
	v6 =	vsub.f32 v13, v6  }
0x4d5: {  	v11 =	vand.u32 $0x7FFFFFFF, v11;
	v14 =	vand.u32 $0x7FFFFFFF, v14;
	v5 =	vand.u32 $0x7FFFFFFF, v5  }
0x4d6: {  	v16 =	vand.u32 $0x7FFFFFFF, v16;
	v12 =	vand.u32 $0x7FFFFFFF, v12;
	v8 =	vand.u32 $0x7FFFFFFF, v8  }
0x4d7: {  	v18 =	vand.u32 $0x7FFFFFFF, v18;
	v2 =	vand.u32 $0x7FFFFFFF, v2;
	v17 =	vand.u32 $0x7FFFFFFF, v17  }
0x4d8: {  	v10 =	vand.u32 $0x7FFFFFFF, v10;
	v9 =	vand.u32 $0x7FFFFFFF, v9;
	v11 =	vsub.f32 $1.000000010e-01, v11  }
0x4d9: {  	v4 =	vand.u32 $0x7FFFFFFF, v4;
	v14 =	vsub.f32 $1.000000010e-01, v14;
	v5 =	vsub.f32 $1.000000010e-01, v5  }
0x4da: {  	v7 =	vand.u32 $0x7FFFFFFF, v7;
	v16 =	vsub.f32 $1.000000010e-01, v16;
	v12 =	vsub.f32 $1.000000010e-01, v12  }
0x4db: {  	v6 =	vand.u32 $0x7FFFFFFF, v6;
	v8 =	vsub.f32 $1.000000010e-01, v8;
	v2 =	vsub.f32 $1.000000010e-01, v2  }
0x4dc: {  	v19 =	vand.u32 $0x7FFFFFFF, v19;
	v10 =	vsub.f32 $1.000000010e-01, v10;
	v9 =	vsub.f32 $1.000000010e-01, v9  }
0x4dd: {  	v4 =	vsub.f32 $1.000000010e-01, v4;
	v12 =	vmax.f32 v12, $0.0e+00;
	v8 =	vmax.f32 v8, $0.0e+00  }
0x4de: {  	v20 =	vld [tilespmem:s13+$0xE2];
	v3 =	vand.u32 $0x7FFFFFFF, v3;
	v7 =	vsub.f32 $1.000000010e-01, v7;
	v8 =	vadd.f32 v12, v8  }
0x4df: {  	v6 =	vsub.f32 $1.000000010e-01, v6;
	v26 =	vsub.f32 $1.000000010e-01, v3;
	v5 =	vmax.f32 v5, $0.0e+00  }
0x4e0: {  	v16 =	vmax.f32 v16, $0.0e+00;
	v11 =	vmax.f32 v11, $0.0e+00;
	v5 =	vadd.f32 v5, v8  }
0x4e1: {  	v9 =	vmax.f32 v9, $0.0e+00;
	v14 =	vmax.f32 v14, $0.0e+00;
	v4 =	vmax.f32 v4, $0.0e+00  }
0x4e2: {  	v10 =	vmax.f32 v10, $0.0e+00;
	v7 =	vmax.f32 v7, $0.0e+00;
	v5 =	vadd.f32 v16, v5  }
0x4e3: {  	v12 =	vsub.f32 v20, v15;
	v8 =	vmax.f32 v2, $0.0e+00;
	v2 =	vsub.f32 $1.000000010e-01, v17  }
0x4e4: {  	v9 =	vadd.f32 v8, v9;
	v16 =	vand.u32 $0x7FFFFFFF, v22;
	v5 =	vadd.f32 v11, v5;
	v11 =	vld [tilespmem:s13+$0x1C0]  }
0x4e5: {  	s15 =	simm.s32 $0x50F;
	v15 =	vld [tilespmem:s13+$0x1C2];
	v17 =	vand.u32 $0x7FFFFFFF, v21;
	v2 =	vmax.f32 v2, $0.0e+00;
	v16 =	vsub.f32 $1.000000010e-01, v16  }
0x4e6: {  	v12 =	vand.u32 $0x7FFFFFFF, v12;
	v22 =	vld [tilespmem:s15+$0x2];
	v4 =	vadd.f32 v9, v4;
	v5 =	vadd.f32 v2, v5  }
0x4e7: {  	v2 =	vmax.f32 v16, $0.0e+00;
	v16 =	vsub.f32 $1.000000010e-01, v17;
	v17 =	vsub.f32 v20, v13;
	v20 =	vld [tilespmem:s15+$0xFFFFFF21]  }
0x4e8: {  	v24 =	vld [tilespmem:s15+$0xFFFFFF20];
	v26 =	vmax.f32 v26, $0.0e+00;
	v12 =	vsub.f32 $1.000000010e-01, v12;
	v23 =	vadd.f32 v4, v2  }
0x4e9: {  	v17 =	vand.u32 $0x7FFFFFFF, v17;
	v5 =	vadd.f32 v8, v5;
	v11 =	vsub.f32 v11, v13  }
0x4ea: {  	v16 =	vmax.f32 v16, $0.0e+00;
	v13 =	vsub.f32 v15, v13;
	v15 =	vsub.f32 $1.000000010e-01, v19;
	v19 =	vld [tilespmem:s15+$0xFFFFFE42]  }
0x4eb: {  	v9 =	vld [tilespmem:s15+$0xFFFFFF22];
	v4 =	vmax.f32 v6, $0.0e+00;
	v17 =	vsub.f32 $1.000000010e-01, v17;
	v16 =	vadd.f32 v23, v16  }
0x4ec: {  	v6 =	vld [tilespmem:s15+$0xFFFFFE40];
	v5 =	vadd.f32 v14, v5;
	v11 =	vand.u32 $0x7FFFFFFF, v11;
	v28 =	vsub.f32 v22, v20  }
0x4ed: {  	v27 =	vld [tilespmem:s15+$0x0];
	v15 =	vmax.f32 v15, $0.0e+00;
	v60 =	vsub.f32 v20, v24;
	v2 =	vsub.f32 $1.000000010e-01, v11  }
0x4ee: {  	v21 =	vld [tilespmem:s15+$0x1C1];
	v13 =	vand.u32 $0x7FFFFFFF, v13;
	v11 =	vsub.f32 $1.000000010e-01, v18;
	v10 =	vadd.f32 v15, v10  }
0x4ef: {  	v18 =	vld [tilespmem:s15+$0xE0];
	v13 =	vsub.f32 $1.000000010e-01, v13;
	v25 =	vmax.f32 v2, $0.0e+00;
	v3 =	vsub.f32 v20, v19  }
0x4f0: {  	v2 =	vld [tilespmem:s15+$0xE1];
	v11 =	vmax.f32 v11, $0.0e+00;
	v19 =	vsub.f32 v9, v20;
	v4 =	vadd.f32 v10, v4  }
0x4f1: {  	v12 =	vmax.f32 v12, $0.0e+00;
	v6 =	vsub.f32 v20, v6;
	v10 =	vld [tilespmem:s15+$0x1];
	v11 =	vadd.f32 v16, v11  }
0x4f2: {  	v19 =	vand.u32 $0x7FFFFFFF, v19;
	v4 =	vadd.f32 v4, v7;
	v14 =	vand.u32 $0x7FFFFFFF, v3  }
0x4f3: {  	v8 =	vsub.f32 $1.000000010e-01, v19;
	v19 =	vand.u32 $0x7FFFFFFF, v28;
	v14 =	vsub.f32 $1.000000010e-01, v14  }
0x4f4: {  	v7 =	vmax.f32 v17, $0.0e+00;
	v11 =	vadd.f32 v11, v15;
	v19 =	vsub.f32 $1.000000010e-01, v19  }
0x4f5: {  	v29 =	vmul.f32 $1.111111160e+00, v5;
	v17 =	vld [tilespmem:s15+$0xFFFFFE41];
	v4 =	vadd.f32 v4, v7;
	v7 =	vsub.f32 v27, v20  }
0x4f6: {  	v13 =	vmax.f32 v13, $0.0e+00;
	v3 =	vsub.f32 v21, v2;
	v61 =	vsub.f32 v18, v10  }
0x4f7: {  	v6 =	vand.u32 $0x7FFFFFFF, v6;
	v63 =	vsub.f32 v10, v27;
	v18 =	vsub.f32 v2, v18  }
0x4f8: {  	v21 =	vand.u32 $0x7FFFFFFF, v60;
	v16 =	vsub.f32 v2, v27;
	v11 =	vadd.f32 v11, v12  }
0x4f9: {  	v8 =	vmax.f32 v8, $0.0e+00;
	v9 =	vsub.f32 v10, v9;
	v21 =	vsub.f32 $1.000000010e-01, v21  }
0x4fa: {  	v14 =	vmax.f32 v14, $0.0e+00;
	v25 =	vadd.f32 v4, v25;
	v5 =	vsub.f32 v20, v17  }
0x4fb: {  	v7 =	vand.u32 $0x7FFFFFFF, v7;
	v17 =	vsub.f32 v10, v20;
	v20 =	vsub.f32 $1.000000010e-01, v6  }
0x4fc: {  	v6 =	vsub.f32 v2, v10;
	v7 =	vsub.f32 $1.000000010e-01, v7;
	v5 =	vand.u32 $0x7FFFFFFF, v5  }
0x4fd: {  	v4 =	vand.u32 $0x7FFFFFFF, v61;
	v25 =	vadd.f32 v25, v26;
	v5 =	vsub.f32 $1.000000010e-01, v5  }
0x4fe: {  	v62 =	vld [tilespmem:s15+$0xE2];
	v16 =	vand.u32 $0x7FFFFFFF, v16;
	v15 =	vand.u32 $0x7FFFFFFF, v63;
	v17 =	vand.u32 $0x7FFFFFFF, v17  }
0x4ff: {  	v20 =	vmax.f32 v20, $0.0e+00;
	v23 =	vadd.f32 v25, v13;
	v5 =	vmax.f32 v5, $0.0e+00  }
0x500: {  	v21 =	vmax.f32 v21, $0.0e+00;
	v13 =	vsub.f32 $1.000000010e-01, v17;
	v20 =	vadd.f32 v5, v20  }
0x501: {  	v15 =	vsub.f32 $1.000000010e-01, v15;
	v7 =	vmax.f32 v7, $0.0e+00;
	v17 =	vsub.f32 v22, v10  }
0x502: {  	v22 =	vsub.f32 v2, v22;
	v5 =	vmax.f32 v13, $0.0e+00;
	v14 =	vadd.f32 v14, v20  }
0x503: {  	v13 =	vsub.f32 v10, v24;
	v20 =	vsub.f32 v62, v10;
	v10 =	vmul.f32 $1.111111160e+00, v11  }
0x504: {  	v17 =	vand.u32 $0x7FFFFFFF, v17;
	v12 =	vmul.f32 $1.111111160e+00, v23;
	v14 =	vadd.f32 v21, v14  }
0x505: {  	v21 =	vadd.f32 $1.111111120e-01, v29;
	v20 =	vand.u32 $0x7FFFFFFF, v20;
	v10 =	vadd.f32 $1.111111120e-01, v10  }
0x506: {  	v23 =	vand.u32 $0x7FFFFFFF, v18;
	v11 =	vsub.f32 $1.000000010e-01, v20;
	v20 =	vsub.f32 $1.000000010e-01, v17  }
0x507: {  	v17 =	vld [tilespmem:s15+$0x1C0];
	v8 =	vadd.f32 v8, v14;
	v14 =	vand.u32 $0x7FFFFFFF, v13;
	v13 =	vsub.f32 $1.000000010e-01, v16  }
0x508: {  	v18 =	vld [tilespmem:s15+$0x1C2];
	[tilespmem:s10+$0xFFFFFF20] =	vst v21;
	v21 =	vand.u32 $0x7FFFFFFF, v22;
	v16 =	vsub.f32 $1.000000010e-01, v14;
	v14 =	vmax.f32 v15, $0.0e+00  }
0x509: {  	s12 =	simm.s32 $0xC690;
	v15 =	vand.u32 $0x7FFFFFFF, v9;
	v9 =	vmax.f32 v19, $0.0e+00;
	v7 =	vadd.f32 v7, v8  }
0x50a: {  	s11 =	simm.s32 $0x27F;
	s16 =	simm.s32 $0x7AF;
	s17 =	simm.s32 $0xCBC0;
	v19 =	vsub.f32 $1.000000010e-01, v15;
	v15 =	vsub.f32 $1.000000010e-01, v23;
	v8 =	vmax.f32 v16, $0.0e+00  }
0x50b: {  	s14 =	simm.s32 $0xC920;
	s13 =	simm.s32 $0x1;
	s15 =	simm.s32 $0x4;
	v16 =	vadd.f32 v5, v8;
	v8 =	vmax.f32 v20, $0.0e+00;
	v20 =	vsub.f32 v62, v2  }
.LBB2_22:
0x50c: {  	v22 =	vld [tilespmem:s16+$0xFFFFFF21];
	s15 =	sadd.s32 $0x3, s15;
	v6 =	vand.u32 $0x7FFFFFFF, v6;
	v17 =	vsub.f32 v17, v2;
	v12 =	vadd.f32 $1.111111120e-01, v12  }
0x50d: {  	v21 =	vsub.f32 $1.000000010e-01, v21;
	v23 =	vld [tilespmem:s16+$0x1C1];
	p0 =	slt.u32 s15, $0xDC;
	v20 =	vand.u32 $0x7FFFFFFF, v20;
	v2 =	vsub.f32 v18, v2;
	[tilespmem:s10+$0x0] =	vst v10  }
0x50e: {  	v18 =	vmax.f32 v19, $0.0e+00;
	v6 =	vsub.f32 $1.000000010e-01, v6;
	v10 =	vld [tilespmem:s16+$0xFFFFFF22];
	v19 =	vsub.f32 $1.000000010e-01, v20;
	[tilespmem:s10+$0xE0] =	vst v12;
	s10 =	smov.u32 s14;
	s14 =	smov.u32 s17  }
0x50f: {  	v3 =	vand.u32 $0x7FFFFFFF, v3;
	v16 =	vadd.f32 v16, v18;
	v17 =	vand.u32 $0x7FFFFFFF, v17;
	v12 =	vld [tilespmem:s16+$0xFFFFFE42]  }
0x510: {  	v20 =	vmax.f32 v6, $0.0e+00;
	v6 =	vmax.f32 v13, $0.0e+00;
	v2 =	vand.u32 $0x7FFFFFFF, v2;
	v18 =	vld [tilespmem:s16+$0x2]  }
0x511: {  	v17 =	vsub.f32 $1.000000010e-01, v17;
	v14 =	vadd.f32 v16, v14;
	v16 =	vmax.f32 v21, $0.0e+00;
	v13 =	vld [tilespmem:s16+$0xE0]  }
0x512: {  	v4 =	vsub.f32 $1.000000010e-01, v4;
	v11 =	vmax.f32 v11, $0.0e+00;
	v24 =	vsub.f32 $1.000000010e-01, v2;
	v21 =	vld [tilespmem:s16+$0xFFFFFE40]  }
0x513: {  	v3 =	vsub.f32 $1.000000010e-01, v3;
	v6 =	vadd.f32 v20, v6;
	v17 =	vmax.f32 v17, $0.0e+00;
	v25 =	vld [tilespmem:s16+$0xFFFFFF20]  }
0x514: {  	v26 =	vmax.f32 v4, $0.0e+00;
	v4 =	vmax.f32 v15, $0.0e+00;
	v12 =	vsub.f32 v22, v12;
	v2 =	vld [tilespmem:s16+$0xE1]  }
0x515: {  	v24 =	vmax.f32 v24, $0.0e+00;
	v15 =	vsub.f32 v10, v22;
	v27 =	vld [tilespmem:s16+$0x0];
	v28 =	vsub.f32 v18, v22  }
0x516: {  	v6 =	vadd.f32 v6, v16;
	v16 =	vmax.f32 v19, $0.0e+00;
	v12 =	vand.u32 $0x7FFFFFFF, v12;
	v29 =	vld [tilespmem:s16+$0x1]  }
0x517: {  	v5 =	vadd.f32 v5, v7;
	v15 =	vand.u32 $0x7FFFFFFF, v15;
	v19 =	vsub.f32 v22, v21  }
0x518: {  	v4 =	vadd.f32 v6, v4;
	v7 =	vsub.f32 $1.000000010e-01, v15;
	v15 =	vand.u32 $0x7FFFFFFF, v28  }
0x519: {  	v5 =	vadd.f32 v9, v5;
	v15 =	vsub.f32 $1.000000010e-01, v15;
	v6 =	vand.u32 $0x7FFFFFFF, v19;
	v19 =	vld [tilespmem:s16+$0xFFFFFE41]  }
0x51a: {  	v4 =	vadd.f32 v4, v16;
	v16 =	vmax.f32 v3, $0.0e+00;
	v9 =	vsub.f32 v22, v25  }
0x51b: {  	v3 =	vsub.f32 v23, v2;
	v23 =	vmul.f32 $1.111111160e+00, v5;
	v21 =	vsub.f32 v27, v22  }
0x51c: {  	v5 =	vsub.f32 $1.000000010e-01, v12;
	v9 =	vand.u32 $0x7FFFFFFF, v9;
	v12 =	vsub.f32 v13, v29  }
0x51d: {  	v17 =	vadd.f32 v4, v17;
	v9 =	vsub.f32 $1.000000010e-01, v9  }
0x51e: {  	v4 =	vand.u32 $0x7FFFFFFF, v12;
	v19 =	vsub.f32 v22, v19;
	v22 =	vsub.f32 v29, v22  }
0x51f: {  	v16 =	vadd.f32 v17, v16;
	v12 =	vsub.f32 $1.000000010e-01, v6;
	v9 =	vmax.f32 v9, $0.0e+00  }
0x520: {  	v6 =	vsub.f32 v2, v29;
	v17 =	vand.u32 $0x7FFFFFFF, v19;
	v19 =	vand.u32 $0x7FFFFFFF, v21  }
0x521: {  	v8 =	vadd.f32 v14, v8;
	v7 =	vmax.f32 v7, $0.0e+00;
	v17 =	vsub.f32 $1.000000010e-01, v17  }
0x522: {  	v14 =	vmax.f32 v5, $0.0e+00;
	v16 =	vadd.f32 v16, v24;
	v5 =	vand.u32 $0x7FFFFFFF, v22  }
0x523: {  	v21 =	vsub.f32 v18, v29;
	v5 =	vsub.f32 $1.000000010e-01, v5;
	v17 =	vmax.f32 v17, $0.0e+00;
	v22 =	vld [tilespmem:s16+$0xE2]  }
0x524: {  	v28 =	vsub.f32 v2, v13;
	v24 =	vsub.f32 v29, v27;
	v12 =	vmax.f32 v12, $0.0e+00  }
0x525: {  	v8 =	vadd.f32 v8, v26;
	v5 =	vmax.f32 v5, $0.0e+00;
	v12 =	vadd.f32 v17, v12  }
0x526: {  	v13 =	vsub.f32 v29, v25;
	v17 =	vsub.f32 v2, v27  }
0x527: {  	v12 =	vadd.f32 v14, v12;
	v14 =	vsub.f32 $1.000000010e-01, v19;
	v19 =	vand.u32 $0x7FFFFFFF, v21  }
0x528: {  	v8 =	vadd.f32 v8, v20;
	v17 =	vand.u32 $0x7FFFFFFF, v17;
	v21 =	vsub.f32 v22, v29  }
0x529: {  	v20 =	vadd.f32 $1.111111120e-01, v23;
	v9 =	vadd.f32 v9, v12;
	v12 =	vand.u32 $0x7FFFFFFF, v24  }
0x52a: {  	v8 =	vadd.f32 v8, v11;
	v23 =	vsub.f32 $1.000000010e-01, v12;
	v21 =	vand.u32 $0x7FFFFFFF, v21  }
0x52b: {  	v7 =	vadd.f32 v7, v9;
	v9 =	vand.u32 $0x7FFFFFFF, v13;
	v13 =	vsub.f32 $1.000000010e-01, v17;
	[tilespmem:s10+$0xFFFFFF20] =	vst v20  }
0x52c: {  	v11 =	vmax.f32 v14, $0.0e+00;
	v12 =	vmul.f32 $1.111111160e+00, v16;
	v20 =	vsub.f32 v2, v18  }
0x52d: {  	v10 =	vsub.f32 v29, v10;
	v24 =	vmul.f32 $1.111111160e+00, v8;
	v9 =	vsub.f32 $1.000000010e-01, v9  }
.Ltmp10:
0x52e: {  	v14 =	vmax.f32 v23, $0.0e+00;
	v7 =	vadd.f32 v11, v7;
	v11 =	vsub.f32 $1.000000010e-01, v21;
	v17 =	vld [tilespmem:s16+$0x1C0];
	(pc) =	sbr.rel @p0 .LBB2_22-.Ltmp10, $4  }
0x52f: {  	v10 =	vand.u32 $0x7FFFFFFF, v10;
	v21 =	vsub.f32 $1.000000010e-01, v19;
	v8 =	vmax.f32 v9, $0.0e+00;
	v18 =	vld [tilespmem:s16+$0x1C2]  }
0x530: {  	v9 =	vmax.f32 v15, $0.0e+00;
	v15 =	vand.u32 $0x7FFFFFFF, v28;
	v16 =	vadd.f32 v5, v8  }
0x531: {  	v19 =	vsub.f32 $1.000000010e-01, v10;
	v8 =	vmax.f32 v21, $0.0e+00;
	v15 =	vsub.f32 $1.000000010e-01, v15  }
0x532: {  	s17 =	sadd.s32 $0x2A0, s17;
	v10 =	vadd.f32 $1.111111120e-01, v24;
	v21 =	vand.u32 $0x7FFFFFFF, v20;
	v20 =	vsub.f32 v22, v2;
	s16 =	sadd.s32 $0x2A0, s16  }
0x533: {  	v6 =	vand.u32 $0x7FFFFFFF, v6  }
0x534: {  	v6 =	vsub.f32 $1.000000010e-01, v6;
	_ =	sdelay $0x1  }
0x535: {  	v21 =	vsub.f32 $1.000000010e-01, v21;
	v13 =	vmax.f32 v13, $0.0e+00;
	v6 =	vmax.f32 v6, $0.0e+00  }
0x536: {  	v19 =	vmax.f32 v19, $0.0e+00;
	v13 =	vadd.f32 v6, v13  }
0x537: {  	v17 =	vsub.f32 v17, v2;
	v16 =	vadd.f32 v16, v19;
	v19 =	vmax.f32 v21, $0.0e+00  }
0x538: {  	v20 =	vand.u32 $0x7FFFFFFF, v20;
	v2 =	vsub.f32 v18, v2;
	v13 =	vadd.f32 v13, v19  }
0x539: {  	v15 =	vmax.f32 v15, $0.0e+00;
	v18 =	vsub.f32 $1.000000010e-01, v20;
	v14 =	vadd.f32 v16, v14  }
0x53a: {  	v4 =	vsub.f32 $1.000000010e-01, v4;
	v16 =	vand.u32 $0x7FFFFFFF, v17;
	v13 =	vadd.f32 v13, v15  }
0x53b: {  	v8 =	vadd.f32 v14, v8;
	v15 =	vsub.f32 $1.000000010e-01, v16;
	v16 =	vmax.f32 v18, $0.0e+00  }
0x53c: {  	v3 =	vand.u32 $0x7FFFFFFF, v3;
	v4 =	vmax.f32 v4, $0.0e+00;
	v13 =	vadd.f32 v13, v16  }
0x53d: {  	v3 =	vsub.f32 $1.000000010e-01, v3;
	v4 =	vadd.f32 v8, v4;
	v14 =	vmax.f32 v15, $0.0e+00  }
0x53e: {  	v5 =	vadd.f32 v5, v7;
	v2 =	vand.u32 $0x7FFFFFFF, v2;
	v7 =	vadd.f32 v13, v14  }
0x53f: {  	v3 =	vmax.f32 v3, $0.0e+00;
	v2 =	vsub.f32 $1.000000010e-01, v2;
	v4 =	vadd.f32 v4, v6  }
0x540: {  	v5 =	vadd.f32 v9, v5;
	v6 =	vmax.f32 v11, $0.0e+00;
	v3 =	vadd.f32 v7, v3  }
0x541: {  	v2 =	vmax.f32 v2, $0.0e+00;
	v4 =	vadd.f32 v4, v6  }
0x542: {  	v5 =	vmul.f32 $1.111111160e+00, v5;
	v2 =	vadd.f32 v3, v2  }
0x543: {  	v4 =	vmul.f32 $1.111111160e+00, v4;
	v3 =	vadd.f32 $1.111111120e-01, v12  }
0x544: {  	[tilespmem:s10+$0x0] =	vst v10;
	v5 =	vadd.f32 $1.111111120e-01, v5;
	v2 =	vmul.f32 $1.111111160e+00, v2  }
0x545: {  	[tilespmem:s10+$0xE0] =	vst v3;
	v3 =	vadd.f32 $1.111111120e-01, v4  }
0x546: {  	[tilespmem:s14+$0xFFFFFF20] =	vst v5;
	v2 =	vadd.f32 $1.111111120e-01, v2  }
0x547: {  	[tilespmem:s14+$0x0] =	vst v3  }
0x548: {  	[tilespmem:s14+$0xE0] =	vst v2  }
0x549: {  	v3 =	vld [tilespmem:s11+$0xFFFFFF21]  }
0x54a: {  	v7 =	vld [tilespmem:s11+$0xFFFFFF22]  }
0x54b: {  	v4 =	vld [tilespmem:s11+$0xFFFFFF20]  }
0x54c: {  	v5 =	vld [tilespmem:s11+$0xFFFFFE42]  }
0x54d: {  	v6 =	vld [tilespmem:s11+$0xFFFFFE41]  }
0x54e: {  	v9 =	vld [tilespmem:s11+$0xFFFFFE40]  }
0x54f: {  	v12 =	vld [tilespmem:s11+$0xE1]  }
0x550: {  	v2 =	vld [tilespmem:s11+$0x1]  }
0x551: {  	v13 =	vld [tilespmem:s11+$0x1C2]  }
0x552: {  	v19 =	vld [tilespmem:s11+$0x1C1]  }
0x553: {  	v8 =	vld [tilespmem:s11+$0x0];
	v10 =	vsub.f32 v7, v3  }
0x554: {  	v11 =	vsub.f32 v3, v4;
	v14 =	vsub.f32 v3, v5  }
0x555: {  	v15 =	vsub.f32 v3, v6;
	v9 =	vsub.f32 v3, v9  }
0x556: {  	v17 =	vsub.f32 v12, v2;
	v13 =	vsub.f32 v13, v12  }
0x557: {  	v23 =	vsub.f32 v2, v3;
	v19 =	vsub.f32 v19, v12  }
0x558: {  	v25 =	vsub.f32 v2, v8;
	v7 =	vsub.f32 v2, v7;
	v10 =	vand.u32 $0x7FFFFFFF, v10  }
0x559: {  	v5 =	vld [tilespmem:s11+$0x2];
	v11 =	vand.u32 $0x7FFFFFFF, v11;
	v14 =	vand.u32 $0x7FFFFFFF, v14;
	v15 =	vand.u32 $0x7FFFFFFF, v15  }
0x55a: {  	v6 =	vld [tilespmem:s11+$0xE2];
	v17 =	vand.u32 $0x7FFFFFFF, v17;
	v10 =	vsub.f32 $1.000000010e-01, v10;
	v16 =	vsub.f32 $1.000000010e-01, v11  }
0x55b: {  	v19 =	vand.u32 $0x7FFFFFFF, v19;
	v11 =	vsub.f32 v8, v3;
	v14 =	vsub.f32 $1.000000010e-01, v14  }
0x55c: {  	v13 =	vand.u32 $0x7FFFFFFF, v13;
	v15 =	vsub.f32 $1.000000010e-01, v15;
	v17 =	vsub.f32 $1.000000010e-01, v17  }
0x55d: {  	v8 =	vsub.f32 v12, v8;
	v19 =	vsub.f32 $1.000000010e-01, v19;
	v18 =	vand.u32 $0x7FFFFFFF, v11  }
0x55e: {  	v11 =	vand.u32 $0x7FFFFFFF, v9;
	v14 =	vmax.f32 v14, $0.0e+00;
	v20 =	vsub.f32 v12, v5  }
0x55f: {  	v26 =	vld [tilespmem:s11+$0x1C0];
	v21 =	vsub.f32 v6, v12;
	v15 =	vmax.f32 v15, $0.0e+00;
	v22 =	vsub.f32 v5, v2  }
0x560: {  	v9 =	vld [tilespmem:s11+$0xE0];
	v8 =	vand.u32 $0x7FFFFFFF, v8;
	v11 =	vsub.f32 $1.000000010e-01, v11;
	v20 =	vand.u32 $0x7FFFFFFF, v20  }
0x561: {  	v24 =	vand.u32 $0x7FFFFFFF, v21;
	v21 =	vand.u32 $0x7FFFFFFF, v22;
	v22 =	vand.u32 $0x7FFFFFFF, v23  }
0x562: {  	v20 =	vsub.f32 $1.000000010e-01, v20;
	v23 =	vmax.f32 v11, $0.0e+00;
	v22 =	vsub.f32 $1.000000010e-01, v22  }
0x563: {  	v63 =	vsub.f32 $1.000000010e-01, v21;
	v21 =	vsub.f32 $1.000000010e-01, v13;
	v13 =	vmax.f32 v19, $0.0e+00  }
0x564: {  	v19 =	vand.u32 $0x7FFFFFFF, v7;
	v7 =	vmax.f32 v17, $0.0e+00;
	v15 =	vadd.f32 v15, v23  }
0x565: {  	v11 =	vmax.f32 v20, $0.0e+00;
	v20 =	vsub.f32 v12, v9;
	v12 =	vsub.f32 v26, v12  }
0x566: {  	v14 =	vadd.f32 v14, v15;
	v15 =	vmax.f32 v10, $0.0e+00;
	v10 =	vsub.f32 $1.000000010e-01, v18  }
0x567: {  	v19 =	vsub.f32 $1.000000010e-01, v19;
	v18 =	vmax.f32 v16, $0.0e+00;
	v23 =	vand.u32 $0x7FFFFFFF, v20  }
0x568: {  	v20 =	vand.u32 $0x7FFFFFFF, v25;
	v26 =	vand.u32 $0x7FFFFFFF, v12;
	v16 =	vmax.f32 v10, $0.0e+00  }
0x569: {  	v10 =	vmax.f32 v22, $0.0e+00;
	v22 =	vsub.f32 $1.000000010e-01, v20;
	v14 =	vadd.f32 v18, v14  }
0x56a: {  	v12 =	vmax.f32 v63, $0.0e+00;
	v18 =	vsub.f32 $1.000000010e-01, v8;
	v17 =	vsub.f32 $1.000000010e-01, v23  }
0x56b: {  	s15 =	simm.s32 $0x51F;
	v8 =	vmax.f32 v21, $0.0e+00;
	v20 =	vadd.f32 v15, v14;
	v14 =	vmax.f32 v22, $0.0e+00  }
0x56c: {  	s10 =	simm.s32 $0x28F;
	s14 =	simm.s32 $0xC690;
	s11 =	simm.s32 $0xC6A0;
	v21 =	vmax.f32 v18, $0.0e+00;
	v18 =	vsub.f32 $1.000000010e-01, v24;
	v15 =	vsub.f32 $1.000000010e-01, v26  }
.LBB2_24:
0x56d: {  	v22 =	vld [tilespmem:s15+$0xFFFFFF21];
	s13 =	sadd.s32 $0x3, s13;
	v16 =	vadd.f32 v16, v20;
	v20 =	vadd.f32 v7, v21;
	s12 =	sadd.s32 $0x2A0, s12  }
0x56e: {  	v23 =	vsub.f32 v2, v4;
	v9 =	vsub.f32 v9, v2;
	v21 =	vld [tilespmem:s15+$0xFFFFFF22];
	p0 =	slt.u32 s13, $0xDC  }
0x56f: {  	v26 =	vsub.f32 v5, v3;
	v19 =	vmax.f32 v19, $0.0e+00;
	v24 =	vld [tilespmem:s15+$0x1C2];
	v5 =	vadd.f32 v20, v11  }
0x570: {  	v17 =	vmax.f32 v17, $0.0e+00;
	v11 =	vand.u32 $0x7FFFFFFF, v23;
	v9 =	vand.u32 $0x7FFFFFFF, v9;
	v4 =	vld [tilespmem:s15+$0xFFFFFF20]  }
0x571: {  	v25 =	vand.u32 $0x7FFFFFFF, v26;
	v11 =	vsub.f32 $1.000000010e-01, v11;
	v20 =	vld [tilespmem:s15+$0xFFFFFE42];
	v17 =	vadd.f32 v5, v17  }
0x572: {  	v18 =	vmax.f32 v18, $0.0e+00;
	v23 =	vsub.f32 $1.000000010e-01, v25;
	v9 =	vsub.f32 $1.000000010e-01, v9;
	v5 =	vld [tilespmem:s15+$0x2];
	v3 =	vmovc v22  }
0x573: {  	v11 =	vmax.f32 v11, $0.0e+00;
	v22 =	vsub.f32 v21, v3;
	v25 =	vld [tilespmem:s15+$0x0];
	v17 =	vadd.f32 v17, v18  }
0x574: {  	v2 =	vsub.f32 v6, v2;
	v6 =	vmax.f32 v15, $0.0e+00;
	v26 =	vmax.f32 v9, $0.0e+00;
	v18 =	vld [tilespmem:s15+$0xFFFFFE41]  }
0x575: {  	v9 =	vld [tilespmem:s15+$0xFFFFFE40];
	v15 =	vsub.f32 v3, v4;
	v22 =	vand.u32 $0x7FFFFFFF, v22;
	v6 =	vadd.f32 v17, v6  }
0x576: {  	v27 =	vand.u32 $0x7FFFFFFF, v2;
	v17 =	vsub.f32 v3, v20;
	v20 =	vsub.f32 $1.000000010e-01, v22;
	v22 =	vld [tilespmem:s15+$0xE1]  }
0x577: {  	v11 =	vadd.f32 v10, v11;
	v15 =	vand.u32 $0x7FFFFFFF, v15;
	v2 =	vld [tilespmem:s15+$0x1];
	v13 =	vadd.f32 v6, v13  }
0x578: {  	v27 =	vsub.f32 $1.000000010e-01, v27;
	v17 =	vand.u32 $0x7FFFFFFF, v17;
	v15 =	vsub.f32 $1.000000010e-01, v15  }
0x579: {  	v23 =	vmax.f32 v23, $0.0e+00;
	v11 =	vadd.f32 v11, v19;
	v18 =	vsub.f32 v3, v18  }
0x57a: {  	v10 =	vadd.f32 v10, v16;
	v16 =	vmax.f32 v27, $0.0e+00;
	v19 =	vsub.f32 v25, v3;
	v6 =	vld [tilespmem:s15+$0xE2]  }
0x57b: {  	v17 =	vsub.f32 $1.000000010e-01, v17;
	v9 =	vsub.f32 v3, v9;
	v18 =	vand.u32 $0x7FFFFFFF, v18  }
0x57c: {  	v11 =	vadd.f32 v11, v14;
	v19 =	vand.u32 $0x7FFFFFFF, v19;
	v18 =	vsub.f32 $1.000000010e-01, v18  }
0x57d: {  	v24 =	vsub.f32 v24, v22;
	v9 =	vand.u32 $0x7FFFFFFF, v9;
	v14 =	vsub.f32 v22, v2  }
0x57e: {  	v10 =	vadd.f32 v23, v10;
	v17 =	vmax.f32 v17, $0.0e+00;
	v27 =	vsub.f32 v22, v5;
	v28 =	vld [tilespmem:s15+$0x1C1]  }
0x57f: {  	v11 =	vadd.f32 v11, v12;
	v14 =	vand.u32 $0x7FFFFFFF, v14;
	v23 =	vsub.f32 v6, v22  }
0x580: {  	v10 =	vmul.f32 $1.111111160e+00, v10;
	v12 =	vmax.f32 v18, $0.0e+00;
	v18 =	vsub.f32 v5, v2  }
0x581: {  	v8 =	vadd.f32 v13, v8;
	v27 =	vand.u32 $0x7FFFFFFF, v27;
	v14 =	vsub.f32 $1.000000010e-01, v14  }
0x582: {  	v11 =	vadd.f32 v11, v26;
	v13 =	vsub.f32 $1.000000010e-01, v9;
	v23 =	vand.u32 $0x7FFFFFFF, v23;
	v9 =	vld [tilespmem:s15+$0xE0]  }
0x583: {  	v26 =	vsub.f32 v2, v3;
	v18 =	vand.u32 $0x7FFFFFFF, v18;
	v28 =	vsub.f32 v28, v22  }
0x584: {  	v7 =	vadd.f32 v11, v7;
	v27 =	vsub.f32 $1.000000010e-01, v27;
	v13 =	vmax.f32 v13, $0.0e+00  }
0x585: {  	v10 =	vadd.f32 $1.111111120e-01, v10;
	v11 =	vand.u32 $0x7FFFFFFF, v26;
	v26 =	vsub.f32 v2, v25  }
0x586: {  	v29 =	vsub.f32 $1.000000010e-01, v11;
	v7 =	vadd.f32 v7, v16;
	v11 =	vmax.f32 v27, $0.0e+00  }
0x587: {  	v8 =	vmul.f32 $1.111111160e+00, v8;
	v12 =	vadd.f32 v12, v13;
	v13 =	vsub.f32 v22, v9;
	v16 =	vld [tilespmem:s15+$0x1C0];
	[tilespmem:s14+$0xFFFFFF20] =	vst v10  }
0x588: {  	v21 =	vsub.f32 v2, v21;
	v7 =	vmul.f32 $1.111111160e+00, v7;
	v10 =	vand.u32 $0x7FFFFFFF, v28  }
0x589: {  	v8 =	vadd.f32 $1.111111120e-01, v8;
	v25 =	vsub.f32 v22, v25;
	v27 =	vand.u32 $0x7FFFFFFF, v13  }
0x58a: {  	v7 =	vadd.f32 $1.111111120e-01, v7;
	v13 =	vand.u32 $0x7FFFFFFF, v26;
	v26 =	vsub.f32 $1.000000010e-01, v10  }
0x58b: {  	v12 =	vadd.f32 v17, v12;
	v17 =	vmax.f32 v20, $0.0e+00;
	v10 =	vsub.f32 $1.000000010e-01, v19;
	[tilespmem:s14+$0xE0] =	vst v8  }
0x58c: {  	v8 =	vand.u32 $0x7FFFFFFF, v25;
	v19 =	vsub.f32 v16, v22;
	v16 =	vand.u32 $0x7FFFFFFF, v24;
	[tilespmem:s14+$0x0] =	vst v7;
	s14 =	smov.u32 s12  }
0x58d: {  	v7 =	vmax.f32 v15, $0.0e+00;
	v15 =	vsub.f32 $1.000000010e-01, v18;
	v18 =	vsub.f32 $1.000000010e-01, v16  }
0x58e: {  	v22 =	vsub.f32 $1.000000010e-01, v13;
	v16 =	vmax.f32 v10, $0.0e+00;
	v10 =	vmax.f32 v29, $0.0e+00  }
.Ltmp11:
0x58f: {  	v24 =	vsub.f32 $1.000000010e-01, v8;
	v13 =	vmax.f32 v26, $0.0e+00;
	v12 =	vadd.f32 v7, v12;
	(pc) =	sbr.rel @p0 .LBB2_24-.Ltmp11, $4  }
0x590: {  	v21 =	vand.u32 $0x7FFFFFFF, v21;
	v7 =	vmax.f32 v14, $0.0e+00;
	v25 =	vand.u32 $0x7FFFFFFF, v19  }
0x591: {  	v20 =	vadd.f32 v17, v12;
	v17 =	vsub.f32 $1.000000010e-01, v27;
	v8 =	vmax.f32 v18, $0.0e+00  }
0x592: {  	v19 =	vsub.f32 $1.000000010e-01, v21;
	v14 =	vmax.f32 v22, $0.0e+00;
	v21 =	vmax.f32 v24, $0.0e+00  }
0x593: {  	s15 =	sadd.s32 $0x2A0, s15;
	v12 =	vmax.f32 v15, $0.0e+00;
	v18 =	vsub.f32 $1.000000010e-01, v23;
	v15 =	vsub.f32 $1.000000010e-01, v25  }
0x594: {  	v4 =	vsub.f32 v2, v4;
	_ =	sdelay $0x1  }
0x595: {  	v4 =	vand.u32 $0x7FFFFFFF, v4  }
0x596: {  	v4 =	vsub.f32 $1.000000010e-01, v4;
	_ =	sdelay $0x1  }
0x597: {  	v21 =	vadd.f32 v7, v21;
	v4 =	vmax.f32 v4, $0.0e+00  }
0x598: {  	v16 =	vadd.f32 v16, v20;
	v4 =	vadd.f32 v10, v4  }
0x599: {  	v19 =	vmax.f32 v19, $0.0e+00;
	v9 =	vsub.f32 v9, v2;
	v11 =	vadd.f32 v21, v11  }
0x59a: {  	v17 =	vmax.f32 v17, $0.0e+00;
	v3 =	vsub.f32 v5, v3;
	v4 =	vadd.f32 v4, v19  }
0x59b: {  	v2 =	vsub.f32 v6, v2;
	v5 =	vadd.f32 v11, v17  }
0x59c: {  	v9 =	vand.u32 $0x7FFFFFFF, v9;
	v11 =	vmax.f32 v18, $0.0e+00;
	v4 =	vadd.f32 v4, v14  }
0x59d: {  	v9 =	vsub.f32 $1.000000010e-01, v9;
	v5 =	vadd.f32 v5, v11  }
0x59e: {  	v6 =	vmax.f32 v15, $0.0e+00;
	v3 =	vand.u32 $0x7FFFFFFF, v3;
	v4 =	vadd.f32 v4, v12  }
0x59f: {  	v3 =	vsub.f32 $1.000000010e-01, v3;
	v9 =	vmax.f32 v9, $0.0e+00;
	v5 =	vadd.f32 v5, v6  }
0x5a0: {  	v2 =	vand.u32 $0x7FFFFFFF, v2;
	v6 =	vadd.f32 v10, v16;
	v4 =	vadd.f32 v4, v9  }
0x5a1: {  	v2 =	vsub.f32 $1.000000010e-01, v2;
	v3 =	vmax.f32 v3, $0.0e+00;
	v5 =	vadd.f32 v5, v13  }
0x5a2: {  	v3 =	vadd.f32 v3, v6;
	v4 =	vadd.f32 v4, v7  }
0x5a3: {  	v2 =	vmax.f32 v2, $0.0e+00;
	v5 =	vadd.f32 v5, v8  }
0x5a4: {  	v3 =	vmul.f32 $1.111111160e+00, v3;
	v2 =	vadd.f32 v4, v2  }
0x5a5: {  	v4 =	vmul.f32 $1.111111160e+00, v5  }
0x5a6: {  	v3 =	vadd.f32 $1.111111120e-01, v3;
	v2 =	vmul.f32 $1.111111160e+00, v2  }
0x5a7: {  	v4 =	vadd.f32 $1.111111120e-01, v4  }
0x5a8: {  	[tilespmem:s14+$0xFFFFFF20] =	vst v3;
	v2 =	vadd.f32 $1.111111120e-01, v2  }
0x5a9: {  	[tilespmem:s14+$0xE0] =	vst v4  }
0x5aa: {  	[tilespmem:s14+$0x0] =	vst v2  }
0x5ab: {  	v2 =	vld [tilespmem:s10+$0xFFFFFF21]  }
0x5ac: {  	v3 =	vld [tilespmem:s10+$0x1C1]  }
0x5ad: {  	v4 =	vld [tilespmem:s10+$0xFFFFFF22]  }
0x5ae: {  	v5 =	vld [tilespmem:s10+$0xFFFFFE42]  }
0x5af: {  	v6 =	vld [tilespmem:s10+$0x2]  }
0x5b0: {  	v7 =	vld [tilespmem:s10+$0xE0]  }
0x5b1: {  	v8 =	vld [tilespmem:s10+$0xFFFFFE40]  }
0x5b2: {  	v9 =	vld [tilespmem:s10+$0xFFFFFF20]  }
0x5b3: {  	v10 =	vld [tilespmem:s10+$0x0]  }
0x5b4: {  	v12 =	vld [tilespmem:s10+$0xFFFFFE41]  }
0x5b5: {  	v13 =	vld [tilespmem:s10+$0xE1]  }
0x5b6: {  	v15 =	vld [tilespmem:s10+$0x1]  }
0x5b7: {  	v11 =	vsub.f32 v4, v2;
	v14 =	vsub.f32 v6, v2  }
0x5b8: {  	v5 =	vsub.f32 v2, v5;
	v8 =	vsub.f32 v2, v8  }
0x5b9: {  	v16 =	vsub.f32 v2, v9;
	v17 =	vsub.f32 v10, v2  }
0x5ba: {  	v12 =	vsub.f32 v2, v12;
	v3 =	vsub.f32 v3, v13  }
0x5bb: {  	v18 =	vsub.f32 v7, v15;
	v2 =	vsub.f32 v15, v2  }
0x5bc: {  	v19 =	vsub.f32 v13, v15;
	v21 =	vsub.f32 v6, v15  }
0x5bd: {  	v22 =	vsub.f32 v15, v10;
	v7 =	vsub.f32 v13, v7  }
0x5be: {  	v9 =	vsub.f32 v15, v9;
	v10 =	vsub.f32 v13, v10  }
0x5bf: {  	v4 =	vsub.f32 v15, v4;
	v6 =	vsub.f32 v13, v6  }
0x5c0: {  	v11 =	vand.u32 $0x7FFFFFFF, v11;
	v14 =	vand.u32 $0x7FFFFFFF, v14;
	v5 =	vand.u32 $0x7FFFFFFF, v5  }
0x5c1: {  	v16 =	vand.u32 $0x7FFFFFFF, v16;
	v12 =	vand.u32 $0x7FFFFFFF, v12;
	v8 =	vand.u32 $0x7FFFFFFF, v8  }
0x5c2: {  	v18 =	vand.u32 $0x7FFFFFFF, v18;
	v2 =	vand.u32 $0x7FFFFFFF, v2;
	v17 =	vand.u32 $0x7FFFFFFF, v17  }
0x5c3: {  	v10 =	vand.u32 $0x7FFFFFFF, v10;
	v9 =	vand.u32 $0x7FFFFFFF, v9;
	v11 =	vsub.f32 $1.000000010e-01, v11  }
0x5c4: {  	v4 =	vand.u32 $0x7FFFFFFF, v4;
	v14 =	vsub.f32 $1.000000010e-01, v14;
	v5 =	vsub.f32 $1.000000010e-01, v5  }
0x5c5: {  	v7 =	vand.u32 $0x7FFFFFFF, v7;
	v16 =	vsub.f32 $1.000000010e-01, v16;
	v12 =	vsub.f32 $1.000000010e-01, v12  }
0x5c6: {  	v6 =	vand.u32 $0x7FFFFFFF, v6;
	v8 =	vsub.f32 $1.000000010e-01, v8;
	v2 =	vsub.f32 $1.000000010e-01, v2  }
0x5c7: {  	v19 =	vand.u32 $0x7FFFFFFF, v19;
	v10 =	vsub.f32 $1.000000010e-01, v10;
	v9 =	vsub.f32 $1.000000010e-01, v9  }
0x5c8: {  	v4 =	vsub.f32 $1.000000010e-01, v4;
	v12 =	vmax.f32 v12, $0.0e+00;
	v8 =	vmax.f32 v8, $0.0e+00  }
0x5c9: {  	v20 =	vld [tilespmem:s10+$0xE2];
	v3 =	vand.u32 $0x7FFFFFFF, v3;
	v7 =	vsub.f32 $1.000000010e-01, v7;
	v8 =	vadd.f32 v12, v8  }
0x5ca: {  	v6 =	vsub.f32 $1.000000010e-01, v6;
	v26 =	vsub.f32 $1.000000010e-01, v3;
	v5 =	vmax.f32 v5, $0.0e+00  }
0x5cb: {  	v16 =	vmax.f32 v16, $0.0e+00;
	v11 =	vmax.f32 v11, $0.0e+00;
	v5 =	vadd.f32 v5, v8  }
0x5cc: {  	v9 =	vmax.f32 v9, $0.0e+00;
	v14 =	vmax.f32 v14, $0.0e+00;
	v4 =	vmax.f32 v4, $0.0e+00  }
0x5cd: {  	v10 =	vmax.f32 v10, $0.0e+00;
	v7 =	vmax.f32 v7, $0.0e+00;
	v5 =	vadd.f32 v16, v5  }
0x5ce: {  	v12 =	vsub.f32 v20, v15;
	v8 =	vmax.f32 v2, $0.0e+00;
	v2 =	vsub.f32 $1.000000010e-01, v17  }
0x5cf: {  	v9 =	vadd.f32 v8, v9;
	v16 =	vand.u32 $0x7FFFFFFF, v22;
	v5 =	vadd.f32 v11, v5;
	v11 =	vld [tilespmem:s10+$0x1C0]  }
0x5d0: {  	s31 =	simm.s32 $0x52F;
	v15 =	vld [tilespmem:s10+$0x1C2];
	v17 =	vand.u32 $0x7FFFFFFF, v21;
	v2 =	vmax.f32 v2, $0.0e+00;
	v16 =	vsub.f32 $1.000000010e-01, v16  }
0x5d1: {  	v12 =	vand.u32 $0x7FFFFFFF, v12;
	v22 =	vld [tilespmem:s31+$0x2];
	v4 =	vadd.f32 v9, v4;
	v5 =	vadd.f32 v2, v5  }
0x5d2: {  	v2 =	vmax.f32 v16, $0.0e+00;
	v16 =	vsub.f32 $1.000000010e-01, v17;
	v17 =	vsub.f32 v20, v13;
	v20 =	vld [tilespmem:s31+$0xFFFFFF21]  }
0x5d3: {  	v24 =	vld [tilespmem:s31+$0xFFFFFF20];
	v26 =	vmax.f32 v26, $0.0e+00;
	v12 =	vsub.f32 $1.000000010e-01, v12;
	v23 =	vadd.f32 v4, v2  }
0x5d4: {  	v17 =	vand.u32 $0x7FFFFFFF, v17;
	v5 =	vadd.f32 v8, v5;
	v11 =	vsub.f32 v11, v13  }
0x5d5: {  	v16 =	vmax.f32 v16, $0.0e+00;
	v13 =	vsub.f32 v15, v13;
	v15 =	vsub.f32 $1.000000010e-01, v19;
	v19 =	vld [tilespmem:s31+$0xFFFFFE42]  }
0x5d6: {  	v9 =	vld [tilespmem:s31+$0xFFFFFF22];
	v4 =	vmax.f32 v6, $0.0e+00;
	v17 =	vsub.f32 $1.000000010e-01, v17;
	v16 =	vadd.f32 v23, v16  }
0x5d7: {  	v6 =	vld [tilespmem:s31+$0xFFFFFE40];
	v5 =	vadd.f32 v14, v5;
	v11 =	vand.u32 $0x7FFFFFFF, v11;
	v28 =	vsub.f32 v22, v20  }
0x5d8: {  	v27 =	vld [tilespmem:s31+$0x0];
	v15 =	vmax.f32 v15, $0.0e+00;
	v60 =	vsub.f32 v20, v24;
	v2 =	vsub.f32 $1.000000010e-01, v11  }
0x5d9: {  	v21 =	vld [tilespmem:s31+$0x1C1];
	v13 =	vand.u32 $0x7FFFFFFF, v13;
	v11 =	vsub.f32 $1.000000010e-01, v18;
	v10 =	vadd.f32 v15, v10  }
0x5da: {  	v18 =	vld [tilespmem:s31+$0xE0];
	v13 =	vsub.f32 $1.000000010e-01, v13;
	v25 =	vmax.f32 v2, $0.0e+00;
	v3 =	vsub.f32 v20, v19  }
0x5db: {  	v2 =	vld [tilespmem:s31+$0xE1];
	v11 =	vmax.f32 v11, $0.0e+00;
	v19 =	vsub.f32 v9, v20;
	v4 =	vadd.f32 v10, v4  }
0x5dc: {  	v12 =	vmax.f32 v12, $0.0e+00;
	v6 =	vsub.f32 v20, v6;
	v10 =	vld [tilespmem:s31+$0x1];
	v11 =	vadd.f32 v16, v11  }
0x5dd: {  	v19 =	vand.u32 $0x7FFFFFFF, v19;
	v4 =	vadd.f32 v4, v7;
	v14 =	vand.u32 $0x7FFFFFFF, v3  }
0x5de: {  	v8 =	vsub.f32 $1.000000010e-01, v19;
	v19 =	vand.u32 $0x7FFFFFFF, v28;
	v14 =	vsub.f32 $1.000000010e-01, v14  }
0x5df: {  	v7 =	vmax.f32 v17, $0.0e+00;
	v11 =	vadd.f32 v11, v15;
	v19 =	vsub.f32 $1.000000010e-01, v19  }
0x5e0: {  	v29 =	vmul.f32 $1.111111160e+00, v5;
	v17 =	vld [tilespmem:s31+$0xFFFFFE41];
	v4 =	vadd.f32 v4, v7;
	v7 =	vsub.f32 v27, v20  }
0x5e1: {  	v13 =	vmax.f32 v13, $0.0e+00;
	v3 =	vsub.f32 v21, v2;
	v61 =	vsub.f32 v18, v10  }
0x5e2: {  	v6 =	vand.u32 $0x7FFFFFFF, v6;
	v63 =	vsub.f32 v10, v27;
	v18 =	vsub.f32 v2, v18  }
0x5e3: {  	v21 =	vand.u32 $0x7FFFFFFF, v60;
	v16 =	vsub.f32 v2, v27;
	v11 =	vadd.f32 v11, v12  }
0x5e4: {  	v8 =	vmax.f32 v8, $0.0e+00;
	v9 =	vsub.f32 v10, v9;
	v21 =	vsub.f32 $1.000000010e-01, v21  }
0x5e5: {  	v14 =	vmax.f32 v14, $0.0e+00;
	v25 =	vadd.f32 v4, v25;
	v5 =	vsub.f32 v20, v17  }
0x5e6: {  	v7 =	vand.u32 $0x7FFFFFFF, v7;
	v17 =	vsub.f32 v10, v20;
	v20 =	vsub.f32 $1.000000010e-01, v6  }
0x5e7: {  	v6 =	vsub.f32 v2, v10;
	v7 =	vsub.f32 $1.000000010e-01, v7;
	v5 =	vand.u32 $0x7FFFFFFF, v5  }
0x5e8: {  	v4 =	vand.u32 $0x7FFFFFFF, v61;
	v25 =	vadd.f32 v25, v26;
	v5 =	vsub.f32 $1.000000010e-01, v5  }
0x5e9: {  	v62 =	vld [tilespmem:s31+$0xE2];
	v16 =	vand.u32 $0x7FFFFFFF, v16;
	v15 =	vand.u32 $0x7FFFFFFF, v63;
	v17 =	vand.u32 $0x7FFFFFFF, v17  }
0x5ea: {  	v20 =	vmax.f32 v20, $0.0e+00;
	v23 =	vadd.f32 v25, v13;
	v5 =	vmax.f32 v5, $0.0e+00  }
0x5eb: {  	v21 =	vmax.f32 v21, $0.0e+00;
	v13 =	vsub.f32 $1.000000010e-01, v17;
	v20 =	vadd.f32 v5, v20  }
0x5ec: {  	v15 =	vsub.f32 $1.000000010e-01, v15;
	v7 =	vmax.f32 v7, $0.0e+00;
	v17 =	vsub.f32 v22, v10  }
0x5ed: {  	v22 =	vsub.f32 v2, v22;
	v5 =	vmax.f32 v13, $0.0e+00;
	v14 =	vadd.f32 v14, v20  }
0x5ee: {  	v13 =	vsub.f32 v10, v24;
	v20 =	vsub.f32 v62, v10;
	v10 =	vmul.f32 $1.111111160e+00, v11  }
0x5ef: {  	v17 =	vand.u32 $0x7FFFFFFF, v17;
	v12 =	vmul.f32 $1.111111160e+00, v23;
	v14 =	vadd.f32 v21, v14  }
0x5f0: {  	v21 =	vadd.f32 $1.111111120e-01, v29;
	v20 =	vand.u32 $0x7FFFFFFF, v20;
	v10 =	vadd.f32 $1.111111120e-01, v10  }
0x5f1: {  	v23 =	vand.u32 $0x7FFFFFFF, v18;
	v11 =	vsub.f32 $1.000000010e-01, v20;
	v20 =	vsub.f32 $1.000000010e-01, v17  }
0x5f2: {  	v17 =	vld [tilespmem:s31+$0x1C0];
	v8 =	vadd.f32 v8, v14;
	v14 =	vand.u32 $0x7FFFFFFF, v13;
	v13 =	vsub.f32 $1.000000010e-01, v16  }
0x5f3: {  	v18 =	vld [tilespmem:s31+$0x1C2];
	[tilespmem:s11+$0xFFFFFF20] =	vst v21;
	v21 =	vand.u32 $0x7FFFFFFF, v22;
	v16 =	vsub.f32 $1.000000010e-01, v14;
	v14 =	vmax.f32 v15, $0.0e+00  }
0x5f4: {  	v15 =	vand.u32 $0x7FFFFFFF, v9;
	v9 =	vmax.f32 v19, $0.0e+00;
	v8 =	vadd.f32 v7, v8  }
0x5f5: {  	s13 =	simm.s32 $0xC940;
	s12 =	simm.s32 $0x29F;
	s15 =	simm.s32 $0x7CF;
	v19 =	vsub.f32 $1.000000010e-01, v15;
	v15 =	vsub.f32 $1.000000010e-01, v23;
	v7 =	vmax.f32 v16, $0.0e+00  }
0x5f6: {  	s16 =	simm.s32 $0xCBE0;
	s14 =	simm.s32 $0x4;
	s10 =	simm.s32 $0xC6B0;
	v16 =	vadd.f32 v5, v7;
	v7 =	vmax.f32 v20, $0.0e+00;
	v20 =	vsub.f32 v62, v2  }
.LBB2_26:
0x5f7: {  	v22 =	vld [tilespmem:s15+$0xFFFFFF21];
	s14 =	sadd.s32 $0x3, s14;
	v6 =	vand.u32 $0x7FFFFFFF, v6;
	v17 =	vsub.f32 v17, v2;
	v12 =	vadd.f32 $1.111111120e-01, v12  }
0x5f8: {  	v21 =	vsub.f32 $1.000000010e-01, v21;
	v23 =	vld [tilespmem:s15+$0x1C1];
	p0 =	slt.u32 s14, $0xDC;
	v20 =	vand.u32 $0x7FFFFFFF, v20;
	v2 =	vsub.f32 v18, v2;
	[tilespmem:s11+$0x0] =	vst v10  }
0x5f9: {  	v18 =	vmax.f32 v19, $0.0e+00;
	v6 =	vsub.f32 $1.000000010e-01, v6;
	v10 =	vld [tilespmem:s15+$0xFFFFFF22];
	v19 =	vsub.f32 $1.000000010e-01, v20;
	[tilespmem:s11+$0xE0] =	vst v12;
	s11 =	smov.u32 s13;
	s13 =	smov.u32 s16  }
0x5fa: {  	v3 =	vand.u32 $0x7FFFFFFF, v3;
	v16 =	vadd.f32 v16, v18;
	v17 =	vand.u32 $0x7FFFFFFF, v17;
	v12 =	vld [tilespmem:s15+$0xFFFFFE42]  }
0x5fb: {  	v20 =	vmax.f32 v6, $0.0e+00;
	v6 =	vmax.f32 v13, $0.0e+00;
	v2 =	vand.u32 $0x7FFFFFFF, v2;
	v18 =	vld [tilespmem:s15+$0x2]  }
0x5fc: {  	v17 =	vsub.f32 $1.000000010e-01, v17;
	v14 =	vadd.f32 v16, v14;
	v16 =	vmax.f32 v21, $0.0e+00;
	v13 =	vld [tilespmem:s15+$0xE0]  }
0x5fd: {  	v4 =	vsub.f32 $1.000000010e-01, v4;
	v11 =	vmax.f32 v11, $0.0e+00;
	v24 =	vsub.f32 $1.000000010e-01, v2;
	v21 =	vld [tilespmem:s15+$0xFFFFFE40]  }
0x5fe: {  	v3 =	vsub.f32 $1.000000010e-01, v3;
	v6 =	vadd.f32 v20, v6;
	v17 =	vmax.f32 v17, $0.0e+00;
	v25 =	vld [tilespmem:s15+$0xFFFFFF20]  }
0x5ff: {  	v26 =	vmax.f32 v4, $0.0e+00;
	v4 =	vmax.f32 v15, $0.0e+00;
	v12 =	vsub.f32 v22, v12;
	v2 =	vld [tilespmem:s15+$0xE1]  }
0x600: {  	v24 =	vmax.f32 v24, $0.0e+00;
	v15 =	vsub.f32 v10, v22;
	v27 =	vld [tilespmem:s15+$0x0];
	v28 =	vsub.f32 v18, v22  }
0x601: {  	v6 =	vadd.f32 v6, v16;
	v16 =	vmax.f32 v19, $0.0e+00;
	v12 =	vand.u32 $0x7FFFFFFF, v12;
	v29 =	vld [tilespmem:s15+$0x1]  }
0x602: {  	v5 =	vadd.f32 v5, v8;
	v15 =	vand.u32 $0x7FFFFFFF, v15;
	v19 =	vsub.f32 v22, v21  }
0x603: {  	v4 =	vadd.f32 v6, v4;
	v8 =	vsub.f32 $1.000000010e-01, v15;
	v15 =	vand.u32 $0x7FFFFFFF, v28  }
0x604: {  	v5 =	vadd.f32 v9, v5;
	v15 =	vsub.f32 $1.000000010e-01, v15;
	v6 =	vand.u32 $0x7FFFFFFF, v19;
	v19 =	vld [tilespmem:s15+$0xFFFFFE41]  }
0x605: {  	v4 =	vadd.f32 v4, v16;
	v16 =	vmax.f32 v3, $0.0e+00;
	v9 =	vsub.f32 v22, v25  }
0x606: {  	v3 =	vsub.f32 v23, v2;
	v23 =	vmul.f32 $1.111111160e+00, v5;
	v21 =	vsub.f32 v27, v22  }
0x607: {  	v5 =	vsub.f32 $1.000000010e-01, v12;
	v9 =	vand.u32 $0x7FFFFFFF, v9;
	v12 =	vsub.f32 v13, v29  }
0x608: {  	v17 =	vadd.f32 v4, v17;
	v9 =	vsub.f32 $1.000000010e-01, v9  }
0x609: {  	v4 =	vand.u32 $0x7FFFFFFF, v12;
	v19 =	vsub.f32 v22, v19;
	v22 =	vsub.f32 v29, v22  }
0x60a: {  	v16 =	vadd.f32 v17, v16;
	v12 =	vsub.f32 $1.000000010e-01, v6;
	v9 =	vmax.f32 v9, $0.0e+00  }
0x60b: {  	v6 =	vsub.f32 v2, v29;
	v17 =	vand.u32 $0x7FFFFFFF, v19;
	v19 =	vand.u32 $0x7FFFFFFF, v21  }
0x60c: {  	v7 =	vadd.f32 v14, v7;
	v8 =	vmax.f32 v8, $0.0e+00;
	v17 =	vsub.f32 $1.000000010e-01, v17  }
0x60d: {  	v14 =	vmax.f32 v5, $0.0e+00;
	v16 =	vadd.f32 v16, v24;
	v5 =	vand.u32 $0x7FFFFFFF, v22  }
0x60e: {  	v21 =	vsub.f32 v18, v29;
	v5 =	vsub.f32 $1.000000010e-01, v5;
	v17 =	vmax.f32 v17, $0.0e+00;
	v22 =	vld [tilespmem:s15+$0xE2]  }
0x60f: {  	v28 =	vsub.f32 v2, v13;
	v24 =	vsub.f32 v29, v27;
	v12 =	vmax.f32 v12, $0.0e+00  }
0x610: {  	v7 =	vadd.f32 v7, v26;
	v5 =	vmax.f32 v5, $0.0e+00;
	v12 =	vadd.f32 v17, v12  }
0x611: {  	v13 =	vsub.f32 v29, v25;
	v17 =	vsub.f32 v2, v27  }
0x612: {  	v12 =	vadd.f32 v14, v12;
	v14 =	vsub.f32 $1.000000010e-01, v19;
	v19 =	vand.u32 $0x7FFFFFFF, v21  }
0x613: {  	v7 =	vadd.f32 v7, v20;
	v17 =	vand.u32 $0x7FFFFFFF, v17;
	v21 =	vsub.f32 v22, v29  }
0x614: {  	v20 =	vadd.f32 $1.111111120e-01, v23;
	v9 =	vadd.f32 v9, v12;
	v12 =	vand.u32 $0x7FFFFFFF, v24  }
0x615: {  	v7 =	vadd.f32 v7, v11;
	v23 =	vsub.f32 $1.000000010e-01, v12;
	v21 =	vand.u32 $0x7FFFFFFF, v21  }
0x616: {  	v8 =	vadd.f32 v8, v9;
	v9 =	vand.u32 $0x7FFFFFFF, v13;
	v13 =	vsub.f32 $1.000000010e-01, v17;
	[tilespmem:s11+$0xFFFFFF20] =	vst v20  }
0x617: {  	v11 =	vmax.f32 v14, $0.0e+00;
	v12 =	vmul.f32 $1.111111160e+00, v16;
	v20 =	vsub.f32 v2, v18  }
0x618: {  	v10 =	vsub.f32 v29, v10;
	v24 =	vmul.f32 $1.111111160e+00, v7;
	v9 =	vsub.f32 $1.000000010e-01, v9  }
.Ltmp12:
0x619: {  	v14 =	vmax.f32 v23, $0.0e+00;
	v8 =	vadd.f32 v11, v8;
	v11 =	vsub.f32 $1.000000010e-01, v21;
	v17 =	vld [tilespmem:s15+$0x1C0];
	(pc) =	sbr.rel @p0 .LBB2_26-.Ltmp12, $4  }
0x61a: {  	v10 =	vand.u32 $0x7FFFFFFF, v10;
	v21 =	vsub.f32 $1.000000010e-01, v19;
	v7 =	vmax.f32 v9, $0.0e+00;
	v18 =	vld [tilespmem:s15+$0x1C2]  }
0x61b: {  	v9 =	vmax.f32 v15, $0.0e+00;
	v15 =	vand.u32 $0x7FFFFFFF, v28;
	v16 =	vadd.f32 v5, v7  }
0x61c: {  	v19 =	vsub.f32 $1.000000010e-01, v10;
	v7 =	vmax.f32 v21, $0.0e+00;
	v15 =	vsub.f32 $1.000000010e-01, v15  }
0x61d: {  	s16 =	sadd.s32 $0x2A0, s16;
	v10 =	vadd.f32 $1.111111120e-01, v24;
	v21 =	vand.u32 $0x7FFFFFFF, v20;
	v20 =	vsub.f32 v22, v2;
	s15 =	sadd.s32 $0x2A0, s15  }
0x61e: {  	v6 =	vand.u32 $0x7FFFFFFF, v6  }
0x61f: {  	v6 =	vsub.f32 $1.000000010e-01, v6;
	_ =	sdelay $0x1  }
0x620: {  	v21 =	vsub.f32 $1.000000010e-01, v21;
	v13 =	vmax.f32 v13, $0.0e+00;
	v6 =	vmax.f32 v6, $0.0e+00  }
0x621: {  	v19 =	vmax.f32 v19, $0.0e+00;
	v13 =	vadd.f32 v6, v13  }
0x622: {  	v17 =	vsub.f32 v17, v2;
	v16 =	vadd.f32 v16, v19;
	v19 =	vmax.f32 v21, $0.0e+00  }
0x623: {  	v20 =	vand.u32 $0x7FFFFFFF, v20;
	v2 =	vsub.f32 v18, v2;
	v13 =	vadd.f32 v13, v19  }
0x624: {  	v15 =	vmax.f32 v15, $0.0e+00;
	v18 =	vsub.f32 $1.000000010e-01, v20;
	v14 =	vadd.f32 v16, v14  }
0x625: {  	v4 =	vsub.f32 $1.000000010e-01, v4;
	v16 =	vand.u32 $0x7FFFFFFF, v17;
	v13 =	vadd.f32 v13, v15  }
0x626: {  	v7 =	vadd.f32 v14, v7;
	v15 =	vsub.f32 $1.000000010e-01, v16;
	v16 =	vmax.f32 v18, $0.0e+00  }
0x627: {  	v3 =	vand.u32 $0x7FFFFFFF, v3;
	v4 =	vmax.f32 v4, $0.0e+00;
	v13 =	vadd.f32 v13, v16  }
0x628: {  	v3 =	vsub.f32 $1.000000010e-01, v3;
	v4 =	vadd.f32 v7, v4;
	v14 =	vmax.f32 v15, $0.0e+00  }
0x629: {  	v5 =	vadd.f32 v5, v8;
	v2 =	vand.u32 $0x7FFFFFFF, v2;
	v7 =	vadd.f32 v13, v14  }
0x62a: {  	v3 =	vmax.f32 v3, $0.0e+00;
	v2 =	vsub.f32 $1.000000010e-01, v2;
	v4 =	vadd.f32 v4, v6  }
0x62b: {  	v5 =	vadd.f32 v9, v5;
	v6 =	vmax.f32 v11, $0.0e+00;
	v3 =	vadd.f32 v7, v3  }
0x62c: {  	v2 =	vmax.f32 v2, $0.0e+00;
	v4 =	vadd.f32 v4, v6  }
0x62d: {  	v5 =	vmul.f32 $1.111111160e+00, v5;
	v2 =	vadd.f32 v3, v2  }
0x62e: {  	v4 =	vmul.f32 $1.111111160e+00, v4;
	v3 =	vadd.f32 $1.111111120e-01, v12  }
0x62f: {  	[tilespmem:s11+$0x0] =	vst v10;
	v5 =	vadd.f32 $1.111111120e-01, v5;
	v2 =	vmul.f32 $1.111111160e+00, v2  }
0x630: {  	[tilespmem:s11+$0xE0] =	vst v3;
	v3 =	vadd.f32 $1.111111120e-01, v4  }
0x631: {  	[tilespmem:s13+$0xFFFFFF20] =	vst v5;
	v2 =	vadd.f32 $1.111111120e-01, v2  }
0x632: {  	[tilespmem:s13+$0x0] =	vst v3  }
0x633: {  	[tilespmem:s13+$0xE0] =	vst v2  }
0x634: {  	v2 =	vld [tilespmem:s12+$0xFFFFFE40]  }
0x635: {  	v3 =	vld [tilespmem:s12+$0x1C1]  }
0x636: {  	v4 =	vld [tilespmem:s12+$0xFFFFFF22]  }
0x637: {  	v5 =	vld [tilespmem:s12+$0xFFFFFF21]  }
0x638: {  	v6 =	vld [tilespmem:s12+$0xFFFFFE42]  }
0x639: {  	v7 =	vld [tilespmem:s12+$0xFFFFFF20]  }
0x63a: {  	v8 =	vld [tilespmem:s12+$0x0]  }
0x63b: {  	v10 =	vld [tilespmem:s12+$0xE1]  }
0x63c: {  	v12 =	vld [tilespmem:s12+$0x1];
	_ =	sdelay $0x1  }
0x63d: {  	v14 =	vld [tilespmem:s12+$0xFFFFFE41];
	v2 =	vsub.f32 v5, v2;
	v9 =	vsub.f32 v4, v5  }
0x63e: {  	v11 =	vld [tilespmem:s12+$0x2];
	v13 =	vsub.f32 v5, v7;
	v6 =	vsub.f32 v5, v6  }
0x63f: {  	v18 =	vld [tilespmem:s12+$0xE0];
	v16 =	vsub.f32 v8, v5;
	v3 =	vsub.f32 v3, v10  }
0x640: {  	v24 =	vld [tilespmem:s12+$0xE2];
	v17 =	vsub.f32 v10, v12;
	v7 =	vsub.f32 v12, v7  }
0x641: {  	v19 =	vsub.f32 v10, v8;
	v8 =	vsub.f32 v12, v8  }
0x642: {  	vm0 =	veq.s32 v1, $0xF;
	v14 =	vsub.f32 v5, v14;
	v22 =	vsub.f32 v12, v5  }
0x643: {  	vm2 =	vmmov vm0;
	v23 =	vsub.f32 v11, v12;
	v5 =	vsub.f32 v11, v5  }
0x644: {  	vm1 =	vmmov vm2;
	v4 =	vsub.f32 v12, v4;
	v26 =	vsub.f32 v18, v12  }
0x645: {  	v12 =	vsub.f32 v24, v12;
	v2 =	vand.u32 $0x7FFFFFFF, v2;
	v9 =	vand.u32 $0x7FFFFFFF, v9  }
0x646: {  	v6 =	vand.u32 $0x7FFFFFFF, v6;
	v13 =	vand.u32 $0x7FFFFFFF, v13;
	v2 =	vsub.f32 $1.000000010e-01, v2  }
0x647: {  	v20 =	vand.u32 $0x7FFFFFFF, v17;
	v16 =	vand.u32 $0x7FFFFFFF, v16;
	v7 =	vand.u32 $0x7FFFFFFF, v7  }
0x648: {  	v15 =	vsub.f32 $1.000000010e-01, v9;
	v9 =	vmax.f32 v2, $0.0e+00;
	v2 =	vsub.f32 v10, v11  }
0x649: {  	v8 =	vand.u32 $0x7FFFFFFF, v8;
	v4 =	vand.u32 $0x7FFFFFFF, v4;
	v13 =	vsub.f32 $1.000000010e-01, v13  }
0x64a: {  	v6 =	vsub.f32 $1.000000010e-01, v6;
	v16 =	vsub.f32 $1.000000010e-01, v16;
	v21 =	vand.u32 $0x7FFFFFFF, v2;
	v2 =	vld [tilespmem:s12+$0x1C0]  }
0x64b: {  	v5 =	vand.u32 $0x7FFFFFFF, v5;
	v7 =	vsub.f32 $1.000000010e-01, v7;
	v4 =	vsub.f32 $1.000000010e-01, v4  }
0x64c: {  	v12 =	vand.u32 $0x7FFFFFFF, v12;
	v8 =	vsub.f32 $1.000000010e-01, v8;
	v5 =	vsub.f32 $1.000000010e-01, v5  }
0x64d: {  	v3 =	vand.u32 $0x7FFFFFFF, v3;
	v20 =	vsub.f32 $1.000000010e-01, v20;
	v12 =	vsub.f32 $1.000000010e-01, v12  }
0x64e: {  	v29 =	vsub.f32 $1.000000010e-01, v3;
	v15 =	vmax.f32 v15, $0.0e+00;
	v11 =	vmax.f32 v13, $0.0e+00  }
0x64f: {  	v13 =	vand.u32 $0x7FFFFFFF, v14;
	v14 =	vand.u32 $0x7FFFFFFF, v22;
	v2 =	vsub.f32 v2, v10  }
0x650: {  	v17 =	vmax.f32 v6, $0.0e+00;
	v6 =	vand.u32 $0x7FFFFFFF, v23;
	v14 =	vsub.f32 $1.000000010e-01, v14  }
0x651: {  	v22 =	vsub.f32 v10, v18;
	v23 =	vsub.f32 v24, v10;
	v2 =	vand.u32 $0x7FFFFFFF, v2  }
0x652: {  	s31 =	simm.s32 $0x53F;
	v7 =	vmax.f32 v7, $0.0e+00;
	v25 =	vsub.f32 $1.000000010e-01, v2;
	v2 =	vmax.f32 v14, $0.0e+00  }
0x653: {  	v30 =	vld [tilespmem:s31+$0x0];
	v18 =	vmax.f32 v16, $0.0e+00;
	v4 =	vmax.f32 v4, $0.0e+00;
	v7 =	vadd.f32 v2, v7  }
0x654: {  	v3 =	vld [tilespmem:s31+$0xE1];
	v13 =	vsub.f32 $1.000000010e-01, v13;
	v6 =	vsub.f32 $1.000000010e-01, v6;
	v16 =	vand.u32 $0x7FFFFFFF, v22  }
0x655: {  	v27 =	vld [tilespmem:s31+$0xFFFFFF20];
	v16 =	vsub.f32 $1.000000010e-01, v16;
	v14 =	vand.u32 $0x7FFFFFFF, v26;
	v4 =	vadd.f32 v7, v4  }
0x656: {  	v7 =	vmax.f32 v8, $0.0e+00;
	v8 =	vsub.f32 $1.000000010e-01, v14;
	v14 =	vand.u32 $0x7FFFFFFF, v19;
	v19 =	vld [tilespmem:s12+$0x1C2]  }
0x657: {  	v20 =	vmax.f32 v20, $0.0e+00;
	v24 =	vld [tilespmem:s31+$0xFFFFFF21];
	v21 =	vsub.f32 $1.000000010e-01, v21;
	v14 =	vsub.f32 $1.000000010e-01, v14  }
0x658: {  	v6 =	vmax.f32 v6, $0.0e+00;
	v33 =	vmax.f32 v13, $0.0e+00;
	v26 =	vld [tilespmem:s31+$0xFFFFFF22];
	v4 =	vadd.f32 v4, v7  }
0x659: {  	v32 =	vsub.f32 v3, v30;
	v9 =	vadd.f32 v33, v9;
	v14 =	vmax.f32 v14, $0.0e+00  }
0x65a: {  	v31 =	vld [tilespmem:s31+$0x1];
	v21 =	vmax.f32 v21, $0.0e+00;
	v14 =	vadd.f32 v20, v14;
	v6 =	vadd.f32 v4, v6  }
0x65b: {  	v7 =	vld [tilespmem:s31+$0xFFFFFE40];
	v8 =	vmax.f32 v8, $0.0e+00;
	v4 =	vmax.f32 v5, $0.0e+00;
	v5 =	vsub.f32 v19, v10  }
0x65c: {  	v22 =	vld [tilespmem:s31+$0x1C1];
	v23 =	vand.u32 $0x7FFFFFFF, v23;
	v10 =	vadd.f32 v14, v21;
	v6 =	vadd.f32 v6, v8  }
0x65d: {  	v14 =	vmax.f32 v16, $0.0e+00;
	v8 =	vsub.f32 v26, v24;
	v16 =	vsub.f32 v24, v27  }
0x65e: {  	v28 =	vld [tilespmem:s31+$0xFFFFFE42];
	v12 =	vmax.f32 v12, $0.0e+00;
	v21 =	vsub.f32 $1.000000010e-01, v23;
	v23 =	vsub.f32 v30, v24  }
0x65f: {  	v25 =	vmax.f32 v25, $0.0e+00;
	v27 =	vsub.f32 v31, v27;
	v30 =	vsub.f32 v31, v30  }
0x660: {  	v7 =	vsub.f32 v24, v7;
	v5 =	vand.u32 $0x7FFFFFFF, v5;
	v14 =	vadd.f32 v10, v14  }
0x661: {  	v19 =	vadd.f32 v6, v20;
	v8 =	vand.u32 $0x7FFFFFFF, v8;
	v10 =	vsub.f32 v22, v3  }
0x662: {  	v5 =	vsub.f32 $1.000000010e-01, v5;
	v21 =	vmax.f32 v21, $0.0e+00;
	v6 =	vand.u32 $0x7FFFFFFF, v7  }
0x663: {  	v7 =	vsub.f32 v24, v28;
	v28 =	vmax.f32 v29, $0.0e+00;
	v8 =	vsub.f32 $1.000000010e-01, v8  }
0x664: {  	v20 =	vld [tilespmem:s31+$0x2];
	v29 =	vsub.f32 v3, v31;
	v6 =	vsub.f32 $1.000000010e-01, v6;
	v35 =	vmax.f32 v5, $0.0e+00  }
0x665: {  	v22 =	vld [tilespmem:s31+$0xFFFFFE41];
	v5 =	vand.u32 $0x7FFFFFFF, v16;
	v21 =	vadd.f32 v14, v21;
	v19 =	vadd.f32 v19, v12  }
0x666: {  	v7 =	vand.u32 $0x7FFFFFFF, v7;
	v13 =	vand.u32 $0x7FFFFFFF, v29;
	v29 =	vsub.f32 $1.000000010e-01, v5  }
0x667: {  	v37 =	vld [tilespmem:s31+$0xE0];
	v5 =	vmax.f32 v8, $0.0e+00;
	v8 =	vand.u32 $0x7FFFFFFF, v23;
	v23 =	vsub.f32 v31, v24  }
0x668: {  	v38 =	vld [tilespmem:s31+$0xE2];
	v6 =	vmax.f32 v6, $0.0e+00;
	v7 =	vsub.f32 $1.000000010e-01, v7;
	v63 =	vsub.f32 $1.000000010e-01, v8  }
0x669: {  	v8 =	vand.u32 $0x7FFFFFFF, v27;
	v12 =	vadd.f32 v21, v25;
	v34 =	vsub.f32 v3, v20  }
0x66a: {  	v36 =	vld [tilespmem:s31+$0x1C0];
	v21 =	vand.u32 $0x7FFFFFFF, v30;
	v22 =	vsub.f32 v24, v22;
	v16 =	vsub.f32 v20, v31  }
0x66b: {  	v30 =	vmul.f32 $1.111111160e+00, v19;
	v24 =	vsub.f32 v20, v24;
	v27 =	vsub.f32 $1.000000010e-01, v8  }
0x66c: {  	v8 =	vmax.f32 v29, $0.0e+00;
	v29 =	vsub.f32 v3, v37;
	v25 =	vadd.f32 v12, v28  }
0x66d: {  	v23 =	vand.u32 $0x7FFFFFFF, v23;
	v28 =	vadd.f32 v17, v9;
	v17 =	vsub.f32 v38, v3  }
0x66e: {  	v7 =	vmax.f32 v7, $0.0e+00;
	v19 =	vsub.f32 $1.000000010e-01, v23;
	v23 =	vsub.f32 v37, v31  }
0x66f: {  	v14 =	vand.u32 $0x7FFFFFFF, v34;
	v20 =	vand.u32 $0x7FFFFFFF, v22;
	v22 =	vsub.f32 v36, v3  }
0x670: {  	v16 =	vand.u32 $0x7FFFFFFF, v16;
	v12 =	vsub.f32 $1.000000010e-01, v20;
	v20 =	vadd.f32 v25, v35  }
0x671: {  	v25 =	vadd.f32 v11, v28;
	v9 =	vand.u32 $0x7FFFFFFF, v22;
	v22 =	vsub.f32 v31, v26  }
0x672: {  	v19 =	vmax.f32 v19, $0.0e+00;
	v11 =	vmax.f32 v27, $0.0e+00;
	v28 =	vsub.f32 $1.000000010e-01, v21  }
0x673: {  	v21 =	vand.u32 $0x7FFFFFFF, v23;
	v27 =	vadd.f32 v19, v11;
	v22 =	vand.u32 $0x7FFFFFFF, v22  }
0x674: {  	v23 =	vand.u32 $0x7FFFFFFF, v32;
	v26 =	vsub.f32 $1.000000010e-01, v9;
	v22 =	vsub.f32 $1.000000010e-01, v22  }
0x675: {  	v21 =	vsub.f32 $1.000000010e-01, v21;
	v9 =	vmax.f32 v63, $0.0e+00;
	v15 =	vadd.f32 v15, v25  }
0x676: {  	v25 =	vand.u32 $0x7FFFFFFF, v29;
	v11 =	vmax.f32 v26, $0.0e+00;
	v22 =	vmax.f32 v22, $0.0e+00  }
0x677: {  	s14 =	simm.s32 $0xCBF0;
	v26 =	vand.u32 $0x7FFFFFFF, v24;
	v24 =	vadd.f32 v27, v22;
	v27 =	vadd.f32 v18, v15  }
0x678: {  	s11 =	simm.s32 $0xC950;
	s13 =	simm.s32 $0x7DF;
	s12 =	simm.s32 $0x4;
	v28 =	vmax.f32 v28, $0.0e+00;
	v22 =	vsub.f32 v38, v31;
	v18 =	vld [tilespmem:s31+$0x1C2];
	v15 =	vadd.f32 $1.111111120e-01, v30  }
.LBB2_28:
0x679: {  	v26 =	vsub.f32 $1.000000010e-01, v26  }
0x67a: {  	v27 =	vadd.f32 v2, v27;
	v24 =	vadd.f32 v24, v28  }
0x67b: {  	v29 =	vld [tilespmem:s13+$0xFFFFFE40];
	s12 =	sadd.s32 $0x3, s12;
	v20 =	vmul.f32 $1.111111160e+00, v20;
	v2 =	vmovc v19;
	v13 =	vsub.f32 $1.000000010e-01, v13;
	v25 =	vsub.f32 $1.000000010e-01, v25  }
0x67c: {  	v21 =	vmax.f32 v21, $0.0e+00;
	v10 =	vand.u32 $0x7FFFFFFF, v10;
	v19 =	vld [tilespmem:s13+$0x1C1];
	p0 =	slt.u32 s12, $0xDC;
	v28 =	vsel vm1, $0x0, v15  }
0x67d: {  	v14 =	vsub.f32 $1.000000010e-01, v14;
	v16 =	vsub.f32 $1.000000010e-01, v16;
	v22 =	vand.u32 $0x7FFFFFFF, v22;
	v15 =	vld [tilespmem:s13+$0xFFFFFF22];
	[tilespmem:s10+$0x0] =	vst v28  }
0x67e: {  	v23 =	vsub.f32 $1.000000010e-01, v23;
	v13 =	vmax.f32 v13, $0.0e+00;
	v4 =	vadd.f32 v4, v27;
	v28 =	vld [tilespmem:s13+$0xFFFFFE42]  }
0x67f: {  	v17 =	vand.u32 $0x7FFFFFFF, v17;
	v22 =	vsub.f32 $1.000000010e-01, v22;
	v10 =	vsub.f32 $1.000000010e-01, v10;
	v27 =	vld [tilespmem:s13+$0x2]  }
0x680: {  	v17 =	vsub.f32 $1.000000010e-01, v17;
	v14 =	vmax.f32 v14, $0.0e+00;
	v31 =	vmul.f32 $1.111111160e+00, v4;
	v30 =	vld [tilespmem:s13+$0x0]  }
0x681: {  	v16 =	vmax.f32 v16, $0.0e+00;
	v23 =	vmax.f32 v23, $0.0e+00;
	v20 =	vadd.f32 $1.111111120e-01, v20;
	v32 =	vld [tilespmem:s13+$0xFFFFFF21]  }
0x682: {  	v22 =	vmax.f32 v22, $0.0e+00;
	v23 =	vadd.f32 v13, v23;
	v16 =	vadd.f32 v24, v16;
	v33 =	vld [tilespmem:s13+$0xFFFFFE41]  }
0x683: {  	v24 =	vmax.f32 v25, $0.0e+00;
	v4 =	vmax.f32 v26, $0.0e+00;
	v26 =	vadd.f32 $1.111111120e-01, v31;
	v34 =	vld [tilespmem:s13+$0xFFFFFF20]  }
0x684: {  	v17 =	vmax.f32 v17, $0.0e+00;
	v18 =	vsub.f32 v18, v3;
	v14 =	vadd.f32 v23, v14;
	v3 =	vld [tilespmem:s13+$0xE1]  }
0x685: {  	v20 =	vsel vm1, $0x0, v20;
	v16 =	vadd.f32 v16, v21;
	v23 =	vsel vm1, $0x0, v26;
	v25 =	vld [tilespmem:s13+$0x1]  }
0x686: {  	v14 =	vadd.f32 v14, v24;
	vm1 =	vmmov vm2;
	v26 =	vsub.f32 v32, v29;
	[tilespmem:s10+$0xE0] =	vst v20  }
0x687: {  	v18 =	vand.u32 $0x7FFFFFFF, v18;
	v24 =	vadd.f32 v16, v13;
	v20 =	vsub.f32 v15, v32;
	[tilespmem:s10+$0xFFFFFF20] =	vst v23;
	s10 =	smov.u32 s11;
	s11 =	smov.u32 s14  }
0x688: {  	v18 =	vsub.f32 $1.000000010e-01, v18;
	v21 =	vand.u32 $0x7FFFFFFF, v26;
	v23 =	vsub.f32 v32, v34  }
0x689: {  	v17 =	vadd.f32 v14, v17;
	v13 =	vsub.f32 v32, v28;
	v16 =	vand.u32 $0x7FFFFFFF, v20  }
0x68a: {  	v26 =	vmax.f32 v10, $0.0e+00;
	v20 =	vsub.f32 $1.000000010e-01, v21;
	v21 =	vsub.f32 v30, v32  }
0x68b: {  	v28 =	vand.u32 $0x7FFFFFFF, v13;
	v16 =	vsub.f32 $1.000000010e-01, v16;
	v10 =	vsub.f32 v19, v3  }
0x68c: {  	v12 =	vmax.f32 v12, $0.0e+00;
	v22 =	vadd.f32 v24, v22;
	v13 =	vsub.f32 v3, v25  }
0x68d: {  	v18 =	vmax.f32 v18, $0.0e+00;
	v31 =	vsub.f32 v3, v30;
	v19 =	vsub.f32 v25, v34;
	v29 =	vld [tilespmem:s13+$0xE0]  }
0x68e: {  	v11 =	vadd.f32 v17, v11;
	v34 =	vsub.f32 v3, v27;
	v20 =	vmax.f32 v20, $0.0e+00  }
0x68f: {  	v23 =	vand.u32 $0x7FFFFFFF, v23;
	v30 =	vsub.f32 v25, v30;
	v13 =	vand.u32 $0x7FFFFFFF, v13  }
0x690: {  	v17 =	vadd.f32 v12, v6;
	v23 =	vsub.f32 $1.000000010e-01, v23;
	v35 =	vmax.f32 v16, $0.0e+00  }
0x691: {  	v33 =	vsub.f32 v32, v33;
	v16 =	vsub.f32 $1.000000010e-01, v28;
	v14 =	vand.u32 $0x7FFFFFFF, v34  }
0x692: {  	v21 =	vand.u32 $0x7FFFFFFF, v21;
	v28 =	vsub.f32 v25, v32;
	v34 =	vsub.f32 v27, v25;
	v36 =	vld [tilespmem:s13+$0x1C0]  }
0x693: {  	v21 =	vsub.f32 $1.000000010e-01, v21;
	v27 =	vsub.f32 v27, v32;
	v19 =	vand.u32 $0x7FFFFFFF, v19  }
0x694: {  	v12 =	vand.u32 $0x7FFFFFFF, v33;
	v32 =	vmax.f32 v16, $0.0e+00;
	v16 =	vand.u32 $0x7FFFFFFF, v34;
	v34 =	vld [tilespmem:s13+$0xE2]  }
0x695: {  	v11 =	vadd.f32 v11, v26;
	v30 =	vand.u32 $0x7FFFFFFF, v30;
	v24 =	vsub.f32 $1.000000010e-01, v19  }
0x696: {  	v26 =	vadd.f32 v7, v17;
	v6 =	vmovc v20;
	v19 =	vmax.f32 v23, $0.0e+00;
	v23 =	vand.u32 $0x7FFFFFFF, v28  }
0x697: {  	vm2 =	vmmov vm0;
	v12 =	vsub.f32 $1.000000010e-01, v12;
	v20 =	vsub.f32 v36, v3  }
0x698: {  	v33 =	vmul.f32 $1.111111160e+00, v22;
	v15 =	vsub.f32 v25, v15;
	v7 =	vmovc v32;
	v22 =	vsub.f32 $1.000000010e-01, v23  }
0x699: {  	v32 =	vsub.f32 v3, v29;
	v17 =	vsub.f32 v34, v3;
	v20 =	vand.u32 $0x7FFFFFFF, v20  }
0x69a: {  	v21 =	vmax.f32 v21, $0.0e+00;
	v28 =	vsub.f32 $1.000000010e-01, v20;
	v20 =	vadd.f32 v11, v18  }
0x69b: {  	v11 =	vand.u32 $0x7FFFFFFF, v15;
	v15 =	vsub.f32 v29, v25;
	v18 =	vadd.f32 v8, v26  }
0x69c: {  	v8 =	vmovc v19;
	v19 =	vmax.f32 v22, $0.0e+00;
	v22 =	vmax.f32 v24, $0.0e+00;
	v23 =	vsub.f32 $1.000000010e-01, v11  }
0x69d: {  	v22 =	vadd.f32 v19, v22;
	v11 =	vmax.f32 v28, $0.0e+00  }
.Ltmp13:
0x69e: {  	v18 =	vadd.f32 v5, v18;
	v5 =	vmovc v35;
	v28 =	vsub.f32 $1.000000010e-01, v30;
	v23 =	vmax.f32 v23, $0.0e+00;
	(pc) =	sbr.rel @p0 .LBB2_28-.Ltmp13, $4  }
0x69f: {  	v26 =	vand.u32 $0x7FFFFFFF, v27;
	v15 =	vand.u32 $0x7FFFFFFF, v15;
	v24 =	vadd.f32 v22, v23  }
0x6a0: {  	v27 =	vadd.f32 v9, v18;
	v9 =	vmovc v21;
	v28 =	vmax.f32 v28, $0.0e+00;
	v21 =	vsub.f32 $1.000000010e-01, v15  }
0x6a1: {  	v22 =	vsub.f32 v34, v25;
	v23 =	vand.u32 $0x7FFFFFFF, v31;
	v25 =	vand.u32 $0x7FFFFFFF, v32  }
0x6a2: {  	s14 =	sadd.s32 $0x2A0, s14;
	v15 =	vadd.f32 $1.111111120e-01, v33;
	v18 =	vld [tilespmem:s13+$0x1C2];
	s13 =	sadd.s32 $0x2A0, s13  }
0x6a3: {  	v26 =	vsub.f32 $1.000000010e-01, v26  }
0x6a4: {  	v13 =	vsub.f32 $1.000000010e-01, v13;
	v2 =	vadd.f32 v2, v27  }
0x6a5: {  	v23 =	vsub.f32 $1.000000010e-01, v23;
	v24 =	vadd.f32 v24, v28  }
0x6a6: {  	v25 =	vsub.f32 $1.000000010e-01, v25;
	v14 =	vsub.f32 $1.000000010e-01, v14  }
0x6a7: {  	v16 =	vsub.f32 $1.000000010e-01, v16;
	v13 =	vmax.f32 v13, $0.0e+00;
	v23 =	vmax.f32 v23, $0.0e+00  }
0x6a8: {  	v22 =	vand.u32 $0x7FFFFFFF, v22;
	v12 =	vmax.f32 v12, $0.0e+00;
	v23 =	vadd.f32 v13, v23  }
0x6a9: {  	v50 =	vand.u32 $0x7FFFFFFF, v17;
	v6 =	vadd.f32 v12, v6;
	v14 =	vmax.f32 v14, $0.0e+00  }
0x6aa: {  	v22 =	vsub.f32 $1.000000010e-01, v22;
	v49 =	vmax.f32 v16, $0.0e+00;
	v14 =	vadd.f32 v23, v14  }
0x6ab: {  	v51 =	vmax.f32 v25, $0.0e+00;
	v16 =	vsub.f32 $1.000000010e-01, v50;
	v6 =	vadd.f32 v7, v6  }
0x6ac: {  	v52 =	vmax.f32 v21, $0.0e+00;
	v12 =	vadd.f32 v24, v49;
	v14 =	vadd.f32 v14, v51  }
0x6ad: {  	v3 =	vsub.f32 v18, v3;
	v16 =	vmax.f32 v16, $0.0e+00;
	v6 =	vadd.f32 v8, v6  }
0x6ae: {  	v53 =	vand.u32 $0x7FFFFFFF, v10;
	v7 =	vadd.f32 v12, v52;
	v54 =	vadd.f32 v14, v16  }
0x6af: {  	v55 =	vmul.f32 $1.111111160e+00, v20;
	v8 =	vsub.f32 $1.000000010e-01, v53;
	v5 =	vadd.f32 v5, v6  }
0x6b0: {  	v3 =	vand.u32 $0x7FFFFFFF, v3;
	v56 =	vadd.f32 v7, v13;
	v57 =	vadd.f32 v54, v11  }
0x6b1: {  	v8 =	vmax.f32 v8, $0.0e+00;
	v3 =	vsub.f32 $1.000000010e-01, v3;
	v5 =	vadd.f32 v9, v5  }
0x6b2: {  	v2 =	vadd.f32 v4, v2;
	v58 =	vmax.f32 v22, $0.0e+00;
	v7 =	vadd.f32 v57, v8  }
0x6b3: {  	v3 =	vmax.f32 v3, $0.0e+00;
	v4 =	vadd.f32 v56, v58;
	v5 =	vadd.f32 v19, v5  }
0x6b4: {  	v59 =	vmax.f32 v26, $0.0e+00;
	v2 =	vmul.f32 $1.111111160e+00, v2;
	v3 =	vadd.f32 v7, v3  }
0x6b5: {  	v60 =	vadd.f32 $1.111111120e-01, v55;
	v4 =	vmul.f32 $1.111111160e+00, v4;
	v5 =	vadd.f32 v59, v5  }
0x6b6: {  	v61 =	vsel vm1, $0x0, v15;
	v2 =	vadd.f32 $1.111111120e-01, v2;
	v3 =	vmul.f32 $1.111111160e+00, v3  }
0x6b7: {  	[tilespmem:s10+$0x0] =	vst v61;
	v62 =	vsel vm1, $0x0, v60;
	v4 =	vadd.f32 $1.111111120e-01, v4;
	v5 =	vmul.f32 $1.111111160e+00, v5  }
0x6b8: {  	vm0 =	vmmov vm2;
	[tilespmem:s10+$0xE0] =	vst v62;
	v2 =	vsel vm1, $0x0, v2;
	v3 =	vadd.f32 $1.111111120e-01, v3  }
0x6b9: {  	[tilespmem:s10+$0xFFFFFF20] =	vst v2;
	v2 =	vsel vm0, $0x0, v4;
	v63 =	vadd.f32 $1.111111120e-01, v5  }
0x6ba: {  	s9 =	sadd.s32 $0x1, s9;
	[tilespmem:s11+$0x0] =	vst v2;
	v2 =	vsel vm0, $0x0, v3  }
0x6bb: {  	p0 =	sne.s32 s9, s5;
	v3 =	vsel vm0, $0x0, v63;
	[tilespmem:s11+$0xE0] =	vst v2  }
.Ltmp14:
0x6bc: {  	[tilespmem:s11+$0xFFFFFF20] =	vst v3;
	(pc) =	sbr.rel @p0 .LBB2_1-.Ltmp14, $4  }
0x6bd: {  	[hbm4b:s4+s2] =	stream.linear.scatter [tilespmem:s8], [sflag:$0x1], $0xC400, $0x38;
	[tilespmem:$0x18820] =	vst v63  }
0x6be: {  	_ =	swait.ge [sflag:s7], $0xC400  }
0x6bf: {  	[sflag:s7] =	ssyncset.done $0x0  }
0x6c0: {  	[sflag:s7] =	ssyncadd.s32 $0xFFFF3C00  }
0x6c1: {  	_ =	sfence.sel $0x180000  }
0x6c2: {  	[bflag:$0x0] =	sbarrier.arrive $0xFFFF  }
0x6c3: {  	p0 =	sne.s32 s0, $0x0;
	_ =	strace $0x90000047  }
0x6c4: {  	s0 =	sadd.s32 @!p0 $0x100000, s1;
	[bflag:$0x2] =	sbarrier.arrive $0xFFFF  }
0x6c5: {  	[sflag:s0] =	ssyncadd.tile.s32 @!p0 $0x1;
	_ =	shalt  }
.Lfunc_end2:
_tile_overlayer_lowered:
.L_overlay_start_2:
0x6c6: {  	(tag) =	ssettag $0x2  }
0x6c7: {  	s0 =	rddreg [dreg:$0x0];
	s2 =	stileid.u32  }
0x6c8: {  	s1 =	rddreg [dreg:$0x1];
	p0 =	sne.s32 s2, $0x0  }
0x6c9: {  	s3 =	rddreg [dreg:$0x2];
	[bflag:$0x3] =	sbarrier.arrive $0xFFFF;
	s2 =	simm.s32 @!p0 $0x1C01  }
0x6ca: {  	[timem:s3], [sflag:s2] =	dma.local @!p0 [hbm:s0], s1  }
0x6cb: {  	s0 =	simm.s32 @!p0 $0x1  }
0x6cc: {  	_ =	swait.ge @!p0 [sflag:s0], s1  }
0x6cd: {  	s1 =	ssub.s32 @!p0 $0x0, s1;
	[sflag:s0] =	ssyncset.done @!p0 $0x0  }
0x6ce: {  	[sflag:s0] =	ssyncadd.s32 @!p0 s1  }
0x6cf: {  	[bflag:$0x3] =	sbarrier.arrive $0xFFFF  }
0x6d0: {  	_ =	shalt  }

</sc_bundles>
